<compile_context>
chip_gen: v7x
topology: tpu7x:2x2x1
jax: 0.10.2.dev20260603
libtpu: 0.0.44.dev20260713+nightly
codegen_flags: <defaults>
</compile_context>

<pallas_src>
import functools

import jax
import jax.numpy as jnp
import numpy as np
from jax import lax
from jax.experimental import pallas as pl
from jax.experimental.pallas import tpu as pltpu
from jax.experimental.pallas import tpu_sc as plsc

N = 10000
E = 320000
D = 128
ED = 16
C = 32
BI = 4
BO = 4
NEUR = 32

NW = 32
CHUNK = 128
NCH = 80
TPW = NCH * CHUNK
EP = NW * TPW
NHALF = 2
NCHW = NCH // NHALF
TPWH = NCHW * CHUNK
EPH = EP // NHALF
NACC = 10240
WROW = 128
ROWS_PER_TILE = NACC // 16
DST_PAD = N + 16

BLK = 2048


def _perm_cols():
    perm = np.empty((512,), np.int32)
    for i in range(BI):
        for c in range(C):
            for o in range(BO):
                perm[i * 128 + c * 4 + o] = c * 16 + o * 4 + i
    return perm


def _pcat():
    p = np.zeros((128, 512), np.float32)
    for i in range(BI):
        for c in range(C):
            for o in range(BO):
                p[c * 4 + i, i * 128 + c * 4 + o] = 1.0
    return p


_PCAT_NP = _pcat()
_PERM_NP = _perm_cols()


def _lift_body(x_ref, w_ref, b_ref, out_ref):
    out_ref[...] = (
        jnp.dot(x_ref[...], w_ref[...], preferred_element_type=jnp.float32)
        + b_ref[...]
    )


def _lift(x, w, b):
    return pl.pallas_call(
        _lift_body,
        out_shape=jax.ShapeDtypeStruct((N, D), jnp.float32),
    )(x, w, b.reshape(1, D))


_MESH = plsc.VectorSubcoreMesh(core_axis_name="c", subcore_axis_name="s")


@functools.partial(
    pl.kernel,
    mesh=_MESH,
    out_type=jax.ShapeDtypeStruct((EPH, D), jnp.float32),
    scratch_types=[
        pltpu.VMEM((NCHW, CHUNK), jnp.int32),
        pltpu.VMEM((4, CHUNK, D), jnp.float32),
        pltpu.SemaphoreType.DMA,
        pltpu.SemaphoreType.DMA,
        pltpu.SemaphoreType.DMA,
        pltpu.SemaphoreType.DMA,
        pltpu.SemaphoreType.DMA,
        pltpu.SemaphoreType.DMA,
        pltpu.SemaphoreType.DMA,
        pltpu.SemaphoreType.DMA,
    ],
)
def _gather_k(h_hbm, src_hbm, out_hbm, idx_v, buf_v,
              g0, g1, g2, g3, w0, w1, w2, w3):
    cid = lax.axis_index("c")
    sid = lax.axis_index("s")
    wid = sid * 2 + cid
    gsem = [g0, g1, g2, g3]
    wsem = [w0, w1, w2, w3]
    pltpu.sync_copy(src_hbm.at[wid], idx_v)

    def g_desc(j, slot):
        return pltpu.make_async_copy(
            h_hbm.at[idx_v.at[j]], buf_v.at[jnp.int32(slot)], gsem[slot])

    def w_desc(j, slot):
        return pltpu.make_async_copy(
            buf_v.at[jnp.int32(slot)],
            out_hbm.at[pl.ds(wid * TPWH + j * CHUNK, CHUNK)],
            wsem[slot])

    for b in range(3):
        g_desc(jnp.int32(b), b).start()

    @pl.loop(jnp.int32(0), jnp.int32(NCHW), step=4)
    def body(j0):
        for b in range(4):
            j = j0 + b
            s = (b + 3) % 4
            g_desc(j, b).wait()
            w_desc(j, b).start()

            @pl.when(j >= 1)
            def _():
                w_desc(j - 1, s).wait()

            @pl.when(j + 3 < NCHW)
            def _():
                g_desc(j + 3, s).start()

    w_desc(jnp.int32(NCHW - 1), (NCHW - 1) % 4).wait()


def _edge_body(ea_ref, hs_ref, k1w_ref, k1b_ref, w2hi_ref, b2_ref,
               pc_ref, out_ref):
    kh = (
        jnp.dot(ea_ref[...], k1w_ref[...], preferred_element_type=jnp.float32)
        + k1b_ref[...]
    )
    kh = kh * 0.5 * (1.0 + lax.erf(kh * np.float32(0.7071067811865476)))
    kv = (
        jnp.dot(kh, w2hi_ref[...], preferred_element_type=jnp.float32)
        + b2_ref[...]
    )
    hb = jnp.dot(hs_ref[...], pc_ref[...], preferred_element_type=jnp.float32)
    prod = kv * hb
    out_ref[...] = (
        prod[:, 0:128] + prod[:, 128:256] + prod[:, 256:384] + prod[:, 384:512]
    )


def _z():
    return jnp.int32(0)


def _edge_msg(ea_p, hs, k1_w, k1_b, w2cat, b2cat, pcat):
    ne = ea_p.shape[0]
    grid = (ne // BLK,)
    return pl.pallas_call(
        _edge_body,
        grid=grid,
        in_specs=[
            pl.BlockSpec((BLK, ED), lambda i: (i, _z())),
            pl.BlockSpec((BLK, D), lambda i: (i, _z())),
            pl.BlockSpec((ED, NEUR), lambda i: (_z(), _z())),
            pl.BlockSpec((1, NEUR), lambda i: (_z(), _z())),
            pl.BlockSpec((NEUR, 512), lambda i: (_z(), _z())),
            pl.BlockSpec((1, 512), lambda i: (_z(), _z())),
            pl.BlockSpec((D, 512), lambda i: (_z(), _z())),
        ],
        out_specs=pl.BlockSpec((BLK, WROW), lambda i: (i, _z())),
        out_shape=jax.ShapeDtypeStruct((ne, WROW), jnp.float32),
    )(ea_p, hs, k1_w, k1_b.reshape(1, NEUR), w2cat,
      b2cat.reshape(1, 512), pcat)


@functools.partial(
    pl.kernel,
    mesh=_MESH,
    out_type=(
        jax.ShapeDtypeStruct((2, NACC, WROW), jnp.float32),
        jax.ShapeDtypeStruct((2, NACC // 128, 128), jnp.float32),
    ),
    scratch_types=[
        pltpu.VMEM_SHARED((NACC, WROW), jnp.float32),
        pltpu.VMEM_SHARED((NACC // 128, 128), jnp.float32),
        pltpu.VMEM((NCHW, CHUNK), jnp.int32),
        pltpu.VMEM((2, CHUNK, WROW), jnp.float32),
        pltpu.VMEM((NACC // 128, 128), jnp.float32),
        pltpu.VMEM((NACC // 128,), jnp.int32),
        pltpu.SemaphoreType.DMA,
        pltpu.SemaphoreType.DMA,
        pltpu.SemaphoreType.DMA,
        pltpu.SemaphoreType.DMA,
    ],
    compiler_params=pltpu.CompilerParams(needs_layout_passes=False),
)
def _scatter_k(msg_hbm, dst_hbm, zero_hbm, zerocnt_hbm, iota_hbm,
               out_hbm, cnt_hbm, acc_sh, cnt_sh, idx_v, buf_v, hist_v, iota_v,
               r0, r1, s0, s1):
    cid = lax.axis_index("c")
    sid = lax.axis_index("s")
    wid = sid * 2 + cid
    nrc = NACC // 128
    pltpu.sync_copy(zero_hbm, acc_sh.at[pl.ds(sid * ROWS_PER_TILE, ROWS_PER_TILE)])
    pltpu.sync_copy(zerocnt_hbm, hist_v)

    @pl.when(sid == 0)
    def _():
        pltpu.sync_copy(zerocnt_hbm, cnt_sh)

    pltpu.sync_copy(iota_hbm, iota_v)
    plsc.subcore_barrier()
    ones = jnp.full((16,), 1.0, jnp.float32)
    rsem = [r0, r1]
    ssem = [s0, s1]

    pltpu.sync_copy(dst_hbm.at[wid], idx_v)
    base = wid * TPWH

    def r_desc(j, slot):
        return pltpu.make_async_copy(
            msg_hbm.at[pl.ds(base + j * CHUNK, CHUNK)],
            buf_v.at[jnp.int32(slot)], rsem[slot])

    def s_start(j, slot):
        pltpu.async_copy(
            buf_v.at[jnp.int32(slot)], acc_sh.at[idx_v.at[j]], ssem[slot],
            add=True)

    def s_wait(j, slot):
        pltpu.make_async_copy(
            buf_v.at[jnp.int32(slot)], acc_sh.at[idx_v.at[j]],
            ssem[slot]).wait()

    r_desc(jnp.int32(0), 0).start()

    @pl.loop(jnp.int32(0), jnp.int32(NCHW), step=2)
    def body(j0):
        for b in range(2):
            j = j0 + b
            s = (b + 1) % 2
            r_desc(j, b).wait()
            s_start(j, b)
            for k in range(CHUNK // 16):
                iv = idx_v[j, pl.ds(k * 16, 16)]
                plsc.addupdate_scatter(
                    hist_v,
                    [lax.shift_right_logical(iv, jnp.int32(7)),
                     jnp.bitwise_and(iv, jnp.int32(127))],
                    ones,
                )

            @pl.when(j >= 1)
            def _():
                s_wait(j - 1, s)

            @pl.when(j + 1 < NCHW)
            def _():
                r_desc(j + 1, s).start()

    s_wait(jnp.int32(NCHW - 1), (NCHW - 1) % 2)

    pltpu.sync_copy(hist_v, cnt_sh.at[iota_v], add=True)
    plsc.subcore_barrier()
    pltpu.sync_copy(
        acc_sh.at[pl.ds(sid * ROWS_PER_TILE, ROWS_PER_TILE)],
        out_hbm.at[cid, pl.ds(sid * ROWS_PER_TILE, ROWS_PER_TILE)],
    )
    @pl.when(sid == 0)
    def _():
        pltpu.sync_copy(cnt_sh, cnt_hbm.at[cid])


NBLK = 2000


def _final_body(*refs):
    h_ref = refs[0]
    acc_refs = refs[1:1 + NHALF]
    cnt_refs = refs[1 + NHALF:1 + 2 * NHALF]
    mw_ref, mb_ref, pw_ref, pb_ref, out_ref = refs[1 + 2 * NHALF:]
    s = sum(a[0] + a[1] for a in acc_refs)
    cnt = sum(c[0] + c[1] for c in cnt_refs)
    z = s / jnp.maximum(cnt, 1.0)
    hh = (
        h_ref[...]
        + jnp.dot(z, mw_ref[...], preferred_element_type=jnp.float32)
        + mb_ref[...]
    )
    out_ref[...] = (
        jnp.dot(hh, pw_ref[...], preferred_element_type=jnp.float32)
        + pb_ref[...]
    )


def _final(h, accs, cnts, mix_w, mix_b, proj_w, proj_b):
    return pl.pallas_call(
        _final_body,
        grid=(N // NBLK,),
        in_specs=(
            [pl.BlockSpec((NBLK, D), lambda i: (i, _z()))]
            + [pl.BlockSpec((2, NBLK, WROW), lambda i: (_z(), i, _z()))
               for _ in range(NHALF)]
            + [pl.BlockSpec((2, NBLK, 1), lambda i: (_z(), i, _z()))
               for _ in range(NHALF)]
            + [
                pl.BlockSpec((D, D), lambda i: (_z(), _z())),
                pl.BlockSpec((1, D), lambda i: (_z(), _z())),
                pl.BlockSpec((D, D), lambda i: (_z(), _z())),
                pl.BlockSpec((1, D), lambda i: (_z(), _z())),
            ]
        ),
        out_specs=pl.BlockSpec((NBLK, D), lambda i: (i, _z())),
        out_shape=jax.ShapeDtypeStruct((N, D), jnp.float32),
    )(h, *accs, *cnts, mix_w, mix_b.reshape(1, D),
      proj_w, proj_b.reshape(1, D))


def kernel(x, edge_index, edge_attr, lift_w, lift_b, k1_w, k1_b, k2_w, k2_b,
           mix_w, mix_b, proj_w, proj_b):
    x = x.astype(jnp.float32)
    src = edge_index[0].astype(jnp.int32)
    dst = edge_index[1].astype(jnp.int32)
    pad = EP - E
    src_p = jnp.concatenate([src, jnp.zeros((pad,), jnp.int32)])
    dst_p = jnp.concatenate([dst, jnp.full((pad,), DST_PAD, jnp.int32)])
    ea_p = jnp.concatenate(
        [edge_attr.astype(jnp.float32), jnp.zeros((pad, ED), jnp.float32)]
    )
    src3 = [src_p[i * EPH:(i + 1) * EPH].reshape(NW, NCHW, CHUNK)
            for i in range(NHALF)]
    dst3 = [dst_p[i * EPH:(i + 1) * EPH].reshape(NW, NCHW, CHUNK)
            for i in range(NHALF)]
    eah = [ea_p[i * EPH:(i + 1) * EPH] for i in range(NHALF)]
    w2cat = k2_w.astype(jnp.float32)[:, _PERM_NP]
    b2cat = k2_b.astype(jnp.float32)[_PERM_NP]
    zeros_tile = jnp.zeros((ROWS_PER_TILE, WROW), jnp.float32)
    zeros_cnt = jnp.zeros((NACC // 128, 128), jnp.float32)
    iota_cnt = jnp.arange(NACC // 128, dtype=jnp.int32)

    h = _lift(x, lift_w.astype(jnp.float32), lift_b.astype(jnp.float32))
    pcat = jnp.asarray(_PCAT_NP)
    k1_wf = k1_w.astype(jnp.float32)
    k1_bf = k1_b.astype(jnp.float32)
    accs, cnts = [], []
    for i in range(NHALF):
        hs = _gather_k(h, src3[i])
        msg = _edge_msg(eah[i], hs, k1_wf, k1_bf, w2cat, b2cat, pcat)
        acc, cnt = _scatter_k(msg, dst3[i], zeros_tile, zeros_cnt, iota_cnt)
        accs.append(acc)
        cnts.append(cnt.reshape(2, NACC, 1))
    out = _final(h, accs, cnts,
                 mix_w.astype(jnp.float32), mix_b.astype(jnp.float32),
                 proj_w.astype(jnp.float32), proj_b.astype(jnp.float32))
    return out

# --- scband reference (transcript-rebuilt; emitter-appended) ---
"""Pipeline reference for scband-block-gnp-62414464745797 (READ-ONLY COPY).

The authoritative reference and input builder live on the scoring server;
editing this copy changes nothing except your own understanding.
"""

import jax, jax.numpy as jnp
import numpy as np

jax.config.update("jax_enable_x64", True)

N = 10000
E = 320000
D = 128
ED = 16
C = 32
BI = D // C
BO = D // C
NEUR = 32


def _lin(k, fan_in, shape):
    b = 1.0 / np.sqrt(fan_in)
    return jax.random.uniform(k, shape, jnp.float32, -b, b)


def setup_inputs(seed: int = 0) -> dict:
    key = jax.random.key(seed)
    ks = jax.random.split(key, 16)
    x = jax.random.normal(ks[0], (N, D), dtype=jnp.float32)
    edge_index = jax.random.randint(ks[1], (2, E), 0, N, dtype=jnp.int64)
    edge_attr = jax.random.normal(ks[2], (E, ED), dtype=jnp.float32)
    lift_w = _lin(ks[3], D, (D, D))
    lift_b = _lin(ks[4], D, (D,))
    k1_w = _lin(ks[5], ED, (ED, NEUR))
    k1_b = _lin(ks[6], ED, (NEUR,))
    k2_w = _lin(ks[7], NEUR, (NEUR, C * BO * BI))
    k2_b = _lin(ks[8], NEUR, (C * BO * BI,))
    mix_w = _lin(ks[9], D, (D, D))
    mix_b = _lin(ks[10], D, (D,))
    proj_w = _lin(ks[11], D, (D, D))
    proj_b = _lin(ks[12], D, (D,))
    return {"x": x, "edge_index": edge_index, "edge_attr": edge_attr,
            "lift_w": lift_w, "lift_b": lift_b,
            "k1_w": k1_w, "k1_b": k1_b, "k2_w": k2_w, "k2_b": k2_b,
            "mix_w": mix_w, "mix_b": mix_b,
            "proj_w": proj_w, "proj_b": proj_b}


def reference(x, edge_index, edge_attr, lift_w, lift_b, k1_w, k1_b, k2_w, k2_b,
              mix_w, mix_b, proj_w, proj_b):
    # lift
    h = x @ lift_w + lift_b
    src = edge_index[0]
    dst = edge_index[1]
    # BlockConv layer 0 (depth = len(layers)-1 = 1):
    # kernel MLP on edge features -> per-edge block-diagonal kernel
    kh = jax.nn.gelu(edge_attr @ k1_w + k1_b, approximate=False)
    kv = kh @ k2_w + k2_b                      # [E, C*BO*BI]
    K = kv.reshape(E, C, BO, BI)               # block kernels per edge
    hs = h[src].reshape(E, C, BI)              # gather source node feats, split into channel blocks
    msg = jnp.einsum('ecoi,eci->eco', K, hs).reshape(E, D)
    # scatter-mean aggregation to destination nodes
    s = jax.ops.segment_sum(msg, dst, num_segments=N)
    cnt = jax.ops.segment_sum(jnp.ones((E, 1), jnp.float32), dst, num_segments=N)
    z = s / jnp.maximum(cnt, 1.0)
    # residual path: W[0] is Identity (d_in == d_out), mix on aggregated messages
    h = h + (z @ mix_w + mix_b)
    # last layer (i == depth-1) -> no activation
    out = h @ proj_w + proj_b
    return out

if __name__ == "__main__":
    import jax
    _d = setup_inputs()
    print(jax.jit(kernel)(*tuple(_d.values())))

</pallas_src>

<mosaic_0001>
#map = affine_map<(d0, d1) -> (0, 0)>
#map1 = affine_map<(d0, d1) -> (0, 0, 0)>
#map2 = affine_map<(d0, d1) -> (0)>
module attributes {stable_mosaic.version = 14 : i64} {
  func.func @_scatter_k(%arg0: i32, %arg1: i32, %arg2: memref<163840x128xf32, #tpu.memory_space<hbm>>, %arg3: memref<32x40x128xi32, #tpu.memory_space<hbm>>, %arg4: memref<640x128xf32, #tpu.memory_space<hbm>>, %arg5: memref<80x128xf32, #tpu.memory_space<hbm>>, %arg6: memref<80xi32, #tpu.memory_space<hbm>>, %arg7: memref<2x10240x128xf32, #tpu.memory_space<hbm>>, %arg8: memref<2x80x128xf32, #tpu.memory_space<hbm>>, %arg9: memref<10240x128xf32, #tpu.memory_space<vmem_shared>>, %arg10: memref<80x128xf32, #tpu.memory_space<vmem_shared>>, %arg11: memref<40x128xi32, #tpu.memory_space<vmem>>, %arg12: memref<2x128x128xf32, #tpu.memory_space<vmem>>, %arg13: memref<80x128xf32, #tpu.memory_space<vmem>>, %arg14: memref<80xi32, #tpu.memory_space<vmem>>, %arg15: memref<!tpu.dma_semaphore, #tpu.memory_space<semaphore_mem>>, %arg16: memref<!tpu.dma_semaphore, #tpu.memory_space<semaphore_mem>>, %arg17: memref<!tpu.dma_semaphore, #tpu.memory_space<semaphore_mem>>, %arg18: memref<!tpu.dma_semaphore, #tpu.memory_space<semaphore_mem>>) attributes {dimension_semantics = [#tpu.dimension_semantics<core_parallel>, #tpu.dimension_semantics<subcore_parallel>], iteration_bounds = array<i64: 2, 16>, scalar_prefetch = 0 : i64, scratch_operands = 10 : i64, tpu.core_type = #tpu.core_type<sc_vector_subcore>, window_params = [{transform_indices = #map}, {transform_indices = #map1}, {transform_indices = #map}, {transform_indices = #map}, {transform_indices = #map2}, {transform_indices = #map1}, {transform_indices = #map1}]} {
    %mul3A = arith.constant 2 : i32
    %mul3A_0 = arith.muli %arg1, %mul3A : i32
    %add3A = arith.addi %mul3A_0, %arg0 : i32
    %mul3A_1 = arith.constant 640 : i32
    %mul3A_2 = arith.muli %arg1, %mul3A_1 : i32
    "tpu.region"() ({
      %run_scoped3A = tpu.sem_alloc : memref<!tpu.dma_semaphore, #tpu.memory_space<semaphore_mem>>
      %dma_start3A_62 = arith.constant 0 : i32
      %dma_start3A_63 = tpu.memref_slice %arg9[%mul3A_2, %dma_start3A_62] : memref<10240x128xf32, #tpu.memory_space<vmem_shared>> -> memref<640x128xf32, #tpu.memory_space<vmem_shared>>
      tpu.enqueue_dma source(%arg4 : memref<640x128xf32, #tpu.memory_space<hbm>>) target(%dma_start3A_63 : memref<640x128xf32, #tpu.memory_space<vmem_shared>>) target_semaphore(%run_scoped3A : memref<!tpu.dma_semaphore, #tpu.memory_space<semaphore_mem>>)
      %dma_wait3A_64 = arith.constant 0 : i32
      %dma_wait3A_65 = tpu.memref_slice %arg9[%mul3A_2, %dma_wait3A_64] : memref<10240x128xf32, #tpu.memory_space<vmem_shared>> -> memref<640x128xf32, #tpu.memory_space<vmem_shared>>
      tpu.wait_dma2 semaphore(%run_scoped3A : memref<!tpu.dma_semaphore, #tpu.memory_space<semaphore_mem>>) src(%arg4 : memref<640x128xf32, #tpu.memory_space<hbm>>) dst(%dma_wait3A_65 : memref<640x128xf32, #tpu.memory_space<vmem_shared>>)
      tpu.yield
    }) : () -> ()
    "tpu.region"() ({
      %run_scoped3A = tpu.sem_alloc : memref<!tpu.dma_semaphore, #tpu.memory_space<semaphore_mem>>
      tpu.enqueue_dma source(%arg5 : memref<80x128xf32, #tpu.memory_space<hbm>>) target(%arg13 : memref<80x128xf32, #tpu.memory_space<vmem>>) target_semaphore(%run_scoped3A : memref<!tpu.dma_semaphore, #tpu.memory_space<semaphore_mem>>)
      tpu.wait_dma2 semaphore(%run_scoped3A : memref<!tpu.dma_semaphore, #tpu.memory_space<semaphore_mem>>) src(%arg5 : memref<80x128xf32, #tpu.memory_space<hbm>>) dst(%arg13 : memref<80x128xf32, #tpu.memory_space<vmem>>)
      tpu.yield
    }) : () -> ()
    %eq3A = arith.constant 0 : i32
    %eq3A_3 = arith.cmpi eq, %arg1, %eq3A : i32
    %convert_element_type3A = arith.extui %eq3A_3 : i1 to i32
    %cond3A = arith.constant 0 : i32
    %cond3A_4 = arith.cmpi ne, %convert_element_type3A, %cond3A : i32
    scf.if %cond3A_4 {
      "tpu.region"() ({
        %run_scoped3A = tpu.sem_alloc : memref<!tpu.dma_semaphore, #tpu.memory_space<semaphore_mem>>
        tpu.enqueue_dma source(%arg5 : memref<80x128xf32, #tpu.memory_space<hbm>>) target(%arg10 : memref<80x128xf32, #tpu.memory_space<vmem_shared>>) target_semaphore(%run_scoped3A : memref<!tpu.dma_semaphore, #tpu.memory_space<semaphore_mem>>)
        tpu.wait_dma2 semaphore(%run_scoped3A : memref<!tpu.dma_semaphore, #tpu.memory_space<semaphore_mem>>) src(%arg5 : memref<80x128xf32, #tpu.memory_space<hbm>>) dst(%arg10 : memref<80x128xf32, #tpu.memory_space<vmem_shared>>)
        tpu.yield
      }) : () -> ()
    } else {
    }
    "tpu.region"() ({
      %run_scoped3A = tpu.sem_alloc : memref<!tpu.dma_semaphore, #tpu.memory_space<semaphore_mem>>
      tpu.enqueue_dma source(%arg6 : memref<80xi32, #tpu.memory_space<hbm>>) target(%arg14 : memref<80xi32, #tpu.memory_space<vmem>>) target_semaphore(%run_scoped3A : memref<!tpu.dma_semaphore, #tpu.memory_space<semaphore_mem>>)
      tpu.wait_dma2 semaphore(%run_scoped3A : memref<!tpu.dma_semaphore, #tpu.memory_space<semaphore_mem>>) src(%arg6 : memref<80xi32, #tpu.memory_space<hbm>>) dst(%arg14 : memref<80xi32, #tpu.memory_space<vmem>>)
      tpu.yield
    }) : () -> ()
    %barrier3A = arith.constant 0 : index
    tpu.barrier barrier_id(%barrier3A)
    %broadcast_in_dim3A = arith.constant 1.000000e+00 : f32
    %broadcast_in_dim3A_5 = vector.broadcast %broadcast_in_dim3A : f32 to vector<16xf32>
    "tpu.region"() ({
      %run_scoped3A = tpu.sem_alloc : memref<!tpu.dma_semaphore, #tpu.memory_space<semaphore_mem>>
      %dma_start3A_62 = arith.constant 0 : i32
      %dma_start3A_63 = arith.constant 0 : i32
      %dma_start3A_64 = tpu.memref_slice %arg3[%add3A, %dma_start3A_62, %dma_start3A_63] : memref<32x40x128xi32, #tpu.memory_space<hbm>> -> memref<1x40x128xi32, #tpu.memory_space<hbm>>
      %dma_start3A_65 = tpu.memref_squeeze %dma_start3A_64 : memref<1x40x128xi32, #tpu.memory_space<hbm>> -> memref<40x128xi32, #tpu.memory_space<hbm>>
      %dma_start3A_66 = arith.constant 0 : i32
      %dma_start3A_67 = arith.constant 0 : i32
      %dma_start3A_68 = tpu.memref_slice %arg3[%add3A, %dma_start3A_66, %dma_start3A_67] : memref<32x40x128xi32, #tpu.memory_space<hbm>> -> memref<1x40x128xi32, #tpu.memory_space<hbm>>
      %dma_start3A_69 = tpu.memref_squeeze %dma_start3A_68 : memref<1x40x128xi32, #tpu.memory_space<hbm>> -> memref<40x128xi32, #tpu.memory_space<hbm>>
      tpu.enqueue_dma source(%dma_start3A_69 : memref<40x128xi32, #tpu.memory_space<hbm>>) target(%arg11 : memref<40x128xi32, #tpu.memory_space<vmem>>) target_semaphore(%run_scoped3A : memref<!tpu.dma_semaphore, #tpu.memory_space<semaphore_mem>>)
      %dma_wait3A_70 = arith.constant 0 : i32
      %dma_wait3A_71 = arith.constant 0 : i32
      %dma_wait3A_72 = tpu.memref_slice %arg3[%add3A, %dma_wait3A_70, %dma_wait3A_71] : memref<32x40x128xi32, #tpu.memory_space<hbm>> -> memref<1x40x128xi32, #tpu.memory_space<hbm>>
      %dma_wait3A_73 = tpu.memref_squeeze %dma_wait3A_72 : memref<1x40x128xi32, #tpu.memory_space<hbm>> -> memref<40x128xi32, #tpu.memory_space<hbm>>
      %dma_wait3A_74 = arith.constant 0 : i32
      %dma_wait3A_75 = arith.constant 0 : i32
      %dma_wait3A_76 = tpu.memref_slice %arg3[%add3A, %dma_wait3A_74, %dma_wait3A_75] : memref<32x40x128xi32, #tpu.memory_space<hbm>> -> memref<1x40x128xi32, #tpu.memory_space<hbm>>
      %dma_wait3A_77 = tpu.memref_squeeze %dma_wait3A_76 : memref<1x40x128xi32, #tpu.memory_space<hbm>> -> memref<40x128xi32, #tpu.memory_space<hbm>>
      tpu.wait_dma2 semaphore(%run_scoped3A : memref<!tpu.dma_semaphore, #tpu.memory_space<semaphore_mem>>) src(%dma_wait3A_77 : memref<40x128xi32, #tpu.memory_space<hbm>>) dst(%arg11 : memref<40x128xi32, #tpu.memory_space<vmem>>)
      tpu.yield
    }) : () -> ()
    %mul3A_6 = arith.constant 5120 : i32
    %mul3A_7 = arith.muli %add3A, %mul3A_6 : i32
    %mul3A_8 = arith.constant 0 : i32
    %mul3A_9 = arith.constant 128 : i32
    %mul3A_10 = arith.muli %mul3A_8, %mul3A_9 : i32
    %add3A_11 = arith.addi %mul3A_7, %mul3A_10 : i32
    %dma_start3A = arith.constant 0 : i32
    %dma_start3A_12 = arith.constant 0 : i32
    %dma_start3A_13 = arith.constant 0 : i32
    %dma_start3A_14 = tpu.memref_slice %arg12[%dma_start3A, %dma_start3A_12, %dma_start3A_13] : memref<2x128x128xf32, #tpu.memory_space<vmem>> -> memref<1x128x128xf32, #tpu.memory_space<vmem>>
    %dma_start3A_15 = tpu.memref_squeeze %dma_start3A_14 : memref<1x128x128xf32, #tpu.memory_space<vmem>> -> memref<128x128xf32, #tpu.memory_space<vmem>>
    %dma_start3A_16 = arith.constant 0 : i32
    %dma_start3A_17 = tpu.memref_slice %arg2[%add3A_11, %dma_start3A_16] : memref<163840x128xf32, #tpu.memory_space<hbm>> -> memref<128x128xf32, #tpu.memory_space<hbm>>
    %dma_start3A_18 = arith.constant 0 : i32
    %dma_start3A_19 = arith.constant 0 : i32
    %dma_start3A_20 = tpu.memref_slice %arg12[%dma_start3A, %dma_start3A_18, %dma_start3A_19] : memref<2x128x128xf32, #tpu.memory_space<vmem>> -> memref<1x128x128xf32, #tpu.memory_space<vmem>>
    %dma_start3A_21 = tpu.memref_squeeze %dma_start3A_20 : memref<1x128x128xf32, #tpu.memory_space<vmem>> -> memref<128x128xf32, #tpu.memory_space<vmem>>
    %dma_start3A_22 = arith.constant 0 : i32
    %dma_start3A_23 = tpu.memref_slice %arg2[%add3A_11, %dma_start3A_22] : memref<163840x128xf32, #tpu.memory_space<hbm>> -> memref<128x128xf32, #tpu.memory_space<hbm>>
    tpu.enqueue_dma source(%dma_start3A_23 : memref<128x128xf32, #tpu.memory_space<hbm>>) target(%dma_start3A_21 : memref<128x128xf32, #tpu.memory_space<vmem>>) target_semaphore(%arg15 : memref<!tpu.dma_semaphore, #tpu.memory_space<semaphore_mem>>)
    %sub3A = arith.constant 40 : i32
    %sub3A_24 = arith.constant 0 : i32
    %sub3A_25 = arith.subi %sub3A, %sub3A_24 : i32
    %sub3A_26 = arith.constant 2 : i32
    %sub3A_27 = arith.constant 1 : i32
    %sub3A_28 = arith.subi %sub3A_26, %sub3A_27 : i32
    %add3A_29 = arith.addi %sub3A_25, %sub3A_28 : i32
    %div3A = arith.constant 2 : i32
    %div3A_30 = arith.divsi %add3A_29, %div3A : i32
    %while3A = arith.constant 2 : i32
    %while3A_31 = arith.constant 0 : i32
    %while3A_32 = arith.constant 0 : i32
    %while3A_33 = arith.subi %div3A_30, %while3A_32 : i32
    %while3A_34 = arith.addi %while3A_32, %while3A_33 : i32
    %while3A_35 = arith.constant 1 : i32
    %while3A_36 = arith.divsi %while3A_33, %while3A_35 : i32
    %while3A_37 = arith.muli %while3A_36, %while3A_35 : i32
    %while3A_38 = arith.addi %while3A_32, %while3A_37 : i32
    %while3A_39 = arith.constant 1 : i32
    scf.for %while3A_62 = %while3A_32 to %while3A_38 step %while3A_39  : i32 {
      %mul3A_63 = arith.muli %while3A_62, %while3A : i32
      %add3A_64 = arith.addi %while3A_31, %mul3A_63 : i32
      %add3A_65 = arith.constant 0 : i32
      %add3A_66 = arith.addi %add3A_64, %add3A_65 : i32
      %mul3A_67 = arith.constant 128 : i32
      %mul3A_68 = arith.muli %add3A_66, %mul3A_67 : i32
      %add3A_69 = arith.addi %mul3A_7, %mul3A_68 : i32
      %dma_wait3A_70 = arith.constant 0 : i32
      %dma_wait3A_71 = arith.constant 0 : i32
      %dma_wait3A_72 = arith.constant 0 : i32
      %dma_wait3A_73 = tpu.memref_slice %arg12[%dma_wait3A_70, %dma_wait3A_71, %dma_wait3A_72] : memref<2x128x128xf32, #tpu.memory_space<vmem>> -> memref<1x128x128xf32, #tpu.memory_space<vmem>>
      %dma_wait3A_74 = tpu.memref_squeeze %dma_wait3A_73 : memref<1x128x128xf32, #tpu.memory_space<vmem>> -> memref<128x128xf32, #tpu.memory_space<vmem>>
      %dma_wait3A_75 = arith.constant 0 : i32
      %dma_wait3A_76 = tpu.memref_slice %arg2[%add3A_69, %dma_wait3A_75] : memref<163840x128xf32, #tpu.memory_space<hbm>> -> memref<128x128xf32, #tpu.memory_space<hbm>>
      %dma_wait3A_77 = arith.constant 0 : i32
      %dma_wait3A_78 = arith.constant 0 : i32
      %dma_wait3A_79 = tpu.memref_slice %arg12[%dma_wait3A_70, %dma_wait3A_77, %dma_wait3A_78] : memref<2x128x128xf32, #tpu.memory_space<vmem>> -> memref<1x128x128xf32, #tpu.memory_space<vmem>>
      %dma_wait3A_80 = tpu.memref_squeeze %dma_wait3A_79 : memref<1x128x128xf32, #tpu.memory_space<vmem>> -> memref<128x128xf32, #tpu.memory_space<vmem>>
      %dma_wait3A_81 = arith.constant 0 : i32
      %dma_wait3A_82 = tpu.memref_slice %arg2[%add3A_69, %dma_wait3A_81] : memref<163840x128xf32, #tpu.memory_space<hbm>> -> memref<128x128xf32, #tpu.memory_space<hbm>>
      tpu.wait_dma2 semaphore(%arg15 : memref<!tpu.dma_semaphore, #tpu.memory_space<semaphore_mem>>) src(%dma_wait3A_82 : memref<128x128xf32, #tpu.memory_space<hbm>>) dst(%dma_wait3A_80 : memref<128x128xf32, #tpu.memory_space<vmem>>)
      %dma_start3A_83 = arith.constant 0 : i32
      %dma_start3A_84 = arith.constant 0 : i32
      %dma_start3A_85 = arith.constant 0 : i32
      %dma_start3A_86 = tpu.memref_slice %arg12[%dma_start3A_83, %dma_start3A_84, %dma_start3A_85] : memref<2x128x128xf32, #tpu.memory_space<vmem>> -> memref<1x128x128xf32, #tpu.memory_space<vmem>>
      %dma_start3A_87 = tpu.memref_squeeze %dma_start3A_86 : memref<1x128x128xf32, #tpu.memory_space<vmem>> -> memref<128x128xf32, #tpu.memory_space<vmem>>
      %dma_start3A_88 = arith.constant 0 : i32
      %dma_start3A_89 = tpu.memref_slice %arg11[%add3A_66, %dma_start3A_88] : memref<40x128xi32, #tpu.memory_space<vmem>> -> memref<1x128xi32, #tpu.memory_space<vmem>>
      %dma_start3A_90 = tpu.memref_squeeze %dma_start3A_89 : memref<1x128xi32, #tpu.memory_space<vmem>> -> memref<128xi32, #tpu.memory_space<vmem>>
      %dma_start3A_91 = arith.constant 0 : i32
      %dma_start3A_92 = arith.constant 0 : i32
      %dma_start3A_93 = tpu.memref_slice %arg9[%dma_start3A_91, %dma_start3A_92] : memref<10240x128xf32, #tpu.memory_space<vmem_shared>> -> memref<10240x128xf32, #tpu.memory_space<vmem_shared>>
      tpu.enqueue_indirect_dma source(%dma_start3A_87 : memref<128x128xf32, #tpu.memory_space<vmem>>) target(%dma_start3A_93 : memref<10240x128xf32, #tpu.memory_space<vmem_shared>>) offsets(%dma_start3A_90 : memref<128xi32, #tpu.memory_space<vmem>>) semaphore(%arg17 : memref<!tpu.dma_semaphore, #tpu.memory_space<semaphore_mem>>) {add = true}
      %get3A = arith.index_cast %add3A_66 : i32 to index
      %get3A_94 = arith.constant 0 : index
      %get3A_95 = tpu.vector_load %arg11[%get3A, %get3A_94] {strides = array<i32>} : memref<40x128xi32, #tpu.memory_space<vmem>>, vector<16xi32>,
      %shift_right_logical3A = arith.constant 7 : i32
      %shift_right_logical3A_96 = vector.broadcast %shift_right_logical3A : i32 to vector<16xi32>
      %shift_right_logical3A_97 = arith.shrui %get3A_95, %shift_right_logical3A_96 : vector<16xi32>
      %and3A = arith.constant 127 : i32
      %and3A_98 = vector.broadcast %and3A : i32 to vector<16xi32>
      %and3A_99 = arith.andi %get3A_95, %and3A_98 : vector<16xi32>
      tpu.vector_store_idx %arg13[%shift_right_logical3A_97, %and3A_99], %broadcast_in_dim3A_5 {add = true} : memref<80x128xf32, #tpu.memory_space<vmem>>[vector<16xi32>, vector<16xi32>], vector<16xf32>,
      %get3A_100 = arith.index_cast %add3A_66 : i32 to index
      %get3A_101 = arith.constant 16 : index
      %get3A_102 = tpu.vector_load %arg11[%get3A_100, %get3A_101] {strides = array<i32>} : memref<40x128xi32, #tpu.memory_space<vmem>>, vector<16xi32>,
      %shift_right_logical3A_103 = arith.constant 7 : i32
      %shift_right_logical3A_104 = vector.broadcast %shift_right_logical3A_103 : i32 to vector<16xi32>
      %shift_right_logical3A_105 = arith.shrui %get3A_102, %shift_right_logical3A_104 : vector<16xi32>
      %and3A_106 = arith.constant 127 : i32
      %and3A_107 = vector.broadcast %and3A_106 : i32 to vector<16xi32>
      %and3A_108 = arith.andi %get3A_102, %and3A_107 : vector<16xi32>
      tpu.vector_store_idx %arg13[%shift_right_logical3A_105, %and3A_108], %broadcast_in_dim3A_5 {add = true} : memref<80x128xf32, #tpu.memory_space<vmem>>[vector<16xi32>, vector<16xi32>], vector<16xf32>,
      %get3A_109 = arith.index_cast %add3A_66 : i32 to index
      %get3A_110 = arith.constant 32 : index
      %get3A_111 = tpu.vector_load %arg11[%get3A_109, %get3A_110] {strides = array<i32>} : memref<40x128xi32, #tpu.memory_space<vmem>>, vector<16xi32>,
      %shift_right_logical3A_112 = arith.constant 7 : i32
      %shift_right_logical3A_113 = vector.broadcast %shift_right_logical3A_112 : i32 to vector<16xi32>
      %shift_right_logical3A_114 = arith.shrui %get3A_111, %shift_right_logical3A_113 : vector<16xi32>
      %and3A_115 = arith.constant 127 : i32
      %and3A_116 = vector.broadcast %and3A_115 : i32 to vector<16xi32>
      %and3A_117 = arith.andi %get3A_111, %and3A_116 : vector<16xi32>
      tpu.vector_store_idx %arg13[%shift_right_logical3A_114, %and3A_117], %broadcast_in_dim3A_5 {add = true} : memref<80x128xf32, #tpu.memory_space<vmem>>[vector<16xi32>, vector<16xi32>], vector<16xf32>,
      %get3A_118 = arith.index_cast %add3A_66 : i32 to index
      %get3A_119 = arith.constant 48 : index
      %get3A_120 = tpu.vector_load %arg11[%get3A_118, %get3A_119] {strides = array<i32>} : memref<40x128xi32, #tpu.memory_space<vmem>>, vector<16xi32>,
      %shift_right_logical3A_121 = arith.constant 7 : i32
      %shift_right_logical3A_122 = vector.broadcast %shift_right_logical3A_121 : i32 to vector<16xi32>
      %shift_right_logical3A_123 = arith.shrui %get3A_120, %shift_right_logical3A_122 : vector<16xi32>
      %and3A_124 = arith.constant 127 : i32
      %and3A_125 = vector.broadcast %and3A_124 : i32 to vector<16xi32>
      %and3A_126 = arith.andi %get3A_120, %and3A_125 : vector<16xi32>
      tpu.vector_store_idx %arg13[%shift_right_logical3A_123, %and3A_126], %broadcast_in_dim3A_5 {add = true} : memref<80x128xf32, #tpu.memory_space<vmem>>[vector<16xi32>, vector<16xi32>], vector<16xf32>,
      %get3A_127 = arith.index_cast %add3A_66 : i32 to index
      %get3A_128 = arith.constant 64 : index
      %get3A_129 = tpu.vector_load %arg11[%get3A_127, %get3A_128] {strides = array<i32>} : memref<40x128xi32, #tpu.memory_space<vmem>>, vector<16xi32>,
      %shift_right_logical3A_130 = arith.constant 7 : i32
      %shift_right_logical3A_131 = vector.broadcast %shift_right_logical3A_130 : i32 to vector<16xi32>
      %shift_right_logical3A_132 = arith.shrui %get3A_129, %shift_right_logical3A_131 : vector<16xi32>
      %and3A_133 = arith.constant 127 : i32
      %and3A_134 = vector.broadcast %and3A_133 : i32 to vector<16xi32>
      %and3A_135 = arith.andi %get3A_129, %and3A_134 : vector<16xi32>
      tpu.vector_store_idx %arg13[%shift_right_logical3A_132, %and3A_135], %broadcast_in_dim3A_5 {add = true} : memref<80x128xf32, #tpu.memory_space<vmem>>[vector<16xi32>, vector<16xi32>], vector<16xf32>,
      %get3A_136 = arith.index_cast %add3A_66 : i32 to index
      %get3A_137 = arith.constant 80 : index
      %get3A_138 = tpu.vector_load %arg11[%get3A_136, %get3A_137] {strides = array<i32>} : memref<40x128xi32, #tpu.memory_space<vmem>>, vector<16xi32>,
      %shift_right_logical3A_139 = arith.constant 7 : i32
      %shift_right_logical3A_140 = vector.broadcast %shift_right_logical3A_139 : i32 to vector<16xi32>
      %shift_right_logical3A_141 = arith.shrui %get3A_138, %shift_right_logical3A_140 : vector<16xi32>
      %and3A_142 = arith.constant 127 : i32
      %and3A_143 = vector.broadcast %and3A_142 : i32 to vector<16xi32>
      %and3A_144 = arith.andi %get3A_138, %and3A_143 : vector<16xi32>
      tpu.vector_store_idx %arg13[%shift_right_logical3A_141, %and3A_144], %broadcast_in_dim3A_5 {add = true} : memref<80x128xf32, #tpu.memory_space<vmem>>[vector<16xi32>, vector<16xi32>], vector<16xf32>,
      %get3A_145 = arith.index_cast %add3A_66 : i32 to index
      %get3A_146 = arith.constant 96 : index
      %get3A_147 = tpu.vector_load %arg11[%get3A_145, %get3A_146] {strides = array<i32>} : memref<40x128xi32, #tpu.memory_space<vmem>>, vector<16xi32>,
      %shift_right_logical3A_148 = arith.constant 7 : i32
      %shift_right_logical3A_149 = vector.broadcast %shift_right_logical3A_148 : i32 to vector<16xi32>
      %shift_right_logical3A_150 = arith.shrui %get3A_147, %shift_right_logical3A_149 : vector<16xi32>
      %and3A_151 = arith.constant 127 : i32
      %and3A_152 = vector.broadcast %and3A_151 : i32 to vector<16xi32>
      %and3A_153 = arith.andi %get3A_147, %and3A_152 : vector<16xi32>
      tpu.vector_store_idx %arg13[%shift_right_logical3A_150, %and3A_153], %broadcast_in_dim3A_5 {add = true} : memref<80x128xf32, #tpu.memory_space<vmem>>[vector<16xi32>, vector<16xi32>], vector<16xf32>,
      %get3A_154 = arith.index_cast %add3A_66 : i32 to index
      %get3A_155 = arith.constant 112 : index
      %get3A_156 = tpu.vector_load %arg11[%get3A_154, %get3A_155] {strides = array<i32>} : memref<40x128xi32, #tpu.memory_space<vmem>>, vector<16xi32>,
      %shift_right_logical3A_157 = arith.constant 7 : i32
      %shift_right_logical3A_158 = vector.broadcast %shift_right_logical3A_157 : i32 to vector<16xi32>
      %shift_right_logical3A_159 = arith.shrui %get3A_156, %shift_right_logical3A_158 : vector<16xi32>
      %and3A_160 = arith.constant 127 : i32
      %and3A_161 = vector.broadcast %and3A_160 : i32 to vector<16xi32>
      %and3A_162 = arith.andi %get3A_156, %and3A_161 : vector<16xi32>
      tpu.vector_store_idx %arg13[%shift_right_logical3A_159, %and3A_162], %broadcast_in_dim3A_5 {add = true} : memref<80x128xf32, #tpu.memory_space<vmem>>[vector<16xi32>, vector<16xi32>], vector<16xf32>,
      %ge3A = arith.constant 1 : i32
      %ge3A_163 = arith.cmpi sge, %add3A_66, %ge3A : i32
      %convert_element_type3A_164 = arith.extui %ge3A_163 : i1 to i32
      %cond3A_165 = arith.constant 0 : i32
      %cond3A_166 = arith.cmpi ne, %convert_element_type3A_164, %cond3A_165 : i32
      scf.if %cond3A_166 {
        %sub3A_286 = arith.constant 1 : i32
        %sub3A_287 = arith.subi %add3A_66, %sub3A_286 : i32
        %dma_wait3A_288 = arith.constant 1 : i32
        %dma_wait3A_289 = arith.constant 0 : i32
        %dma_wait3A_290 = arith.constant 0 : i32
        %dma_wait3A_291 = tpu.memref_slice %arg12[%dma_wait3A_288, %dma_wait3A_289, %dma_wait3A_290] : memref<2x128x128xf32, #tpu.memory_space<vmem>> -> memref<1x128x128xf32, #tpu.memory_space<vmem>>
        %dma_wait3A_292 = tpu.memref_squeeze %dma_wait3A_291 : memref<1x128x128xf32, #tpu.memory_space<vmem>> -> memref<128x128xf32, #tpu.memory_space<vmem>>
        %dma_wait3A_293 = arith.constant 0 : i32
        %dma_wait3A_294 = tpu.memref_slice %arg11[%sub3A_287, %dma_wait3A_293] : memref<40x128xi32, #tpu.memory_space<vmem>> -> memref<1x128xi32, #tpu.memory_space<vmem>>
        %dma_wait3A_295 = tpu.memref_squeeze %dma_wait3A_294 : memref<1x128xi32, #tpu.memory_space<vmem>> -> memref<128xi32, #tpu.memory_space<vmem>>
        %dma_wait3A_296 = arith.constant 0 : i32
        %dma_wait3A_297 = arith.constant 0 : i32
        %dma_wait3A_298 = tpu.memref_slice %arg9[%dma_wait3A_296, %dma_wait3A_297] : memref<10240x128xf32, #tpu.memory_space<vmem_shared>> -> memref<10240x128xf32, #tpu.memory_space<vmem_shared>>
        tpu.wait_indirect_dma semaphore(%arg18 : memref<!tpu.dma_semaphore, #tpu.memory_space<semaphore_mem>>) src(%dma_wait3A_292 : memref<128x128xf32, #tpu.memory_space<vmem>>) dst(%dma_wait3A_298 : memref<10240x128xf32, #tpu.memory_space<vmem_shared>>)
      } else {
      }
      %add3A_167 = arith.constant 1 : i32
      %add3A_168 = arith.addi %add3A_66, %add3A_167 : i32
      %lt3A = arith.constant 40 : i32
      %lt3A_169 = arith.cmpi slt, %add3A_168, %lt3A : i32
      %convert_element_type3A_170 = arith.extui %lt3A_169 : i1 to i32
      %cond3A_171 = arith.constant 0 : i32
      %cond3A_172 = arith.cmpi ne, %convert_element_type3A_170, %cond3A_171 : i32
      scf.if %cond3A_172 {
        %add3A_286 = arith.constant 1 : i32
        %add3A_287 = arith.addi %add3A_66, %add3A_286 : i32
        %mul3A_288 = arith.constant 128 : i32
        %mul3A_289 = arith.muli %add3A_287, %mul3A_288 : i32
        %add3A_290 = arith.addi %mul3A_7, %mul3A_289 : i32
        %dma_start3A_291 = arith.constant 1 : i32
        %dma_start3A_292 = arith.constant 0 : i32
        %dma_start3A_293 = arith.constant 0 : i32
        %dma_start3A_294 = tpu.memref_slice %arg12[%dma_start3A_291, %dma_start3A_292, %dma_start3A_293] : memref<2x128x128xf32, #tpu.memory_space<vmem>> -> memref<1x128x128xf32, #tpu.memory_space<vmem>>
        %dma_start3A_295 = tpu.memref_squeeze %dma_start3A_294 : memref<1x128x128xf32, #tpu.memory_space<vmem>> -> memref<128x128xf32, #tpu.memory_space<vmem>>
        %dma_start3A_296 = arith.constant 0 : i32
        %dma_start3A_297 = tpu.memref_slice %arg2[%add3A_290, %dma_start3A_296] : memref<163840x128xf32, #tpu.memory_space<hbm>> -> memref<128x128xf32, #tpu.memory_space<hbm>>
        %dma_start3A_298 = arith.constant 0 : i32
        %dma_start3A_299 = arith.constant 0 : i32
        %dma_start3A_300 = tpu.memref_slice %arg12[%dma_start3A_291, %dma_start3A_298, %dma_start3A_299] : memref<2x128x128xf32, #tpu.memory_space<vmem>> -> memref<1x128x128xf32, #tpu.memory_space<vmem>>
        %dma_start3A_301 = tpu.memref_squeeze %dma_start3A_300 : memref<1x128x128xf32, #tpu.memory_space<vmem>> -> memref<128x128xf32, #tpu.memory_space<vmem>>
        %dma_start3A_302 = arith.constant 0 : i32
        %dma_start3A_303 = tpu.memref_slice %arg2[%add3A_290, %dma_start3A_302] : memref<163840x128xf32, #tpu.memory_space<hbm>> -> memref<128x128xf32, #tpu.memory_space<hbm>>
        tpu.enqueue_dma source(%dma_start3A_303 : memref<128x128xf32, #tpu.memory_space<hbm>>) target(%dma_start3A_301 : memref<128x128xf32, #tpu.memory_space<vmem>>) target_semaphore(%arg16 : memref<!tpu.dma_semaphore, #tpu.memory_space<semaphore_mem>>)
      } else {
      }
      %add3A_173 = arith.constant 1 : i32
      %add3A_174 = arith.addi %add3A_64, %add3A_173 : i32
      %mul3A_175 = arith.constant 128 : i32
      %mul3A_176 = arith.muli %add3A_174, %mul3A_175 : i32
      %add3A_177 = arith.addi %mul3A_7, %mul3A_176 : i32
      %dma_wait3A_178 = arith.constant 1 : i32
      %dma_wait3A_179 = arith.constant 0 : i32
      %dma_wait3A_180 = arith.constant 0 : i32
      %dma_wait3A_181 = tpu.memref_slice %arg12[%dma_wait3A_178, %dma_wait3A_179, %dma_wait3A_180] : memref<2x128x128xf32, #tpu.memory_space<vmem>> -> memref<1x128x128xf32, #tpu.memory_space<vmem>>
      %dma_wait3A_182 = tpu.memref_squeeze %dma_wait3A_181 : memref<1x128x128xf32, #tpu.memory_space<vmem>> -> memref<128x128xf32, #tpu.memory_space<vmem>>
      %dma_wait3A_183 = arith.constant 0 : i32
      %dma_wait3A_184 = tpu.memref_slice %arg2[%add3A_177, %dma_wait3A_183] : memref<163840x128xf32, #tpu.memory_space<hbm>> -> memref<128x128xf32, #tpu.memory_space<hbm>>
      %dma_wait3A_185 = arith.constant 0 : i32
      %dma_wait3A_186 = arith.constant 0 : i32
      %dma_wait3A_187 = tpu.memref_slice %arg12[%dma_wait3A_178, %dma_wait3A_185, %dma_wait3A_186] : memref<2x128x128xf32, #tpu.memory_space<vmem>> -> memref<1x128x128xf32, #tpu.memory_space<vmem>>
      %dma_wait3A_188 = tpu.memref_squeeze %dma_wait3A_187 : memref<1x128x128xf32, #tpu.memory_space<vmem>> -> memref<128x128xf32, #tpu.memory_space<vmem>>
      %dma_wait3A_189 = arith.constant 0 : i32
      %dma_wait3A_190 = tpu.memref_slice %arg2[%add3A_177, %dma_wait3A_189] : memref<163840x128xf32, #tpu.memory_space<hbm>> -> memref<128x128xf32, #tpu.memory_space<hbm>>
      tpu.wait_dma2 semaphore(%arg16 : memref<!tpu.dma_semaphore, #tpu.memory_space<semaphore_mem>>) src(%dma_wait3A_190 : memref<128x128xf32, #tpu.memory_space<hbm>>) dst(%dma_wait3A_188 : memref<128x128xf32, #tpu.memory_space<vmem>>)
      %dma_start3A_191 = arith.constant 1 : i32
      %dma_start3A_192 = arith.constant 0 : i32
      %dma_start3A_193 = arith.constant 0 : i32
      %dma_start3A_194 = tpu.memref_slice %arg12[%dma_start3A_191, %dma_start3A_192, %dma_start3A_193] : memref<2x128x128xf32, #tpu.memory_space<vmem>> -> memref<1x128x128xf32, #tpu.memory_space<vmem>>
      %dma_start3A_195 = tpu.memref_squeeze %dma_start3A_194 : memref<1x128x128xf32, #tpu.memory_space<vmem>> -> memref<128x128xf32, #tpu.memory_space<vmem>>
      %dma_start3A_196 = arith.constant 0 : i32
      %dma_start3A_197 = tpu.memref_slice %arg11[%add3A_174, %dma_start3A_196] : memref<40x128xi32, #tpu.memory_space<vmem>> -> memref<1x128xi32, #tpu.memory_space<vmem>>
      %dma_start3A_198 = tpu.memref_squeeze %dma_start3A_197 : memref<1x128xi32, #tpu.memory_space<vmem>> -> memref<128xi32, #tpu.memory_space<vmem>>
      %dma_start3A_199 = arith.constant 0 : i32
      %dma_start3A_200 = arith.constant 0 : i32
      %dma_start3A_201 = tpu.memref_slice %arg9[%dma_start3A_199, %dma_start3A_200] : memref<10240x128xf32, #tpu.memory_space<vmem_shared>> -> memref<10240x128xf32, #tpu.memory_space<vmem_shared>>
      tpu.enqueue_indirect_dma source(%dma_start3A_195 : memref<128x128xf32, #tpu.memory_space<vmem>>) target(%dma_start3A_201 : memref<10240x128xf32, #tpu.memory_space<vmem_shared>>) offsets(%dma_start3A_198 : memref<128xi32, #tpu.memory_space<vmem>>) semaphore(%arg18 : memref<!tpu.dma_semaphore, #tpu.memory_space<semaphore_mem>>) {add = true}
      %get3A_202 = arith.index_cast %add3A_174 : i32 to index
      %get3A_203 = arith.constant 0 : index
      %get3A_204 = tpu.vector_load %arg11[%get3A_202, %get3A_203] {strides = array<i32>} : memref<40x128xi32, #tpu.memory_space<vmem>>, vector<16xi32>,
      %shift_right_logical3A_205 = arith.constant 7 : i32
      %shift_right_logical3A_206 = vector.broadcast %shift_right_logical3A_205 : i32 to vector<16xi32>
      %shift_right_logical3A_207 = arith.shrui %get3A_204, %shift_right_logical3A_206 : vector<16xi32>
      %and3A_208 = arith.constant 127 : i32
      %and3A_209 = vector.broadcast %and3A_208 : i32 to vector<16xi32>
      %and3A_210 = arith.andi %get3A_204, %and3A_209 : vector<16xi32>
      tpu.vector_store_idx %arg13[%shift_right_logical3A_207, %and3A_210], %broadcast_in_dim3A_5 {add = true} : memref<80x128xf32, #tpu.memory_space<vmem>>[vector<16xi32>, vector<16xi32>], vector<16xf32>,
      %get3A_211 = arith.index_cast %add3A_174 : i32 to index
      %get3A_212 = arith.constant 16 : index
      %get3A_213 = tpu.vector_load %arg11[%get3A_211, %get3A_212] {strides = array<i32>} : memref<40x128xi32, #tpu.memory_space<vmem>>, vector<16xi32>,
      %shift_right_logical3A_214 = arith.constant 7 : i32
      %shift_right_logical3A_215 = vector.broadcast %shift_right_logical3A_214 : i32 to vector<16xi32>
      %shift_right_logical3A_216 = arith.shrui %get3A_213, %shift_right_logical3A_215 : vector<16xi32>
      %and3A_217 = arith.constant 127 : i32
      %and3A_218 = vector.broadcast %and3A_217 : i32 to vector<16xi32>
      %and3A_219 = arith.andi %get3A_213, %and3A_218 : vector<16xi32>
      tpu.vector_store_idx %arg13[%shift_right_logical3A_216, %and3A_219], %broadcast_in_dim3A_5 {add = true} : memref<80x128xf32, #tpu.memory_space<vmem>>[vector<16xi32>, vector<16xi32>], vector<16xf32>,
      %get3A_220 = arith.index_cast %add3A_174 : i32 to index
      %get3A_221 = arith.constant 32 : index
      %get3A_222 = tpu.vector_load %arg11[%get3A_220, %get3A_221] {strides = array<i32>} : memref<40x128xi32, #tpu.memory_space<vmem>>, vector<16xi32>,
      %shift_right_logical3A_223 = arith.constant 7 : i32
      %shift_right_logical3A_224 = vector.broadcast %shift_right_logical3A_223 : i32 to vector<16xi32>
      %shift_right_logical3A_225 = arith.shrui %get3A_222, %shift_right_logical3A_224 : vector<16xi32>
      %and3A_226 = arith.constant 127 : i32
      %and3A_227 = vector.broadcast %and3A_226 : i32 to vector<16xi32>
      %and3A_228 = arith.andi %get3A_222, %and3A_227 : vector<16xi32>
      tpu.vector_store_idx %arg13[%shift_right_logical3A_225, %and3A_228], %broadcast_in_dim3A_5 {add = true} : memref<80x128xf32, #tpu.memory_space<vmem>>[vector<16xi32>, vector<16xi32>], vector<16xf32>,
      %get3A_229 = arith.index_cast %add3A_174 : i32 to index
      %get3A_230 = arith.constant 48 : index
      %get3A_231 = tpu.vector_load %arg11[%get3A_229, %get3A_230] {strides = array<i32>} : memref<40x128xi32, #tpu.memory_space<vmem>>, vector<16xi32>,
      %shift_right_logical3A_232 = arith.constant 7 : i32
      %shift_right_logical3A_233 = vector.broadcast %shift_right_logical3A_232 : i32 to vector<16xi32>
      %shift_right_logical3A_234 = arith.shrui %get3A_231, %shift_right_logical3A_233 : vector<16xi32>
      %and3A_235 = arith.constant 127 : i32
      %and3A_236 = vector.broadcast %and3A_235 : i32 to vector<16xi32>
      %and3A_237 = arith.andi %get3A_231, %and3A_236 : vector<16xi32>
      tpu.vector_store_idx %arg13[%shift_right_logical3A_234, %and3A_237], %broadcast_in_dim3A_5 {add = true} : memref<80x128xf32, #tpu.memory_space<vmem>>[vector<16xi32>, vector<16xi32>], vector<16xf32>,
      %get3A_238 = arith.index_cast %add3A_174 : i32 to index
      %get3A_239 = arith.constant 64 : index
      %get3A_240 = tpu.vector_load %arg11[%get3A_238, %get3A_239] {strides = array<i32>} : memref<40x128xi32, #tpu.memory_space<vmem>>, vector<16xi32>,
      %shift_right_logical3A_241 = arith.constant 7 : i32
      %shift_right_logical3A_242 = vector.broadcast %shift_right_logical3A_241 : i32 to vector<16xi32>
      %shift_right_logical3A_243 = arith.shrui %get3A_240, %shift_right_logical3A_242 : vector<16xi32>
      %and3A_244 = arith.constant 127 : i32
      %and3A_245 = vector.broadcast %and3A_244 : i32 to vector<16xi32>
      %and3A_246 = arith.andi %get3A_240, %and3A_245 : vector<16xi32>
      tpu.vector_store_idx %arg13[%shift_right_logical3A_243, %and3A_246], %broadcast_in_dim3A_5 {add = true} : memref<80x128xf32, #tpu.memory_space<vmem>>[vector<16xi32>, vector<16xi32>], vector<16xf32>,
      %get3A_247 = arith.index_cast %add3A_174 : i32 to index
      %get3A_248 = arith.constant 80 : index
      %get3A_249 = tpu.vector_load %arg11[%get3A_247, %get3A_248] {strides = array<i32>} : memref<40x128xi32, #tpu.memory_space<vmem>>, vector<16xi32>,
      %shift_right_logical3A_250 = arith.constant 7 : i32
      %shift_right_logical3A_251 = vector.broadcast %shift_right_logical3A_250 : i32 to vector<16xi32>
      %shift_right_logical3A_252 = arith.shrui %get3A_249, %shift_right_logical3A_251 : vector<16xi32>
      %and3A_253 = arith.constant 127 : i32
      %and3A_254 = vector.broadcast %and3A_253 : i32 to vector<16xi32>
      %and3A_255 = arith.andi %get3A_249, %and3A_254 : vector<16xi32>
      tpu.vector_store_idx %arg13[%shift_right_logical3A_252, %and3A_255], %broadcast_in_dim3A_5 {add = true} : memref<80x128xf32, #tpu.memory_space<vmem>>[vector<16xi32>, vector<16xi32>], vector<16xf32>,
      %get3A_256 = arith.index_cast %add3A_174 : i32 to index
      %get3A_257 = arith.constant 96 : index
      %get3A_258 = tpu.vector_load %arg11[%get3A_256, %get3A_257] {strides = array<i32>} : memref<40x128xi32, #tpu.memory_space<vmem>>, vector<16xi32>,
      %shift_right_logical3A_259 = arith.constant 7 : i32
      %shift_right_logical3A_260 = vector.broadcast %shift_right_logical3A_259 : i32 to vector<16xi32>
      %shift_right_logical3A_261 = arith.shrui %get3A_258, %shift_right_logical3A_260 : vector<16xi32>
      %and3A_262 = arith.constant 127 : i32
      %and3A_263 = vector.broadcast %and3A_262 : i32 to vector<16xi32>
      %and3A_264 = arith.andi %get3A_258, %and3A_263 : vector<16xi32>
      tpu.vector_store_idx %arg13[%shift_right_logical3A_261, %and3A_264], %broadcast_in_dim3A_5 {add = true} : memref<80x128xf32, #tpu.memory_space<vmem>>[vector<16xi32>, vector<16xi32>], vector<16xf32>,
      %get3A_265 = arith.index_cast %add3A_174 : i32 to index
      %get3A_266 = arith.constant 112 : index
      %get3A_267 = tpu.vector_load %arg11[%get3A_265, %get3A_266] {strides = array<i32>} : memref<40x128xi32, #tpu.memory_space<vmem>>, vector<16xi32>,
      %shift_right_logical3A_268 = arith.constant 7 : i32
      %shift_right_logical3A_269 = vector.broadcast %shift_right_logical3A_268 : i32 to vector<16xi32>
      %shift_right_logical3A_270 = arith.shrui %get3A_267, %shift_right_logical3A_269 : vector<16xi32>
      %and3A_271 = arith.constant 127 : i32
      %and3A_272 = vector.broadcast %and3A_271 : i32 to vector<16xi32>
      %and3A_273 = arith.andi %get3A_267, %and3A_272 : vector<16xi32>
      tpu.vector_store_idx %arg13[%shift_right_logical3A_270, %and3A_273], %broadcast_in_dim3A_5 {add = true} : memref<80x128xf32, #tpu.memory_space<vmem>>[vector<16xi32>, vector<16xi32>], vector<16xf32>,
      %ge3A_274 = arith.constant 1 : i32
      %ge3A_275 = arith.cmpi sge, %add3A_174, %ge3A_274 : i32
      %convert_element_type3A_276 = arith.extui %ge3A_275 : i1 to i32
      %cond3A_277 = arith.constant 0 : i32
      %cond3A_278 = arith.cmpi ne, %convert_element_type3A_276, %cond3A_277 : i32
      scf.if %cond3A_278 {
        %sub3A_286 = arith.constant 1 : i32
        %sub3A_287 = arith.subi %add3A_174, %sub3A_286 : i32
        %dma_wait3A_288 = arith.constant 0 : i32
        %dma_wait3A_289 = arith.constant 0 : i32
        %dma_wait3A_290 = arith.constant 0 : i32
        %dma_wait3A_291 = tpu.memref_slice %arg12[%dma_wait3A_288, %dma_wait3A_289, %dma_wait3A_290] : memref<2x128x128xf32, #tpu.memory_space<vmem>> -> memref<1x128x128xf32, #tpu.memory_space<vmem>>
        %dma_wait3A_292 = tpu.memref_squeeze %dma_wait3A_291 : memref<1x128x128xf32, #tpu.memory_space<vmem>> -> memref<128x128xf32, #tpu.memory_space<vmem>>
        %dma_wait3A_293 = arith.constant 0 : i32
        %dma_wait3A_294 = tpu.memref_slice %arg11[%sub3A_287, %dma_wait3A_293] : memref<40x128xi32, #tpu.memory_space<vmem>> -> memref<1x128xi32, #tpu.memory_space<vmem>>
        %dma_wait3A_295 = tpu.memref_squeeze %dma_wait3A_294 : memref<1x128xi32, #tpu.memory_space<vmem>> -> memref<128xi32, #tpu.memory_space<vmem>>
        %dma_wait3A_296 = arith.constant 0 : i32
        %dma_wait3A_297 = arith.constant 0 : i32
        %dma_wait3A_298 = tpu.memref_slice %arg9[%dma_wait3A_296, %dma_wait3A_297] : memref<10240x128xf32, #tpu.memory_space<vmem_shared>> -> memref<10240x128xf32, #tpu.memory_space<vmem_shared>>
        tpu.wait_indirect_dma semaphore(%arg17 : memref<!tpu.dma_semaphore, #tpu.memory_space<semaphore_mem>>) src(%dma_wait3A_292 : memref<128x128xf32, #tpu.memory_space<vmem>>) dst(%dma_wait3A_298 : memref<10240x128xf32, #tpu.memory_space<vmem_shared>>)
      } else {
      }
      %add3A_279 = arith.constant 1 : i32
      %add3A_280 = arith.addi %add3A_174, %add3A_279 : i32
      %lt3A_281 = arith.constant 40 : i32
      %lt3A_282 = arith.cmpi slt, %add3A_280, %lt3A_281 : i32
      %convert_element_type3A_283 = arith.extui %lt3A_282 : i1 to i32
      %cond3A_284 = arith.constant 0 : i32
      %cond3A_285 = arith.cmpi ne, %convert_element_type3A_283, %cond3A_284 : i32
      scf.if %cond3A_285 {
        %add3A_286 = arith.constant 1 : i32
        %add3A_287 = arith.addi %add3A_174, %add3A_286 : i32
        %mul3A_288 = arith.constant 128 : i32
        %mul3A_289 = arith.muli %add3A_287, %mul3A_288 : i32
        %add3A_290 = arith.addi %mul3A_7, %mul3A_289 : i32
        %dma_start3A_291 = arith.constant 0 : i32
        %dma_start3A_292 = arith.constant 0 : i32
        %dma_start3A_293 = arith.constant 0 : i32
        %dma_start3A_294 = tpu.memref_slice %arg12[%dma_start3A_291, %dma_start3A_292, %dma_start3A_293] : memref<2x128x128xf32, #tpu.memory_space<vmem>> -> memref<1x128x128xf32, #tpu.memory_space<vmem>>
        %dma_start3A_295 = tpu.memref_squeeze %dma_start3A_294 : memref<1x128x128xf32, #tpu.memory_space<vmem>> -> memref<128x128xf32, #tpu.memory_space<vmem>>
        %dma_start3A_296 = arith.constant 0 : i32
        %dma_start3A_297 = tpu.memref_slice %arg2[%add3A_290, %dma_start3A_296] : memref<163840x128xf32, #tpu.memory_space<hbm>> -> memref<128x128xf32, #tpu.memory_space<hbm>>
        %dma_start3A_298 = arith.constant 0 : i32
        %dma_start3A_299 = arith.constant 0 : i32
        %dma_start3A_300 = tpu.memref_slice %arg12[%dma_start3A_291, %dma_start3A_298, %dma_start3A_299] : memref<2x128x128xf32, #tpu.memory_space<vmem>> -> memref<1x128x128xf32, #tpu.memory_space<vmem>>
        %dma_start3A_301 = tpu.memref_squeeze %dma_start3A_300 : memref<1x128x128xf32, #tpu.memory_space<vmem>> -> memref<128x128xf32, #tpu.memory_space<vmem>>
        %dma_start3A_302 = arith.constant 0 : i32
        %dma_start3A_303 = tpu.memref_slice %arg2[%add3A_290, %dma_start3A_302] : memref<163840x128xf32, #tpu.memory_space<hbm>> -> memref<128x128xf32, #tpu.memory_space<hbm>>
        tpu.enqueue_dma source(%dma_start3A_303 : memref<128x128xf32, #tpu.memory_space<hbm>>) target(%dma_start3A_301 : memref<128x128xf32, #tpu.memory_space<vmem>>) target_semaphore(%arg15 : memref<!tpu.dma_semaphore, #tpu.memory_space<semaphore_mem>>)
      } else {
      }
    }
    %while3A_40 = arith.constant 1 : i32
    scf.for %while3A_62 = %while3A_38 to %while3A_34 step %while3A_40  : i32 {
      %mul3A_63 = arith.muli %while3A_62, %while3A : i32
      %add3A_64 = arith.addi %while3A_31, %mul3A_63 : i32
      %add3A_65 = arith.constant 0 : i32
      %add3A_66 = arith.addi %add3A_64, %add3A_65 : i32
      %mul3A_67 = arith.constant 128 : i32
      %mul3A_68 = arith.muli %add3A_66, %mul3A_67 : i32
      %add3A_69 = arith.addi %mul3A_7, %mul3A_68 : i32
      %dma_wait3A_70 = arith.constant 0 : i32
      %dma_wait3A_71 = arith.constant 0 : i32
      %dma_wait3A_72 = arith.constant 0 : i32
      %dma_wait3A_73 = tpu.memref_slice %arg12[%dma_wait3A_70, %dma_wait3A_71, %dma_wait3A_72] : memref<2x128x128xf32, #tpu.memory_space<vmem>> -> memref<1x128x128xf32, #tpu.memory_space<vmem>>
      %dma_wait3A_74 = tpu.memref_squeeze %dma_wait3A_73 : memref<1x128x128xf32, #tpu.memory_space<vmem>> -> memref<128x128xf32, #tpu.memory_space<vmem>>
      %dma_wait3A_75 = arith.constant 0 : i32
      %dma_wait3A_76 = tpu.memref_slice %arg2[%add3A_69, %dma_wait3A_75] : memref<163840x128xf32, #tpu.memory_space<hbm>> -> memref<128x128xf32, #tpu.memory_space<hbm>>
      %dma_wait3A_77 = arith.constant 0 : i32
      %dma_wait3A_78 = arith.constant 0 : i32
      %dma_wait3A_79 = tpu.memref_slice %arg12[%dma_wait3A_70, %dma_wait3A_77, %dma_wait3A_78] : memref<2x128x128xf32, #tpu.memory_space<vmem>> -> memref<1x128x128xf32, #tpu.memory_space<vmem>>
      %dma_wait3A_80 = tpu.memref_squeeze %dma_wait3A_79 : memref<1x128x128xf32, #tpu.memory_space<vmem>> -> memref<128x128xf32, #tpu.memory_space<vmem>>
      %dma_wait3A_81 = arith.constant 0 : i32
      %dma_wait3A_82 = tpu.memref_slice %arg2[%add3A_69, %dma_wait3A_81] : memref<163840x128xf32, #tpu.memory_space<hbm>> -> memref<128x128xf32, #tpu.memory_space<hbm>>
      tpu.wait_dma2 semaphore(%arg15 : memref<!tpu.dma_semaphore, #tpu.memory_space<semaphore_mem>>) src(%dma_wait3A_82 : memref<128x128xf32, #tpu.memory_space<hbm>>) dst(%dma_wait3A_80 : memref<128x128xf32, #tpu.memory_space<vmem>>)
      %dma_start3A_83 = arith.constant 0 : i32
      %dma_start3A_84 = arith.constant 0 : i32
      %dma_start3A_85 = arith.constant 0 : i32
      %dma_start3A_86 = tpu.memref_slice %arg12[%dma_start3A_83, %dma_start3A_84, %dma_start3A_85] : memref<2x128x128xf32, #tpu.memory_space<vmem>> -> memref<1x128x128xf32, #tpu.memory_space<vmem>>
      %dma_start3A_87 = tpu.memref_squeeze %dma_start3A_86 : memref<1x128x128xf32, #tpu.memory_space<vmem>> -> memref<128x128xf32, #tpu.memory_space<vmem>>
      %dma_start3A_88 = arith.constant 0 : i32
      %dma_start3A_89 = tpu.memref_slice %arg11[%add3A_66, %dma_start3A_88] : memref<40x128xi32, #tpu.memory_space<vmem>> -> memref<1x128xi32, #tpu.memory_space<vmem>>
      %dma_start3A_90 = tpu.memref_squeeze %dma_start3A_89 : memref<1x128xi32, #tpu.memory_space<vmem>> -> memref<128xi32, #tpu.memory_space<vmem>>
      %dma_start3A_91 = arith.constant 0 : i32
      %dma_start3A_92 = arith.constant 0 : i32
      %dma_start3A_93 = tpu.memref_slice %arg9[%dma_start3A_91, %dma_start3A_92] : memref<10240x128xf32, #tpu.memory_space<vmem_shared>> -> memref<10240x128xf32, #tpu.memory_space<vmem_shared>>
      tpu.enqueue_indirect_dma source(%dma_start3A_87 : memref<128x128xf32, #tpu.memory_space<vmem>>) target(%dma_start3A_93 : memref<10240x128xf32, #tpu.memory_space<vmem_shared>>) offsets(%dma_start3A_90 : memref<128xi32, #tpu.memory_space<vmem>>) semaphore(%arg17 : memref<!tpu.dma_semaphore, #tpu.memory_space<semaphore_mem>>) {add = true}
      %get3A = arith.index_cast %add3A_66 : i32 to index
      %get3A_94 = arith.constant 0 : index
      %get3A_95 = tpu.vector_load %arg11[%get3A, %get3A_94] {strides = array<i32>} : memref<40x128xi32, #tpu.memory_space<vmem>>, vector<16xi32>,
      %shift_right_logical3A = arith.constant 7 : i32
      %shift_right_logical3A_96 = vector.broadcast %shift_right_logical3A : i32 to vector<16xi32>
      %shift_right_logical3A_97 = arith.shrui %get3A_95, %shift_right_logical3A_96 : vector<16xi32>
      %and3A = arith.constant 127 : i32
      %and3A_98 = vector.broadcast %and3A : i32 to vector<16xi32>
      %and3A_99 = arith.andi %get3A_95, %and3A_98 : vector<16xi32>
      tpu.vector_store_idx %arg13[%shift_right_logical3A_97, %and3A_99], %broadcast_in_dim3A_5 {add = true} : memref<80x128xf32, #tpu.memory_space<vmem>>[vector<16xi32>, vector<16xi32>], vector<16xf32>,
      %get3A_100 = arith.index_cast %add3A_66 : i32 to index
      %get3A_101 = arith.constant 16 : index
      %get3A_102 = tpu.vector_load %arg11[%get3A_100, %get3A_101] {strides = array<i32>} : memref<40x128xi32, #tpu.memory_space<vmem>>, vector<16xi32>,
      %shift_right_logical3A_103 = arith.constant 7 : i32
      %shift_right_logical3A_104 = vector.broadcast %shift_right_logical3A_103 : i32 to vector<16xi32>
      %shift_right_logical3A_105 = arith.shrui %get3A_102, %shift_right_logical3A_104 : vector<16xi32>
      %and3A_106 = arith.constant 127 : i32
      %and3A_107 = vector.broadcast %and3A_106 : i32 to vector<16xi32>
      %and3A_108 = arith.andi %get3A_102, %and3A_107 : vector<16xi32>
      tpu.vector_store_idx %arg13[%shift_right_logical3A_105, %and3A_108], %broadcast_in_dim3A_5 {add = true} : memref<80x128xf32, #tpu.memory_space<vmem>>[vector<16xi32>, vector<16xi32>], vector<16xf32>,
      %get3A_109 = arith.index_cast %add3A_66 : i32 to index
      %get3A_110 = arith.constant 32 : index
      %get3A_111 = tpu.vector_load %arg11[%get3A_109, %get3A_110] {strides = array<i32>} : memref<40x128xi32, #tpu.memory_space<vmem>>, vector<16xi32>,
      %shift_right_logical3A_112 = arith.constant 7 : i32
      %shift_right_logical3A_113 = vector.broadcast %shift_right_logical3A_112 : i32 to vector<16xi32>
      %shift_right_logical3A_114 = arith.shrui %get3A_111, %shift_right_logical3A_113 : vector<16xi32>
      %and3A_115 = arith.constant 127 : i32
      %and3A_116 = vector.broadcast %and3A_115 : i32 to vector<16xi32>
      %and3A_117 = arith.andi %get3A_111, %and3A_116 : vector<16xi32>
      tpu.vector_store_idx %arg13[%shift_right_logical3A_114, %and3A_117], %broadcast_in_dim3A_5 {add = true} : memref<80x128xf32, #tpu.memory_space<vmem>>[vector<16xi32>, vector<16xi32>], vector<16xf32>,
      %get3A_118 = arith.index_cast %add3A_66 : i32 to index
      %get3A_119 = arith.constant 48 : index
      %get3A_120 = tpu.vector_load %arg11[%get3A_118, %get3A_119] {strides = array<i32>} : memref<40x128xi32, #tpu.memory_space<vmem>>, vector<16xi32>,
      %shift_right_logical3A_121 = arith.constant 7 : i32
      %shift_right_logical3A_122 = vector.broadcast %shift_right_logical3A_121 : i32 to vector<16xi32>
      %shift_right_logical3A_123 = arith.shrui %get3A_120, %shift_right_logical3A_122 : vector<16xi32>
      %and3A_124 = arith.constant 127 : i32
      %and3A_125 = vector.broadcast %and3A_124 : i32 to vector<16xi32>
      %and3A_126 = arith.andi %get3A_120, %and3A_125 : vector<16xi32>
      tpu.vector_store_idx %arg13[%shift_right_logical3A_123, %and3A_126], %broadcast_in_dim3A_5 {add = true} : memref<80x128xf32, #tpu.memory_space<vmem>>[vector<16xi32>, vector<16xi32>], vector<16xf32>,
      %get3A_127 = arith.index_cast %add3A_66 : i32 to index
      %get3A_128 = arith.constant 64 : index
      %get3A_129 = tpu.vector_load %arg11[%get3A_127, %get3A_128] {strides = array<i32>} : memref<40x128xi32, #tpu.memory_space<vmem>>, vector<16xi32>,
      %shift_right_logical3A_130 = arith.constant 7 : i32
      %shift_right_logical3A_131 = vector.broadcast %shift_right_logical3A_130 : i32 to vector<16xi32>
      %shift_right_logical3A_132 = arith.shrui %get3A_129, %shift_right_logical3A_131 : vector<16xi32>
      %and3A_133 = arith.constant 127 : i32
      %and3A_134 = vector.broadcast %and3A_133 : i32 to vector<16xi32>
      %and3A_135 = arith.andi %get3A_129, %and3A_134 : vector<16xi32>
      tpu.vector_store_idx %arg13[%shift_right_logical3A_132, %and3A_135], %broadcast_in_dim3A_5 {add = true} : memref<80x128xf32, #tpu.memory_space<vmem>>[vector<16xi32>, vector<16xi32>], vector<16xf32>,
      %get3A_136 = arith.index_cast %add3A_66 : i32 to index
      %get3A_137 = arith.constant 80 : index
      %get3A_138 = tpu.vector_load %arg11[%get3A_136, %get3A_137] {strides = array<i32>} : memref<40x128xi32, #tpu.memory_space<vmem>>, vector<16xi32>,
      %shift_right_logical3A_139 = arith.constant 7 : i32
      %shift_right_logical3A_140 = vector.broadcast %shift_right_logical3A_139 : i32 to vector<16xi32>
      %shift_right_logical3A_141 = arith.shrui %get3A_138, %shift_right_logical3A_140 : vector<16xi32>
      %and3A_142 = arith.constant 127 : i32
      %and3A_143 = vector.broadcast %and3A_142 : i32 to vector<16xi32>
      %and3A_144 = arith.andi %get3A_138, %and3A_143 : vector<16xi32>
      tpu.vector_store_idx %arg13[%shift_right_logical3A_141, %and3A_144], %broadcast_in_dim3A_5 {add = true} : memref<80x128xf32, #tpu.memory_space<vmem>>[vector<16xi32>, vector<16xi32>], vector<16xf32>,
      %get3A_145 = arith.index_cast %add3A_66 : i32 to index
      %get3A_146 = arith.constant 96 : index
      %get3A_147 = tpu.vector_load %arg11[%get3A_145, %get3A_146] {strides = array<i32>} : memref<40x128xi32, #tpu.memory_space<vmem>>, vector<16xi32>,
      %shift_right_logical3A_148 = arith.constant 7 : i32
      %shift_right_logical3A_149 = vector.broadcast %shift_right_logical3A_148 : i32 to vector<16xi32>
      %shift_right_logical3A_150 = arith.shrui %get3A_147, %shift_right_logical3A_149 : vector<16xi32>
      %and3A_151 = arith.constant 127 : i32
      %and3A_152 = vector.broadcast %and3A_151 : i32 to vector<16xi32>
      %and3A_153 = arith.andi %get3A_147, %and3A_152 : vector<16xi32>
      tpu.vector_store_idx %arg13[%shift_right_logical3A_150, %and3A_153], %broadcast_in_dim3A_5 {add = true} : memref<80x128xf32, #tpu.memory_space<vmem>>[vector<16xi32>, vector<16xi32>], vector<16xf32>,
      %get3A_154 = arith.index_cast %add3A_66 : i32 to index
      %get3A_155 = arith.constant 112 : index
      %get3A_156 = tpu.vector_load %arg11[%get3A_154, %get3A_155] {strides = array<i32>} : memref<40x128xi32, #tpu.memory_space<vmem>>, vector<16xi32>,
      %shift_right_logical3A_157 = arith.constant 7 : i32
      %shift_right_logical3A_158 = vector.broadcast %shift_right_logical3A_157 : i32 to vector<16xi32>
      %shift_right_logical3A_159 = arith.shrui %get3A_156, %shift_right_logical3A_158 : vector<16xi32>
      %and3A_160 = arith.constant 127 : i32
      %and3A_161 = vector.broadcast %and3A_160 : i32 to vector<16xi32>
      %and3A_162 = arith.andi %get3A_156, %and3A_161 : vector<16xi32>
      tpu.vector_store_idx %arg13[%shift_right_logical3A_159, %and3A_162], %broadcast_in_dim3A_5 {add = true} : memref<80x128xf32, #tpu.memory_space<vmem>>[vector<16xi32>, vector<16xi32>], vector<16xf32>,
      %ge3A = arith.constant 1 : i32
      %ge3A_163 = arith.cmpi sge, %add3A_66, %ge3A : i32
      %convert_element_type3A_164 = arith.extui %ge3A_163 : i1 to i32
      %cond3A_165 = arith.constant 0 : i32
      %cond3A_166 = arith.cmpi ne, %convert_element_type3A_164, %cond3A_165 : i32
      scf.if %cond3A_166 {
        %sub3A_286 = arith.constant 1 : i32
        %sub3A_287 = arith.subi %add3A_66, %sub3A_286 : i32
        %dma_wait3A_288 = arith.constant 1 : i32
        %dma_wait3A_289 = arith.constant 0 : i32
        %dma_wait3A_290 = arith.constant 0 : i32
        %dma_wait3A_291 = tpu.memref_slice %arg12[%dma_wait3A_288, %dma_wait3A_289, %dma_wait3A_290] : memref<2x128x128xf32, #tpu.memory_space<vmem>> -> memref<1x128x128xf32, #tpu.memory_space<vmem>>
        %dma_wait3A_292 = tpu.memref_squeeze %dma_wait3A_291 : memref<1x128x128xf32, #tpu.memory_space<vmem>> -> memref<128x128xf32, #tpu.memory_space<vmem>>
        %dma_wait3A_293 = arith.constant 0 : i32
        %dma_wait3A_294 = tpu.memref_slice %arg11[%sub3A_287, %dma_wait3A_293] : memref<40x128xi32, #tpu.memory_space<vmem>> -> memref<1x128xi32, #tpu.memory_space<vmem>>
        %dma_wait3A_295 = tpu.memref_squeeze %dma_wait3A_294 : memref<1x128xi32, #tpu.memory_space<vmem>> -> memref<128xi32, #tpu.memory_space<vmem>>
        %dma_wait3A_296 = arith.constant 0 : i32
        %dma_wait3A_297 = arith.constant 0 : i32
        %dma_wait3A_298 = tpu.memref_slice %arg9[%dma_wait3A_296, %dma_wait3A_297] : memref<10240x128xf32, #tpu.memory_space<vmem_shared>> -> memref<10240x128xf32, #tpu.memory_space<vmem_shared>>
        tpu.wait_indirect_dma semaphore(%arg18 : memref<!tpu.dma_semaphore, #tpu.memory_space<semaphore_mem>>) src(%dma_wait3A_292 : memref<128x128xf32, #tpu.memory_space<vmem>>) dst(%dma_wait3A_298 : memref<10240x128xf32, #tpu.memory_space<vmem_shared>>)
      } else {
      }
      %add3A_167 = arith.constant 1 : i32
      %add3A_168 = arith.addi %add3A_66, %add3A_167 : i32
      %lt3A = arith.constant 40 : i32
      %lt3A_169 = arith.cmpi slt, %add3A_168, %lt3A : i32
      %convert_element_type3A_170 = arith.extui %lt3A_169 : i1 to i32
      %cond3A_171 = arith.constant 0 : i32
      %cond3A_172 = arith.cmpi ne, %convert_element_type3A_170, %cond3A_171 : i32
      scf.if %cond3A_172 {
        %add3A_286 = arith.constant 1 : i32
        %add3A_287 = arith.addi %add3A_66, %add3A_286 : i32
        %mul3A_288 = arith.constant 128 : i32
        %mul3A_289 = arith.muli %add3A_287, %mul3A_288 : i32
        %add3A_290 = arith.addi %mul3A_7, %mul3A_289 : i32
        %dma_start3A_291 = arith.constant 1 : i32
        %dma_start3A_292 = arith.constant 0 : i32
        %dma_start3A_293 = arith.constant 0 : i32
        %dma_start3A_294 = tpu.memref_slice %arg12[%dma_start3A_291, %dma_start3A_292, %dma_start3A_293] : memref<2x128x128xf32, #tpu.memory_space<vmem>> -> memref<1x128x128xf32, #tpu.memory_space<vmem>>
        %dma_start3A_295 = tpu.memref_squeeze %dma_start3A_294 : memref<1x128x128xf32, #tpu.memory_space<vmem>> -> memref<128x128xf32, #tpu.memory_space<vmem>>
        %dma_start3A_296 = arith.constant 0 : i32
        %dma_start3A_297 = tpu.memref_slice %arg2[%add3A_290, %dma_start3A_296] : memref<163840x128xf32, #tpu.memory_space<hbm>> -> memref<128x128xf32, #tpu.memory_space<hbm>>
        %dma_start3A_298 = arith.constant 0 : i32
        %dma_start3A_299 = arith.constant 0 : i32
        %dma_start3A_300 = tpu.memref_slice %arg12[%dma_start3A_291, %dma_start3A_298, %dma_start3A_299] : memref<2x128x128xf32, #tpu.memory_space<vmem>> -> memref<1x128x128xf32, #tpu.memory_space<vmem>>
        %dma_start3A_301 = tpu.memref_squeeze %dma_start3A_300 : memref<1x128x128xf32, #tpu.memory_space<vmem>> -> memref<128x128xf32, #tpu.memory_space<vmem>>
        %dma_start3A_302 = arith.constant 0 : i32
        %dma_start3A_303 = tpu.memref_slice %arg2[%add3A_290, %dma_start3A_302] : memref<163840x128xf32, #tpu.memory_space<hbm>> -> memref<128x128xf32, #tpu.memory_space<hbm>>
        tpu.enqueue_dma source(%dma_start3A_303 : memref<128x128xf32, #tpu.memory_space<hbm>>) target(%dma_start3A_301 : memref<128x128xf32, #tpu.memory_space<vmem>>) target_semaphore(%arg16 : memref<!tpu.dma_semaphore, #tpu.memory_space<semaphore_mem>>)
      } else {
      }
      %add3A_173 = arith.constant 1 : i32
      %add3A_174 = arith.addi %add3A_64, %add3A_173 : i32
      %mul3A_175 = arith.constant 128 : i32
      %mul3A_176 = arith.muli %add3A_174, %mul3A_175 : i32
      %add3A_177 = arith.addi %mul3A_7, %mul3A_176 : i32
      %dma_wait3A_178 = arith.constant 1 : i32
      %dma_wait3A_179 = arith.constant 0 : i32
      %dma_wait3A_180 = arith.constant 0 : i32
      %dma_wait3A_181 = tpu.memref_slice %arg12[%dma_wait3A_178, %dma_wait3A_179, %dma_wait3A_180] : memref<2x128x128xf32, #tpu.memory_space<vmem>> -> memref<1x128x128xf32, #tpu.memory_space<vmem>>
      %dma_wait3A_182 = tpu.memref_squeeze %dma_wait3A_181 : memref<1x128x128xf32, #tpu.memory_space<vmem>> -> memref<128x128xf32, #tpu.memory_space<vmem>>
      %dma_wait3A_183 = arith.constant 0 : i32
      %dma_wait3A_184 = tpu.memref_slice %arg2[%add3A_177, %dma_wait3A_183] : memref<163840x128xf32, #tpu.memory_space<hbm>> -> memref<128x128xf32, #tpu.memory_space<hbm>>
      %dma_wait3A_185 = arith.constant 0 : i32
      %dma_wait3A_186 = arith.constant 0 : i32
      %dma_wait3A_187 = tpu.memref_slice %arg12[%dma_wait3A_178, %dma_wait3A_185, %dma_wait3A_186] : memref<2x128x128xf32, #tpu.memory_space<vmem>> -> memref<1x128x128xf32, #tpu.memory_space<vmem>>
      %dma_wait3A_188 = tpu.memref_squeeze %dma_wait3A_187 : memref<1x128x128xf32, #tpu.memory_space<vmem>> -> memref<128x128xf32, #tpu.memory_space<vmem>>
      %dma_wait3A_189 = arith.constant 0 : i32
      %dma_wait3A_190 = tpu.memref_slice %arg2[%add3A_177, %dma_wait3A_189] : memref<163840x128xf32, #tpu.memory_space<hbm>> -> memref<128x128xf32, #tpu.memory_space<hbm>>
      tpu.wait_dma2 semaphore(%arg16 : memref<!tpu.dma_semaphore, #tpu.memory_space<semaphore_mem>>) src(%dma_wait3A_190 : memref<128x128xf32, #tpu.memory_space<hbm>>) dst(%dma_wait3A_188 : memref<128x128xf32, #tpu.memory_space<vmem>>)
      %dma_start3A_191 = arith.constant 1 : i32
      %dma_start3A_192 = arith.constant 0 : i32
      %dma_start3A_193 = arith.constant 0 : i32
      %dma_start3A_194 = tpu.memref_slice %arg12[%dma_start3A_191, %dma_start3A_192, %dma_start3A_193] : memref<2x128x128xf32, #tpu.memory_space<vmem>> -> memref<1x128x128xf32, #tpu.memory_space<vmem>>
      %dma_start3A_195 = tpu.memref_squeeze %dma_start3A_194 : memref<1x128x128xf32, #tpu.memory_space<vmem>> -> memref<128x128xf32, #tpu.memory_space<vmem>>
      %dma_start3A_196 = arith.constant 0 : i32
      %dma_start3A_197 = tpu.memref_slice %arg11[%add3A_174, %dma_start3A_196] : memref<40x128xi32, #tpu.memory_space<vmem>> -> memref<1x128xi32, #tpu.memory_space<vmem>>
      %dma_start3A_198 = tpu.memref_squeeze %dma_start3A_197 : memref<1x128xi32, #tpu.memory_space<vmem>> -> memref<128xi32, #tpu.memory_space<vmem>>
      %dma_start3A_199 = arith.constant 0 : i32
      %dma_start3A_200 = arith.constant 0 : i32
      %dma_start3A_201 = tpu.memref_slice %arg9[%dma_start3A_199, %dma_start3A_200] : memref<10240x128xf32, #tpu.memory_space<vmem_shared>> -> memref<10240x128xf32, #tpu.memory_space<vmem_shared>>
      tpu.enqueue_indirect_dma source(%dma_start3A_195 : memref<128x128xf32, #tpu.memory_space<vmem>>) target(%dma_start3A_201 : memref<10240x128xf32, #tpu.memory_space<vmem_shared>>) offsets(%dma_start3A_198 : memref<128xi32, #tpu.memory_space<vmem>>) semaphore(%arg18 : memref<!tpu.dma_semaphore, #tpu.memory_space<semaphore_mem>>) {add = true}
      %get3A_202 = arith.index_cast %add3A_174 : i32 to index
      %get3A_203 = arith.constant 0 : index
      %get3A_204 = tpu.vector_load %arg11[%get3A_202, %get3A_203] {strides = array<i32>} : memref<40x128xi32, #tpu.memory_space<vmem>>, vector<16xi32>,
      %shift_right_logical3A_205 = arith.constant 7 : i32
      %shift_right_logical3A_206 = vector.broadcast %shift_right_logical3A_205 : i32 to vector<16xi32>
      %shift_right_logical3A_207 = arith.shrui %get3A_204, %shift_right_logical3A_206 : vector<16xi32>
      %and3A_208 = arith.constant 127 : i32
      %and3A_209 = vector.broadcast %and3A_208 : i32 to vector<16xi32>
      %and3A_210 = arith.andi %get3A_204, %and3A_209 : vector<16xi32>
      tpu.vector_store_idx %arg13[%shift_right_logical3A_207, %and3A_210], %broadcast_in_dim3A_5 {add = true} : memref<80x128xf32, #tpu.memory_space<vmem>>[vector<16xi32>, vector<16xi32>], vector<16xf32>,
      %get3A_211 = arith.index_cast %add3A_174 : i32 to index
      %get3A_212 = arith.constant 16 : index
      %get3A_213 = tpu.vector_load %arg11[%get3A_211, %get3A_212] {strides = array<i32>} : memref<40x128xi32, #tpu.memory_space<vmem>>, vector<16xi32>,
      %shift_right_logical3A_214 = arith.constant 7 : i32
      %shift_right_logical3A_215 = vector.broadcast %shift_right_logical3A_214 : i32 to vector<16xi32>
      %shift_right_logical3A_216 = arith.shrui %get3A_213, %shift_right_logical3A_215 : vector<16xi32>
      %and3A_217 = arith.constant 127 : i32
      %and3A_218 = vector.broadcast %and3A_217 : i32 to vector<16xi32>
      %and3A_219 = arith.andi %get3A_213, %and3A_218 : vector<16xi32>
      tpu.vector_store_idx %arg13[%shift_right_logical3A_216, %and3A_219], %broadcast_in_dim3A_5 {add = true} : memref<80x128xf32, #tpu.memory_space<vmem>>[vector<16xi32>, vector<16xi32>], vector<16xf32>,
      %get3A_220 = arith.index_cast %add3A_174 : i32 to index
      %get3A_221 = arith.constant 32 : index
      %get3A_222 = tpu.vector_load %arg11[%get3A_220, %get3A_221] {strides = array<i32>} : memref<40x128xi32, #tpu.memory_space<vmem>>, vector<16xi32>,
      %shift_right_logical3A_223 = arith.constant 7 : i32
      %shift_right_logical3A_224 = vector.broadcast %shift_right_logical3A_223 : i32 to vector<16xi32>
      %shift_right_logical3A_225 = arith.shrui %get3A_222, %shift_right_logical3A_224 : vector<16xi32>
      %and3A_226 = arith.constant 127 : i32
      %and3A_227 = vector.broadcast %and3A_226 : i32 to vector<16xi32>
      %and3A_228 = arith.andi %get3A_222, %and3A_227 : vector<16xi32>
      tpu.vector_store_idx %arg13[%shift_right_logical3A_225, %and3A_228], %broadcast_in_dim3A_5 {add = true} : memref<80x128xf32, #tpu.memory_space<vmem>>[vector<16xi32>, vector<16xi32>], vector<16xf32>,
      %get3A_229 = arith.index_cast %add3A_174 : i32 to index
      %get3A_230 = arith.constant 48 : index
      %get3A_231 = tpu.vector_load %arg11[%get3A_229, %get3A_230] {strides = array<i32>} : memref<40x128xi32, #tpu.memory_space<vmem>>, vector<16xi32>,
      %shift_right_logical3A_232 = arith.constant 7 : i32
      %shift_right_logical3A_233 = vector.broadcast %shift_right_logical3A_232 : i32 to vector<16xi32>
      %shift_right_logical3A_234 = arith.shrui %get3A_231, %shift_right_logical3A_233 : vector<16xi32>
      %and3A_235 = arith.constant 127 : i32
      %and3A_236 = vector.broadcast %and3A_235 : i32 to vector<16xi32>
      %and3A_237 = arith.andi %get3A_231, %and3A_236 : vector<16xi32>
      tpu.vector_store_idx %arg13[%shift_right_logical3A_234, %and3A_237], %broadcast_in_dim3A_5 {add = true} : memref<80x128xf32, #tpu.memory_space<vmem>>[vector<16xi32>, vector<16xi32>], vector<16xf32>,
      %get3A_238 = arith.index_cast %add3A_174 : i32 to index
      %get3A_239 = arith.constant 64 : index
      %get3A_240 = tpu.vector_load %arg11[%get3A_238, %get3A_239] {strides = array<i32>} : memref<40x128xi32, #tpu.memory_space<vmem>>, vector<16xi32>,
      %shift_right_logical3A_241 = arith.constant 7 : i32
      %shift_right_logical3A_242 = vector.broadcast %shift_right_logical3A_241 : i32 to vector<16xi32>
      %shift_right_logical3A_243 = arith.shrui %get3A_240, %shift_right_logical3A_242 : vector<16xi32>
      %and3A_244 = arith.constant 127 : i32
      %and3A_245 = vector.broadcast %and3A_244 : i32 to vector<16xi32>
      %and3A_246 = arith.andi %get3A_240, %and3A_245 : vector<16xi32>
      tpu.vector_store_idx %arg13[%shift_right_logical3A_243, %and3A_246], %broadcast_in_dim3A_5 {add = true} : memref<80x128xf32, #tpu.memory_space<vmem>>[vector<16xi32>, vector<16xi32>], vector<16xf32>,
      %get3A_247 = arith.index_cast %add3A_174 : i32 to index
      %get3A_248 = arith.constant 80 : index
      %get3A_249 = tpu.vector_load %arg11[%get3A_247, %get3A_248] {strides = array<i32>} : memref<40x128xi32, #tpu.memory_space<vmem>>, vector<16xi32>,
      %shift_right_logical3A_250 = arith.constant 7 : i32
      %shift_right_logical3A_251 = vector.broadcast %shift_right_logical3A_250 : i32 to vector<16xi32>
      %shift_right_logical3A_252 = arith.shrui %get3A_249, %shift_right_logical3A_251 : vector<16xi32>
      %and3A_253 = arith.constant 127 : i32
      %and3A_254 = vector.broadcast %and3A_253 : i32 to vector<16xi32>
      %and3A_255 = arith.andi %get3A_249, %and3A_254 : vector<16xi32>
      tpu.vector_store_idx %arg13[%shift_right_logical3A_252, %and3A_255], %broadcast_in_dim3A_5 {add = true} : memref<80x128xf32, #tpu.memory_space<vmem>>[vector<16xi32>, vector<16xi32>], vector<16xf32>,
      %get3A_256 = arith.index_cast %add3A_174 : i32 to index
      %get3A_257 = arith.constant 96 : index
      %get3A_258 = tpu.vector_load %arg11[%get3A_256, %get3A_257] {strides = array<i32>} : memref<40x128xi32, #tpu.memory_space<vmem>>, vector<16xi32>,
      %shift_right_logical3A_259 = arith.constant 7 : i32
      %shift_right_logical3A_260 = vector.broadcast %shift_right_logical3A_259 : i32 to vector<16xi32>
      %shift_right_logical3A_261 = arith.shrui %get3A_258, %shift_right_logical3A_260 : vector<16xi32>
      %and3A_262 = arith.constant 127 : i32
      %and3A_263 = vector.broadcast %and3A_262 : i32 to vector<16xi32>
      %and3A_264 = arith.andi %get3A_258, %and3A_263 : vector<16xi32>
      tpu.vector_store_idx %arg13[%shift_right_logical3A_261, %and3A_264], %broadcast_in_dim3A_5 {add = true} : memref<80x128xf32, #tpu.memory_space<vmem>>[vector<16xi32>, vector<16xi32>], vector<16xf32>,
      %get3A_265 = arith.index_cast %add3A_174 : i32 to index
      %get3A_266 = arith.constant 112 : index
      %get3A_267 = tpu.vector_load %arg11[%get3A_265, %get3A_266] {strides = array<i32>} : memref<40x128xi32, #tpu.memory_space<vmem>>, vector<16xi32>,
      %shift_right_logical3A_268 = arith.constant 7 : i32
      %shift_right_logical3A_269 = vector.broadcast %shift_right_logical3A_268 : i32 to vector<16xi32>
      %shift_right_logical3A_270 = arith.shrui %get3A_267, %shift_right_logical3A_269 : vector<16xi32>
      %and3A_271 = arith.constant 127 : i32
      %and3A_272 = vector.broadcast %and3A_271 : i32 to vector<16xi32>
      %and3A_273 = arith.andi %get3A_267, %and3A_272 : vector<16xi32>
      tpu.vector_store_idx %arg13[%shift_right_logical3A_270, %and3A_273], %broadcast_in_dim3A_5 {add = true} : memref<80x128xf32, #tpu.memory_space<vmem>>[vector<16xi32>, vector<16xi32>], vector<16xf32>,
      %ge3A_274 = arith.constant 1 : i32
      %ge3A_275 = arith.cmpi sge, %add3A_174, %ge3A_274 : i32
      %convert_element_type3A_276 = arith.extui %ge3A_275 : i1 to i32
      %cond3A_277 = arith.constant 0 : i32
      %cond3A_278 = arith.cmpi ne, %convert_element_type3A_276, %cond3A_277 : i32
      scf.if %cond3A_278 {
        %sub3A_286 = arith.constant 1 : i32
        %sub3A_287 = arith.subi %add3A_174, %sub3A_286 : i32
        %dma_wait3A_288 = arith.constant 0 : i32
        %dma_wait3A_289 = arith.constant 0 : i32
        %dma_wait3A_290 = arith.constant 0 : i32
        %dma_wait3A_291 = tpu.memref_slice %arg12[%dma_wait3A_288, %dma_wait3A_289, %dma_wait3A_290] : memref<2x128x128xf32, #tpu.memory_space<vmem>> -> memref<1x128x128xf32, #tpu.memory_space<vmem>>
        %dma_wait3A_292 = tpu.memref_squeeze %dma_wait3A_291 : memref<1x128x128xf32, #tpu.memory_space<vmem>> -> memref<128x128xf32, #tpu.memory_space<vmem>>
        %dma_wait3A_293 = arith.constant 0 : i32
        %dma_wait3A_294 = tpu.memref_slice %arg11[%sub3A_287, %dma_wait3A_293] : memref<40x128xi32, #tpu.memory_space<vmem>> -> memref<1x128xi32, #tpu.memory_space<vmem>>
        %dma_wait3A_295 = tpu.memref_squeeze %dma_wait3A_294 : memref<1x128xi32, #tpu.memory_space<vmem>> -> memref<128xi32, #tpu.memory_space<vmem>>
        %dma_wait3A_296 = arith.constant 0 : i32
        %dma_wait3A_297 = arith.constant 0 : i32
        %dma_wait3A_298 = tpu.memref_slice %arg9[%dma_wait3A_296, %dma_wait3A_297] : memref<10240x128xf32, #tpu.memory_space<vmem_shared>> -> memref<10240x128xf32, #tpu.memory_space<vmem_shared>>
        tpu.wait_indirect_dma semaphore(%arg17 : memref<!tpu.dma_semaphore, #tpu.memory_space<semaphore_mem>>) src(%dma_wait3A_292 : memref<128x128xf32, #tpu.memory_space<vmem>>) dst(%dma_wait3A_298 : memref<10240x128xf32, #tpu.memory_space<vmem_shared>>)
      } else {
      }
      %add3A_279 = arith.constant 1 : i32
      %add3A_280 = arith.addi %add3A_174, %add3A_279 : i32
      %lt3A_281 = arith.constant 40 : i32
      %lt3A_282 = arith.cmpi slt, %add3A_280, %lt3A_281 : i32
      %convert_element_type3A_283 = arith.extui %lt3A_282 : i1 to i32
      %cond3A_284 = arith.constant 0 : i32
      %cond3A_285 = arith.cmpi ne, %convert_element_type3A_283, %cond3A_284 : i32
      scf.if %cond3A_285 {
        %add3A_286 = arith.constant 1 : i32
        %add3A_287 = arith.addi %add3A_174, %add3A_286 : i32
        %mul3A_288 = arith.constant 128 : i32
        %mul3A_289 = arith.muli %add3A_287, %mul3A_288 : i32
        %add3A_290 = arith.addi %mul3A_7, %mul3A_289 : i32
        %dma_start3A_291 = arith.constant 0 : i32
        %dma_start3A_292 = arith.constant 0 : i32
        %dma_start3A_293 = arith.constant 0 : i32
        %dma_start3A_294 = tpu.memref_slice %arg12[%dma_start3A_291, %dma_start3A_292, %dma_start3A_293] : memref<2x128x128xf32, #tpu.memory_space<vmem>> -> memref<1x128x128xf32, #tpu.memory_space<vmem>>
        %dma_start3A_295 = tpu.memref_squeeze %dma_start3A_294 : memref<1x128x128xf32, #tpu.memory_space<vmem>> -> memref<128x128xf32, #tpu.memory_space<vmem>>
        %dma_start3A_296 = arith.constant 0 : i32
        %dma_start3A_297 = tpu.memref_slice %arg2[%add3A_290, %dma_start3A_296] : memref<163840x128xf32, #tpu.memory_space<hbm>> -> memref<128x128xf32, #tpu.memory_space<hbm>>
        %dma_start3A_298 = arith.constant 0 : i32
        %dma_start3A_299 = arith.constant 0 : i32
        %dma_start3A_300 = tpu.memref_slice %arg12[%dma_start3A_291, %dma_start3A_298, %dma_start3A_299] : memref<2x128x128xf32, #tpu.memory_space<vmem>> -> memref<1x128x128xf32, #tpu.memory_space<vmem>>
        %dma_start3A_301 = tpu.memref_squeeze %dma_start3A_300 : memref<1x128x128xf32, #tpu.memory_space<vmem>> -> memref<128x128xf32, #tpu.memory_space<vmem>>
        %dma_start3A_302 = arith.constant 0 : i32
        %dma_start3A_303 = tpu.memref_slice %arg2[%add3A_290, %dma_start3A_302] : memref<163840x128xf32, #tpu.memory_space<hbm>> -> memref<128x128xf32, #tpu.memory_space<hbm>>
        tpu.enqueue_dma source(%dma_start3A_303 : memref<128x128xf32, #tpu.memory_space<hbm>>) target(%dma_start3A_301 : memref<128x128xf32, #tpu.memory_space<vmem>>) target_semaphore(%arg15 : memref<!tpu.dma_semaphore, #tpu.memory_space<semaphore_mem>>)
      } else {
      }
    }
    %dma_wait3A = arith.constant 1 : i32
    %dma_wait3A_41 = arith.constant 39 : i32
    %dma_wait3A_42 = arith.constant 0 : i32
    %dma_wait3A_43 = arith.constant 0 : i32
    %dma_wait3A_44 = tpu.memref_slice %arg12[%dma_wait3A, %dma_wait3A_42, %dma_wait3A_43] : memref<2x128x128xf32, #tpu.memory_space<vmem>> -> memref<1x128x128xf32, #tpu.memory_space<vmem>>
    %dma_wait3A_45 = tpu.memref_squeeze %dma_wait3A_44 : memref<1x128x128xf32, #tpu.memory_space<vmem>> -> memref<128x128xf32, #tpu.memory_space<vmem>>
    %dma_wait3A_46 = arith.constant 0 : i32
    %dma_wait3A_47 = tpu.memref_slice %arg11[%dma_wait3A_41, %dma_wait3A_46] : memref<40x128xi32, #tpu.memory_space<vmem>> -> memref<1x128xi32, #tpu.memory_space<vmem>>
    %dma_wait3A_48 = tpu.memref_squeeze %dma_wait3A_47 : memref<1x128xi32, #tpu.memory_space<vmem>> -> memref<128xi32, #tpu.memory_space<vmem>>
    %dma_wait3A_49 = arith.constant 0 : i32
    %dma_wait3A_50 = arith.constant 0 : i32
    %dma_wait3A_51 = tpu.memref_slice %arg9[%dma_wait3A_49, %dma_wait3A_50] : memref<10240x128xf32, #tpu.memory_space<vmem_shared>> -> memref<10240x128xf32, #tpu.memory_space<vmem_shared>>
    tpu.wait_indirect_dma semaphore(%arg18 : memref<!tpu.dma_semaphore, #tpu.memory_space<semaphore_mem>>) src(%dma_wait3A_45 : memref<128x128xf32, #tpu.memory_space<vmem>>) dst(%dma_wait3A_51 : memref<10240x128xf32, #tpu.memory_space<vmem_shared>>)
    "tpu.region"() ({
      %run_scoped3A = tpu.sem_alloc : memref<!tpu.dma_semaphore, #tpu.memory_space<semaphore_mem>>
      %dma_start3A_62 = arith.constant 0 : i32
      %dma_start3A_63 = arith.constant 0 : i32
      %dma_start3A_64 = tpu.memref_slice %arg10[%dma_start3A_62, %dma_start3A_63] : memref<80x128xf32, #tpu.memory_space<vmem_shared>> -> memref<80x128xf32, #tpu.memory_space<vmem_shared>>
      tpu.enqueue_indirect_dma source(%arg13 : memref<80x128xf32, #tpu.memory_space<vmem>>) target(%dma_start3A_64 : memref<80x128xf32, #tpu.memory_space<vmem_shared>>) offsets(%arg14 : memref<80xi32, #tpu.memory_space<vmem>>) semaphore(%run_scoped3A : memref<!tpu.dma_semaphore, #tpu.memory_space<semaphore_mem>>) {add = true}
      %dma_wait3A_65 = arith.constant 0 : i32
      %dma_wait3A_66 = arith.constant 0 : i32
      %dma_wait3A_67 = tpu.memref_slice %arg10[%dma_wait3A_65, %dma_wait3A_66] : memref<80x128xf32, #tpu.memory_space<vmem_shared>> -> memref<80x128xf32, #tpu.memory_space<vmem_shared>>
      tpu.wait_indirect_dma semaphore(%run_scoped3A : memref<!tpu.dma_semaphore, #tpu.memory_space<semaphore_mem>>) src(%arg13 : memref<80x128xf32, #tpu.memory_space<vmem>>) dst(%dma_wait3A_67 : memref<80x128xf32, #tpu.memory_space<vmem_shared>>)
      tpu.yield
    }) : () -> ()
    %barrier3A_52 = arith.constant 0 : index
    tpu.barrier barrier_id(%barrier3A_52)
    %mul3A_53 = arith.constant 640 : i32
    %mul3A_54 = arith.muli %arg1, %mul3A_53 : i32
    %mul3A_55 = arith.constant 640 : i32
    %mul3A_56 = arith.muli %arg1, %mul3A_55 : i32
    "tpu.region"() ({
      %run_scoped3A = tpu.sem_alloc : memref<!tpu.dma_semaphore, #tpu.memory_space<semaphore_mem>>
      %dma_start3A_62 = arith.constant 0 : i32
      %dma_start3A_63 = tpu.memref_slice %arg7[%arg0, %mul3A_56, %dma_start3A_62] : memref<2x10240x128xf32, #tpu.memory_space<hbm>> -> memref<1x640x128xf32, #tpu.memory_space<hbm>>
      %dma_start3A_64 = tpu.memref_squeeze %dma_start3A_63 : memref<1x640x128xf32, #tpu.memory_space<hbm>> -> memref<640x128xf32, #tpu.memory_space<hbm>>
      %dma_start3A_65 = arith.constant 0 : i32
      %dma_start3A_66 = tpu.memref_slice %arg9[%mul3A_54, %dma_start3A_65] : memref<10240x128xf32, #tpu.memory_space<vmem_shared>> -> memref<640x128xf32, #tpu.memory_space<vmem_shared>>
      tpu.enqueue_dma source(%dma_start3A_66 : memref<640x128xf32, #tpu.memory_space<vmem_shared>>) target(%dma_start3A_64 : memref<640x128xf32, #tpu.memory_space<hbm>>) target_semaphore(%run_scoped3A : memref<!tpu.dma_semaphore, #tpu.memory_space<semaphore_mem>>)
      %dma_wait3A_67 = arith.constant 0 : i32
      %dma_wait3A_68 = tpu.memref_slice %arg7[%arg0, %mul3A_56, %dma_wait3A_67] : memref<2x10240x128xf32, #tpu.memory_space<hbm>> -> memref<1x640x128xf32, #tpu.memory_space<hbm>>
      %dma_wait3A_69 = tpu.memref_squeeze %dma_wait3A_68 : memref<1x640x128xf32, #tpu.memory_space<hbm>> -> memref<640x128xf32, #tpu.memory_space<hbm>>
      %dma_wait3A_70 = arith.constant 0 : i32
      %dma_wait3A_71 = tpu.memref_slice %arg9[%mul3A_54, %dma_wait3A_70] : memref<10240x128xf32, #tpu.memory_space<vmem_shared>> -> memref<640x128xf32, #tpu.memory_space<vmem_shared>>
      tpu.wait_dma2 semaphore(%run_scoped3A : memref<!tpu.dma_semaphore, #tpu.memory_space<semaphore_mem>>) src(%dma_wait3A_71 : memref<640x128xf32, #tpu.memory_space<vmem_shared>>) dst(%dma_wait3A_69 : memref<640x128xf32, #tpu.memory_space<hbm>>)
      tpu.yield
    }) : () -> ()
    %eq3A_57 = arith.constant 0 : i32
    %eq3A_58 = arith.cmpi eq, %arg1, %eq3A_57 : i32
    %convert_element_type3A_59 = arith.extui %eq3A_58 : i1 to i32
    %cond3A_60 = arith.constant 0 : i32
    %cond3A_61 = arith.cmpi ne, %convert_element_type3A_59, %cond3A_60 : i32
    scf.if %cond3A_61 {
      "tpu.region"() ({
        %run_scoped3A = tpu.sem_alloc : memref<!tpu.dma_semaphore, #tpu.memory_space<semaphore_mem>>
        %dma_start3A_62 = arith.constant 0 : i32
        %dma_start3A_63 = arith.constant 0 : i32
        %dma_start3A_64 = tpu.memref_slice %arg8[%arg0, %dma_start3A_62, %dma_start3A_63] : memref<2x80x128xf32, #tpu.memory_space<hbm>> -> memref<1x80x128xf32, #tpu.memory_space<hbm>>
        %dma_start3A_65 = tpu.memref_squeeze %dma_start3A_64 : memref<1x80x128xf32, #tpu.memory_space<hbm>> -> memref<80x128xf32, #tpu.memory_space<hbm>>
        tpu.enqueue_dma source(%arg10 : memref<80x128xf32, #tpu.memory_space<vmem_shared>>) target(%dma_start3A_65 : memref<80x128xf32, #tpu.memory_space<hbm>>) target_semaphore(%run_scoped3A : memref<!tpu.dma_semaphore, #tpu.memory_space<semaphore_mem>>)
        %dma_wait3A_66 = arith.constant 0 : i32
        %dma_wait3A_67 = arith.constant 0 : i32
        %dma_wait3A_68 = tpu.memref_slice %arg8[%arg0, %dma_wait3A_66, %dma_wait3A_67] : memref<2x80x128xf32, #tpu.memory_space<hbm>> -> memref<1x80x128xf32, #tpu.memory_space<hbm>>
        %dma_wait3A_69 = tpu.memref_squeeze %dma_wait3A_68 : memref<1x80x128xf32, #tpu.memory_space<hbm>> -> memref<80x128xf32, #tpu.memory_space<hbm>>
        tpu.wait_dma2 semaphore(%run_scoped3A : memref<!tpu.dma_semaphore, #tpu.memory_space<semaphore_mem>>) src(%arg10 : memref<80x128xf32, #tpu.memory_space<vmem_shared>>) dst(%dma_wait3A_69 : memref<80x128xf32, #tpu.memory_space<hbm>>)
        tpu.yield
      }) : () -> ()
    } else {
    }
    return
  }
}

#map = affine_map<(d0, d1) -> (0, 0)>
#map1 = affine_map<(d0, d1) -> (0, 0, 0)>
module attributes {stable_mosaic.version = 14 : i64} {
  func.func @_gather_k(%arg0: i32, %arg1: i32, %arg2: memref<10000x128xf32, #tpu.memory_space<hbm>>, %arg3: memref<32x40x128xi32, #tpu.memory_space<hbm>>, %arg4: memref<163840x128xf32, #tpu.memory_space<hbm>>, %arg5: memref<40x128xi32, #tpu.memory_space<vmem>>, %arg6: memref<4x128x128xf32, #tpu.memory_space<vmem>>, %arg7: memref<!tpu.dma_semaphore, #tpu.memory_space<semaphore_mem>>, %arg8: memref<!tpu.dma_semaphore, #tpu.memory_space<semaphore_mem>>, %arg9: memref<!tpu.dma_semaphore, #tpu.memory_space<semaphore_mem>>, %arg10: memref<!tpu.dma_semaphore, #tpu.memory_space<semaphore_mem>>, %arg11: memref<!tpu.dma_semaphore, #tpu.memory_space<semaphore_mem>>, %arg12: memref<!tpu.dma_semaphore, #tpu.memory_space<semaphore_mem>>, %arg13: memref<!tpu.dma_semaphore, #tpu.memory_space<semaphore_mem>>, %arg14: memref<!tpu.dma_semaphore, #tpu.memory_space<semaphore_mem>>) attributes {dimension_semantics = [#tpu.dimension_semantics<core_parallel>, #tpu.dimension_semantics<subcore_parallel>], iteration_bounds = array<i64: 2, 16>, scalar_prefetch = 0 : i64, scratch_operands = 10 : i64, tpu.core_type = #tpu.core_type<sc_vector_subcore>, window_params = [{transform_indices = #map}, {transform_indices = #map1}, {transform_indices = #map}]} {
    %mul3A = arith.constant 2 : i32
    %mul3A_0 = arith.muli %arg1, %mul3A : i32
    %add3A = arith.addi %mul3A_0, %arg0 : i32
    "tpu.region"() ({
      %run_scoped3A = tpu.sem_alloc : memref<!tpu.dma_semaphore, #tpu.memory_space<semaphore_mem>>
      %dma_start3A_71 = arith.constant 0 : i32
      %dma_start3A_72 = arith.constant 0 : i32
      %dma_start3A_73 = tpu.memref_slice %arg3[%add3A, %dma_start3A_71, %dma_start3A_72] : memref<32x40x128xi32, #tpu.memory_space<hbm>> -> memref<1x40x128xi32, #tpu.memory_space<hbm>>
      %dma_start3A_74 = tpu.memref_squeeze %dma_start3A_73 : memref<1x40x128xi32, #tpu.memory_space<hbm>> -> memref<40x128xi32, #tpu.memory_space<hbm>>
      %dma_start3A_75 = arith.constant 0 : i32
      %dma_start3A_76 = arith.constant 0 : i32
      %dma_start3A_77 = tpu.memref_slice %arg3[%add3A, %dma_start3A_75, %dma_start3A_76] : memref<32x40x128xi32, #tpu.memory_space<hbm>> -> memref<1x40x128xi32, #tpu.memory_space<hbm>>
      %dma_start3A_78 = tpu.memref_squeeze %dma_start3A_77 : memref<1x40x128xi32, #tpu.memory_space<hbm>> -> memref<40x128xi32, #tpu.memory_space<hbm>>
      tpu.enqueue_dma source(%dma_start3A_78 : memref<40x128xi32, #tpu.memory_space<hbm>>) target(%arg5 : memref<40x128xi32, #tpu.memory_space<vmem>>) target_semaphore(%run_scoped3A : memref<!tpu.dma_semaphore, #tpu.memory_space<semaphore_mem>>)
      %dma_wait3A_79 = arith.constant 0 : i32
      %dma_wait3A_80 = arith.constant 0 : i32
      %dma_wait3A_81 = tpu.memref_slice %arg3[%add3A, %dma_wait3A_79, %dma_wait3A_80] : memref<32x40x128xi32, #tpu.memory_space<hbm>> -> memref<1x40x128xi32, #tpu.memory_space<hbm>>
      %dma_wait3A_82 = tpu.memref_squeeze %dma_wait3A_81 : memref<1x40x128xi32, #tpu.memory_space<hbm>> -> memref<40x128xi32, #tpu.memory_space<hbm>>
      %dma_wait3A_83 = arith.constant 0 : i32
      %dma_wait3A_84 = arith.constant 0 : i32
      %dma_wait3A_85 = tpu.memref_slice %arg3[%add3A, %dma_wait3A_83, %dma_wait3A_84] : memref<32x40x128xi32, #tpu.memory_space<hbm>> -> memref<1x40x128xi32, #tpu.memory_space<hbm>>
      %dma_wait3A_86 = tpu.memref_squeeze %dma_wait3A_85 : memref<1x40x128xi32, #tpu.memory_space<hbm>> -> memref<40x128xi32, #tpu.memory_space<hbm>>
      tpu.wait_dma2 semaphore(%run_scoped3A : memref<!tpu.dma_semaphore, #tpu.memory_space<semaphore_mem>>) src(%dma_wait3A_86 : memref<40x128xi32, #tpu.memory_space<hbm>>) dst(%arg5 : memref<40x128xi32, #tpu.memory_space<vmem>>)
      tpu.yield
    }) : () -> ()
    %dma_start3A = arith.constant 0 : i32
    %dma_start3A_1 = arith.constant 0 : i32
    %dma_start3A_2 = arith.constant 0 : i32
    %dma_start3A_3 = arith.constant 0 : i32
    %dma_start3A_4 = tpu.memref_slice %arg6[%dma_start3A_1, %dma_start3A_2, %dma_start3A_3] : memref<4x128x128xf32, #tpu.memory_space<vmem>> -> memref<1x128x128xf32, #tpu.memory_space<vmem>>
    %dma_start3A_5 = tpu.memref_squeeze %dma_start3A_4 : memref<1x128x128xf32, #tpu.memory_space<vmem>> -> memref<128x128xf32, #tpu.memory_space<vmem>>
    %dma_start3A_6 = arith.constant 0 : i32
    %dma_start3A_7 = tpu.memref_slice %arg5[%dma_start3A, %dma_start3A_6] : memref<40x128xi32, #tpu.memory_space<vmem>> -> memref<1x128xi32, #tpu.memory_space<vmem>>
    %dma_start3A_8 = tpu.memref_squeeze %dma_start3A_7 : memref<1x128xi32, #tpu.memory_space<vmem>> -> memref<128xi32, #tpu.memory_space<vmem>>
    %dma_start3A_9 = arith.constant 0 : i32
    %dma_start3A_10 = arith.constant 0 : i32
    %dma_start3A_11 = tpu.memref_slice %arg2[%dma_start3A_9, %dma_start3A_10] : memref<10000x128xf32, #tpu.memory_space<hbm>> -> memref<10000x128xf32, #tpu.memory_space<hbm>>
    tpu.enqueue_indirect_dma source(%dma_start3A_11 : memref<10000x128xf32, #tpu.memory_space<hbm>>) target(%dma_start3A_5 : memref<128x128xf32, #tpu.memory_space<vmem>>) offsets(%dma_start3A_8 : memref<128xi32, #tpu.memory_space<vmem>>) semaphore(%arg7 : memref<!tpu.dma_semaphore, #tpu.memory_space<semaphore_mem>>)
    %dma_start3A_12 = arith.constant 1 : i32
    %dma_start3A_13 = arith.constant 1 : i32
    %dma_start3A_14 = arith.constant 0 : i32
    %dma_start3A_15 = arith.constant 0 : i32
    %dma_start3A_16 = tpu.memref_slice %arg6[%dma_start3A_13, %dma_start3A_14, %dma_start3A_15] : memref<4x128x128xf32, #tpu.memory_space<vmem>> -> memref<1x128x128xf32, #tpu.memory_space<vmem>>
    %dma_start3A_17 = tpu.memref_squeeze %dma_start3A_16 : memref<1x128x128xf32, #tpu.memory_space<vmem>> -> memref<128x128xf32, #tpu.memory_space<vmem>>
    %dma_start3A_18 = arith.constant 0 : i32
    %dma_start3A_19 = tpu.memref_slice %arg5[%dma_start3A_12, %dma_start3A_18] : memref<40x128xi32, #tpu.memory_space<vmem>> -> memref<1x128xi32, #tpu.memory_space<vmem>>
    %dma_start3A_20 = tpu.memref_squeeze %dma_start3A_19 : memref<1x128xi32, #tpu.memory_space<vmem>> -> memref<128xi32, #tpu.memory_space<vmem>>
    %dma_start3A_21 = arith.constant 0 : i32
    %dma_start3A_22 = arith.constant 0 : i32
    %dma_start3A_23 = tpu.memref_slice %arg2[%dma_start3A_21, %dma_start3A_22] : memref<10000x128xf32, #tpu.memory_space<hbm>> -> memref<10000x128xf32, #tpu.memory_space<hbm>>
    tpu.enqueue_indirect_dma source(%dma_start3A_23 : memref<10000x128xf32, #tpu.memory_space<hbm>>) target(%dma_start3A_17 : memref<128x128xf32, #tpu.memory_space<vmem>>) offsets(%dma_start3A_20 : memref<128xi32, #tpu.memory_space<vmem>>) semaphore(%arg8 : memref<!tpu.dma_semaphore, #tpu.memory_space<semaphore_mem>>)
    %dma_start3A_24 = arith.constant 2 : i32
    %dma_start3A_25 = arith.constant 2 : i32
    %dma_start3A_26 = arith.constant 0 : i32
    %dma_start3A_27 = arith.constant 0 : i32
    %dma_start3A_28 = tpu.memref_slice %arg6[%dma_start3A_25, %dma_start3A_26, %dma_start3A_27] : memref<4x128x128xf32, #tpu.memory_space<vmem>> -> memref<1x128x128xf32, #tpu.memory_space<vmem>>
    %dma_start3A_29 = tpu.memref_squeeze %dma_start3A_28 : memref<1x128x128xf32, #tpu.memory_space<vmem>> -> memref<128x128xf32, #tpu.memory_space<vmem>>
    %dma_start3A_30 = arith.constant 0 : i32
    %dma_start3A_31 = tpu.memref_slice %arg5[%dma_start3A_24, %dma_start3A_30] : memref<40x128xi32, #tpu.memory_space<vmem>> -> memref<1x128xi32, #tpu.memory_space<vmem>>
    %dma_start3A_32 = tpu.memref_squeeze %dma_start3A_31 : memref<1x128xi32, #tpu.memory_space<vmem>> -> memref<128xi32, #tpu.memory_space<vmem>>
    %dma_start3A_33 = arith.constant 0 : i32
    %dma_start3A_34 = arith.constant 0 : i32
    %dma_start3A_35 = tpu.memref_slice %arg2[%dma_start3A_33, %dma_start3A_34] : memref<10000x128xf32, #tpu.memory_space<hbm>> -> memref<10000x128xf32, #tpu.memory_space<hbm>>
    tpu.enqueue_indirect_dma source(%dma_start3A_35 : memref<10000x128xf32, #tpu.memory_space<hbm>>) target(%dma_start3A_29 : memref<128x128xf32, #tpu.memory_space<vmem>>) offsets(%dma_start3A_32 : memref<128xi32, #tpu.memory_space<vmem>>) semaphore(%arg9 : memref<!tpu.dma_semaphore, #tpu.memory_space<semaphore_mem>>)
    %sub3A = arith.constant 40 : i32
    %sub3A_36 = arith.constant 0 : i32
    %sub3A_37 = arith.subi %sub3A, %sub3A_36 : i32
    %sub3A_38 = arith.constant 4 : i32
    %sub3A_39 = arith.constant 1 : i32
    %sub3A_40 = arith.subi %sub3A_38, %sub3A_39 : i32
    %add3A_41 = arith.addi %sub3A_37, %sub3A_40 : i32
    %div3A = arith.constant 4 : i32
    %div3A_42 = arith.divsi %add3A_41, %div3A : i32
    %while3A = arith.constant 4 : i32
    %while3A_43 = arith.constant 0 : i32
    %while3A_44 = arith.constant 0 : i32
    %while3A_45 = arith.subi %div3A_42, %while3A_44 : i32
    %while3A_46 = arith.addi %while3A_44, %while3A_45 : i32
    %while3A_47 = arith.constant 1 : i32
    %while3A_48 = arith.divsi %while3A_45, %while3A_47 : i32
    %while3A_49 = arith.muli %while3A_48, %while3A_47 : i32
    %while3A_50 = arith.addi %while3A_44, %while3A_49 : i32
    %while3A_51 = arith.constant 1 : i32
    scf.for %while3A_71 = %while3A_44 to %while3A_50 step %while3A_51  : i32 {
      %mul3A_72 = arith.muli %while3A_71, %while3A : i32
      %add3A_73 = arith.addi %while3A_43, %mul3A_72 : i32
      %add3A_74 = arith.constant 0 : i32
      %add3A_75 = arith.addi %add3A_73, %add3A_74 : i32
      %dma_wait3A_76 = arith.constant 0 : i32
      %dma_wait3A_77 = arith.constant 0 : i32
      %dma_wait3A_78 = arith.constant 0 : i32
      %dma_wait3A_79 = tpu.memref_slice %arg6[%dma_wait3A_76, %dma_wait3A_77, %dma_wait3A_78] : memref<4x128x128xf32, #tpu.memory_space<vmem>> -> memref<1x128x128xf32, #tpu.memory_space<vmem>>
      %dma_wait3A_80 = tpu.memref_squeeze %dma_wait3A_79 : memref<1x128x128xf32, #tpu.memory_space<vmem>> -> memref<128x128xf32, #tpu.memory_space<vmem>>
      %dma_wait3A_81 = arith.constant 0 : i32
      %dma_wait3A_82 = tpu.memref_slice %arg5[%add3A_75, %dma_wait3A_81] : memref<40x128xi32, #tpu.memory_space<vmem>> -> memref<1x128xi32, #tpu.memory_space<vmem>>
      %dma_wait3A_83 = tpu.memref_squeeze %dma_wait3A_82 : memref<1x128xi32, #tpu.memory_space<vmem>> -> memref<128xi32, #tpu.memory_space<vmem>>
      %dma_wait3A_84 = arith.constant 0 : i32
      %dma_wait3A_85 = arith.constant 0 : i32
      %dma_wait3A_86 = tpu.memref_slice %arg2[%dma_wait3A_84, %dma_wait3A_85] : memref<10000x128xf32, #tpu.memory_space<hbm>> -> memref<10000x128xf32, #tpu.memory_space<hbm>>
      tpu.wait_indirect_dma semaphore(%arg7 : memref<!tpu.dma_semaphore, #tpu.memory_space<semaphore_mem>>) src(%dma_wait3A_86 : memref<10000x128xf32, #tpu.memory_space<hbm>>) dst(%dma_wait3A_80 : memref<128x128xf32, #tpu.memory_space<vmem>>)
      %mul3A_87 = arith.constant 5120 : i32
      %mul3A_88 = arith.muli %add3A, %mul3A_87 : i32
      %mul3A_89 = arith.constant 128 : i32
      %mul3A_90 = arith.muli %add3A_75, %mul3A_89 : i32
      %add3A_91 = arith.addi %mul3A_88, %mul3A_90 : i32
      %dma_start3A_92 = arith.constant 0 : i32
      %dma_start3A_93 = arith.constant 0 : i32
      %dma_start3A_94 = arith.constant 0 : i32
      %dma_start3A_95 = tpu.memref_slice %arg6[%dma_start3A_92, %dma_start3A_93, %dma_start3A_94] : memref<4x128x128xf32, #tpu.memory_space<vmem>> -> memref<1x128x128xf32, #tpu.memory_space<vmem>>
      %dma_start3A_96 = tpu.memref_squeeze %dma_start3A_95 : memref<1x128x128xf32, #tpu.memory_space<vmem>> -> memref<128x128xf32, #tpu.memory_space<vmem>>
      %dma_start3A_97 = arith.constant 0 : i32
      %dma_start3A_98 = tpu.memref_slice %arg4[%add3A_91, %dma_start3A_97] : memref<163840x128xf32, #tpu.memory_space<hbm>> -> memref<128x128xf32, #tpu.memory_space<hbm>>
      %dma_start3A_99 = arith.constant 0 : i32
      %dma_start3A_100 = tpu.memref_slice %arg4[%add3A_91, %dma_start3A_99] : memref<163840x128xf32, #tpu.memory_space<hbm>> -> memref<128x128xf32, #tpu.memory_space<hbm>>
      %dma_start3A_101 = arith.constant 0 : i32
      %dma_start3A_102 = arith.constant 0 : i32
      %dma_start3A_103 = tpu.memref_slice %arg6[%dma_start3A_92, %dma_start3A_101, %dma_start3A_102] : memref<4x128x128xf32, #tpu.memory_space<vmem>> -> memref<1x128x128xf32, #tpu.memory_space<vmem>>
      %dma_start3A_104 = tpu.memref_squeeze %dma_start3A_103 : memref<1x128x128xf32, #tpu.memory_space<vmem>> -> memref<128x128xf32, #tpu.memory_space<vmem>>
      tpu.enqueue_dma source(%dma_start3A_104 : memref<128x128xf32, #tpu.memory_space<vmem>>) target(%dma_start3A_100 : memref<128x128xf32, #tpu.memory_space<hbm>>) target_semaphore(%arg11 : memref<!tpu.dma_semaphore, #tpu.memory_space<semaphore_mem>>)
      %ge3A = arith.constant 1 : i32
      %ge3A_105 = arith.cmpi sge, %add3A_75, %ge3A : i32
      %convert_element_type3A = arith.extui %ge3A_105 : i1 to i32
      %cond3A = arith.constant 0 : i32
      %cond3A_106 = arith.cmpi ne, %convert_element_type3A, %cond3A : i32
      scf.if %cond3A_106 {
        %sub3A_242 = arith.constant 1 : i32
        %sub3A_243 = arith.subi %add3A_75, %sub3A_242 : i32
        %mul3A_244 = arith.constant 5120 : i32
        %mul3A_245 = arith.muli %add3A, %mul3A_244 : i32
        %mul3A_246 = arith.constant 128 : i32
        %mul3A_247 = arith.muli %sub3A_243, %mul3A_246 : i32
        %add3A_248 = arith.addi %mul3A_245, %mul3A_247 : i32
        %dma_wait3A_249 = arith.constant 3 : i32
        %dma_wait3A_250 = arith.constant 0 : i32
        %dma_wait3A_251 = arith.constant 0 : i32
        %dma_wait3A_252 = tpu.memref_slice %arg6[%dma_wait3A_249, %dma_wait3A_250, %dma_wait3A_251] : memref<4x128x128xf32, #tpu.memory_space<vmem>> -> memref<1x128x128xf32, #tpu.memory_space<vmem>>
        %dma_wait3A_253 = tpu.memref_squeeze %dma_wait3A_252 : memref<1x128x128xf32, #tpu.memory_space<vmem>> -> memref<128x128xf32, #tpu.memory_space<vmem>>
        %dma_wait3A_254 = arith.constant 0 : i32
        %dma_wait3A_255 = tpu.memref_slice %arg4[%add3A_248, %dma_wait3A_254] : memref<163840x128xf32, #tpu.memory_space<hbm>> -> memref<128x128xf32, #tpu.memory_space<hbm>>
        %dma_wait3A_256 = arith.constant 0 : i32
        %dma_wait3A_257 = tpu.memref_slice %arg4[%add3A_248, %dma_wait3A_256] : memref<163840x128xf32, #tpu.memory_space<hbm>> -> memref<128x128xf32, #tpu.memory_space<hbm>>
        %dma_wait3A_258 = arith.constant 0 : i32
        %dma_wait3A_259 = arith.constant 0 : i32
        %dma_wait3A_260 = tpu.memref_slice %arg6[%dma_wait3A_249, %dma_wait3A_258, %dma_wait3A_259] : memref<4x128x128xf32, #tpu.memory_space<vmem>> -> memref<1x128x128xf32, #tpu.memory_space<vmem>>
        %dma_wait3A_261 = tpu.memref_squeeze %dma_wait3A_260 : memref<1x128x128xf32, #tpu.memory_space<vmem>> -> memref<128x128xf32, #tpu.memory_space<vmem>>
        tpu.wait_dma2 semaphore(%arg14 : memref<!tpu.dma_semaphore, #tpu.memory_space<semaphore_mem>>) src(%dma_wait3A_261 : memref<128x128xf32, #tpu.memory_space<vmem>>) dst(%dma_wait3A_257 : memref<128x128xf32, #tpu.memory_space<hbm>>)
      } else {
      }
      %add3A_107 = arith.constant 3 : i32
      %add3A_108 = arith.addi %add3A_75, %add3A_107 : i32
      %lt3A = arith.constant 40 : i32
      %lt3A_109 = arith.cmpi slt, %add3A_108, %lt3A : i32
      %convert_element_type3A_110 = arith.extui %lt3A_109 : i1 to i32
      %cond3A_111 = arith.constant 0 : i32
      %cond3A_112 = arith.cmpi ne, %convert_element_type3A_110, %cond3A_111 : i32
      scf.if %cond3A_112 {
        %add3A_242 = arith.constant 3 : i32
        %add3A_243 = arith.addi %add3A_75, %add3A_242 : i32
        %dma_start3A_244 = arith.constant 3 : i32
        %dma_start3A_245 = arith.constant 0 : i32
        %dma_start3A_246 = arith.constant 0 : i32
        %dma_start3A_247 = tpu.memref_slice %arg6[%dma_start3A_244, %dma_start3A_245, %dma_start3A_246] : memref<4x128x128xf32, #tpu.memory_space<vmem>> -> memref<1x128x128xf32, #tpu.memory_space<vmem>>
        %dma_start3A_248 = tpu.memref_squeeze %dma_start3A_247 : memref<1x128x128xf32, #tpu.memory_space<vmem>> -> memref<128x128xf32, #tpu.memory_space<vmem>>
        %dma_start3A_249 = arith.constant 0 : i32
        %dma_start3A_250 = tpu.memref_slice %arg5[%add3A_243, %dma_start3A_249] : memref<40x128xi32, #tpu.memory_space<vmem>> -> memref<1x128xi32, #tpu.memory_space<vmem>>
        %dma_start3A_251 = tpu.memref_squeeze %dma_start3A_250 : memref<1x128xi32, #tpu.memory_space<vmem>> -> memref<128xi32, #tpu.memory_space<vmem>>
        %dma_start3A_252 = arith.constant 0 : i32
        %dma_start3A_253 = arith.constant 0 : i32
        %dma_start3A_254 = tpu.memref_slice %arg2[%dma_start3A_252, %dma_start3A_253] : memref<10000x128xf32, #tpu.memory_space<hbm>> -> memref<10000x128xf32, #tpu.memory_space<hbm>>
        tpu.enqueue_indirect_dma source(%dma_start3A_254 : memref<10000x128xf32, #tpu.memory_space<hbm>>) target(%dma_start3A_248 : memref<128x128xf32, #tpu.memory_space<vmem>>) offsets(%dma_start3A_251 : memref<128xi32, #tpu.memory_space<vmem>>) semaphore(%arg10 : memref<!tpu.dma_semaphore, #tpu.memory_space<semaphore_mem>>)
      } else {
      }
      %add3A_113 = arith.constant 1 : i32
      %add3A_114 = arith.addi %add3A_73, %add3A_113 : i32
      %dma_wait3A_115 = arith.constant 1 : i32
      %dma_wait3A_116 = arith.constant 0 : i32
      %dma_wait3A_117 = arith.constant 0 : i32
      %dma_wait3A_118 = tpu.memref_slice %arg6[%dma_wait3A_115, %dma_wait3A_116, %dma_wait3A_117] : memref<4x128x128xf32, #tpu.memory_space<vmem>> -> memref<1x128x128xf32, #tpu.memory_space<vmem>>
      %dma_wait3A_119 = tpu.memref_squeeze %dma_wait3A_118 : memref<1x128x128xf32, #tpu.memory_space<vmem>> -> memref<128x128xf32, #tpu.memory_space<vmem>>
      %dma_wait3A_120 = arith.constant 0 : i32
      %dma_wait3A_121 = tpu.memref_slice %arg5[%add3A_114, %dma_wait3A_120] : memref<40x128xi32, #tpu.memory_space<vmem>> -> memref<1x128xi32, #tpu.memory_space<vmem>>
      %dma_wait3A_122 = tpu.memref_squeeze %dma_wait3A_121 : memref<1x128xi32, #tpu.memory_space<vmem>> -> memref<128xi32, #tpu.memory_space<vmem>>
      %dma_wait3A_123 = arith.constant 0 : i32
      %dma_wait3A_124 = arith.constant 0 : i32
      %dma_wait3A_125 = tpu.memref_slice %arg2[%dma_wait3A_123, %dma_wait3A_124] : memref<10000x128xf32, #tpu.memory_space<hbm>> -> memref<10000x128xf32, #tpu.memory_space<hbm>>
      tpu.wait_indirect_dma semaphore(%arg8 : memref<!tpu.dma_semaphore, #tpu.memory_space<semaphore_mem>>) src(%dma_wait3A_125 : memref<10000x128xf32, #tpu.memory_space<hbm>>) dst(%dma_wait3A_119 : memref<128x128xf32, #tpu.memory_space<vmem>>)
      %mul3A_126 = arith.constant 5120 : i32
      %mul3A_127 = arith.muli %add3A, %mul3A_126 : i32
      %mul3A_128 = arith.constant 128 : i32
      %mul3A_129 = arith.muli %add3A_114, %mul3A_128 : i32
      %add3A_130 = arith.addi %mul3A_127, %mul3A_129 : i32
      %dma_start3A_131 = arith.constant 1 : i32
      %dma_start3A_132 = arith.constant 0 : i32
      %dma_start3A_133 = arith.constant 0 : i32
      %dma_start3A_134 = tpu.memref_slice %arg6[%dma_start3A_131, %dma_start3A_132, %dma_start3A_133] : memref<4x128x128xf32, #tpu.memory_space<vmem>> -> memref<1x128x128xf32, #tpu.memory_space<vmem>>
      %dma_start3A_135 = tpu.memref_squeeze %dma_start3A_134 : memref<1x128x128xf32, #tpu.memory_space<vmem>> -> memref<128x128xf32, #tpu.memory_space<vmem>>
      %dma_start3A_136 = arith.constant 0 : i32
      %dma_start3A_137 = tpu.memref_slice %arg4[%add3A_130, %dma_start3A_136] : memref<163840x128xf32, #tpu.memory_space<hbm>> -> memref<128x128xf32, #tpu.memory_space<hbm>>
      %dma_start3A_138 = arith.constant 0 : i32
      %dma_start3A_139 = tpu.memref_slice %arg4[%add3A_130, %dma_start3A_138] : memref<163840x128xf32, #tpu.memory_space<hbm>> -> memref<128x128xf32, #tpu.memory_space<hbm>>
      %dma_start3A_140 = arith.constant 0 : i32
      %dma_start3A_141 = arith.constant 0 : i32
      %dma_start3A_142 = tpu.memref_slice %arg6[%dma_start3A_131, %dma_start3A_140, %dma_start3A_141] : memref<4x128x128xf32, #tpu.memory_space<vmem>> -> memref<1x128x128xf32, #tpu.memory_space<vmem>>
      %dma_start3A_143 = tpu.memref_squeeze %dma_start3A_142 : memref<1x128x128xf32, #tpu.memory_space<vmem>> -> memref<128x128xf32, #tpu.memory_space<vmem>>
      tpu.enqueue_dma source(%dma_start3A_143 : memref<128x128xf32, #tpu.memory_space<vmem>>) target(%dma_start3A_139 : memref<128x128xf32, #tpu.memory_space<hbm>>) target_semaphore(%arg12 : memref<!tpu.dma_semaphore, #tpu.memory_space<semaphore_mem>>)
      %ge3A_144 = arith.constant 1 : i32
      %ge3A_145 = arith.cmpi sge, %add3A_114, %ge3A_144 : i32
      %convert_element_type3A_146 = arith.extui %ge3A_145 : i1 to i32
      %cond3A_147 = arith.constant 0 : i32
      %cond3A_148 = arith.cmpi ne, %convert_element_type3A_146, %cond3A_147 : i32
      scf.if %cond3A_148 {
        %sub3A_242 = arith.constant 1 : i32
        %sub3A_243 = arith.subi %add3A_114, %sub3A_242 : i32
        %mul3A_244 = arith.constant 5120 : i32
        %mul3A_245 = arith.muli %add3A, %mul3A_244 : i32
        %mul3A_246 = arith.constant 128 : i32
        %mul3A_247 = arith.muli %sub3A_243, %mul3A_246 : i32
        %add3A_248 = arith.addi %mul3A_245, %mul3A_247 : i32
        %dma_wait3A_249 = arith.constant 0 : i32
        %dma_wait3A_250 = arith.constant 0 : i32
        %dma_wait3A_251 = arith.constant 0 : i32
        %dma_wait3A_252 = tpu.memref_slice %arg6[%dma_wait3A_249, %dma_wait3A_250, %dma_wait3A_251] : memref<4x128x128xf32, #tpu.memory_space<vmem>> -> memref<1x128x128xf32, #tpu.memory_space<vmem>>
        %dma_wait3A_253 = tpu.memref_squeeze %dma_wait3A_252 : memref<1x128x128xf32, #tpu.memory_space<vmem>> -> memref<128x128xf32, #tpu.memory_space<vmem>>
        %dma_wait3A_254 = arith.constant 0 : i32
        %dma_wait3A_255 = tpu.memref_slice %arg4[%add3A_248, %dma_wait3A_254] : memref<163840x128xf32, #tpu.memory_space<hbm>> -> memref<128x128xf32, #tpu.memory_space<hbm>>
        %dma_wait3A_256 = arith.constant 0 : i32
        %dma_wait3A_257 = tpu.memref_slice %arg4[%add3A_248, %dma_wait3A_256] : memref<163840x128xf32, #tpu.memory_space<hbm>> -> memref<128x128xf32, #tpu.memory_space<hbm>>
        %dma_wait3A_258 = arith.constant 0 : i32
        %dma_wait3A_259 = arith.constant 0 : i32
        %dma_wait3A_260 = tpu.memref_slice %arg6[%dma_wait3A_249, %dma_wait3A_258, %dma_wait3A_259] : memref<4x128x128xf32, #tpu.memory_space<vmem>> -> memref<1x128x128xf32, #tpu.memory_space<vmem>>
        %dma_wait3A_261 = tpu.memref_squeeze %dma_wait3A_260 : memref<1x128x128xf32, #tpu.memory_space<vmem>> -> memref<128x128xf32, #tpu.memory_space<vmem>>
        tpu.wait_dma2 semaphore(%arg11 : memref<!tpu.dma_semaphore, #tpu.memory_space<semaphore_mem>>) src(%dma_wait3A_261 : memref<128x128xf32, #tpu.memory_space<vmem>>) dst(%dma_wait3A_257 : memref<128x128xf32, #tpu.memory_space<hbm>>)
      } else {
      }
      %add3A_149 = arith.constant 3 : i32
      %add3A_150 = arith.addi %add3A_114, %add3A_149 : i32
      %lt3A_151 = arith.constant 40 : i32
      %lt3A_152 = arith.cmpi slt, %add3A_150, %lt3A_151 : i32
      %convert_element_type3A_153 = arith.extui %lt3A_152 : i1 to i32
      %cond3A_154 = arith.constant 0 : i32
      %cond3A_155 = arith.cmpi ne, %convert_element_type3A_153, %cond3A_154 : i32
      scf.if %cond3A_155 {
        %add3A_242 = arith.constant 3 : i32
        %add3A_243 = arith.addi %add3A_114, %add3A_242 : i32
        %dma_start3A_244 = arith.constant 0 : i32
        %dma_start3A_245 = arith.constant 0 : i32
        %dma_start3A_246 = arith.constant 0 : i32
        %dma_start3A_247 = tpu.memref_slice %arg6[%dma_start3A_244, %dma_start3A_245, %dma_start3A_246] : memref<4x128x128xf32, #tpu.memory_space<vmem>> -> memref<1x128x128xf32, #tpu.memory_space<vmem>>
        %dma_start3A_248 = tpu.memref_squeeze %dma_start3A_247 : memref<1x128x128xf32, #tpu.memory_space<vmem>> -> memref<128x128xf32, #tpu.memory_space<vmem>>
        %dma_start3A_249 = arith.constant 0 : i32
        %dma_start3A_250 = tpu.memref_slice %arg5[%add3A_243, %dma_start3A_249] : memref<40x128xi32, #tpu.memory_space<vmem>> -> memref<1x128xi32, #tpu.memory_space<vmem>>
        %dma_start3A_251 = tpu.memref_squeeze %dma_start3A_250 : memref<1x128xi32, #tpu.memory_space<vmem>> -> memref<128xi32, #tpu.memory_space<vmem>>
        %dma_start3A_252 = arith.constant 0 : i32
        %dma_start3A_253 = arith.constant 0 : i32
        %dma_start3A_254 = tpu.memref_slice %arg2[%dma_start3A_252, %dma_start3A_253] : memref<10000x128xf32, #tpu.memory_space<hbm>> -> memref<10000x128xf32, #tpu.memory_space<hbm>>
        tpu.enqueue_indirect_dma source(%dma_start3A_254 : memref<10000x128xf32, #tpu.memory_space<hbm>>) target(%dma_start3A_248 : memref<128x128xf32, #tpu.memory_space<vmem>>) offsets(%dma_start3A_251 : memref<128xi32, #tpu.memory_space<vmem>>) semaphore(%arg7 : memref<!tpu.dma_semaphore, #tpu.memory_space<semaphore_mem>>)
      } else {
      }
      %add3A_156 = arith.constant 2 : i32
      %add3A_157 = arith.addi %add3A_73, %add3A_156 : i32
      %dma_wait3A_158 = arith.constant 2 : i32
      %dma_wait3A_159 = arith.constant 0 : i32
      %dma_wait3A_160 = arith.constant 0 : i32
      %dma_wait3A_161 = tpu.memref_slice %arg6[%dma_wait3A_158, %dma_wait3A_159, %dma_wait3A_160] : memref<4x128x128xf32, #tpu.memory_space<vmem>> -> memref<1x128x128xf32, #tpu.memory_space<vmem>>
      %dma_wait3A_162 = tpu.memref_squeeze %dma_wait3A_161 : memref<1x128x128xf32, #tpu.memory_space<vmem>> -> memref<128x128xf32, #tpu.memory_space<vmem>>
      %dma_wait3A_163 = arith.constant 0 : i32
      %dma_wait3A_164 = tpu.memref_slice %arg5[%add3A_157, %dma_wait3A_163] : memref<40x128xi32, #tpu.memory_space<vmem>> -> memref<1x128xi32, #tpu.memory_space<vmem>>
      %dma_wait3A_165 = tpu.memref_squeeze %dma_wait3A_164 : memref<1x128xi32, #tpu.memory_space<vmem>> -> memref<128xi32, #tpu.memory_space<vmem>>
      %dma_wait3A_166 = arith.constant 0 : i32
      %dma_wait3A_167 = arith.constant 0 : i32
      %dma_wait3A_168 = tpu.memref_slice %arg2[%dma_wait3A_166, %dma_wait3A_167] : memref<10000x128xf32, #tpu.memory_space<hbm>> -> memref<10000x128xf32, #tpu.memory_space<hbm>>
      tpu.wait_indirect_dma semaphore(%arg9 : memref<!tpu.dma_semaphore, #tpu.memory_space<semaphore_mem>>) src(%dma_wait3A_168 : memref<10000x128xf32, #tpu.memory_space<hbm>>) dst(%dma_wait3A_162 : memref<128x128xf32, #tpu.memory_space<vmem>>)
      %mul3A_169 = arith.constant 5120 : i32
      %mul3A_170 = arith.muli %add3A, %mul3A_169 : i32
      %mul3A_171 = arith.constant 128 : i32
      %mul3A_172 = arith.muli %add3A_157, %mul3A_171 : i32
      %add3A_173 = arith.addi %mul3A_170, %mul3A_172 : i32
      %dma_start3A_174 = arith.constant 2 : i32
      %dma_start3A_175 = arith.constant 0 : i32
      %dma_start3A_176 = arith.constant 0 : i32
      %dma_start3A_177 = tpu.memref_slice %arg6[%dma_start3A_174, %dma_start3A_175, %dma_start3A_176] : memref<4x128x128xf32, #tpu.memory_space<vmem>> -> memref<1x128x128xf32, #tpu.memory_space<vmem>>
      %dma_start3A_178 = tpu.memref_squeeze %dma_start3A_177 : memref<1x128x128xf32, #tpu.memory_space<vmem>> -> memref<128x128xf32, #tpu.memory_space<vmem>>
      %dma_start3A_179 = arith.constant 0 : i32
      %dma_start3A_180 = tpu.memref_slice %arg4[%add3A_173, %dma_start3A_179] : memref<163840x128xf32, #tpu.memory_space<hbm>> -> memref<128x128xf32, #tpu.memory_space<hbm>>
      %dma_start3A_181 = arith.constant 0 : i32
      %dma_start3A_182 = tpu.memref_slice %arg4[%add3A_173, %dma_start3A_181] : memref<163840x128xf32, #tpu.memory_space<hbm>> -> memref<128x128xf32, #tpu.memory_space<hbm>>
      %dma_start3A_183 = arith.constant 0 : i32
      %dma_start3A_184 = arith.constant 0 : i32
      %dma_start3A_185 = tpu.memref_slice %arg6[%dma_start3A_174, %dma_start3A_183, %dma_start3A_184] : memref<4x128x128xf32, #tpu.memory_space<vmem>> -> memref<1x128x128xf32, #tpu.memory_space<vmem>>
      %dma_start3A_186 = tpu.memref_squeeze %dma_start3A_185 : memref<1x128x128xf32, #tpu.memory_space<vmem>> -> memref<128x128xf32, #tpu.memory_space<vmem>>
      tpu.enqueue_dma source(%dma_start3A_186 : memref<128x128xf32, #tpu.memory_space<vmem>>) target(%dma_start3A_182 : memref<128x128xf32, #tpu.memory_space<hbm>>) target_semaphore(%arg13 : memref<!tpu.dma_semaphore, #tpu.memory_space<semaphore_mem>>)
      %ge3A_187 = arith.constant 1 : i32
      %ge3A_188 = arith.cmpi sge, %add3A_157, %ge3A_187 : i32
      %convert_element_type3A_189 = arith.extui %ge3A_188 : i1 to i32
      %cond3A_190 = arith.constant 0 : i32
      %cond3A_191 = arith.cmpi ne, %convert_element_type3A_189, %cond3A_190 : i32
      scf.if %cond3A_191 {
        %sub3A_242 = arith.constant 1 : i32
        %sub3A_243 = arith.subi %add3A_157, %sub3A_242 : i32
        %mul3A_244 = arith.constant 5120 : i32
        %mul3A_245 = arith.muli %add3A, %mul3A_244 : i32
        %mul3A_246 = arith.constant 128 : i32
        %mul3A_247 = arith.muli %sub3A_243, %mul3A_246 : i32
        %add3A_248 = arith.addi %mul3A_245, %mul3A_247 : i32
        %dma_wait3A_249 = arith.constant 1 : i32
        %dma_wait3A_250 = arith.constant 0 : i32
        %dma_wait3A_251 = arith.constant 0 : i32
        %dma_wait3A_252 = tpu.memref_slice %arg6[%dma_wait3A_249, %dma_wait3A_250, %dma_wait3A_251] : memref<4x128x128xf32, #tpu.memory_space<vmem>> -> memref<1x128x128xf32, #tpu.memory_space<vmem>>
        %dma_wait3A_253 = tpu.memref_squeeze %dma_wait3A_252 : memref<1x128x128xf32, #tpu.memory_space<vmem>> -> memref<128x128xf32, #tpu.memory_space<vmem>>
        %dma_wait3A_254 = arith.constant 0 : i32
        %dma_wait3A_255 = tpu.memref_slice %arg4[%add3A_248, %dma_wait3A_254] : memref<163840x128xf32, #tpu.memory_space<hbm>> -> memref<128x128xf32, #tpu.memory_space<hbm>>
        %dma_wait3A_256 = arith.constant 0 : i32
        %dma_wait3A_257 = tpu.memref_slice %arg4[%add3A_248, %dma_wait3A_256] : memref<163840x128xf32, #tpu.memory_space<hbm>> -> memref<128x128xf32, #tpu.memory_space<hbm>>
        %dma_wait3A_258 = arith.constant 0 : i32
        %dma_wait3A_259 = arith.constant 0 : i32
        %dma_wait3A_260 = tpu.memref_slice %arg6[%dma_wait3A_249, %dma_wait3A_258, %dma_wait3A_259] : memref<4x128x128xf32, #tpu.memory_space<vmem>> -> memref<1x128x128xf32, #tpu.memory_space<vmem>>
        %dma_wait3A_261 = tpu.memref_squeeze %dma_wait3A_260 : memref<1x128x128xf32, #tpu.memory_space<vmem>> -> memref<128x128xf32, #tpu.memory_space<vmem>>
        tpu.wait_dma2 semaphore(%arg12 : memref<!tpu.dma_semaphore, #tpu.memory_space<semaphore_mem>>) src(%dma_wait3A_261 : memref<128x128xf32, #tpu.memory_space<vmem>>) dst(%dma_wait3A_257 : memref<128x128xf32, #tpu.memory_space<hbm>>)
      } else {
      }
      %add3A_192 = arith.constant 3 : i32
      %add3A_193 = arith.addi %add3A_157, %add3A_192 : i32
      %lt3A_194 = arith.constant 40 : i32
      %lt3A_195 = arith.cmpi slt, %add3A_193, %lt3A_194 : i32
      %convert_element_type3A_196 = arith.extui %lt3A_195 : i1 to i32
      %cond3A_197 = arith.constant 0 : i32
      %cond3A_198 = arith.cmpi ne, %convert_element_type3A_196, %cond3A_197 : i32
      scf.if %cond3A_198 {
        %add3A_242 = arith.constant 3 : i32
        %add3A_243 = arith.addi %add3A_157, %add3A_242 : i32
        %dma_start3A_244 = arith.constant 1 : i32
        %dma_start3A_245 = arith.constant 0 : i32
        %dma_start3A_246 = arith.constant 0 : i32
        %dma_start3A_247 = tpu.memref_slice %arg6[%dma_start3A_244, %dma_start3A_245, %dma_start3A_246] : memref<4x128x128xf32, #tpu.memory_space<vmem>> -> memref<1x128x128xf32, #tpu.memory_space<vmem>>
        %dma_start3A_248 = tpu.memref_squeeze %dma_start3A_247 : memref<1x128x128xf32, #tpu.memory_space<vmem>> -> memref<128x128xf32, #tpu.memory_space<vmem>>
        %dma_start3A_249 = arith.constant 0 : i32
        %dma_start3A_250 = tpu.memref_slice %arg5[%add3A_243, %dma_start3A_249] : memref<40x128xi32, #tpu.memory_space<vmem>> -> memref<1x128xi32, #tpu.memory_space<vmem>>
        %dma_start3A_251 = tpu.memref_squeeze %dma_start3A_250 : memref<1x128xi32, #tpu.memory_space<vmem>> -> memref<128xi32, #tpu.memory_space<vmem>>
        %dma_start3A_252 = arith.constant 0 : i32
        %dma_start3A_253 = arith.constant 0 : i32
        %dma_start3A_254 = tpu.memref_slice %arg2[%dma_start3A_252, %dma_start3A_253] : memref<10000x128xf32, #tpu.memory_space<hbm>> -> memref<10000x128xf32, #tpu.memory_space<hbm>>
        tpu.enqueue_indirect_dma source(%dma_start3A_254 : memref<10000x128xf32, #tpu.memory_space<hbm>>) target(%dma_start3A_248 : memref<128x128xf32, #tpu.memory_space<vmem>>) offsets(%dma_start3A_251 : memref<128xi32, #tpu.memory_space<vmem>>) semaphore(%arg8 : memref<!tpu.dma_semaphore, #tpu.memory_space<semaphore_mem>>)
      } else {
      }
      %add3A_199 = arith.constant 3 : i32
      %add3A_200 = arith.addi %add3A_73, %add3A_199 : i32
      %dma_wait3A_201 = arith.constant 3 : i32
      %dma_wait3A_202 = arith.constant 0 : i32
      %dma_wait3A_203 = arith.constant 0 : i32
      %dma_wait3A_204 = tpu.memref_slice %arg6[%dma_wait3A_201, %dma_wait3A_202, %dma_wait3A_203] : memref<4x128x128xf32, #tpu.memory_space<vmem>> -> memref<1x128x128xf32, #tpu.memory_space<vmem>>
      %dma_wait3A_205 = tpu.memref_squeeze %dma_wait3A_204 : memref<1x128x128xf32, #tpu.memory_space<vmem>> -> memref<128x128xf32, #tpu.memory_space<vmem>>
      %dma_wait3A_206 = arith.constant 0 : i32
      %dma_wait3A_207 = tpu.memref_slice %arg5[%add3A_200, %dma_wait3A_206] : memref<40x128xi32, #tpu.memory_space<vmem>> -> memref<1x128xi32, #tpu.memory_space<vmem>>
      %dma_wait3A_208 = tpu.memref_squeeze %dma_wait3A_207 : memref<1x128xi32, #tpu.memory_space<vmem>> -> memref<128xi32, #tpu.memory_space<vmem>>
      %dma_wait3A_209 = arith.constant 0 : i32
      %dma_wait3A_210 = arith.constant 0 : i32
      %dma_wait3A_211 = tpu.memref_slice %arg2[%dma_wait3A_209, %dma_wait3A_210] : memref<10000x128xf32, #tpu.memory_space<hbm>> -> memref<10000x128xf32, #tpu.memory_space<hbm>>
      tpu.wait_indirect_dma semaphore(%arg10 : memref<!tpu.dma_semaphore, #tpu.memory_space<semaphore_mem>>) src(%dma_wait3A_211 : memref<10000x128xf32, #tpu.memory_space<hbm>>) dst(%dma_wait3A_205 : memref<128x128xf32, #tpu.memory_space<vmem>>)
      %mul3A_212 = arith.constant 5120 : i32
      %mul3A_213 = arith.muli %add3A, %mul3A_212 : i32
      %mul3A_214 = arith.constant 128 : i32
      %mul3A_215 = arith.muli %add3A_200, %mul3A_214 : i32
      %add3A_216 = arith.addi %mul3A_213, %mul3A_215 : i32
      %dma_start3A_217 = arith.constant 3 : i32
      %dma_start3A_218 = arith.constant 0 : i32
      %dma_start3A_219 = arith.constant 0 : i32
      %dma_start3A_220 = tpu.memref_slice %arg6[%dma_start3A_217, %dma_start3A_218, %dma_start3A_219] : memref<4x128x128xf32, #tpu.memory_space<vmem>> -> memref<1x128x128xf32, #tpu.memory_space<vmem>>
      %dma_start3A_221 = tpu.memref_squeeze %dma_start3A_220 : memref<1x128x128xf32, #tpu.memory_space<vmem>> -> memref<128x128xf32, #tpu.memory_space<vmem>>
      %dma_start3A_222 = arith.constant 0 : i32
      %dma_start3A_223 = tpu.memref_slice %arg4[%add3A_216, %dma_start3A_222] : memref<163840x128xf32, #tpu.memory_space<hbm>> -> memref<128x128xf32, #tpu.memory_space<hbm>>
      %dma_start3A_224 = arith.constant 0 : i32
      %dma_start3A_225 = tpu.memref_slice %arg4[%add3A_216, %dma_start3A_224] : memref<163840x128xf32, #tpu.memory_space<hbm>> -> memref<128x128xf32, #tpu.memory_space<hbm>>
      %dma_start3A_226 = arith.constant 0 : i32
      %dma_start3A_227 = arith.constant 0 : i32
      %dma_start3A_228 = tpu.memref_slice %arg6[%dma_start3A_217, %dma_start3A_226, %dma_start3A_227] : memref<4x128x128xf32, #tpu.memory_space<vmem>> -> memref<1x128x128xf32, #tpu.memory_space<vmem>>
      %dma_start3A_229 = tpu.memref_squeeze %dma_start3A_228 : memref<1x128x128xf32, #tpu.memory_space<vmem>> -> memref<128x128xf32, #tpu.memory_space<vmem>>
      tpu.enqueue_dma source(%dma_start3A_229 : memref<128x128xf32, #tpu.memory_space<vmem>>) target(%dma_start3A_225 : memref<128x128xf32, #tpu.memory_space<hbm>>) target_semaphore(%arg14 : memref<!tpu.dma_semaphore, #tpu.memory_space<semaphore_mem>>)
      %ge3A_230 = arith.constant 1 : i32
      %ge3A_231 = arith.cmpi sge, %add3A_200, %ge3A_230 : i32
      %convert_element_type3A_232 = arith.extui %ge3A_231 : i1 to i32
      %cond3A_233 = arith.constant 0 : i32
      %cond3A_234 = arith.cmpi ne, %convert_element_type3A_232, %cond3A_233 : i32
      scf.if %cond3A_234 {
        %sub3A_242 = arith.constant 1 : i32
        %sub3A_243 = arith.subi %add3A_200, %sub3A_242 : i32
        %mul3A_244 = arith.constant 5120 : i32
        %mul3A_245 = arith.muli %add3A, %mul3A_244 : i32
        %mul3A_246 = arith.constant 128 : i32
        %mul3A_247 = arith.muli %sub3A_243, %mul3A_246 : i32
        %add3A_248 = arith.addi %mul3A_245, %mul3A_247 : i32
        %dma_wait3A_249 = arith.constant 2 : i32
        %dma_wait3A_250 = arith.constant 0 : i32
        %dma_wait3A_251 = arith.constant 0 : i32
        %dma_wait3A_252 = tpu.memref_slice %arg6[%dma_wait3A_249, %dma_wait3A_250, %dma_wait3A_251] : memref<4x128x128xf32, #tpu.memory_space<vmem>> -> memref<1x128x128xf32, #tpu.memory_space<vmem>>
        %dma_wait3A_253 = tpu.memref_squeeze %dma_wait3A_252 : memref<1x128x128xf32, #tpu.memory_space<vmem>> -> memref<128x128xf32, #tpu.memory_space<vmem>>
        %dma_wait3A_254 = arith.constant 0 : i32
        %dma_wait3A_255 = tpu.memref_slice %arg4[%add3A_248, %dma_wait3A_254] : memref<163840x128xf32, #tpu.memory_space<hbm>> -> memref<128x128xf32, #tpu.memory_space<hbm>>
        %dma_wait3A_256 = arith.constant 0 : i32
        %dma_wait3A_257 = tpu.memref_slice %arg4[%add3A_248, %dma_wait3A_256] : memref<163840x128xf32, #tpu.memory_space<hbm>> -> memref<128x128xf32, #tpu.memory_space<hbm>>
        %dma_wait3A_258 = arith.constant 0 : i32
        %dma_wait3A_259 = arith.constant 0 : i32
        %dma_wait3A_260 = tpu.memref_slice %arg6[%dma_wait3A_249, %dma_wait3A_258, %dma_wait3A_259] : memref<4x128x128xf32, #tpu.memory_space<vmem>> -> memref<1x128x128xf32, #tpu.memory_space<vmem>>
        %dma_wait3A_261 = tpu.memref_squeeze %dma_wait3A_260 : memref<1x128x128xf32, #tpu.memory_space<vmem>> -> memref<128x128xf32, #tpu.memory_space<vmem>>
        tpu.wait_dma2 semaphore(%arg13 : memref<!tpu.dma_semaphore, #tpu.memory_space<semaphore_mem>>) src(%dma_wait3A_261 : memref<128x128xf32, #tpu.memory_space<vmem>>) dst(%dma_wait3A_257 : memref<128x128xf32, #tpu.memory_space<hbm>>)
      } else {
      }
      %add3A_235 = arith.constant 3 : i32
      %add3A_236 = arith.addi %add3A_200, %add3A_235 : i32
      %lt3A_237 = arith.constant 40 : i32
      %lt3A_238 = arith.cmpi slt, %add3A_236, %lt3A_237 : i32
      %convert_element_type3A_239 = arith.extui %lt3A_238 : i1 to i32
      %cond3A_240 = arith.constant 0 : i32
      %cond3A_241 = arith.cmpi ne, %convert_element_type3A_239, %cond3A_240 : i32
      scf.if %cond3A_241 {
        %add3A_242 = arith.constant 3 : i32
        %add3A_243 = arith.addi %add3A_200, %add3A_242 : i32
        %dma_start3A_244 = arith.constant 2 : i32
        %dma_start3A_245 = arith.constant 0 : i32
        %dma_start3A_246 = arith.constant 0 : i32
        %dma_start3A_247 = tpu.memref_slice %arg6[%dma_start3A_244, %dma_start3A_245, %dma_start3A_246] : memref<4x128x128xf32, #tpu.memory_space<vmem>> -> memref<1x128x128xf32, #tpu.memory_space<vmem>>
        %dma_start3A_248 = tpu.memref_squeeze %dma_start3A_247 : memref<1x128x128xf32, #tpu.memory_space<vmem>> -> memref<128x128xf32, #tpu.memory_space<vmem>>
        %dma_start3A_249 = arith.constant 0 : i32
        %dma_start3A_250 = tpu.memref_slice %arg5[%add3A_243, %dma_start3A_249] : memref<40x128xi32, #tpu.memory_space<vmem>> -> memref<1x128xi32, #tpu.memory_space<vmem>>
        %dma_start3A_251 = tpu.memref_squeeze %dma_start3A_250 : memref<1x128xi32, #tpu.memory_space<vmem>> -> memref<128xi32, #tpu.memory_space<vmem>>
        %dma_start3A_252 = arith.constant 0 : i32
        %dma_start3A_253 = arith.constant 0 : i32
        %dma_start3A_254 = tpu.memref_slice %arg2[%dma_start3A_252, %dma_start3A_253] : memref<10000x128xf32, #tpu.memory_space<hbm>> -> memref<10000x128xf32, #tpu.memory_space<hbm>>
        tpu.enqueue_indirect_dma source(%dma_start3A_254 : memref<10000x128xf32, #tpu.memory_space<hbm>>) target(%dma_start3A_248 : memref<128x128xf32, #tpu.memory_space<vmem>>) offsets(%dma_start3A_251 : memref<128xi32, #tpu.memory_space<vmem>>) semaphore(%arg9 : memref<!tpu.dma_semaphore, #tpu.memory_space<semaphore_mem>>)
      } else {
      }
    }
    %while3A_52 = arith.constant 1 : i32
    scf.for %while3A_71 = %while3A_50 to %while3A_46 step %while3A_52  : i32 {
      %mul3A_72 = arith.muli %while3A_71, %while3A : i32
      %add3A_73 = arith.addi %while3A_43, %mul3A_72 : i32
      %add3A_74 = arith.constant 0 : i32
      %add3A_75 = arith.addi %add3A_73, %add3A_74 : i32
      %dma_wait3A_76 = arith.constant 0 : i32
      %dma_wait3A_77 = arith.constant 0 : i32
      %dma_wait3A_78 = arith.constant 0 : i32
      %dma_wait3A_79 = tpu.memref_slice %arg6[%dma_wait3A_76, %dma_wait3A_77, %dma_wait3A_78] : memref<4x128x128xf32, #tpu.memory_space<vmem>> -> memref<1x128x128xf32, #tpu.memory_space<vmem>>
      %dma_wait3A_80 = tpu.memref_squeeze %dma_wait3A_79 : memref<1x128x128xf32, #tpu.memory_space<vmem>> -> memref<128x128xf32, #tpu.memory_space<vmem>>
      %dma_wait3A_81 = arith.constant 0 : i32
      %dma_wait3A_82 = tpu.memref_slice %arg5[%add3A_75, %dma_wait3A_81] : memref<40x128xi32, #tpu.memory_space<vmem>> -> memref<1x128xi32, #tpu.memory_space<vmem>>
      %dma_wait3A_83 = tpu.memref_squeeze %dma_wait3A_82 : memref<1x128xi32, #tpu.memory_space<vmem>> -> memref<128xi32, #tpu.memory_space<vmem>>
      %dma_wait3A_84 = arith.constant 0 : i32
      %dma_wait3A_85 = arith.constant 0 : i32
      %dma_wait3A_86 = tpu.memref_slice %arg2[%dma_wait3A_84, %dma_wait3A_85] : memref<10000x128xf32, #tpu.memory_space<hbm>> -> memref<10000x128xf32, #tpu.memory_space<hbm>>
      tpu.wait_indirect_dma semaphore(%arg7 : memref<!tpu.dma_semaphore, #tpu.memory_space<semaphore_mem>>) src(%dma_wait3A_86 : memref<10000x128xf32, #tpu.memory_space<hbm>>) dst(%dma_wait3A_80 : memref<128x128xf32, #tpu.memory_space<vmem>>)
      %mul3A_87 = arith.constant 5120 : i32
      %mul3A_88 = arith.muli %add3A, %mul3A_87 : i32
      %mul3A_89 = arith.constant 128 : i32
      %mul3A_90 = arith.muli %add3A_75, %mul3A_89 : i32
      %add3A_91 = arith.addi %mul3A_88, %mul3A_90 : i32
      %dma_start3A_92 = arith.constant 0 : i32
      %dma_start3A_93 = arith.constant 0 : i32
      %dma_start3A_94 = arith.constant 0 : i32
      %dma_start3A_95 = tpu.memref_slice %arg6[%dma_start3A_92, %dma_start3A_93, %dma_start3A_94] : memref<4x128x128xf32, #tpu.memory_space<vmem>> -> memref<1x128x128xf32, #tpu.memory_space<vmem>>
      %dma_start3A_96 = tpu.memref_squeeze %dma_start3A_95 : memref<1x128x128xf32, #tpu.memory_space<vmem>> -> memref<128x128xf32, #tpu.memory_space<vmem>>
      %dma_start3A_97 = arith.constant 0 : i32
      %dma_start3A_98 = tpu.memref_slice %arg4[%add3A_91, %dma_start3A_97] : memref<163840x128xf32, #tpu.memory_space<hbm>> -> memref<128x128xf32, #tpu.memory_space<hbm>>
      %dma_start3A_99 = arith.constant 0 : i32
      %dma_start3A_100 = tpu.memref_slice %arg4[%add3A_91, %dma_start3A_99] : memref<163840x128xf32, #tpu.memory_space<hbm>> -> memref<128x128xf32, #tpu.memory_space<hbm>>
      %dma_start3A_101 = arith.constant 0 : i32
      %dma_start3A_102 = arith.constant 0 : i32
      %dma_start3A_103 = tpu.memref_slice %arg6[%dma_start3A_92, %dma_start3A_101, %dma_start3A_102] : memref<4x128x128xf32, #tpu.memory_space<vmem>> -> memref<1x128x128xf32, #tpu.memory_space<vmem>>
      %dma_start3A_104 = tpu.memref_squeeze %dma_start3A_103 : memref<1x128x128xf32, #tpu.memory_space<vmem>> -> memref<128x128xf32, #tpu.memory_space<vmem>>
      tpu.enqueue_dma source(%dma_start3A_104 : memref<128x128xf32, #tpu.memory_space<vmem>>) target(%dma_start3A_100 : memref<128x128xf32, #tpu.memory_space<hbm>>) target_semaphore(%arg11 : memref<!tpu.dma_semaphore, #tpu.memory_space<semaphore_mem>>)
      %ge3A = arith.constant 1 : i32
      %ge3A_105 = arith.cmpi sge, %add3A_75, %ge3A : i32
      %convert_element_type3A = arith.extui %ge3A_105 : i1 to i32
      %cond3A = arith.constant 0 : i32
      %cond3A_106 = arith.cmpi ne, %convert_element_type3A, %cond3A : i32
      scf.if %cond3A_106 {
        %sub3A_242 = arith.constant 1 : i32
        %sub3A_243 = arith.subi %add3A_75, %sub3A_242 : i32
        %mul3A_244 = arith.constant 5120 : i32
        %mul3A_245 = arith.muli %add3A, %mul3A_244 : i32
        %mul3A_246 = arith.constant 128 : i32
        %mul3A_247 = arith.muli %sub3A_243, %mul3A_246 : i32
        %add3A_248 = arith.addi %mul3A_245, %mul3A_247 : i32
        %dma_wait3A_249 = arith.constant 3 : i32
        %dma_wait3A_250 = arith.constant 0 : i32
        %dma_wait3A_251 = arith.constant 0 : i32
        %dma_wait3A_252 = tpu.memref_slice %arg6[%dma_wait3A_249, %dma_wait3A_250, %dma_wait3A_251] : memref<4x128x128xf32, #tpu.memory_space<vmem>> -> memref<1x128x128xf32, #tpu.memory_space<vmem>>
        %dma_wait3A_253 = tpu.memref_squeeze %dma_wait3A_252 : memref<1x128x128xf32, #tpu.memory_space<vmem>> -> memref<128x128xf32, #tpu.memory_space<vmem>>
        %dma_wait3A_254 = arith.constant 0 : i32
        %dma_wait3A_255 = tpu.memref_slice %arg4[%add3A_248, %dma_wait3A_254] : memref<163840x128xf32, #tpu.memory_space<hbm>> -> memref<128x128xf32, #tpu.memory_space<hbm>>
        %dma_wait3A_256 = arith.constant 0 : i32
        %dma_wait3A_257 = tpu.memref_slice %arg4[%add3A_248, %dma_wait3A_256] : memref<163840x128xf32, #tpu.memory_space<hbm>> -> memref<128x128xf32, #tpu.memory_space<hbm>>
        %dma_wait3A_258 = arith.constant 0 : i32
        %dma_wait3A_259 = arith.constant 0 : i32
        %dma_wait3A_260 = tpu.memref_slice %arg6[%dma_wait3A_249, %dma_wait3A_258, %dma_wait3A_259] : memref<4x128x128xf32, #tpu.memory_space<vmem>> -> memref<1x128x128xf32, #tpu.memory_space<vmem>>
        %dma_wait3A_261 = tpu.memref_squeeze %dma_wait3A_260 : memref<1x128x128xf32, #tpu.memory_space<vmem>> -> memref<128x128xf32, #tpu.memory_space<vmem>>
        tpu.wait_dma2 semaphore(%arg14 : memref<!tpu.dma_semaphore, #tpu.memory_space<semaphore_mem>>) src(%dma_wait3A_261 : memref<128x128xf32, #tpu.memory_space<vmem>>) dst(%dma_wait3A_257 : memref<128x128xf32, #tpu.memory_space<hbm>>)
      } else {
      }
      %add3A_107 = arith.constant 3 : i32
      %add3A_108 = arith.addi %add3A_75, %add3A_107 : i32
      %lt3A = arith.constant 40 : i32
      %lt3A_109 = arith.cmpi slt, %add3A_108, %lt3A : i32
      %convert_element_type3A_110 = arith.extui %lt3A_109 : i1 to i32
      %cond3A_111 = arith.constant 0 : i32
      %cond3A_112 = arith.cmpi ne, %convert_element_type3A_110, %cond3A_111 : i32
      scf.if %cond3A_112 {
        %add3A_242 = arith.constant 3 : i32
        %add3A_243 = arith.addi %add3A_75, %add3A_242 : i32
        %dma_start3A_244 = arith.constant 3 : i32
        %dma_start3A_245 = arith.constant 0 : i32
        %dma_start3A_246 = arith.constant 0 : i32
        %dma_start3A_247 = tpu.memref_slice %arg6[%dma_start3A_244, %dma_start3A_245, %dma_start3A_246] : memref<4x128x128xf32, #tpu.memory_space<vmem>> -> memref<1x128x128xf32, #tpu.memory_space<vmem>>
        %dma_start3A_248 = tpu.memref_squeeze %dma_start3A_247 : memref<1x128x128xf32, #tpu.memory_space<vmem>> -> memref<128x128xf32, #tpu.memory_space<vmem>>
        %dma_start3A_249 = arith.constant 0 : i32
        %dma_start3A_250 = tpu.memref_slice %arg5[%add3A_243, %dma_start3A_249] : memref<40x128xi32, #tpu.memory_space<vmem>> -> memref<1x128xi32, #tpu.memory_space<vmem>>
        %dma_start3A_251 = tpu.memref_squeeze %dma_start3A_250 : memref<1x128xi32, #tpu.memory_space<vmem>> -> memref<128xi32, #tpu.memory_space<vmem>>
        %dma_start3A_252 = arith.constant 0 : i32
        %dma_start3A_253 = arith.constant 0 : i32
        %dma_start3A_254 = tpu.memref_slice %arg2[%dma_start3A_252, %dma_start3A_253] : memref<10000x128xf32, #tpu.memory_space<hbm>> -> memref<10000x128xf32, #tpu.memory_space<hbm>>
        tpu.enqueue_indirect_dma source(%dma_start3A_254 : memref<10000x128xf32, #tpu.memory_space<hbm>>) target(%dma_start3A_248 : memref<128x128xf32, #tpu.memory_space<vmem>>) offsets(%dma_start3A_251 : memref<128xi32, #tpu.memory_space<vmem>>) semaphore(%arg10 : memref<!tpu.dma_semaphore, #tpu.memory_space<semaphore_mem>>)
      } else {
      }
      %add3A_113 = arith.constant 1 : i32
      %add3A_114 = arith.addi %add3A_73, %add3A_113 : i32
      %dma_wait3A_115 = arith.constant 1 : i32
      %dma_wait3A_116 = arith.constant 0 : i32
      %dma_wait3A_117 = arith.constant 0 : i32
      %dma_wait3A_118 = tpu.memref_slice %arg6[%dma_wait3A_115, %dma_wait3A_116, %dma_wait3A_117] : memref<4x128x128xf32, #tpu.memory_space<vmem>> -> memref<1x128x128xf32, #tpu.memory_space<vmem>>
      %dma_wait3A_119 = tpu.memref_squeeze %dma_wait3A_118 : memref<1x128x128xf32, #tpu.memory_space<vmem>> -> memref<128x128xf32, #tpu.memory_space<vmem>>
      %dma_wait3A_120 = arith.constant 0 : i32
      %dma_wait3A_121 = tpu.memref_slice %arg5[%add3A_114, %dma_wait3A_120] : memref<40x128xi32, #tpu.memory_space<vmem>> -> memref<1x128xi32, #tpu.memory_space<vmem>>
      %dma_wait3A_122 = tpu.memref_squeeze %dma_wait3A_121 : memref<1x128xi32, #tpu.memory_space<vmem>> -> memref<128xi32, #tpu.memory_space<vmem>>
      %dma_wait3A_123 = arith.constant 0 : i32
      %dma_wait3A_124 = arith.constant 0 : i32
      %dma_wait3A_125 = tpu.memref_slice %arg2[%dma_wait3A_123, %dma_wait3A_124] : memref<10000x128xf32, #tpu.memory_space<hbm>> -> memref<10000x128xf32, #tpu.memory_space<hbm>>
      tpu.wait_indirect_dma semaphore(%arg8 : memref<!tpu.dma_semaphore, #tpu.memory_space<semaphore_mem>>) src(%dma_wait3A_125 : memref<10000x128xf32, #tpu.memory_space<hbm>>) dst(%dma_wait3A_119 : memref<128x128xf32, #tpu.memory_space<vmem>>)
      %mul3A_126 = arith.constant 5120 : i32
      %mul3A_127 = arith.muli %add3A, %mul3A_126 : i32
      %mul3A_128 = arith.constant 128 : i32
      %mul3A_129 = arith.muli %add3A_114, %mul3A_128 : i32
      %add3A_130 = arith.addi %mul3A_127, %mul3A_129 : i32
      %dma_start3A_131 = arith.constant 1 : i32
      %dma_start3A_132 = arith.constant 0 : i32
      %dma_start3A_133 = arith.constant 0 : i32
      %dma_start3A_134 = tpu.memref_slice %arg6[%dma_start3A_131, %dma_start3A_132, %dma_start3A_133] : memref<4x128x128xf32, #tpu.memory_space<vmem>> -> memref<1x128x128xf32, #tpu.memory_space<vmem>>
      %dma_start3A_135 = tpu.memref_squeeze %dma_start3A_134 : memref<1x128x128xf32, #tpu.memory_space<vmem>> -> memref<128x128xf32, #tpu.memory_space<vmem>>
      %dma_start3A_136 = arith.constant 0 : i32
      %dma_start3A_137 = tpu.memref_slice %arg4[%add3A_130, %dma_start3A_136] : memref<163840x128xf32, #tpu.memory_space<hbm>> -> memref<128x128xf32, #tpu.memory_space<hbm>>
      %dma_start3A_138 = arith.constant 0 : i32
      %dma_start3A_139 = tpu.memref_slice %arg4[%add3A_130, %dma_start3A_138] : memref<163840x128xf32, #tpu.memory_space<hbm>> -> memref<128x128xf32, #tpu.memory_space<hbm>>
      %dma_start3A_140 = arith.constant 0 : i32
      %dma_start3A_141 = arith.constant 0 : i32
      %dma_start3A_142 = tpu.memref_slice %arg6[%dma_start3A_131, %dma_start3A_140, %dma_start3A_141] : memref<4x128x128xf32, #tpu.memory_space<vmem>> -> memref<1x128x128xf32, #tpu.memory_space<vmem>>
      %dma_start3A_143 = tpu.memref_squeeze %dma_start3A_142 : memref<1x128x128xf32, #tpu.memory_space<vmem>> -> memref<128x128xf32, #tpu.memory_space<vmem>>
      tpu.enqueue_dma source(%dma_start3A_143 : memref<128x128xf32, #tpu.memory_space<vmem>>) target(%dma_start3A_139 : memref<128x128xf32, #tpu.memory_space<hbm>>) target_semaphore(%arg12 : memref<!tpu.dma_semaphore, #tpu.memory_space<semaphore_mem>>)
      %ge3A_144 = arith.constant 1 : i32
      %ge3A_145 = arith.cmpi sge, %add3A_114, %ge3A_144 : i32
      %convert_element_type3A_146 = arith.extui %ge3A_145 : i1 to i32
      %cond3A_147 = arith.constant 0 : i32
      %cond3A_148 = arith.cmpi ne, %convert_element_type3A_146, %cond3A_147 : i32
      scf.if %cond3A_148 {
        %sub3A_242 = arith.constant 1 : i32
        %sub3A_243 = arith.subi %add3A_114, %sub3A_242 : i32
        %mul3A_244 = arith.constant 5120 : i32
        %mul3A_245 = arith.muli %add3A, %mul3A_244 : i32
        %mul3A_246 = arith.constant 128 : i32
        %mul3A_247 = arith.muli %sub3A_243, %mul3A_246 : i32
        %add3A_248 = arith.addi %mul3A_245, %mul3A_247 : i32
        %dma_wait3A_249 = arith.constant 0 : i32
        %dma_wait3A_250 = arith.constant 0 : i32
        %dma_wait3A_251 = arith.constant 0 : i32
        %dma_wait3A_252 = tpu.memref_slice %arg6[%dma_wait3A_249, %dma_wait3A_250, %dma_wait3A_251] : memref<4x128x128xf32, #tpu.memory_space<vmem>> -> memref<1x128x128xf32, #tpu.memory_space<vmem>>
        %dma_wait3A_253 = tpu.memref_squeeze %dma_wait3A_252 : memref<1x128x128xf32, #tpu.memory_space<vmem>> -> memref<128x128xf32, #tpu.memory_space<vmem>>
        %dma_wait3A_254 = arith.constant 0 : i32
        %dma_wait3A_255 = tpu.memref_slice %arg4[%add3A_248, %dma_wait3A_254] : memref<163840x128xf32, #tpu.memory_space<hbm>> -> memref<128x128xf32, #tpu.memory_space<hbm>>
        %dma_wait3A_256 = arith.constant 0 : i32
        %dma_wait3A_257 = tpu.memref_slice %arg4[%add3A_248, %dma_wait3A_256] : memref<163840x128xf32, #tpu.memory_space<hbm>> -> memref<128x128xf32, #tpu.memory_space<hbm>>
        %dma_wait3A_258 = arith.constant 0 : i32
        %dma_wait3A_259 = arith.constant 0 : i32
        %dma_wait3A_260 = tpu.memref_slice %arg6[%dma_wait3A_249, %dma_wait3A_258, %dma_wait3A_259] : memref<4x128x128xf32, #tpu.memory_space<vmem>> -> memref<1x128x128xf32, #tpu.memory_space<vmem>>
        %dma_wait3A_261 = tpu.memref_squeeze %dma_wait3A_260 : memref<1x128x128xf32, #tpu.memory_space<vmem>> -> memref<128x128xf32, #tpu.memory_space<vmem>>
        tpu.wait_dma2 semaphore(%arg11 : memref<!tpu.dma_semaphore, #tpu.memory_space<semaphore_mem>>) src(%dma_wait3A_261 : memref<128x128xf32, #tpu.memory_space<vmem>>) dst(%dma_wait3A_257 : memref<128x128xf32, #tpu.memory_space<hbm>>)
      } else {
      }
      %add3A_149 = arith.constant 3 : i32
      %add3A_150 = arith.addi %add3A_114, %add3A_149 : i32
      %lt3A_151 = arith.constant 40 : i32
      %lt3A_152 = arith.cmpi slt, %add3A_150, %lt3A_151 : i32
      %convert_element_type3A_153 = arith.extui %lt3A_152 : i1 to i32
      %cond3A_154 = arith.constant 0 : i32
      %cond3A_155 = arith.cmpi ne, %convert_element_type3A_153, %cond3A_154 : i32
      scf.if %cond3A_155 {
        %add3A_242 = arith.constant 3 : i32
        %add3A_243 = arith.addi %add3A_114, %add3A_242 : i32
        %dma_start3A_244 = arith.constant 0 : i32
        %dma_start3A_245 = arith.constant 0 : i32
        %dma_start3A_246 = arith.constant 0 : i32
        %dma_start3A_247 = tpu.memref_slice %arg6[%dma_start3A_244, %dma_start3A_245, %dma_start3A_246] : memref<4x128x128xf32, #tpu.memory_space<vmem>> -> memref<1x128x128xf32, #tpu.memory_space<vmem>>
        %dma_start3A_248 = tpu.memref_squeeze %dma_start3A_247 : memref<1x128x128xf32, #tpu.memory_space<vmem>> -> memref<128x128xf32, #tpu.memory_space<vmem>>
        %dma_start3A_249 = arith.constant 0 : i32
        %dma_start3A_250 = tpu.memref_slice %arg5[%add3A_243, %dma_start3A_249] : memref<40x128xi32, #tpu.memory_space<vmem>> -> memref<1x128xi32, #tpu.memory_space<vmem>>
        %dma_start3A_251 = tpu.memref_squeeze %dma_start3A_250 : memref<1x128xi32, #tpu.memory_space<vmem>> -> memref<128xi32, #tpu.memory_space<vmem>>
        %dma_start3A_252 = arith.constant 0 : i32
        %dma_start3A_253 = arith.constant 0 : i32
        %dma_start3A_254 = tpu.memref_slice %arg2[%dma_start3A_252, %dma_start3A_253] : memref<10000x128xf32, #tpu.memory_space<hbm>> -> memref<10000x128xf32, #tpu.memory_space<hbm>>
        tpu.enqueue_indirect_dma source(%dma_start3A_254 : memref<10000x128xf32, #tpu.memory_space<hbm>>) target(%dma_start3A_248 : memref<128x128xf32, #tpu.memory_space<vmem>>) offsets(%dma_start3A_251 : memref<128xi32, #tpu.memory_space<vmem>>) semaphore(%arg7 : memref<!tpu.dma_semaphore, #tpu.memory_space<semaphore_mem>>)
      } else {
      }
      %add3A_156 = arith.constant 2 : i32
      %add3A_157 = arith.addi %add3A_73, %add3A_156 : i32
      %dma_wait3A_158 = arith.constant 2 : i32
      %dma_wait3A_159 = arith.constant 0 : i32
      %dma_wait3A_160 = arith.constant 0 : i32
      %dma_wait3A_161 = tpu.memref_slice %arg6[%dma_wait3A_158, %dma_wait3A_159, %dma_wait3A_160] : memref<4x128x128xf32, #tpu.memory_space<vmem>> -> memref<1x128x128xf32, #tpu.memory_space<vmem>>
      %dma_wait3A_162 = tpu.memref_squeeze %dma_wait3A_161 : memref<1x128x128xf32, #tpu.memory_space<vmem>> -> memref<128x128xf32, #tpu.memory_space<vmem>>
      %dma_wait3A_163 = arith.constant 0 : i32
      %dma_wait3A_164 = tpu.memref_slice %arg5[%add3A_157, %dma_wait3A_163] : memref<40x128xi32, #tpu.memory_space<vmem>> -> memref<1x128xi32, #tpu.memory_space<vmem>>
      %dma_wait3A_165 = tpu.memref_squeeze %dma_wait3A_164 : memref<1x128xi32, #tpu.memory_space<vmem>> -> memref<128xi32, #tpu.memory_space<vmem>>
      %dma_wait3A_166 = arith.constant 0 : i32
      %dma_wait3A_167 = arith.constant 0 : i32
      %dma_wait3A_168 = tpu.memref_slice %arg2[%dma_wait3A_166, %dma_wait3A_167] : memref<10000x128xf32, #tpu.memory_space<hbm>> -> memref<10000x128xf32, #tpu.memory_space<hbm>>
      tpu.wait_indirect_dma semaphore(%arg9 : memref<!tpu.dma_semaphore, #tpu.memory_space<semaphore_mem>>) src(%dma_wait3A_168 : memref<10000x128xf32, #tpu.memory_space<hbm>>) dst(%dma_wait3A_162 : memref<128x128xf32, #tpu.memory_space<vmem>>)
      %mul3A_169 = arith.constant 5120 : i32
      %mul3A_170 = arith.muli %add3A, %mul3A_169 : i32
      %mul3A_171 = arith.constant 128 : i32
      %mul3A_172 = arith.muli %add3A_157, %mul3A_171 : i32
      %add3A_173 = arith.addi %mul3A_170, %mul3A_172 : i32
      %dma_start3A_174 = arith.constant 2 : i32
      %dma_start3A_175 = arith.constant 0 : i32
      %dma_start3A_176 = arith.constant 0 : i32
      %dma_start3A_177 = tpu.memref_slice %arg6[%dma_start3A_174, %dma_start3A_175, %dma_start3A_176] : memref<4x128x128xf32, #tpu.memory_space<vmem>> -> memref<1x128x128xf32, #tpu.memory_space<vmem>>
      %dma_start3A_178 = tpu.memref_squeeze %dma_start3A_177 : memref<1x128x128xf32, #tpu.memory_space<vmem>> -> memref<128x128xf32, #tpu.memory_space<vmem>>
      %dma_start3A_179 = arith.constant 0 : i32
      %dma_start3A_180 = tpu.memref_slice %arg4[%add3A_173, %dma_start3A_179] : memref<163840x128xf32, #tpu.memory_space<hbm>> -> memref<128x128xf32, #tpu.memory_space<hbm>>
      %dma_start3A_181 = arith.constant 0 : i32
      %dma_start3A_182 = tpu.memref_slice %arg4[%add3A_173, %dma_start3A_181] : memref<163840x128xf32, #tpu.memory_space<hbm>> -> memref<128x128xf32, #tpu.memory_space<hbm>>
      %dma_start3A_183 = arith.constant 0 : i32
      %dma_start3A_184 = arith.constant 0 : i32
      %dma_start3A_185 = tpu.memref_slice %arg6[%dma_start3A_174, %dma_start3A_183, %dma_start3A_184] : memref<4x128x128xf32, #tpu.memory_space<vmem>> -> memref<1x128x128xf32, #tpu.memory_space<vmem>>
      %dma_start3A_186 = tpu.memref_squeeze %dma_start3A_185 : memref<1x128x128xf32, #tpu.memory_space<vmem>> -> memref<128x128xf32, #tpu.memory_space<vmem>>
      tpu.enqueue_dma source(%dma_start3A_186 : memref<128x128xf32, #tpu.memory_space<vmem>>) target(%dma_start3A_182 : memref<128x128xf32, #tpu.memory_space<hbm>>) target_semaphore(%arg13 : memref<!tpu.dma_semaphore, #tpu.memory_space<semaphore_mem>>)
      %ge3A_187 = arith.constant 1 : i32
      %ge3A_188 = arith.cmpi sge, %add3A_157, %ge3A_187 : i32
      %convert_element_type3A_189 = arith.extui %ge3A_188 : i1 to i32
      %cond3A_190 = arith.constant 0 : i32
      %cond3A_191 = arith.cmpi ne, %convert_element_type3A_189, %cond3A_190 : i32
      scf.if %cond3A_191 {
        %sub3A_242 = arith.constant 1 : i32
        %sub3A_243 = arith.subi %add3A_157, %sub3A_242 : i32
        %mul3A_244 = arith.constant 5120 : i32
        %mul3A_245 = arith.muli %add3A, %mul3A_244 : i32
        %mul3A_246 = arith.constant 128 : i32
        %mul3A_247 = arith.muli %sub3A_243, %mul3A_246 : i32
        %add3A_248 = arith.addi %mul3A_245, %mul3A_247 : i32
        %dma_wait3A_249 = arith.constant 1 : i32
        %dma_wait3A_250 = arith.constant 0 : i32
        %dma_wait3A_251 = arith.constant 0 : i32
        %dma_wait3A_252 = tpu.memref_slice %arg6[%dma_wait3A_249, %dma_wait3A_250, %dma_wait3A_251] : memref<4x128x128xf32, #tpu.memory_space<vmem>> -> memref<1x128x128xf32, #tpu.memory_space<vmem>>
        %dma_wait3A_253 = tpu.memref_squeeze %dma_wait3A_252 : memref<1x128x128xf32, #tpu.memory_space<vmem>> -> memref<128x128xf32, #tpu.memory_space<vmem>>
        %dma_wait3A_254 = arith.constant 0 : i32
        %dma_wait3A_255 = tpu.memref_slice %arg4[%add3A_248, %dma_wait3A_254] : memref<163840x128xf32, #tpu.memory_space<hbm>> -> memref<128x128xf32, #tpu.memory_space<hbm>>
        %dma_wait3A_256 = arith.constant 0 : i32
        %dma_wait3A_257 = tpu.memref_slice %arg4[%add3A_248, %dma_wait3A_256] : memref<163840x128xf32, #tpu.memory_space<hbm>> -> memref<128x128xf32, #tpu.memory_space<hbm>>
        %dma_wait3A_258 = arith.constant 0 : i32
        %dma_wait3A_259 = arith.constant 0 : i32
        %dma_wait3A_260 = tpu.memref_slice %arg6[%dma_wait3A_249, %dma_wait3A_258, %dma_wait3A_259] : memref<4x128x128xf32, #tpu.memory_space<vmem>> -> memref<1x128x128xf32, #tpu.memory_space<vmem>>
        %dma_wait3A_261 = tpu.memref_squeeze %dma_wait3A_260 : memref<1x128x128xf32, #tpu.memory_space<vmem>> -> memref<128x128xf32, #tpu.memory_space<vmem>>
        tpu.wait_dma2 semaphore(%arg12 : memref<!tpu.dma_semaphore, #tpu.memory_space<semaphore_mem>>) src(%dma_wait3A_261 : memref<128x128xf32, #tpu.memory_space<vmem>>) dst(%dma_wait3A_257 : memref<128x128xf32, #tpu.memory_space<hbm>>)
      } else {
      }
      %add3A_192 = arith.constant 3 : i32
      %add3A_193 = arith.addi %add3A_157, %add3A_192 : i32
      %lt3A_194 = arith.constant 40 : i32
      %lt3A_195 = arith.cmpi slt, %add3A_193, %lt3A_194 : i32
      %convert_element_type3A_196 = arith.extui %lt3A_195 : i1 to i32
      %cond3A_197 = arith.constant 0 : i32
      %cond3A_198 = arith.cmpi ne, %convert_element_type3A_196, %cond3A_197 : i32
      scf.if %cond3A_198 {
        %add3A_242 = arith.constant 3 : i32
        %add3A_243 = arith.addi %add3A_157, %add3A_242 : i32
        %dma_start3A_244 = arith.constant 1 : i32
        %dma_start3A_245 = arith.constant 0 : i32
        %dma_start3A_246 = arith.constant 0 : i32
        %dma_start3A_247 = tpu.memref_slice %arg6[%dma_start3A_244, %dma_start3A_245, %dma_start3A_246] : memref<4x128x128xf32, #tpu.memory_space<vmem>> -> memref<1x128x128xf32, #tpu.memory_space<vmem>>
        %dma_start3A_248 = tpu.memref_squeeze %dma_start3A_247 : memref<1x128x128xf32, #tpu.memory_space<vmem>> -> memref<128x128xf32, #tpu.memory_space<vmem>>
        %dma_start3A_249 = arith.constant 0 : i32
        %dma_start3A_250 = tpu.memref_slice %arg5[%add3A_243, %dma_start3A_249] : memref<40x128xi32, #tpu.memory_space<vmem>> -> memref<1x128xi32, #tpu.memory_space<vmem>>
        %dma_start3A_251 = tpu.memref_squeeze %dma_start3A_250 : memref<1x128xi32, #tpu.memory_space<vmem>> -> memref<128xi32, #tpu.memory_space<vmem>>
        %dma_start3A_252 = arith.constant 0 : i32
        %dma_start3A_253 = arith.constant 0 : i32
        %dma_start3A_254 = tpu.memref_slice %arg2[%dma_start3A_252, %dma_start3A_253] : memref<10000x128xf32, #tpu.memory_space<hbm>> -> memref<10000x128xf32, #tpu.memory_space<hbm>>
        tpu.enqueue_indirect_dma source(%dma_start3A_254 : memref<10000x128xf32, #tpu.memory_space<hbm>>) target(%dma_start3A_248 : memref<128x128xf32, #tpu.memory_space<vmem>>) offsets(%dma_start3A_251 : memref<128xi32, #tpu.memory_space<vmem>>) semaphore(%arg8 : memref<!tpu.dma_semaphore, #tpu.memory_space<semaphore_mem>>)
      } else {
      }
      %add3A_199 = arith.constant 3 : i32
      %add3A_200 = arith.addi %add3A_73, %add3A_199 : i32
      %dma_wait3A_201 = arith.constant 3 : i32
      %dma_wait3A_202 = arith.constant 0 : i32
      %dma_wait3A_203 = arith.constant 0 : i32
      %dma_wait3A_204 = tpu.memref_slice %arg6[%dma_wait3A_201, %dma_wait3A_202, %dma_wait3A_203] : memref<4x128x128xf32, #tpu.memory_space<vmem>> -> memref<1x128x128xf32, #tpu.memory_space<vmem>>
      %dma_wait3A_205 = tpu.memref_squeeze %dma_wait3A_204 : memref<1x128x128xf32, #tpu.memory_space<vmem>> -> memref<128x128xf32, #tpu.memory_space<vmem>>
      %dma_wait3A_206 = arith.constant 0 : i32
      %dma_wait3A_207 = tpu.memref_slice %arg5[%add3A_200, %dma_wait3A_206] : memref<40x128xi32, #tpu.memory_space<vmem>> -> memref<1x128xi32, #tpu.memory_space<vmem>>
      %dma_wait3A_208 = tpu.memref_squeeze %dma_wait3A_207 : memref<1x128xi32, #tpu.memory_space<vmem>> -> memref<128xi32, #tpu.memory_space<vmem>>
      %dma_wait3A_209 = arith.constant 0 : i32
      %dma_wait3A_210 = arith.constant 0 : i32
      %dma_wait3A_211 = tpu.memref_slice %arg2[%dma_wait3A_209, %dma_wait3A_210] : memref<10000x128xf32, #tpu.memory_space<hbm>> -> memref<10000x128xf32, #tpu.memory_space<hbm>>
      tpu.wait_indirect_dma semaphore(%arg10 : memref<!tpu.dma_semaphore, #tpu.memory_space<semaphore_mem>>) src(%dma_wait3A_211 : memref<10000x128xf32, #tpu.memory_space<hbm>>) dst(%dma_wait3A_205 : memref<128x128xf32, #tpu.memory_space<vmem>>)
      %mul3A_212 = arith.constant 5120 : i32
      %mul3A_213 = arith.muli %add3A, %mul3A_212 : i32
      %mul3A_214 = arith.constant 128 : i32
      %mul3A_215 = arith.muli %add3A_200, %mul3A_214 : i32
      %add3A_216 = arith.addi %mul3A_213, %mul3A_215 : i32
      %dma_start3A_217 = arith.constant 3 : i32
      %dma_start3A_218 = arith.constant 0 : i32
      %dma_start3A_219 = arith.constant 0 : i32
      %dma_start3A_220 = tpu.memref_slice %arg6[%dma_start3A_217, %dma_start3A_218, %dma_start3A_219] : memref<4x128x128xf32, #tpu.memory_space<vmem>> -> memref<1x128x128xf32, #tpu.memory_space<vmem>>
      %dma_start3A_221 = tpu.memref_squeeze %dma_start3A_220 : memref<1x128x128xf32, #tpu.memory_space<vmem>> -> memref<128x128xf32, #tpu.memory_space<vmem>>
      %dma_start3A_222 = arith.constant 0 : i32
      %dma_start3A_223 = tpu.memref_slice %arg4[%add3A_216, %dma_start3A_222] : memref<163840x128xf32, #tpu.memory_space<hbm>> -> memref<128x128xf32, #tpu.memory_space<hbm>>
      %dma_start3A_224 = arith.constant 0 : i32
      %dma_start3A_225 = tpu.memref_slice %arg4[%add3A_216, %dma_start3A_224] : memref<163840x128xf32, #tpu.memory_space<hbm>> -> memref<128x128xf32, #tpu.memory_space<hbm>>
      %dma_start3A_226 = arith.constant 0 : i32
      %dma_start3A_227 = arith.constant 0 : i32
      %dma_start3A_228 = tpu.memref_slice %arg6[%dma_start3A_217, %dma_start3A_226, %dma_start3A_227] : memref<4x128x128xf32, #tpu.memory_space<vmem>> -> memref<1x128x128xf32, #tpu.memory_space<vmem>>
      %dma_start3A_229 = tpu.memref_squeeze %dma_start3A_228 : memref<1x128x128xf32, #tpu.memory_space<vmem>> -> memref<128x128xf32, #tpu.memory_space<vmem>>
      tpu.enqueue_dma source(%dma_start3A_229 : memref<128x128xf32, #tpu.memory_space<vmem>>) target(%dma_start3A_225 : memref<128x128xf32, #tpu.memory_space<hbm>>) target_semaphore(%arg14 : memref<!tpu.dma_semaphore, #tpu.memory_space<semaphore_mem>>)
      %ge3A_230 = arith.constant 1 : i32
      %ge3A_231 = arith.cmpi sge, %add3A_200, %ge3A_230 : i32
      %convert_element_type3A_232 = arith.extui %ge3A_231 : i1 to i32
      %cond3A_233 = arith.constant 0 : i32
      %cond3A_234 = arith.cmpi ne, %convert_element_type3A_232, %cond3A_233 : i32
      scf.if %cond3A_234 {
        %sub3A_242 = arith.constant 1 : i32
        %sub3A_243 = arith.subi %add3A_200, %sub3A_242 : i32
        %mul3A_244 = arith.constant 5120 : i32
        %mul3A_245 = arith.muli %add3A, %mul3A_244 : i32
        %mul3A_246 = arith.constant 128 : i32
        %mul3A_247 = arith.muli %sub3A_243, %mul3A_246 : i32
        %add3A_248 = arith.addi %mul3A_245, %mul3A_247 : i32
        %dma_wait3A_249 = arith.constant 2 : i32
        %dma_wait3A_250 = arith.constant 0 : i32
        %dma_wait3A_251 = arith.constant 0 : i32
        %dma_wait3A_252 = tpu.memref_slice %arg6[%dma_wait3A_249, %dma_wait3A_250, %dma_wait3A_251] : memref<4x128x128xf32, #tpu.memory_space<vmem>> -> memref<1x128x128xf32, #tpu.memory_space<vmem>>
        %dma_wait3A_253 = tpu.memref_squeeze %dma_wait3A_252 : memref<1x128x128xf32, #tpu.memory_space<vmem>> -> memref<128x128xf32, #tpu.memory_space<vmem>>
        %dma_wait3A_254 = arith.constant 0 : i32
        %dma_wait3A_255 = tpu.memref_slice %arg4[%add3A_248, %dma_wait3A_254] : memref<163840x128xf32, #tpu.memory_space<hbm>> -> memref<128x128xf32, #tpu.memory_space<hbm>>
        %dma_wait3A_256 = arith.constant 0 : i32
        %dma_wait3A_257 = tpu.memref_slice %arg4[%add3A_248, %dma_wait3A_256] : memref<163840x128xf32, #tpu.memory_space<hbm>> -> memref<128x128xf32, #tpu.memory_space<hbm>>
        %dma_wait3A_258 = arith.constant 0 : i32
        %dma_wait3A_259 = arith.constant 0 : i32
        %dma_wait3A_260 = tpu.memref_slice %arg6[%dma_wait3A_249, %dma_wait3A_258, %dma_wait3A_259] : memref<4x128x128xf32, #tpu.memory_space<vmem>> -> memref<1x128x128xf32, #tpu.memory_space<vmem>>
        %dma_wait3A_261 = tpu.memref_squeeze %dma_wait3A_260 : memref<1x128x128xf32, #tpu.memory_space<vmem>> -> memref<128x128xf32, #tpu.memory_space<vmem>>
        tpu.wait_dma2 semaphore(%arg13 : memref<!tpu.dma_semaphore, #tpu.memory_space<semaphore_mem>>) src(%dma_wait3A_261 : memref<128x128xf32, #tpu.memory_space<vmem>>) dst(%dma_wait3A_257 : memref<128x128xf32, #tpu.memory_space<hbm>>)
      } else {
      }
      %add3A_235 = arith.constant 3 : i32
      %add3A_236 = arith.addi %add3A_200, %add3A_235 : i32
      %lt3A_237 = arith.constant 40 : i32
      %lt3A_238 = arith.cmpi slt, %add3A_236, %lt3A_237 : i32
      %convert_element_type3A_239 = arith.extui %lt3A_238 : i1 to i32
      %cond3A_240 = arith.constant 0 : i32
      %cond3A_241 = arith.cmpi ne, %convert_element_type3A_239, %cond3A_240 : i32
      scf.if %cond3A_241 {
        %add3A_242 = arith.constant 3 : i32
        %add3A_243 = arith.addi %add3A_200, %add3A_242 : i32
        %dma_start3A_244 = arith.constant 2 : i32
        %dma_start3A_245 = arith.constant 0 : i32
        %dma_start3A_246 = arith.constant 0 : i32
        %dma_start3A_247 = tpu.memref_slice %arg6[%dma_start3A_244, %dma_start3A_245, %dma_start3A_246] : memref<4x128x128xf32, #tpu.memory_space<vmem>> -> memref<1x128x128xf32, #tpu.memory_space<vmem>>
        %dma_start3A_248 = tpu.memref_squeeze %dma_start3A_247 : memref<1x128x128xf32, #tpu.memory_space<vmem>> -> memref<128x128xf32, #tpu.memory_space<vmem>>
        %dma_start3A_249 = arith.constant 0 : i32
        %dma_start3A_250 = tpu.memref_slice %arg5[%add3A_243, %dma_start3A_249] : memref<40x128xi32, #tpu.memory_space<vmem>> -> memref<1x128xi32, #tpu.memory_space<vmem>>
        %dma_start3A_251 = tpu.memref_squeeze %dma_start3A_250 : memref<1x128xi32, #tpu.memory_space<vmem>> -> memref<128xi32, #tpu.memory_space<vmem>>
        %dma_start3A_252 = arith.constant 0 : i32
        %dma_start3A_253 = arith.constant 0 : i32
        %dma_start3A_254 = tpu.memref_slice %arg2[%dma_start3A_252, %dma_start3A_253] : memref<10000x128xf32, #tpu.memory_space<hbm>> -> memref<10000x128xf32, #tpu.memory_space<hbm>>
        tpu.enqueue_indirect_dma source(%dma_start3A_254 : memref<10000x128xf32, #tpu.memory_space<hbm>>) target(%dma_start3A_248 : memref<128x128xf32, #tpu.memory_space<vmem>>) offsets(%dma_start3A_251 : memref<128xi32, #tpu.memory_space<vmem>>) semaphore(%arg9 : memref<!tpu.dma_semaphore, #tpu.memory_space<semaphore_mem>>)
      } else {
      }
    }
    %mul3A_53 = arith.constant 5120 : i32
    %mul3A_54 = arith.muli %add3A, %mul3A_53 : i32
    %mul3A_55 = arith.constant 39 : i32
    %mul3A_56 = arith.constant 128 : i32
    %mul3A_57 = arith.muli %mul3A_55, %mul3A_56 : i32
    %add3A_58 = arith.addi %mul3A_54, %mul3A_57 : i32
    %dma_wait3A = arith.constant 3 : i32
    %dma_wait3A_59 = arith.constant 0 : i32
    %dma_wait3A_60 = arith.constant 0 : i32
    %dma_wait3A_61 = tpu.memref_slice %arg6[%dma_wait3A, %dma_wait3A_59, %dma_wait3A_60] : memref<4x128x128xf32, #tpu.memory_space<vmem>> -> memref<1x128x128xf32, #tpu.memory_space<vmem>>
    %dma_wait3A_62 = tpu.memref_squeeze %dma_wait3A_61 : memref<1x128x128xf32, #tpu.memory_space<vmem>> -> memref<128x128xf32, #tpu.memory_space<vmem>>
    %dma_wait3A_63 = arith.constant 0 : i32
    %dma_wait3A_64 = tpu.memref_slice %arg4[%add3A_58, %dma_wait3A_63] : memref<163840x128xf32, #tpu.memory_space<hbm>> -> memref<128x128xf32, #tpu.memory_space<hbm>>
    %dma_wait3A_65 = arith.constant 0 : i32
    %dma_wait3A_66 = tpu.memref_slice %arg4[%add3A_58, %dma_wait3A_65] : memref<163840x128xf32, #tpu.memory_space<hbm>> -> memref<128x128xf32, #tpu.memory_space<hbm>>
    %dma_wait3A_67 = arith.constant 0 : i32
    %dma_wait3A_68 = arith.constant 0 : i32
    %dma_wait3A_69 = tpu.memref_slice %arg6[%dma_wait3A, %dma_wait3A_67, %dma_wait3A_68] : memref<4x128x128xf32, #tpu.memory_space<vmem>> -> memref<1x128x128xf32, #tpu.memory_space<vmem>>
    %dma_wait3A_70 = tpu.memref_squeeze %dma_wait3A_69 : memref<1x128x128xf32, #tpu.memory_space<vmem>> -> memref<128x128xf32, #tpu.memory_space<vmem>>
    tpu.wait_dma2 semaphore(%arg14 : memref<!tpu.dma_semaphore, #tpu.memory_space<semaphore_mem>>) src(%dma_wait3A_70 : memref<128x128xf32, #tpu.memory_space<vmem>>) dst(%dma_wait3A_66 : memref<128x128xf32, #tpu.memory_space<hbm>>)
    return
  }
}

#map = affine_map<(d0, d1) -> (0, 0)>
#map1 = affine_map<(d0, d1) -> (0, 0, 0)>
#map2 = affine_map<(d0, d1) -> (0)>
module attributes {stable_mosaic.version = 14 : i64} {
  func.func @_scatter_k(%arg0: i32, %arg1: i32, %arg2: memref<163840x128xf32, #tpu.memory_space<hbm>>, %arg3: memref<32x40x128xi32, #tpu.memory_space<hbm>>, %arg4: memref<640x128xf32, #tpu.memory_space<hbm>>, %arg5: memref<80x128xf32, #tpu.memory_space<hbm>>, %arg6: memref<80xi32, #tpu.memory_space<hbm>>, %arg7: memref<2x10240x128xf32, #tpu.memory_space<hbm>>, %arg8: memref<2x80x128xf32, #tpu.memory_space<hbm>>, %arg9: memref<10240x128xf32, #tpu.memory_space<vmem_shared>>, %arg10: memref<80x128xf32, #tpu.memory_space<vmem_shared>>, %arg11: memref<40x128xi32, #tpu.memory_space<vmem>>, %arg12: memref<2x128x128xf32, #tpu.memory_space<vmem>>, %arg13: memref<80x128xf32, #tpu.memory_space<vmem>>, %arg14: memref<80xi32, #tpu.memory_space<vmem>>, %arg15: memref<!tpu.dma_semaphore, #tpu.memory_space<semaphore_mem>>, %arg16: memref<!tpu.dma_semaphore, #tpu.memory_space<semaphore_mem>>, %arg17: memref<!tpu.dma_semaphore, #tpu.memory_space<semaphore_mem>>, %arg18: memref<!tpu.dma_semaphore, #tpu.memory_space<semaphore_mem>>) attributes {dimension_semantics = [#tpu.dimension_semantics<core_parallel>, #tpu.dimension_semantics<subcore_parallel>], iteration_bounds = array<i64: 2, 16>, scalar_prefetch = 0 : i64, scratch_operands = 10 : i64, tpu.core_type = #tpu.core_type<sc_vector_subcore>, window_params = [{transform_indices = #map}, {transform_indices = #map1}, {transform_indices = #map}, {transform_indices = #map}, {transform_indices = #map2}, {transform_indices = #map1}, {transform_indices = #map1}]} {
    %mul3A = arith.constant 2 : i32
    %mul3A_0 = arith.muli %arg1, %mul3A : i32
    %add3A = arith.addi %mul3A_0, %arg0 : i32
    %mul3A_1 = arith.constant 640 : i32
    %mul3A_2 = arith.muli %arg1, %mul3A_1 : i32
    "tpu.region"() ({
      %run_scoped3A = tpu.sem_alloc : memref<!tpu.dma_semaphore, #tpu.memory_space<semaphore_mem>>
      %dma_start3A_62 = arith.constant 0 : i32
      %dma_start3A_63 = tpu.memref_slice %arg9[%mul3A_2, %dma_start3A_62] : memref<10240x128xf32, #tpu.memory_space<vmem_shared>> -> memref<640x128xf32, #tpu.memory_space<vmem_shared>>
      tpu.enqueue_dma source(%arg4 : memref<640x128xf32, #tpu.memory_space<hbm>>) target(%dma_start3A_63 : memref<640x128xf32, #tpu.memory_space<vmem_shared>>) target_semaphore(%run_scoped3A : memref<!tpu.dma_semaphore, #tpu.memory_space<semaphore_mem>>)
      %dma_wait3A_64 = arith.constant 0 : i32
      %dma_wait3A_65 = tpu.memref_slice %arg9[%mul3A_2, %dma_wait3A_64] : memref<10240x128xf32, #tpu.memory_space<vmem_shared>> -> memref<640x128xf32, #tpu.memory_space<vmem_shared>>
      tpu.wait_dma2 semaphore(%run_scoped3A : memref<!tpu.dma_semaphore, #tpu.memory_space<semaphore_mem>>) src(%arg4 : memref<640x128xf32, #tpu.memory_space<hbm>>) dst(%dma_wait3A_65 : memref<640x128xf32, #tpu.memory_space<vmem_shared>>)
      tpu.yield
    }) : () -> ()
    "tpu.region"() ({
      %run_scoped3A = tpu.sem_alloc : memref<!tpu.dma_semaphore, #tpu.memory_space<semaphore_mem>>
      tpu.enqueue_dma source(%arg5 : memref<80x128xf32, #tpu.memory_space<hbm>>) target(%arg13 : memref<80x128xf32, #tpu.memory_space<vmem>>) target_semaphore(%run_scoped3A : memref<!tpu.dma_semaphore, #tpu.memory_space<semaphore_mem>>)
      tpu.wait_dma2 semaphore(%run_scoped3A : memref<!tpu.dma_semaphore, #tpu.memory_space<semaphore_mem>>) src(%arg5 : memref<80x128xf32, #tpu.memory_space<hbm>>) dst(%arg13 : memref<80x128xf32, #tpu.memory_space<vmem>>)
      tpu.yield
    }) : () -> ()
    %eq3A = arith.constant 0 : i32
    %eq3A_3 = arith.cmpi eq, %arg1, %eq3A : i32
    %convert_element_type3A = arith.extui %eq3A_3 : i1 to i32
    %cond3A = arith.constant 0 : i32
    %cond3A_4 = arith.cmpi ne, %convert_element_type3A, %cond3A : i32
    scf.if %cond3A_4 {
      "tpu.region"() ({
        %run_scoped3A = tpu.sem_alloc : memref<!tpu.dma_semaphore, #tpu.memory_space<semaphore_mem>>
        tpu.enqueue_dma source(%arg5 : memref<80x128xf32, #tpu.memory_space<hbm>>) target(%arg10 : memref<80x128xf32, #tpu.memory_space<vmem_shared>>) target_semaphore(%run_scoped3A : memref<!tpu.dma_semaphore, #tpu.memory_space<semaphore_mem>>)
        tpu.wait_dma2 semaphore(%run_scoped3A : memref<!tpu.dma_semaphore, #tpu.memory_space<semaphore_mem>>) src(%arg5 : memref<80x128xf32, #tpu.memory_space<hbm>>) dst(%arg10 : memref<80x128xf32, #tpu.memory_space<vmem_shared>>)
        tpu.yield
      }) : () -> ()
    } else {
    }
    "tpu.region"() ({
      %run_scoped3A = tpu.sem_alloc : memref<!tpu.dma_semaphore, #tpu.memory_space<semaphore_mem>>
      tpu.enqueue_dma source(%arg6 : memref<80xi32, #tpu.memory_space<hbm>>) target(%arg14 : memref<80xi32, #tpu.memory_space<vmem>>) target_semaphore(%run_scoped3A : memref<!tpu.dma_semaphore, #tpu.memory_space<semaphore_mem>>)
      tpu.wait_dma2 semaphore(%run_scoped3A : memref<!tpu.dma_semaphore, #tpu.memory_space<semaphore_mem>>) src(%arg6 : memref<80xi32, #tpu.memory_space<hbm>>) dst(%arg14 : memref<80xi32, #tpu.memory_space<vmem>>)
      tpu.yield
    }) : () -> ()
    %barrier3A = arith.constant 0 : index
    tpu.barrier barrier_id(%barrier3A)
    %broadcast_in_dim3A = arith.constant 1.000000e+00 : f32
    %broadcast_in_dim3A_5 = vector.broadcast %broadcast_in_dim3A : f32 to vector<16xf32>
    "tpu.region"() ({
      %run_scoped3A = tpu.sem_alloc : memref<!tpu.dma_semaphore, #tpu.memory_space<semaphore_mem>>
      %dma_start3A_62 = arith.constant 0 : i32
      %dma_start3A_63 = arith.constant 0 : i32
      %dma_start3A_64 = tpu.memref_slice %arg3[%add3A, %dma_start3A_62, %dma_start3A_63] : memref<32x40x128xi32, #tpu.memory_space<hbm>> -> memref<1x40x128xi32, #tpu.memory_space<hbm>>
      %dma_start3A_65 = tpu.memref_squeeze %dma_start3A_64 : memref<1x40x128xi32, #tpu.memory_space<hbm>> -> memref<40x128xi32, #tpu.memory_space<hbm>>
      %dma_start3A_66 = arith.constant 0 : i32
      %dma_start3A_67 = arith.constant 0 : i32
      %dma_start3A_68 = tpu.memref_slice %arg3[%add3A, %dma_start3A_66, %dma_start3A_67] : memref<32x40x128xi32, #tpu.memory_space<hbm>> -> memref<1x40x128xi32, #tpu.memory_space<hbm>>
      %dma_start3A_69 = tpu.memref_squeeze %dma_start3A_68 : memref<1x40x128xi32, #tpu.memory_space<hbm>> -> memref<40x128xi32, #tpu.memory_space<hbm>>
      tpu.enqueue_dma source(%dma_start3A_69 : memref<40x128xi32, #tpu.memory_space<hbm>>) target(%arg11 : memref<40x128xi32, #tpu.memory_space<vmem>>) target_semaphore(%run_scoped3A : memref<!tpu.dma_semaphore, #tpu.memory_space<semaphore_mem>>)
      %dma_wait3A_70 = arith.constant 0 : i32
      %dma_wait3A_71 = arith.constant 0 : i32
      %dma_wait3A_72 = tpu.memref_slice %arg3[%add3A, %dma_wait3A_70, %dma_wait3A_71] : memref<32x40x128xi32, #tpu.memory_space<hbm>> -> memref<1x40x128xi32, #tpu.memory_space<hbm>>
      %dma_wait3A_73 = tpu.memref_squeeze %dma_wait3A_72 : memref<1x40x128xi32, #tpu.memory_space<hbm>> -> memref<40x128xi32, #tpu.memory_space<hbm>>
      %dma_wait3A_74 = arith.constant 0 : i32
      %dma_wait3A_75 = arith.constant 0 : i32
      %dma_wait3A_76 = tpu.memref_slice %arg3[%add3A, %dma_wait3A_74, %dma_wait3A_75] : memref<32x40x128xi32, #tpu.memory_space<hbm>> -> memref<1x40x128xi32, #tpu.memory_space<hbm>>
      %dma_wait3A_77 = tpu.memref_squeeze %dma_wait3A_76 : memref<1x40x128xi32, #tpu.memory_space<hbm>> -> memref<40x128xi32, #tpu.memory_space<hbm>>
      tpu.wait_dma2 semaphore(%run_scoped3A : memref<!tpu.dma_semaphore, #tpu.memory_space<semaphore_mem>>) src(%dma_wait3A_77 : memref<40x128xi32, #tpu.memory_space<hbm>>) dst(%arg11 : memref<40x128xi32, #tpu.memory_space<vmem>>)
      tpu.yield
    }) : () -> ()
    %mul3A_6 = arith.constant 5120 : i32
    %mul3A_7 = arith.muli %add3A, %mul3A_6 : i32
    %mul3A_8 = arith.constant 0 : i32
    %mul3A_9 = arith.constant 128 : i32
    %mul3A_10 = arith.muli %mul3A_8, %mul3A_9 : i32
    %add3A_11 = arith.addi %mul3A_7, %mul3A_10 : i32
    %dma_start3A = arith.constant 0 : i32
    %dma_start3A_12 = arith.constant 0 : i32
    %dma_start3A_13 = arith.constant 0 : i32
    %dma_start3A_14 = tpu.memref_slice %arg12[%dma_start3A, %dma_start3A_12, %dma_start3A_13] : memref<2x128x128xf32, #tpu.memory_space<vmem>> -> memref<1x128x128xf32, #tpu.memory_space<vmem>>
    %dma_start3A_15 = tpu.memref_squeeze %dma_start3A_14 : memref<1x128x128xf32, #tpu.memory_space<vmem>> -> memref<128x128xf32, #tpu.memory_space<vmem>>
    %dma_start3A_16 = arith.constant 0 : i32
    %dma_start3A_17 = tpu.memref_slice %arg2[%add3A_11, %dma_start3A_16] : memref<163840x128xf32, #tpu.memory_space<hbm>> -> memref<128x128xf32, #tpu.memory_space<hbm>>
    %dma_start3A_18 = arith.constant 0 : i32
    %dma_start3A_19 = arith.constant 0 : i32
    %dma_start3A_20 = tpu.memref_slice %arg12[%dma_start3A, %dma_start3A_18, %dma_start3A_19] : memref<2x128x128xf32, #tpu.memory_space<vmem>> -> memref<1x128x128xf32, #tpu.memory_space<vmem>>
    %dma_start3A_21 = tpu.memref_squeeze %dma_start3A_20 : memref<1x128x128xf32, #tpu.memory_space<vmem>> -> memref<128x128xf32, #tpu.memory_space<vmem>>
    %dma_start3A_22 = arith.constant 0 : i32
    %dma_start3A_23 = tpu.memref_slice %arg2[%add3A_11, %dma_start3A_22] : memref<163840x128xf32, #tpu.memory_space<hbm>> -> memref<128x128xf32, #tpu.memory_space<hbm>>
    tpu.enqueue_dma source(%dma_start3A_23 : memref<128x128xf32, #tpu.memory_space<hbm>>) target(%dma_start3A_21 : memref<128x128xf32, #tpu.memory_space<vmem>>) target_semaphore(%arg15 : memref<!tpu.dma_semaphore, #tpu.memory_space<semaphore_mem>>)
    %sub3A = arith.constant 40 : i32
    %sub3A_24 = arith.constant 0 : i32
    %sub3A_25 = arith.subi %sub3A, %sub3A_24 : i32
    %sub3A_26 = arith.constant 2 : i32
    %sub3A_27 = arith.constant 1 : i32
    %sub3A_28 = arith.subi %sub3A_26, %sub3A_27 : i32
    %add3A_29 = arith.addi %sub3A_25, %sub3A_28 : i32
    %div3A = arith.constant 2 : i32
    %div3A_30 = arith.divsi %add3A_29, %div3A : i32
    %while3A = arith.constant 2 : i32
    %while3A_31 = arith.constant 0 : i32
    %while3A_32 = arith.constant 0 : i32
    %while3A_33 = arith.subi %div3A_30, %while3A_32 : i32
    %while3A_34 = arith.addi %while3A_32, %while3A_33 : i32
    %while3A_35 = arith.constant 1 : i32
    %while3A_36 = arith.divsi %while3A_33, %while3A_35 : i32
    %while3A_37 = arith.muli %while3A_36, %while3A_35 : i32
    %while3A_38 = arith.addi %while3A_32, %while3A_37 : i32
    %while3A_39 = arith.constant 1 : i32
    scf.for %while3A_62 = %while3A_32 to %while3A_38 step %while3A_39  : i32 {
      %mul3A_63 = arith.muli %while3A_62, %while3A : i32
      %add3A_64 = arith.addi %while3A_31, %mul3A_63 : i32
      %add3A_65 = arith.constant 0 : i32
      %add3A_66 = arith.addi %add3A_64, %add3A_65 : i32
      %mul3A_67 = arith.constant 128 : i32
      %mul3A_68 = arith.muli %add3A_66, %mul3A_67 : i32
      %add3A_69 = arith.addi %mul3A_7, %mul3A_68 : i32
      %dma_wait3A_70 = arith.constant 0 : i32
      %dma_wait3A_71 = arith.constant 0 : i32
      %dma_wait3A_72 = arith.constant 0 : i32
      %dma_wait3A_73 = tpu.memref_slice %arg12[%dma_wait3A_70, %dma_wait3A_71, %dma_wait3A_72] : memref<2x128x128xf32, #tpu.memory_space<vmem>> -> memref<1x128x128xf32, #tpu.memory_space<vmem>>
      %dma_wait3A_74 = tpu.memref_squeeze %dma_wait3A_73 : memref<1x128x128xf32, #tpu.memory_space<vmem>> -> memref<128x128xf32, #tpu.memory_space<vmem>>
      %dma_wait3A_75 = arith.constant 0 : i32
      %dma_wait3A_76 = tpu.memref_slice %arg2[%add3A_69, %dma_wait3A_75] : memref<163840x128xf32, #tpu.memory_space<hbm>> -> memref<128x128xf32, #tpu.memory_space<hbm>>
      %dma_wait3A_77 = arith.constant 0 : i32
      %dma_wait3A_78 = arith.constant 0 : i32
      %dma_wait3A_79 = tpu.memref_slice %arg12[%dma_wait3A_70, %dma_wait3A_77, %dma_wait3A_78] : memref<2x128x128xf32, #tpu.memory_space<vmem>> -> memref<1x128x128xf32, #tpu.memory_space<vmem>>
      %dma_wait3A_80 = tpu.memref_squeeze %dma_wait3A_79 : memref<1x128x128xf32, #tpu.memory_space<vmem>> -> memref<128x128xf32, #tpu.memory_space<vmem>>
      %dma_wait3A_81 = arith.constant 0 : i32
      %dma_wait3A_82 = tpu.memref_slice %arg2[%add3A_69, %dma_wait3A_81] : memref<163840x128xf32, #tpu.memory_space<hbm>> -> memref<128x128xf32, #tpu.memory_space<hbm>>
      tpu.wait_dma2 semaphore(%arg15 : memref<!tpu.dma_semaphore, #tpu.memory_space<semaphore_mem>>) src(%dma_wait3A_82 : memref<128x128xf32, #tpu.memory_space<hbm>>) dst(%dma_wait3A_80 : memref<128x128xf32, #tpu.memory_space<vmem>>)
      %dma_start3A_83 = arith.constant 0 : i32
      %dma_start3A_84 = arith.constant 0 : i32
      %dma_start3A_85 = arith.constant 0 : i32
      %dma_start3A_86 = tpu.memref_slice %arg12[%dma_start3A_83, %dma_start3A_84, %dma_start3A_85] : memref<2x128x128xf32, #tpu.memory_space<vmem>> -> memref<1x128x128xf32, #tpu.memory_space<vmem>>
      %dma_start3A_87 = tpu.memref_squeeze %dma_start3A_86 : memref<1x128x128xf32, #tpu.memory_space<vmem>> -> memref<128x128xf32, #tpu.memory_space<vmem>>
      %dma_start3A_88 = arith.constant 0 : i32
      %dma_start3A_89 = tpu.memref_slice %arg11[%add3A_66, %dma_start3A_88] : memref<40x128xi32, #tpu.memory_space<vmem>> -> memref<1x128xi32, #tpu.memory_space<vmem>>
      %dma_start3A_90 = tpu.memref_squeeze %dma_start3A_89 : memref<1x128xi32, #tpu.memory_space<vmem>> -> memref<128xi32, #tpu.memory_space<vmem>>
      %dma_start3A_91 = arith.constant 0 : i32
      %dma_start3A_92 = arith.constant 0 : i32
      %dma_start3A_93 = tpu.memref_slice %arg9[%dma_start3A_91, %dma_start3A_92] : memref<10240x128xf32, #tpu.memory_space<vmem_shared>> -> memref<10240x128xf32, #tpu.memory_space<vmem_shared>>
      tpu.enqueue_indirect_dma source(%dma_start3A_87 : memref<128x128xf32, #tpu.memory_space<vmem>>) target(%dma_start3A_93 : memref<10240x128xf32, #tpu.memory_space<vmem_shared>>) offsets(%dma_start3A_90 : memref<128xi32, #tpu.memory_space<vmem>>) semaphore(%arg17 : memref<!tpu.dma_semaphore, #tpu.memory_space<semaphore_mem>>) {add = true}
      %get3A = arith.index_cast %add3A_66 : i32 to index
      %get3A_94 = arith.constant 0 : index
      %get3A_95 = tpu.vector_load %arg11[%get3A, %get3A_94] {strides = array<i32>} : memref<40x128xi32, #tpu.memory_space<vmem>>, vector<16xi32>,
      %shift_right_logical3A = arith.constant 7 : i32
      %shift_right_logical3A_96 = vector.broadcast %shift_right_logical3A : i32 to vector<16xi32>
      %shift_right_logical3A_97 = arith.shrui %get3A_95, %shift_right_logical3A_96 : vector<16xi32>
      %and3A = arith.constant 127 : i32
      %and3A_98 = vector.broadcast %and3A : i32 to vector<16xi32>
      %and3A_99 = arith.andi %get3A_95, %and3A_98 : vector<16xi32>
      tpu.vector_store_idx %arg13[%shift_right_logical3A_97, %and3A_99], %broadcast_in_dim3A_5 {add = true} : memref<80x128xf32, #tpu.memory_space<vmem>>[vector<16xi32>, vector<16xi32>], vector<16xf32>,
      %get3A_100 = arith.index_cast %add3A_66 : i32 to index
      %get3A_101 = arith.constant 16 : index
      %get3A_102 = tpu.vector_load %arg11[%get3A_100, %get3A_101] {strides = array<i32>} : memref<40x128xi32, #tpu.memory_space<vmem>>, vector<16xi32>,
      %shift_right_logical3A_103 = arith.constant 7 : i32
      %shift_right_logical3A_104 = vector.broadcast %shift_right_logical3A_103 : i32 to vector<16xi32>
      %shift_right_logical3A_105 = arith.shrui %get3A_102, %shift_right_logical3A_104 : vector<16xi32>
      %and3A_106 = arith.constant 127 : i32
      %and3A_107 = vector.broadcast %and3A_106 : i32 to vector<16xi32>
      %and3A_108 = arith.andi %get3A_102, %and3A_107 : vector<16xi32>
      tpu.vector_store_idx %arg13[%shift_right_logical3A_105, %and3A_108], %broadcast_in_dim3A_5 {add = true} : memref<80x128xf32, #tpu.memory_space<vmem>>[vector<16xi32>, vector<16xi32>], vector<16xf32>,
      %get3A_109 = arith.index_cast %add3A_66 : i32 to index
      %get3A_110 = arith.constant 32 : index
      %get3A_111 = tpu.vector_load %arg11[%get3A_109, %get3A_110] {strides = array<i32>} : memref<40x128xi32, #tpu.memory_space<vmem>>, vector<16xi32>,
      %shift_right_logical3A_112 = arith.constant 7 : i32
      %shift_right_logical3A_113 = vector.broadcast %shift_right_logical3A_112 : i32 to vector<16xi32>
      %shift_right_logical3A_114 = arith.shrui %get3A_111, %shift_right_logical3A_113 : vector<16xi32>
      %and3A_115 = arith.constant 127 : i32
      %and3A_116 = vector.broadcast %and3A_115 : i32 to vector<16xi32>
      %and3A_117 = arith.andi %get3A_111, %and3A_116 : vector<16xi32>
      tpu.vector_store_idx %arg13[%shift_right_logical3A_114, %and3A_117], %broadcast_in_dim3A_5 {add = true} : memref<80x128xf32, #tpu.memory_space<vmem>>[vector<16xi32>, vector<16xi32>], vector<16xf32>,
      %get3A_118 = arith.index_cast %add3A_66 : i32 to index
      %get3A_119 = arith.constant 48 : index
      %get3A_120 = tpu.vector_load %arg11[%get3A_118, %get3A_119] {strides = array<i32>} : memref<40x128xi32, #tpu.memory_space<vmem>>, vector<16xi32>,
      %shift_right_logical3A_121 = arith.constant 7 : i32
      %shift_right_logical3A_122 = vector.broadcast %shift_right_logical3A_121 : i32 to vector<16xi32>
      %shift_right_logical3A_123 = arith.shrui %get3A_120, %shift_right_logical3A_122 : vector<16xi32>
      %and3A_124 = arith.constant 127 : i32
      %and3A_125 = vector.broadcast %and3A_124 : i32 to vector<16xi32>
      %and3A_126 = arith.andi %get3A_120, %and3A_125 : vector<16xi32>
      tpu.vector_store_idx %arg13[%shift_right_logical3A_123, %and3A_126], %broadcast_in_dim3A_5 {add = true} : memref<80x128xf32, #tpu.memory_space<vmem>>[vector<16xi32>, vector<16xi32>], vector<16xf32>,
      %get3A_127 = arith.index_cast %add3A_66 : i32 to index
      %get3A_128 = arith.constant 64 : index
      %get3A_129 = tpu.vector_load %arg11[%get3A_127, %get3A_128] {strides = array<i32>} : memref<40x128xi32, #tpu.memory_space<vmem>>, vector<16xi32>,
      %shift_right_logical3A_130 = arith.constant 7 : i32
      %shift_right_logical3A_131 = vector.broadcast %shift_right_logical3A_130 : i32 to vector<16xi32>
      %shift_right_logical3A_132 = arith.shrui %get3A_129, %shift_right_logical3A_131 : vector<16xi32>
      %and3A_133 = arith.constant 127 : i32
      %and3A_134 = vector.broadcast %and3A_133 : i32 to vector<16xi32>
      %and3A_135 = arith.andi %get3A_129, %and3A_134 : vector<16xi32>
      tpu.vector_store_idx %arg13[%shift_right_logical3A_132, %and3A_135], %broadcast_in_dim3A_5 {add = true} : memref<80x128xf32, #tpu.memory_space<vmem>>[vector<16xi32>, vector<16xi32>], vector<16xf32>,
      %get3A_136 = arith.index_cast %add3A_66 : i32 to index
      %get3A_137 = arith.constant 80 : index
      %get3A_138 = tpu.vector_load %arg11[%get3A_136, %get3A_137] {strides = array<i32>} : memref<40x128xi32, #tpu.memory_space<vmem>>, vector<16xi32>,
      %shift_right_logical3A_139 = arith.constant 7 : i32
      %shift_right_logical3A_140 = vector.broadcast %shift_right_logical3A_139 : i32 to vector<16xi32>
      %shift_right_logical3A_141 = arith.shrui %get3A_138, %shift_right_logical3A_140 : vector<16xi32>
      %and3A_142 = arith.constant 127 : i32
      %and3A_143 = vector.broadcast %and3A_142 : i32 to vector<16xi32>
      %and3A_144 = arith.andi %get3A_138, %and3A_143 : vector<16xi32>
      tpu.vector_store_idx %arg13[%shift_right_logical3A_141, %and3A_144], %broadcast_in_dim3A_5 {add = true} : memref<80x128xf32, #tpu.memory_space<vmem>>[vector<16xi32>, vector<16xi32>], vector<16xf32>,
      %get3A_145 = arith.index_cast %add3A_66 : i32 to index
      %get3A_146 = arith.constant 96 : index
      %get3A_147 = tpu.vector_load %arg11[%get3A_145, %get3A_146] {strides = array<i32>} : memref<40x128xi32, #tpu.memory_space<vmem>>, vector<16xi32>,
      %shift_right_logical3A_148 = arith.constant 7 : i32
      %shift_right_logical3A_149 = vector.broadcast %shift_right_logical3A_148 : i32 to vector<16xi32>
      %shift_right_logical3A_150 = arith.shrui %get3A_147, %shift_right_logical3A_149 : vector<16xi32>
      %and3A_151 = arith.constant 127 : i32
      %and3A_152 = vector.broadcast %and3A_151 : i32 to vector<16xi32>
      %and3A_153 = arith.andi %get3A_147, %and3A_152 : vector<16xi32>
      tpu.vector_store_idx %arg13[%shift_right_logical3A_150, %and3A_153], %broadcast_in_dim3A_5 {add = true} : memref<80x128xf32, #tpu.memory_space<vmem>>[vector<16xi32>, vector<16xi32>], vector<16xf32>,
      %get3A_154 = arith.index_cast %add3A_66 : i32 to index
      %get3A_155 = arith.constant 112 : index
      %get3A_156 = tpu.vector_load %arg11[%get3A_154, %get3A_155] {strides = array<i32>} : memref<40x128xi32, #tpu.memory_space<vmem>>, vector<16xi32>,
      %shift_right_logical3A_157 = arith.constant 7 : i32
      %shift_right_logical3A_158 = vector.broadcast %shift_right_logical3A_157 : i32 to vector<16xi32>
      %shift_right_logical3A_159 = arith.shrui %get3A_156, %shift_right_logical3A_158 : vector<16xi32>
      %and3A_160 = arith.constant 127 : i32
      %and3A_161 = vector.broadcast %and3A_160 : i32 to vector<16xi32>
      %and3A_162 = arith.andi %get3A_156, %and3A_161 : vector<16xi32>
      tpu.vector_store_idx %arg13[%shift_right_logical3A_159, %and3A_162], %broadcast_in_dim3A_5 {add = true} : memref<80x128xf32, #tpu.memory_space<vmem>>[vector<16xi32>, vector<16xi32>], vector<16xf32>,
      %ge3A = arith.constant 1 : i32
      %ge3A_163 = arith.cmpi sge, %add3A_66, %ge3A : i32
      %convert_element_type3A_164 = arith.extui %ge3A_163 : i1 to i32
      %cond3A_165 = arith.constant 0 : i32
      %cond3A_166 = arith.cmpi ne, %convert_element_type3A_164, %cond3A_165 : i32
      scf.if %cond3A_166 {
        %sub3A_286 = arith.constant 1 : i32
        %sub3A_287 = arith.subi %add3A_66, %sub3A_286 : i32
        %dma_wait3A_288 = arith.constant 1 : i32
        %dma_wait3A_289 = arith.constant 0 : i32
        %dma_wait3A_290 = arith.constant 0 : i32
        %dma_wait3A_291 = tpu.memref_slice %arg12[%dma_wait3A_288, %dma_wait3A_289, %dma_wait3A_290] : memref<2x128x128xf32, #tpu.memory_space<vmem>> -> memref<1x128x128xf32, #tpu.memory_space<vmem>>
        %dma_wait3A_292 = tpu.memref_squeeze %dma_wait3A_291 : memref<1x128x128xf32, #tpu.memory_space<vmem>> -> memref<128x128xf32, #tpu.memory_space<vmem>>
        %dma_wait3A_293 = arith.constant 0 : i32
        %dma_wait3A_294 = tpu.memref_slice %arg11[%sub3A_287, %dma_wait3A_293] : memref<40x128xi32, #tpu.memory_space<vmem>> -> memref<1x128xi32, #tpu.memory_space<vmem>>
        %dma_wait3A_295 = tpu.memref_squeeze %dma_wait3A_294 : memref<1x128xi32, #tpu.memory_space<vmem>> -> memref<128xi32, #tpu.memory_space<vmem>>
        %dma_wait3A_296 = arith.constant 0 : i32
        %dma_wait3A_297 = arith.constant 0 : i32
        %dma_wait3A_298 = tpu.memref_slice %arg9[%dma_wait3A_296, %dma_wait3A_297] : memref<10240x128xf32, #tpu.memory_space<vmem_shared>> -> memref<10240x128xf32, #tpu.memory_space<vmem_shared>>
        tpu.wait_indirect_dma semaphore(%arg18 : memref<!tpu.dma_semaphore, #tpu.memory_space<semaphore_mem>>) src(%dma_wait3A_292 : memref<128x128xf32, #tpu.memory_space<vmem>>) dst(%dma_wait3A_298 : memref<10240x128xf32, #tpu.memory_space<vmem_shared>>)
      } else {
      }
      %add3A_167 = arith.constant 1 : i32
      %add3A_168 = arith.addi %add3A_66, %add3A_167 : i32
      %lt3A = arith.constant 40 : i32
      %lt3A_169 = arith.cmpi slt, %add3A_168, %lt3A : i32
      %convert_element_type3A_170 = arith.extui %lt3A_169 : i1 to i32
      %cond3A_171 = arith.constant 0 : i32
      %cond3A_172 = arith.cmpi ne, %convert_element_type3A_170, %cond3A_171 : i32
      scf.if %cond3A_172 {
        %add3A_286 = arith.constant 1 : i32
        %add3A_287 = arith.addi %add3A_66, %add3A_286 : i32
        %mul3A_288 = arith.constant 128 : i32
        %mul3A_289 = arith.muli %add3A_287, %mul3A_288 : i32
        %add3A_290 = arith.addi %mul3A_7, %mul3A_289 : i32
        %dma_start3A_291 = arith.constant 1 : i32
        %dma_start3A_292 = arith.constant 0 : i32
        %dma_start3A_293 = arith.constant 0 : i32
        %dma_start3A_294 = tpu.memref_slice %arg12[%dma_start3A_291, %dma_start3A_292, %dma_start3A_293] : memref<2x128x128xf32, #tpu.memory_space<vmem>> -> memref<1x128x128xf32, #tpu.memory_space<vmem>>
        %dma_start3A_295 = tpu.memref_squeeze %dma_start3A_294 : memref<1x128x128xf32, #tpu.memory_space<vmem>> -> memref<128x128xf32, #tpu.memory_space<vmem>>
        %dma_start3A_296 = arith.constant 0 : i32
        %dma_start3A_297 = tpu.memref_slice %arg2[%add3A_290, %dma_start3A_296] : memref<163840x128xf32, #tpu.memory_space<hbm>> -> memref<128x128xf32, #tpu.memory_space<hbm>>
        %dma_start3A_298 = arith.constant 0 : i32
        %dma_start3A_299 = arith.constant 0 : i32
        %dma_start3A_300 = tpu.memref_slice %arg12[%dma_start3A_291, %dma_start3A_298, %dma_start3A_299] : memref<2x128x128xf32, #tpu.memory_space<vmem>> -> memref<1x128x128xf32, #tpu.memory_space<vmem>>
        %dma_start3A_301 = tpu.memref_squeeze %dma_start3A_300 : memref<1x128x128xf32, #tpu.memory_space<vmem>> -> memref<128x128xf32, #tpu.memory_space<vmem>>
        %dma_start3A_302 = arith.constant 0 : i32
        %dma_start3A_303 = tpu.memref_slice %arg2[%add3A_290, %dma_start3A_302] : memref<163840x128xf32, #tpu.memory_space<hbm>> -> memref<128x128xf32, #tpu.memory_space<hbm>>
        tpu.enqueue_dma source(%dma_start3A_303 : memref<128x128xf32, #tpu.memory_space<hbm>>) target(%dma_start3A_301 : memref<128x128xf32, #tpu.memory_space<vmem>>) target_semaphore(%arg16 : memref<!tpu.dma_semaphore, #tpu.memory_space<semaphore_mem>>)
      } else {
      }
      %add3A_173 = arith.constant 1 : i32
      %add3A_174 = arith.addi %add3A_64, %add3A_173 : i32
      %mul3A_175 = arith.constant 128 : i32
      %mul3A_176 = arith.muli %add3A_174, %mul3A_175 : i32
      %add3A_177 = arith.addi %mul3A_7, %mul3A_176 : i32
      %dma_wait3A_178 = arith.constant 1 : i32
      %dma_wait3A_179 = arith.constant 0 : i32
      %dma_wait3A_180 = arith.constant 0 : i32
      %dma_wait3A_181 = tpu.memref_slice %arg12[%dma_wait3A_178, %dma_wait3A_179, %dma_wait3A_180] : memref<2x128x128xf32, #tpu.memory_space<vmem>> -> memref<1x128x128xf32, #tpu.memory_space<vmem>>
      %dma_wait3A_182 = tpu.memref_squeeze %dma_wait3A_181 : memref<1x128x128xf32, #tpu.memory_space<vmem>> -> memref<128x128xf32, #tpu.memory_space<vmem>>
      %dma_wait3A_183 = arith.constant 0 : i32
      %dma_wait3A_184 = tpu.memref_slice %arg2[%add3A_177, %dma_wait3A_183] : memref<163840x128xf32, #tpu.memory_space<hbm>> -> memref<128x128xf32, #tpu.memory_space<hbm>>
      %dma_wait3A_185 = arith.constant 0 : i32
      %dma_wait3A_186 = arith.constant 0 : i32
      %dma_wait3A_187 = tpu.memref_slice %arg12[%dma_wait3A_178, %dma_wait3A_185, %dma_wait3A_186] : memref<2x128x128xf32, #tpu.memory_space<vmem>> -> memref<1x128x128xf32, #tpu.memory_space<vmem>>
      %dma_wait3A_188 = tpu.memref_squeeze %dma_wait3A_187 : memref<1x128x128xf32, #tpu.memory_space<vmem>> -> memref<128x128xf32, #tpu.memory_space<vmem>>
      %dma_wait3A_189 = arith.constant 0 : i32
      %dma_wait3A_190 = tpu.memref_slice %arg2[%add3A_177, %dma_wait3A_189] : memref<163840x128xf32, #tpu.memory_space<hbm>> -> memref<128x128xf32, #tpu.memory_space<hbm>>
      tpu.wait_dma2 semaphore(%arg16 : memref<!tpu.dma_semaphore, #tpu.memory_space<semaphore_mem>>) src(%dma_wait3A_190 : memref<128x128xf32, #tpu.memory_space<hbm>>) dst(%dma_wait3A_188 : memref<128x128xf32, #tpu.memory_space<vmem>>)
      %dma_start3A_191 = arith.constant 1 : i32
      %dma_start3A_192 = arith.constant 0 : i32
      %dma_start3A_193 = arith.constant 0 : i32
      %dma_start3A_194 = tpu.memref_slice %arg12[%dma_start3A_191, %dma_start3A_192, %dma_start3A_193] : memref<2x128x128xf32, #tpu.memory_space<vmem>> -> memref<1x128x128xf32, #tpu.memory_space<vmem>>
      %dma_start3A_195 = tpu.memref_squeeze %dma_start3A_194 : memref<1x128x128xf32, #tpu.memory_space<vmem>> -> memref<128x128xf32, #tpu.memory_space<vmem>>
      %dma_start3A_196 = arith.constant 0 : i32
      %dma_start3A_197 = tpu.memref_slice %arg11[%add3A_174, %dma_start3A_196] : memref<40x128xi32, #tpu.memory_space<vmem>> -> memref<1x128xi32, #tpu.memory_space<vmem>>
      %dma_start3A_198 = tpu.memref_squeeze %dma_start3A_197 : memref<1x128xi32, #tpu.memory_space<vmem>> -> memref<128xi32, #tpu.memory_space<vmem>>
      %dma_start3A_199 = arith.constant 0 : i32
      %dma_start3A_200 = arith.constant 0 : i32
      %dma_start3A_201 = tpu.memref_slice %arg9[%dma_start3A_199, %dma_start3A_200] : memref<10240x128xf32, #tpu.memory_space<vmem_shared>> -> memref<10240x128xf32, #tpu.memory_space<vmem_shared>>
      tpu.enqueue_indirect_dma source(%dma_start3A_195 : memref<128x128xf32, #tpu.memory_space<vmem>>) target(%dma_start3A_201 : memref<10240x128xf32, #tpu.memory_space<vmem_shared>>) offsets(%dma_start3A_198 : memref<128xi32, #tpu.memory_space<vmem>>) semaphore(%arg18 : memref<!tpu.dma_semaphore, #tpu.memory_space<semaphore_mem>>) {add = true}
      %get3A_202 = arith.index_cast %add3A_174 : i32 to index
      %get3A_203 = arith.constant 0 : index
      %get3A_204 = tpu.vector_load %arg11[%get3A_202, %get3A_203] {strides = array<i32>} : memref<40x128xi32, #tpu.memory_space<vmem>>, vector<16xi32>,
      %shift_right_logical3A_205 = arith.constant 7 : i32
      %shift_right_logical3A_206 = vector.broadcast %shift_right_logical3A_205 : i32 to vector<16xi32>
      %shift_right_logical3A_207 = arith.shrui %get3A_204, %shift_right_logical3A_206 : vector<16xi32>
      %and3A_208 = arith.constant 127 : i32
      %and3A_209 = vector.broadcast %and3A_208 : i32 to vector<16xi32>
      %and3A_210 = arith.andi %get3A_204, %and3A_209 : vector<16xi32>
      tpu.vector_store_idx %arg13[%shift_right_logical3A_207, %and3A_210], %broadcast_in_dim3A_5 {add = true} : memref<80x128xf32, #tpu.memory_space<vmem>>[vector<16xi32>, vector<16xi32>], vector<16xf32>,
      %get3A_211 = arith.index_cast %add3A_174 : i32 to index
      %get3A_212 = arith.constant 16 : index
      %get3A_213 = tpu.vector_load %arg11[%get3A_211, %get3A_212] {strides = array<i32>} : memref<40x128xi32, #tpu.memory_space<vmem>>, vector<16xi32>,
      %shift_right_logical3A_214 = arith.constant 7 : i32
      %shift_right_logical3A_215 = vector.broadcast %shift_right_logical3A_214 : i32 to vector<16xi32>
      %shift_right_logical3A_216 = arith.shrui %get3A_213, %shift_right_logical3A_215 : vector<16xi32>
      %and3A_217 = arith.constant 127 : i32
      %and3A_218 = vector.broadcast %and3A_217 : i32 to vector<16xi32>
      %and3A_219 = arith.andi %get3A_213, %and3A_218 : vector<16xi32>
      tpu.vector_store_idx %arg13[%shift_right_logical3A_216, %and3A_219], %broadcast_in_dim3A_5 {add = true} : memref<80x128xf32, #tpu.memory_space<vmem>>[vector<16xi32>, vector<16xi32>], vector<16xf32>,
      %get3A_220 = arith.index_cast %add3A_174 : i32 to index
      %get3A_221 = arith.constant 32 : index
      %get3A_222 = tpu.vector_load %arg11[%get3A_220, %get3A_221] {strides = array<i32>} : memref<40x128xi32, #tpu.memory_space<vmem>>, vector<16xi32>,
      %shift_right_logical3A_223 = arith.constant 7 : i32
      %shift_right_logical3A_224 = vector.broadcast %shift_right_logical3A_223 : i32 to vector<16xi32>
      %shift_right_logical3A_225 = arith.shrui %get3A_222, %shift_right_logical3A_224 : vector<16xi32>
      %and3A_226 = arith.constant 127 : i32
      %and3A_227 = vector.broadcast %and3A_226 : i32 to vector<16xi32>
      %and3A_228 = arith.andi %get3A_222, %and3A_227 : vector<16xi32>
      tpu.vector_store_idx %arg13[%shift_right_logical3A_225, %and3A_228], %broadcast_in_dim3A_5 {add = true} : memref<80x128xf32, #tpu.memory_space<vmem>>[vector<16xi32>, vector<16xi32>], vector<16xf32>,
      %get3A_229 = arith.index_cast %add3A_174 : i32 to index
      %get3A_230 = arith.constant 48 : index
      %get3A_231 = tpu.vector_load %arg11[%get3A_229, %get3A_230] {strides = array<i32>} : memref<40x128xi32, #tpu.memory_space<vmem>>, vector<16xi32>,
      %shift_right_logical3A_232 = arith.constant 7 : i32
      %shift_right_logical3A_233 = vector.broadcast %shift_right_logical3A_232 : i32 to vector<16xi32>
      %shift_right_logical3A_234 = arith.shrui %get3A_231, %shift_right_logical3A_233 : vector<16xi32>
      %and3A_235 = arith.constant 127 : i32
      %and3A_236 = vector.broadcast %and3A_235 : i32 to vector<16xi32>
      %and3A_237 = arith.andi %get3A_231, %and3A_236 : vector<16xi32>
      tpu.vector_store_idx %arg13[%shift_right_logical3A_234, %and3A_237], %broadcast_in_dim3A_5 {add = true} : memref<80x128xf32, #tpu.memory_space<vmem>>[vector<16xi32>, vector<16xi32>], vector<16xf32>,
      %get3A_238 = arith.index_cast %add3A_174 : i32 to index
      %get3A_239 = arith.constant 64 : index
      %get3A_240 = tpu.vector_load %arg11[%get3A_238, %get3A_239] {strides = array<i32>} : memref<40x128xi32, #tpu.memory_space<vmem>>, vector<16xi32>,
      %shift_right_logical3A_241 = arith.constant 7 : i32
      %shift_right_logical3A_242 = vector.broadcast %shift_right_logical3A_241 : i32 to vector<16xi32>
      %shift_right_logical3A_243 = arith.shrui %get3A_240, %shift_right_logical3A_242 : vector<16xi32>
      %and3A_244 = arith.constant 127 : i32
      %and3A_245 = vector.broadcast %and3A_244 : i32 to vector<16xi32>
      %and3A_246 = arith.andi %get3A_240, %and3A_245 : vector<16xi32>
      tpu.vector_store_idx %arg13[%shift_right_logical3A_243, %and3A_246], %broadcast_in_dim3A_5 {add = true} : memref<80x128xf32, #tpu.memory_space<vmem>>[vector<16xi32>, vector<16xi32>], vector<16xf32>,
      %get3A_247 = arith.index_cast %add3A_174 : i32 to index
      %get3A_248 = arith.constant 80 : index
      %get3A_249 = tpu.vector_load %arg11[%get3A_247, %get3A_248] {strides = array<i32>} : memref<40x128xi32, #tpu.memory_space<vmem>>, vector<16xi32>,
      %shift_right_logical3A_250 = arith.constant 7 : i32
      %shift_right_logical3A_251 = vector.broadcast %shift_right_logical3A_250 : i32 to vector<16xi32>
      %shift_right_logical3A_252 = arith.shrui %get3A_249, %shift_right_logical3A_251 : vector<16xi32>
      %and3A_253 = arith.constant 127 : i32
      %and3A_254 = vector.broadcast %and3A_253 : i32 to vector<16xi32>
      %and3A_255 = arith.andi %get3A_249, %and3A_254 : vector<16xi32>
      tpu.vector_store_idx %arg13[%shift_right_logical3A_252, %and3A_255], %broadcast_in_dim3A_5 {add = true} : memref<80x128xf32, #tpu.memory_space<vmem>>[vector<16xi32>, vector<16xi32>], vector<16xf32>,
      %get3A_256 = arith.index_cast %add3A_174 : i32 to index
      %get3A_257 = arith.constant 96 : index
      %get3A_258 = tpu.vector_load %arg11[%get3A_256, %get3A_257] {strides = array<i32>} : memref<40x128xi32, #tpu.memory_space<vmem>>, vector<16xi32>,
      %shift_right_logical3A_259 = arith.constant 7 : i32
      %shift_right_logical3A_260 = vector.broadcast %shift_right_logical3A_259 : i32 to vector<16xi32>
      %shift_right_logical3A_261 = arith.shrui %get3A_258, %shift_right_logical3A_260 : vector<16xi32>
      %and3A_262 = arith.constant 127 : i32
      %and3A_263 = vector.broadcast %and3A_262 : i32 to vector<16xi32>
      %and3A_264 = arith.andi %get3A_258, %and3A_263 : vector<16xi32>
      tpu.vector_store_idx %arg13[%shift_right_logical3A_261, %and3A_264], %broadcast_in_dim3A_5 {add = true} : memref<80x128xf32, #tpu.memory_space<vmem>>[vector<16xi32>, vector<16xi32>], vector<16xf32>,
      %get3A_265 = arith.index_cast %add3A_174 : i32 to index
      %get3A_266 = arith.constant 112 : index
      %get3A_267 = tpu.vector_load %arg11[%get3A_265, %get3A_266] {strides = array<i32>} : memref<40x128xi32, #tpu.memory_space<vmem>>, vector<16xi32>,
      %shift_right_logical3A_268 = arith.constant 7 : i32
      %shift_right_logical3A_269 = vector.broadcast %shift_right_logical3A_268 : i32 to vector<16xi32>
      %shift_right_logical3A_270 = arith.shrui %get3A_267, %shift_right_logical3A_269 : vector<16xi32>
      %and3A_271 = arith.constant 127 : i32
      %and3A_272 = vector.broadcast %and3A_271 : i32 to vector<16xi32>
      %and3A_273 = arith.andi %get3A_267, %and3A_272 : vector<16xi32>
      tpu.vector_store_idx %arg13[%shift_right_logical3A_270, %and3A_273], %broadcast_in_dim3A_5 {add = true} : memref<80x128xf32, #tpu.memory_space<vmem>>[vector<16xi32>, vector<16xi32>], vector<16xf32>,
      %ge3A_274 = arith.constant 1 : i32
      %ge3A_275 = arith.cmpi sge, %add3A_174, %ge3A_274 : i32
      %convert_element_type3A_276 = arith.extui %ge3A_275 : i1 to i32
      %cond3A_277 = arith.constant 0 : i32
      %cond3A_278 = arith.cmpi ne, %convert_element_type3A_276, %cond3A_277 : i32
      scf.if %cond3A_278 {
        %sub3A_286 = arith.constant 1 : i32
        %sub3A_287 = arith.subi %add3A_174, %sub3A_286 : i32
        %dma_wait3A_288 = arith.constant 0 : i32
        %dma_wait3A_289 = arith.constant 0 : i32
        %dma_wait3A_290 = arith.constant 0 : i32
        %dma_wait3A_291 = tpu.memref_slice %arg12[%dma_wait3A_288, %dma_wait3A_289, %dma_wait3A_290] : memref<2x128x128xf32, #tpu.memory_space<vmem>> -> memref<1x128x128xf32, #tpu.memory_space<vmem>>
        %dma_wait3A_292 = tpu.memref_squeeze %dma_wait3A_291 : memref<1x128x128xf32, #tpu.memory_space<vmem>> -> memref<128x128xf32, #tpu.memory_space<vmem>>
        %dma_wait3A_293 = arith.constant 0 : i32
        %dma_wait3A_294 = tpu.memref_slice %arg11[%sub3A_287, %dma_wait3A_293] : memref<40x128xi32, #tpu.memory_space<vmem>> -> memref<1x128xi32, #tpu.memory_space<vmem>>
        %dma_wait3A_295 = tpu.memref_squeeze %dma_wait3A_294 : memref<1x128xi32, #tpu.memory_space<vmem>> -> memref<128xi32, #tpu.memory_space<vmem>>
        %dma_wait3A_296 = arith.constant 0 : i32
        %dma_wait3A_297 = arith.constant 0 : i32
        %dma_wait3A_298 = tpu.memref_slice %arg9[%dma_wait3A_296, %dma_wait3A_297] : memref<10240x128xf32, #tpu.memory_space<vmem_shared>> -> memref<10240x128xf32, #tpu.memory_space<vmem_shared>>
        tpu.wait_indirect_dma semaphore(%arg17 : memref<!tpu.dma_semaphore, #tpu.memory_space<semaphore_mem>>) src(%dma_wait3A_292 : memref<128x128xf32, #tpu.memory_space<vmem>>) dst(%dma_wait3A_298 : memref<10240x128xf32, #tpu.memory_space<vmem_shared>>)
      } else {
      }
      %add3A_279 = arith.constant 1 : i32
      %add3A_280 = arith.addi %add3A_174, %add3A_279 : i32
      %lt3A_281 = arith.constant 40 : i32
      %lt3A_282 = arith.cmpi slt, %add3A_280, %lt3A_281 : i32
      %convert_element_type3A_283 = arith.extui %lt3A_282 : i1 to i32
      %cond3A_284 = arith.constant 0 : i32
      %cond3A_285 = arith.cmpi ne, %convert_element_type3A_283, %cond3A_284 : i32
      scf.if %cond3A_285 {
        %add3A_286 = arith.constant 1 : i32
        %add3A_287 = arith.addi %add3A_174, %add3A_286 : i32
        %mul3A_288 = arith.constant 128 : i32
        %mul3A_289 = arith.muli %add3A_287, %mul3A_288 : i32
        %add3A_290 = arith.addi %mul3A_7, %mul3A_289 : i32
        %dma_start3A_291 = arith.constant 0 : i32
        %dma_start3A_292 = arith.constant 0 : i32
        %dma_start3A_293 = arith.constant 0 : i32
        %dma_start3A_294 = tpu.memref_slice %arg12[%dma_start3A_291, %dma_start3A_292, %dma_start3A_293] : memref<2x128x128xf32, #tpu.memory_space<vmem>> -> memref<1x128x128xf32, #tpu.memory_space<vmem>>
        %dma_start3A_295 = tpu.memref_squeeze %dma_start3A_294 : memref<1x128x128xf32, #tpu.memory_space<vmem>> -> memref<128x128xf32, #tpu.memory_space<vmem>>
        %dma_start3A_296 = arith.constant 0 : i32
        %dma_start3A_297 = tpu.memref_slice %arg2[%add3A_290, %dma_start3A_296] : memref<163840x128xf32, #tpu.memory_space<hbm>> -> memref<128x128xf32, #tpu.memory_space<hbm>>
        %dma_start3A_298 = arith.constant 0 : i32
        %dma_start3A_299 = arith.constant 0 : i32
        %dma_start3A_300 = tpu.memref_slice %arg12[%dma_start3A_291, %dma_start3A_298, %dma_start3A_299] : memref<2x128x128xf32, #tpu.memory_space<vmem>> -> memref<1x128x128xf32, #tpu.memory_space<vmem>>
        %dma_start3A_301 = tpu.memref_squeeze %dma_start3A_300 : memref<1x128x128xf32, #tpu.memory_space<vmem>> -> memref<128x128xf32, #tpu.memory_space<vmem>>
        %dma_start3A_302 = arith.constant 0 : i32
        %dma_start3A_303 = tpu.memref_slice %arg2[%add3A_290, %dma_start3A_302] : memref<163840x128xf32, #tpu.memory_space<hbm>> -> memref<128x128xf32, #tpu.memory_space<hbm>>
        tpu.enqueue_dma source(%dma_start3A_303 : memref<128x128xf32, #tpu.memory_space<hbm>>) target(%dma_start3A_301 : memref<128x128xf32, #tpu.memory_space<vmem>>) target_semaphore(%arg15 : memref<!tpu.dma_semaphore, #tpu.memory_space<semaphore_mem>>)
      } else {
      }
    }
    %while3A_40 = arith.constant 1 : i32
    scf.for %while3A_62 = %while3A_38 to %while3A_34 step %while3A_40  : i32 {
      %mul3A_63 = arith.muli %while3A_62, %while3A : i32
      %add3A_64 = arith.addi %while3A_31, %mul3A_63 : i32
      %add3A_65 = arith.constant 0 : i32
      %add3A_66 = arith.addi %add3A_64, %add3A_65 : i32
      %mul3A_67 = arith.constant 128 : i32
      %mul3A_68 = arith.muli %add3A_66, %mul3A_67 : i32
      %add3A_69 = arith.addi %mul3A_7, %mul3A_68 : i32
      %dma_wait3A_70 = arith.constant 0 : i32
      %dma_wait3A_71 = arith.constant 0 : i32
      %dma_wait3A_72 = arith.constant 0 : i32
      %dma_wait3A_73 = tpu.memref_slice %arg12[%dma_wait3A_70, %dma_wait3A_71, %dma_wait3A_72] : memref<2x128x128xf32, #tpu.memory_space<vmem>> -> memref<1x128x128xf32, #tpu.memory_space<vmem>>
      %dma_wait3A_74 = tpu.memref_squeeze %dma_wait3A_73 : memref<1x128x128xf32, #tpu.memory_space<vmem>> -> memref<128x128xf32, #tpu.memory_space<vmem>>
      %dma_wait3A_75 = arith.constant 0 : i32
      %dma_wait3A_76 = tpu.memref_slice %arg2[%add3A_69, %dma_wait3A_75] : memref<163840x128xf32, #tpu.memory_space<hbm>> -> memref<128x128xf32, #tpu.memory_space<hbm>>
      %dma_wait3A_77 = arith.constant 0 : i32
      %dma_wait3A_78 = arith.constant 0 : i32
      %dma_wait3A_79 = tpu.memref_slice %arg12[%dma_wait3A_70, %dma_wait3A_77, %dma_wait3A_78] : memref<2x128x128xf32, #tpu.memory_space<vmem>> -> memref<1x128x128xf32, #tpu.memory_space<vmem>>
      %dma_wait3A_80 = tpu.memref_squeeze %dma_wait3A_79 : memref<1x128x128xf32, #tpu.memory_space<vmem>> -> memref<128x128xf32, #tpu.memory_space<vmem>>
      %dma_wait3A_81 = arith.constant 0 : i32
      %dma_wait3A_82 = tpu.memref_slice %arg2[%add3A_69, %dma_wait3A_81] : memref<163840x128xf32, #tpu.memory_space<hbm>> -> memref<128x128xf32, #tpu.memory_space<hbm>>
      tpu.wait_dma2 semaphore(%arg15 : memref<!tpu.dma_semaphore, #tpu.memory_space<semaphore_mem>>) src(%dma_wait3A_82 : memref<128x128xf32, #tpu.memory_space<hbm>>) dst(%dma_wait3A_80 : memref<128x128xf32, #tpu.memory_space<vmem>>)
      %dma_start3A_83 = arith.constant 0 : i32
      %dma_start3A_84 = arith.constant 0 : i32
      %dma_start3A_85 = arith.constant 0 : i32
      %dma_start3A_86 = tpu.memref_slice %arg12[%dma_start3A_83, %dma_start3A_84, %dma_start3A_85] : memref<2x128x128xf32, #tpu.memory_space<vmem>> -> memref<1x128x128xf32, #tpu.memory_space<vmem>>
      %dma_start3A_87 = tpu.memref_squeeze %dma_start3A_86 : memref<1x128x128xf32, #tpu.memory_space<vmem>> -> memref<128x128xf32, #tpu.memory_space<vmem>>
      %dma_start3A_88 = arith.constant 0 : i32
      %dma_start3A_89 = tpu.memref_slice %arg11[%add3A_66, %dma_start3A_88] : memref<40x128xi32, #tpu.memory_space<vmem>> -> memref<1x128xi32, #tpu.memory_space<vmem>>
      %dma_start3A_90 = tpu.memref_squeeze %dma_start3A_89 : memref<1x128xi32, #tpu.memory_space<vmem>> -> memref<128xi32, #tpu.memory_space<vmem>>
      %dma_start3A_91 = arith.constant 0 : i32
      %dma_start3A_92 = arith.constant 0 : i32
      %dma_start3A_93 = tpu.memref_slice %arg9[%dma_start3A_91, %dma_start3A_92] : memref<10240x128xf32, #tpu.memory_space<vmem_shared>> -> memref<10240x128xf32, #tpu.memory_space<vmem_shared>>
      tpu.enqueue_indirect_dma source(%dma_start3A_87 : memref<128x128xf32, #tpu.memory_space<vmem>>) target(%dma_start3A_93 : memref<10240x128xf32, #tpu.memory_space<vmem_shared>>) offsets(%dma_start3A_90 : memref<128xi32, #tpu.memory_space<vmem>>) semaphore(%arg17 : memref<!tpu.dma_semaphore, #tpu.memory_space<semaphore_mem>>) {add = true}
      %get3A = arith.index_cast %add3A_66 : i32 to index
      %get3A_94 = arith.constant 0 : index
      %get3A_95 = tpu.vector_load %arg11[%get3A, %get3A_94] {strides = array<i32>} : memref<40x128xi32, #tpu.memory_space<vmem>>, vector<16xi32>,
      %shift_right_logical3A = arith.constant 7 : i32
      %shift_right_logical3A_96 = vector.broadcast %shift_right_logical3A : i32 to vector<16xi32>
      %shift_right_logical3A_97 = arith.shrui %get3A_95, %shift_right_logical3A_96 : vector<16xi32>
      %and3A = arith.constant 127 : i32
      %and3A_98 = vector.broadcast %and3A : i32 to vector<16xi32>
      %and3A_99 = arith.andi %get3A_95, %and3A_98 : vector<16xi32>
      tpu.vector_store_idx %arg13[%shift_right_logical3A_97, %and3A_99], %broadcast_in_dim3A_5 {add = true} : memref<80x128xf32, #tpu.memory_space<vmem>>[vector<16xi32>, vector<16xi32>], vector<16xf32>,
      %get3A_100 = arith.index_cast %add3A_66 : i32 to index
      %get3A_101 = arith.constant 16 : index
      %get3A_102 = tpu.vector_load %arg11[%get3A_100, %get3A_101] {strides = array<i32>} : memref<40x128xi32, #tpu.memory_space<vmem>>, vector<16xi32>,
      %shift_right_logical3A_103 = arith.constant 7 : i32
      %shift_right_logical3A_104 = vector.broadcast %shift_right_logical3A_103 : i32 to vector<16xi32>
      %shift_right_logical3A_105 = arith.shrui %get3A_102, %shift_right_logical3A_104 : vector<16xi32>
      %and3A_106 = arith.constant 127 : i32
      %and3A_107 = vector.broadcast %and3A_106 : i32 to vector<16xi32>
      %and3A_108 = arith.andi %get3A_102, %and3A_107 : vector<16xi32>
      tpu.vector_store_idx %arg13[%shift_right_logical3A_105, %and3A_108], %broadcast_in_dim3A_5 {add = true} : memref<80x128xf32, #tpu.memory_space<vmem>>[vector<16xi32>, vector<16xi32>], vector<16xf32>,
      %get3A_109 = arith.index_cast %add3A_66 : i32 to index
      %get3A_110 = arith.constant 32 : index
      %get3A_111 = tpu.vector_load %arg11[%get3A_109, %get3A_110] {strides = array<i32>} : memref<40x128xi32, #tpu.memory_space<vmem>>, vector<16xi32>,
      %shift_right_logical3A_112 = arith.constant 7 : i32
      %shift_right_logical3A_113 = vector.broadcast %shift_right_logical3A_112 : i32 to vector<16xi32>
      %shift_right_logical3A_114 = arith.shrui %get3A_111, %shift_right_logical3A_113 : vector<16xi32>
      %and3A_115 = arith.constant 127 : i32
      %and3A_116 = vector.broadcast %and3A_115 : i32 to vector<16xi32>
      %and3A_117 = arith.andi %get3A_111, %and3A_116 : vector<16xi32>
      tpu.vector_store_idx %arg13[%shift_right_logical3A_114, %and3A_117], %broadcast_in_dim3A_5 {add = true} : memref<80x128xf32, #tpu.memory_space<vmem>>[vector<16xi32>, vector<16xi32>], vector<16xf32>,
      %get3A_118 = arith.index_cast %add3A_66 : i32 to index
      %get3A_119 = arith.constant 48 : index
      %get3A_120 = tpu.vector_load %arg11[%get3A_118, %get3A_119] {strides = array<i32>} : memref<40x128xi32, #tpu.memory_space<vmem>>, vector<16xi32>,
      %shift_right_logical3A_121 = arith.constant 7 : i32
      %shift_right_logical3A_122 = vector.broadcast %shift_right_logical3A_121 : i32 to vector<16xi32>
      %shift_right_logical3A_123 = arith.shrui %get3A_120, %shift_right_logical3A_122 : vector<16xi32>
      %and3A_124 = arith.constant 127 : i32
      %and3A_125 = vector.broadcast %and3A_124 : i32 to vector<16xi32>
      %and3A_126 = arith.andi %get3A_120, %and3A_125 : vector<16xi32>
      tpu.vector_store_idx %arg13[%shift_right_logical3A_123, %and3A_126], %broadcast_in_dim3A_5 {add = true} : memref<80x128xf32, #tpu.memory_space<vmem>>[vector<16xi32>, vector<16xi32>], vector<16xf32>,
      %get3A_127 = arith.index_cast %add3A_66 : i32 to index
      %get3A_128 = arith.constant 64 : index
      %get3A_129 = tpu.vector_load %arg11[%get3A_127, %get3A_128] {strides = array<i32>} : memref<40x128xi32, #tpu.memory_space<vmem>>, vector<16xi32>,
      %shift_right_logical3A_130 = arith.constant 7 : i32
      %shift_right_logical3A_131 = vector.broadcast %shift_right_logical3A_130 : i32 to vector<16xi32>
      %shift_right_logical3A_132 = arith.shrui %get3A_129, %shift_right_logical3A_131 : vector<16xi32>
      %and3A_133 = arith.constant 127 : i32
      %and3A_134 = vector.broadcast %and3A_133 : i32 to vector<16xi32>
      %and3A_135 = arith.andi %get3A_129, %and3A_134 : vector<16xi32>
      tpu.vector_store_idx %arg13[%shift_right_logical3A_132, %and3A_135], %broadcast_in_dim3A_5 {add = true} : memref<80x128xf32, #tpu.memory_space<vmem>>[vector<16xi32>, vector<16xi32>], vector<16xf32>,
      %get3A_136 = arith.index_cast %add3A_66 : i32 to index
      %get3A_137 = arith.constant 80 : index
      %get3A_138 = tpu.vector_load %arg11[%get3A_136, %get3A_137] {strides = array<i32>} : memref<40x128xi32, #tpu.memory_space<vmem>>, vector<16xi32>,
      %shift_right_logical3A_139 = arith.constant 7 : i32
      %shift_right_logical3A_140 = vector.broadcast %shift_right_logical3A_139 : i32 to vector<16xi32>
      %shift_right_logical3A_141 = arith.shrui %get3A_138, %shift_right_logical3A_140 : vector<16xi32>
      %and3A_142 = arith.constant 127 : i32
      %and3A_143 = vector.broadcast %and3A_142 : i32 to vector<16xi32>
      %and3A_144 = arith.andi %get3A_138, %and3A_143 : vector<16xi32>
      tpu.vector_store_idx %arg13[%shift_right_logical3A_141, %and3A_144], %broadcast_in_dim3A_5 {add = true} : memref<80x128xf32, #tpu.memory_space<vmem>>[vector<16xi32>, vector<16xi32>], vector<16xf32>,
      %get3A_145 = arith.index_cast %add3A_66 : i32 to index
      %get3A_146 = arith.constant 96 : index
      %get3A_147 = tpu.vector_load %arg11[%get3A_145, %get3A_146] {strides = array<i32>} : memref<40x128xi32, #tpu.memory_space<vmem>>, vector<16xi32>,
      %shift_right_logical3A_148 = arith.constant 7 : i32
      %shift_right_logical3A_149 = vector.broadcast %shift_right_logical3A_148 : i32 to vector<16xi32>
      %shift_right_logical3A_150 = arith.shrui %get3A_147, %shift_right_logical3A_149 : vector<16xi32>
      %and3A_151 = arith.constant 127 : i32
      %and3A_152 = vector.broadcast %and3A_151 : i32 to vector<16xi32>
      %and3A_153 = arith.andi %get3A_147, %and3A_152 : vector<16xi32>
      tpu.vector_store_idx %arg13[%shift_right_logical3A_150, %and3A_153], %broadcast_in_dim3A_5 {add = true} : memref<80x128xf32, #tpu.memory_space<vmem>>[vector<16xi32>, vector<16xi32>], vector<16xf32>,
      %get3A_154 = arith.index_cast %add3A_66 : i32 to index
      %get3A_155 = arith.constant 112 : index
      %get3A_156 = tpu.vector_load %arg11[%get3A_154, %get3A_155] {strides = array<i32>} : memref<40x128xi32, #tpu.memory_space<vmem>>, vector<16xi32>,
      %shift_right_logical3A_157 = arith.constant 7 : i32
      %shift_right_logical3A_158 = vector.broadcast %shift_right_logical3A_157 : i32 to vector<16xi32>
      %shift_right_logical3A_159 = arith.shrui %get3A_156, %shift_right_logical3A_158 : vector<16xi32>
      %and3A_160 = arith.constant 127 : i32
      %and3A_161 = vector.broadcast %and3A_160 : i32 to vector<16xi32>
      %and3A_162 = arith.andi %get3A_156, %and3A_161 : vector<16xi32>
      tpu.vector_store_idx %arg13[%shift_right_logical3A_159, %and3A_162], %broadcast_in_dim3A_5 {add = true} : memref<80x128xf32, #tpu.memory_space<vmem>>[vector<16xi32>, vector<16xi32>], vector<16xf32>,
      %ge3A = arith.constant 1 : i32
      %ge3A_163 = arith.cmpi sge, %add3A_66, %ge3A : i32
      %convert_element_type3A_164 = arith.extui %ge3A_163 : i1 to i32
      %cond3A_165 = arith.constant 0 : i32
      %cond3A_166 = arith.cmpi ne, %convert_element_type3A_164, %cond3A_165 : i32
      scf.if %cond3A_166 {
        %sub3A_286 = arith.constant 1 : i32
        %sub3A_287 = arith.subi %add3A_66, %sub3A_286 : i32
        %dma_wait3A_288 = arith.constant 1 : i32
        %dma_wait3A_289 = arith.constant 0 : i32
        %dma_wait3A_290 = arith.constant 0 : i32
        %dma_wait3A_291 = tpu.memref_slice %arg12[%dma_wait3A_288, %dma_wait3A_289, %dma_wait3A_290] : memref<2x128x128xf32, #tpu.memory_space<vmem>> -> memref<1x128x128xf32, #tpu.memory_space<vmem>>
        %dma_wait3A_292 = tpu.memref_squeeze %dma_wait3A_291 : memref<1x128x128xf32, #tpu.memory_space<vmem>> -> memref<128x128xf32, #tpu.memory_space<vmem>>
        %dma_wait3A_293 = arith.constant 0 : i32
        %dma_wait3A_294 = tpu.memref_slice %arg11[%sub3A_287, %dma_wait3A_293] : memref<40x128xi32, #tpu.memory_space<vmem>> -> memref<1x128xi32, #tpu.memory_space<vmem>>
        %dma_wait3A_295 = tpu.memref_squeeze %dma_wait3A_294 : memref<1x128xi32, #tpu.memory_space<vmem>> -> memref<128xi32, #tpu.memory_space<vmem>>
        %dma_wait3A_296 = arith.constant 0 : i32
        %dma_wait3A_297 = arith.constant 0 : i32
        %dma_wait3A_298 = tpu.memref_slice %arg9[%dma_wait3A_296, %dma_wait3A_297] : memref<10240x128xf32, #tpu.memory_space<vmem_shared>> -> memref<10240x128xf32, #tpu.memory_space<vmem_shared>>
        tpu.wait_indirect_dma semaphore(%arg18 : memref<!tpu.dma_semaphore, #tpu.memory_space<semaphore_mem>>) src(%dma_wait3A_292 : memref<128x128xf32, #tpu.memory_space<vmem>>) dst(%dma_wait3A_298 : memref<10240x128xf32, #tpu.memory_space<vmem_shared>>)
      } else {
      }
      %add3A_167 = arith.constant 1 : i32
      %add3A_168 = arith.addi %add3A_66, %add3A_167 : i32
      %lt3A = arith.constant 40 : i32
      %lt3A_169 = arith.cmpi slt, %add3A_168, %lt3A : i32
      %convert_element_type3A_170 = arith.extui %lt3A_169 : i1 to i32
      %cond3A_171 = arith.constant 0 : i32
      %cond3A_172 = arith.cmpi ne, %convert_element_type3A_170, %cond3A_171 : i32
      scf.if %cond3A_172 {
        %add3A_286 = arith.constant 1 : i32
        %add3A_287 = arith.addi %add3A_66, %add3A_286 : i32
        %mul3A_288 = arith.constant 128 : i32
        %mul3A_289 = arith.muli %add3A_287, %mul3A_288 : i32
        %add3A_290 = arith.addi %mul3A_7, %mul3A_289 : i32
        %dma_start3A_291 = arith.constant 1 : i32
        %dma_start3A_292 = arith.constant 0 : i32
        %dma_start3A_293 = arith.constant 0 : i32
        %dma_start3A_294 = tpu.memref_slice %arg12[%dma_start3A_291, %dma_start3A_292, %dma_start3A_293] : memref<2x128x128xf32, #tpu.memory_space<vmem>> -> memref<1x128x128xf32, #tpu.memory_space<vmem>>
        %dma_start3A_295 = tpu.memref_squeeze %dma_start3A_294 : memref<1x128x128xf32, #tpu.memory_space<vmem>> -> memref<128x128xf32, #tpu.memory_space<vmem>>
        %dma_start3A_296 = arith.constant 0 : i32
        %dma_start3A_297 = tpu.memref_slice %arg2[%add3A_290, %dma_start3A_296] : memref<163840x128xf32, #tpu.memory_space<hbm>> -> memref<128x128xf32, #tpu.memory_space<hbm>>
        %dma_start3A_298 = arith.constant 0 : i32
        %dma_start3A_299 = arith.constant 0 : i32
        %dma_start3A_300 = tpu.memref_slice %arg12[%dma_start3A_291, %dma_start3A_298, %dma_start3A_299] : memref<2x128x128xf32, #tpu.memory_space<vmem>> -> memref<1x128x128xf32, #tpu.memory_space<vmem>>
        %dma_start3A_301 = tpu.memref_squeeze %dma_start3A_300 : memref<1x128x128xf32, #tpu.memory_space<vmem>> -> memref<128x128xf32, #tpu.memory_space<vmem>>
        %dma_start3A_302 = arith.constant 0 : i32
        %dma_start3A_303 = tpu.memref_slice %arg2[%add3A_290, %dma_start3A_302] : memref<163840x128xf32, #tpu.memory_space<hbm>> -> memref<128x128xf32, #tpu.memory_space<hbm>>
        tpu.enqueue_dma source(%dma_start3A_303 : memref<128x128xf32, #tpu.memory_space<hbm>>) target(%dma_start3A_301 : memref<128x128xf32, #tpu.memory_space<vmem>>) target_semaphore(%arg16 : memref<!tpu.dma_semaphore, #tpu.memory_space<semaphore_mem>>)
      } else {
      }
      %add3A_173 = arith.constant 1 : i32
      %add3A_174 = arith.addi %add3A_64, %add3A_173 : i32
      %mul3A_175 = arith.constant 128 : i32
      %mul3A_176 = arith.muli %add3A_174, %mul3A_175 : i32
      %add3A_177 = arith.addi %mul3A_7, %mul3A_176 : i32
      %dma_wait3A_178 = arith.constant 1 : i32
      %dma_wait3A_179 = arith.constant 0 : i32
      %dma_wait3A_180 = arith.constant 0 : i32
      %dma_wait3A_181 = tpu.memref_slice %arg12[%dma_wait3A_178, %dma_wait3A_179, %dma_wait3A_180] : memref<2x128x128xf32, #tpu.memory_space<vmem>> -> memref<1x128x128xf32, #tpu.memory_space<vmem>>
      %dma_wait3A_182 = tpu.memref_squeeze %dma_wait3A_181 : memref<1x128x128xf32, #tpu.memory_space<vmem>> -> memref<128x128xf32, #tpu.memory_space<vmem>>
      %dma_wait3A_183 = arith.constant 0 : i32
      %dma_wait3A_184 = tpu.memref_slice %arg2[%add3A_177, %dma_wait3A_183] : memref<163840x128xf32, #tpu.memory_space<hbm>> -> memref<128x128xf32, #tpu.memory_space<hbm>>
      %dma_wait3A_185 = arith.constant 0 : i32
      %dma_wait3A_186 = arith.constant 0 : i32
      %dma_wait3A_187 = tpu.memref_slice %arg12[%dma_wait3A_178, %dma_wait3A_185, %dma_wait3A_186] : memref<2x128x128xf32, #tpu.memory_space<vmem>> -> memref<1x128x128xf32, #tpu.memory_space<vmem>>
      %dma_wait3A_188 = tpu.memref_squeeze %dma_wait3A_187 : memref<1x128x128xf32, #tpu.memory_space<vmem>> -> memref<128x128xf32, #tpu.memory_space<vmem>>
      %dma_wait3A_189 = arith.constant 0 : i32
      %dma_wait3A_190 = tpu.memref_slice %arg2[%add3A_177, %dma_wait3A_189] : memref<163840x128xf32, #tpu.memory_space<hbm>> -> memref<128x128xf32, #tpu.memory_space<hbm>>
      tpu.wait_dma2 semaphore(%arg16 : memref<!tpu.dma_semaphore, #tpu.memory_space<semaphore_mem>>) src(%dma_wait3A_190 : memref<128x128xf32, #tpu.memory_space<hbm>>) dst(%dma_wait3A_188 : memref<128x128xf32, #tpu.memory_space<vmem>>)
      %dma_start3A_191 = arith.constant 1 : i32
      %dma_start3A_192 = arith.constant 0 : i32
      %dma_start3A_193 = arith.constant 0 : i32
      %dma_start3A_194 = tpu.memref_slice %arg12[%dma_start3A_191, %dma_start3A_192, %dma_start3A_193] : memref<2x128x128xf32, #tpu.memory_space<vmem>> -> memref<1x128x128xf32, #tpu.memory_space<vmem>>
      %dma_start3A_195 = tpu.memref_squeeze %dma_start3A_194 : memref<1x128x128xf32, #tpu.memory_space<vmem>> -> memref<128x128xf32, #tpu.memory_space<vmem>>
      %dma_start3A_196 = arith.constant 0 : i32
      %dma_start3A_197 = tpu.memref_slice %arg11[%add3A_174, %dma_start3A_196] : memref<40x128xi32, #tpu.memory_space<vmem>> -> memref<1x128xi32, #tpu.memory_space<vmem>>
      %dma_start3A_198 = tpu.memref_squeeze %dma_start3A_197 : memref<1x128xi32, #tpu.memory_space<vmem>> -> memref<128xi32, #tpu.memory_space<vmem>>
      %dma_start3A_199 = arith.constant 0 : i32
      %dma_start3A_200 = arith.constant 0 : i32
      %dma_start3A_201 = tpu.memref_slice %arg9[%dma_start3A_199, %dma_start3A_200] : memref<10240x128xf32, #tpu.memory_space<vmem_shared>> -> memref<10240x128xf32, #tpu.memory_space<vmem_shared>>
      tpu.enqueue_indirect_dma source(%dma_start3A_195 : memref<128x128xf32, #tpu.memory_space<vmem>>) target(%dma_start3A_201 : memref<10240x128xf32, #tpu.memory_space<vmem_shared>>) offsets(%dma_start3A_198 : memref<128xi32, #tpu.memory_space<vmem>>) semaphore(%arg18 : memref<!tpu.dma_semaphore, #tpu.memory_space<semaphore_mem>>) {add = true}
      %get3A_202 = arith.index_cast %add3A_174 : i32 to index
      %get3A_203 = arith.constant 0 : index
      %get3A_204 = tpu.vector_load %arg11[%get3A_202, %get3A_203] {strides = array<i32>} : memref<40x128xi32, #tpu.memory_space<vmem>>, vector<16xi32>,
      %shift_right_logical3A_205 = arith.constant 7 : i32
      %shift_right_logical3A_206 = vector.broadcast %shift_right_logical3A_205 : i32 to vector<16xi32>
      %shift_right_logical3A_207 = arith.shrui %get3A_204, %shift_right_logical3A_206 : vector<16xi32>
      %and3A_208 = arith.constant 127 : i32
      %and3A_209 = vector.broadcast %and3A_208 : i32 to vector<16xi32>
      %and3A_210 = arith.andi %get3A_204, %and3A_209 : vector<16xi32>
      tpu.vector_store_idx %arg13[%shift_right_logical3A_207, %and3A_210], %broadcast_in_dim3A_5 {add = true} : memref<80x128xf32, #tpu.memory_space<vmem>>[vector<16xi32>, vector<16xi32>], vector<16xf32>,
      %get3A_211 = arith.index_cast %add3A_174 : i32 to index
      %get3A_212 = arith.constant 16 : index
      %get3A_213 = tpu.vector_load %arg11[%get3A_211, %get3A_212] {strides = array<i32>} : memref<40x128xi32, #tpu.memory_space<vmem>>, vector<16xi32>,
      %shift_right_logical3A_214 = arith.constant 7 : i32
      %shift_right_logical3A_215 = vector.broadcast %shift_right_logical3A_214 : i32 to vector<16xi32>
      %shift_right_logical3A_216 = arith.shrui %get3A_213, %shift_right_logical3A_215 : vector<16xi32>
      %and3A_217 = arith.constant 127 : i32
      %and3A_218 = vector.broadcast %and3A_217 : i32 to vector<16xi32>
      %and3A_219 = arith.andi %get3A_213, %and3A_218 : vector<16xi32>
      tpu.vector_store_idx %arg13[%shift_right_logical3A_216, %and3A_219], %broadcast_in_dim3A_5 {add = true} : memref<80x128xf32, #tpu.memory_space<vmem>>[vector<16xi32>, vector<16xi32>], vector<16xf32>,
      %get3A_220 = arith.index_cast %add3A_174 : i32 to index
      %get3A_221 = arith.constant 32 : index
      %get3A_222 = tpu.vector_load %arg11[%get3A_220, %get3A_221] {strides = array<i32>} : memref<40x128xi32, #tpu.memory_space<vmem>>, vector<16xi32>,
      %shift_right_logical3A_223 = arith.constant 7 : i32
      %shift_right_logical3A_224 = vector.broadcast %shift_right_logical3A_223 : i32 to vector<16xi32>
      %shift_right_logical3A_225 = arith.shrui %get3A_222, %shift_right_logical3A_224 : vector<16xi32>
      %and3A_226 = arith.constant 127 : i32
      %and3A_227 = vector.broadcast %and3A_226 : i32 to vector<16xi32>
      %and3A_228 = arith.andi %get3A_222, %and3A_227 : vector<16xi32>
      tpu.vector_store_idx %arg13[%shift_right_logical3A_225, %and3A_228], %broadcast_in_dim3A_5 {add = true} : memref<80x128xf32, #tpu.memory_space<vmem>>[vector<16xi32>, vector<16xi32>], vector<16xf32>,
      %get3A_229 = arith.index_cast %add3A_174 : i32 to index
      %get3A_230 = arith.constant 48 : index
      %get3A_231 = tpu.vector_load %arg11[%get3A_229, %get3A_230] {strides = array<i32>} : memref<40x128xi32, #tpu.memory_space<vmem>>, vector<16xi32>,
      %shift_right_logical3A_232 = arith.constant 7 : i32
      %shift_right_logical3A_233 = vector.broadcast %shift_right_logical3A_232 : i32 to vector<16xi32>
      %shift_right_logical3A_234 = arith.shrui %get3A_231, %shift_right_logical3A_233 : vector<16xi32>
      %and3A_235 = arith.constant 127 : i32
      %and3A_236 = vector.broadcast %and3A_235 : i32 to vector<16xi32>
      %and3A_237 = arith.andi %get3A_231, %and3A_236 : vector<16xi32>
      tpu.vector_store_idx %arg13[%shift_right_logical3A_234, %and3A_237], %broadcast_in_dim3A_5 {add = true} : memref<80x128xf32, #tpu.memory_space<vmem>>[vector<16xi32>, vector<16xi32>], vector<16xf32>,
      %get3A_238 = arith.index_cast %add3A_174 : i32 to index
      %get3A_239 = arith.constant 64 : index
      %get3A_240 = tpu.vector_load %arg11[%get3A_238, %get3A_239] {strides = array<i32>} : memref<40x128xi32, #tpu.memory_space<vmem>>, vector<16xi32>,
      %shift_right_logical3A_241 = arith.constant 7 : i32
      %shift_right_logical3A_242 = vector.broadcast %shift_right_logical3A_241 : i32 to vector<16xi32>
      %shift_right_logical3A_243 = arith.shrui %get3A_240, %shift_right_logical3A_242 : vector<16xi32>
      %and3A_244 = arith.constant 127 : i32
      %and3A_245 = vector.broadcast %and3A_244 : i32 to vector<16xi32>
      %and3A_246 = arith.andi %get3A_240, %and3A_245 : vector<16xi32>
      tpu.vector_store_idx %arg13[%shift_right_logical3A_243, %and3A_246], %broadcast_in_dim3A_5 {add = true} : memref<80x128xf32, #tpu.memory_space<vmem>>[vector<16xi32>, vector<16xi32>], vector<16xf32>,
      %get3A_247 = arith.index_cast %add3A_174 : i32 to index
      %get3A_248 = arith.constant 80 : index
      %get3A_249 = tpu.vector_load %arg11[%get3A_247, %get3A_248] {strides = array<i32>} : memref<40x128xi32, #tpu.memory_space<vmem>>, vector<16xi32>,
      %shift_right_logical3A_250 = arith.constant 7 : i32
      %shift_right_logical3A_251 = vector.broadcast %shift_right_logical3A_250 : i32 to vector<16xi32>
      %shift_right_logical3A_252 = arith.shrui %get3A_249, %shift_right_logical3A_251 : vector<16xi32>
      %and3A_253 = arith.constant 127 : i32
      %and3A_254 = vector.broadcast %and3A_253 : i32 to vector<16xi32>
      %and3A_255 = arith.andi %get3A_249, %and3A_254 : vector<16xi32>
      tpu.vector_store_idx %arg13[%shift_right_logical3A_252, %and3A_255], %broadcast_in_dim3A_5 {add = true} : memref<80x128xf32, #tpu.memory_space<vmem>>[vector<16xi32>, vector<16xi32>], vector<16xf32>,
      %get3A_256 = arith.index_cast %add3A_174 : i32 to index
      %get3A_257 = arith.constant 96 : index
      %get3A_258 = tpu.vector_load %arg11[%get3A_256, %get3A_257] {strides = array<i32>} : memref<40x128xi32, #tpu.memory_space<vmem>>, vector<16xi32>,
      %shift_right_logical3A_259 = arith.constant 7 : i32
      %shift_right_logical3A_260 = vector.broadcast %shift_right_logical3A_259 : i32 to vector<16xi32>
      %shift_right_logical3A_261 = arith.shrui %get3A_258, %shift_right_logical3A_260 : vector<16xi32>
      %and3A_262 = arith.constant 127 : i32
      %and3A_263 = vector.broadcast %and3A_262 : i32 to vector<16xi32>
      %and3A_264 = arith.andi %get3A_258, %and3A_263 : vector<16xi32>
      tpu.vector_store_idx %arg13[%shift_right_logical3A_261, %and3A_264], %broadcast_in_dim3A_5 {add = true} : memref<80x128xf32, #tpu.memory_space<vmem>>[vector<16xi32>, vector<16xi32>], vector<16xf32>,
      %get3A_265 = arith.index_cast %add3A_174 : i32 to index
      %get3A_266 = arith.constant 112 : index
      %get3A_267 = tpu.vector_load %arg11[%get3A_265, %get3A_266] {strides = array<i32>} : memref<40x128xi32, #tpu.memory_space<vmem>>, vector<16xi32>,
      %shift_right_logical3A_268 = arith.constant 7 : i32
      %shift_right_logical3A_269 = vector.broadcast %shift_right_logical3A_268 : i32 to vector<16xi32>
      %shift_right_logical3A_270 = arith.shrui %get3A_267, %shift_right_logical3A_269 : vector<16xi32>
      %and3A_271 = arith.constant 127 : i32
      %and3A_272 = vector.broadcast %and3A_271 : i32 to vector<16xi32>
      %and3A_273 = arith.andi %get3A_267, %and3A_272 : vector<16xi32>
      tpu.vector_store_idx %arg13[%shift_right_logical3A_270, %and3A_273], %broadcast_in_dim3A_5 {add = true} : memref<80x128xf32, #tpu.memory_space<vmem>>[vector<16xi32>, vector<16xi32>], vector<16xf32>,
      %ge3A_274 = arith.constant 1 : i32
      %ge3A_275 = arith.cmpi sge, %add3A_174, %ge3A_274 : i32
      %convert_element_type3A_276 = arith.extui %ge3A_275 : i1 to i32
      %cond3A_277 = arith.constant 0 : i32
      %cond3A_278 = arith.cmpi ne, %convert_element_type3A_276, %cond3A_277 : i32
      scf.if %cond3A_278 {
        %sub3A_286 = arith.constant 1 : i32
        %sub3A_287 = arith.subi %add3A_174, %sub3A_286 : i32
        %dma_wait3A_288 = arith.constant 0 : i32
        %dma_wait3A_289 = arith.constant 0 : i32
        %dma_wait3A_290 = arith.constant 0 : i32
        %dma_wait3A_291 = tpu.memref_slice %arg12[%dma_wait3A_288, %dma_wait3A_289, %dma_wait3A_290] : memref<2x128x128xf32, #tpu.memory_space<vmem>> -> memref<1x128x128xf32, #tpu.memory_space<vmem>>
        %dma_wait3A_292 = tpu.memref_squeeze %dma_wait3A_291 : memref<1x128x128xf32, #tpu.memory_space<vmem>> -> memref<128x128xf32, #tpu.memory_space<vmem>>
        %dma_wait3A_293 = arith.constant 0 : i32
        %dma_wait3A_294 = tpu.memref_slice %arg11[%sub3A_287, %dma_wait3A_293] : memref<40x128xi32, #tpu.memory_space<vmem>> -> memref<1x128xi32, #tpu.memory_space<vmem>>
        %dma_wait3A_295 = tpu.memref_squeeze %dma_wait3A_294 : memref<1x128xi32, #tpu.memory_space<vmem>> -> memref<128xi32, #tpu.memory_space<vmem>>
        %dma_wait3A_296 = arith.constant 0 : i32
        %dma_wait3A_297 = arith.constant 0 : i32
        %dma_wait3A_298 = tpu.memref_slice %arg9[%dma_wait3A_296, %dma_wait3A_297] : memref<10240x128xf32, #tpu.memory_space<vmem_shared>> -> memref<10240x128xf32, #tpu.memory_space<vmem_shared>>
        tpu.wait_indirect_dma semaphore(%arg17 : memref<!tpu.dma_semaphore, #tpu.memory_space<semaphore_mem>>) src(%dma_wait3A_292 : memref<128x128xf32, #tpu.memory_space<vmem>>) dst(%dma_wait3A_298 : memref<10240x128xf32, #tpu.memory_space<vmem_shared>>)
      } else {
      }
      %add3A_279 = arith.constant 1 : i32
      %add3A_280 = arith.addi %add3A_174, %add3A_279 : i32
      %lt3A_281 = arith.constant 40 : i32
      %lt3A_282 = arith.cmpi slt, %add3A_280, %lt3A_281 : i32
      %convert_element_type3A_283 = arith.extui %lt3A_282 : i1 to i32
      %cond3A_284 = arith.constant 0 : i32
      %cond3A_285 = arith.cmpi ne, %convert_element_type3A_283, %cond3A_284 : i32
      scf.if %cond3A_285 {
        %add3A_286 = arith.constant 1 : i32
        %add3A_287 = arith.addi %add3A_174, %add3A_286 : i32
        %mul3A_288 = arith.constant 128 : i32
        %mul3A_289 = arith.muli %add3A_287, %mul3A_288 : i32
        %add3A_290 = arith.addi %mul3A_7, %mul3A_289 : i32
        %dma_start3A_291 = arith.constant 0 : i32
        %dma_start3A_292 = arith.constant 0 : i32
        %dma_start3A_293 = arith.constant 0 : i32
        %dma_start3A_294 = tpu.memref_slice %arg12[%dma_start3A_291, %dma_start3A_292, %dma_start3A_293] : memref<2x128x128xf32, #tpu.memory_space<vmem>> -> memref<1x128x128xf32, #tpu.memory_space<vmem>>
        %dma_start3A_295 = tpu.memref_squeeze %dma_start3A_294 : memref<1x128x128xf32, #tpu.memory_space<vmem>> -> memref<128x128xf32, #tpu.memory_space<vmem>>
        %dma_start3A_296 = arith.constant 0 : i32
        %dma_start3A_297 = tpu.memref_slice %arg2[%add3A_290, %dma_start3A_296] : memref<163840x128xf32, #tpu.memory_space<hbm>> -> memref<128x128xf32, #tpu.memory_space<hbm>>
        %dma_start3A_298 = arith.constant 0 : i32
        %dma_start3A_299 = arith.constant 0 : i32
        %dma_start3A_300 = tpu.memref_slice %arg12[%dma_start3A_291, %dma_start3A_298, %dma_start3A_299] : memref<2x128x128xf32, #tpu.memory_space<vmem>> -> memref<1x128x128xf32, #tpu.memory_space<vmem>>
        %dma_start3A_301 = tpu.memref_squeeze %dma_start3A_300 : memref<1x128x128xf32, #tpu.memory_space<vmem>> -> memref<128x128xf32, #tpu.memory_space<vmem>>
        %dma_start3A_302 = arith.constant 0 : i32
        %dma_start3A_303 = tpu.memref_slice %arg2[%add3A_290, %dma_start3A_302] : memref<163840x128xf32, #tpu.memory_space<hbm>> -> memref<128x128xf32, #tpu.memory_space<hbm>>
        tpu.enqueue_dma source(%dma_start3A_303 : memref<128x128xf32, #tpu.memory_space<hbm>>) target(%dma_start3A_301 : memref<128x128xf32, #tpu.memory_space<vmem>>) target_semaphore(%arg15 : memref<!tpu.dma_semaphore, #tpu.memory_space<semaphore_mem>>)
      } else {
      }
    }
    %dma_wait3A = arith.constant 1 : i32
    %dma_wait3A_41 = arith.constant 39 : i32
    %dma_wait3A_42 = arith.constant 0 : i32
    %dma_wait3A_43 = arith.constant 0 : i32
    %dma_wait3A_44 = tpu.memref_slice %arg12[%dma_wait3A, %dma_wait3A_42, %dma_wait3A_43] : memref<2x128x128xf32, #tpu.memory_space<vmem>> -> memref<1x128x128xf32, #tpu.memory_space<vmem>>
    %dma_wait3A_45 = tpu.memref_squeeze %dma_wait3A_44 : memref<1x128x128xf32, #tpu.memory_space<vmem>> -> memref<128x128xf32, #tpu.memory_space<vmem>>
    %dma_wait3A_46 = arith.constant 0 : i32
    %dma_wait3A_47 = tpu.memref_slice %arg11[%dma_wait3A_41, %dma_wait3A_46] : memref<40x128xi32, #tpu.memory_space<vmem>> -> memref<1x128xi32, #tpu.memory_space<vmem>>
    %dma_wait3A_48 = tpu.memref_squeeze %dma_wait3A_47 : memref<1x128xi32, #tpu.memory_space<vmem>> -> memref<128xi32, #tpu.memory_space<vmem>>
    %dma_wait3A_49 = arith.constant 0 : i32
    %dma_wait3A_50 = arith.constant 0 : i32
    %dma_wait3A_51 = tpu.memref_slice %arg9[%dma_wait3A_49, %dma_wait3A_50] : memref<10240x128xf32, #tpu.memory_space<vmem_shared>> -> memref<10240x128xf32, #tpu.memory_space<vmem_shared>>
    tpu.wait_indirect_dma semaphore(%arg18 : memref<!tpu.dma_semaphore, #tpu.memory_space<semaphore_mem>>) src(%dma_wait3A_45 : memref<128x128xf32, #tpu.memory_space<vmem>>) dst(%dma_wait3A_51 : memref<10240x128xf32, #tpu.memory_space<vmem_shared>>)
    "tpu.region"() ({
      %run_scoped3A = tpu.sem_alloc : memref<!tpu.dma_semaphore, #tpu.memory_space<semaphore_mem>>
      %dma_start3A_62 = arith.constant 0 : i32
      %dma_start3A_63 = arith.constant 0 : i32
      %dma_start3A_64 = tpu.memref_slice %arg10[%dma_start3A_62, %dma_start3A_63] : memref<80x128xf32, #tpu.memory_space<vmem_shared>> -> memref<80x128xf32, #tpu.memory_space<vmem_shared>>
      tpu.enqueue_indirect_dma source(%arg13 : memref<80x128xf32, #tpu.memory_space<vmem>>) target(%dma_start3A_64 : memref<80x128xf32, #tpu.memory_space<vmem_shared>>) offsets(%arg14 : memref<80xi32, #tpu.memory_space<vmem>>) semaphore(%run_scoped3A : memref<!tpu.dma_semaphore, #tpu.memory_space<semaphore_mem>>) {add = true}
      %dma_wait3A_65 = arith.constant 0 : i32
      %dma_wait3A_66 = arith.constant 0 : i32
      %dma_wait3A_67 = tpu.memref_slice %arg10[%dma_wait3A_65, %dma_wait3A_66] : memref<80x128xf32, #tpu.memory_space<vmem_shared>> -> memref<80x128xf32, #tpu.memory_space<vmem_shared>>
      tpu.wait_indirect_dma semaphore(%run_scoped3A : memref<!tpu.dma_semaphore, #tpu.memory_space<semaphore_mem>>) src(%arg13 : memref<80x128xf32, #tpu.memory_space<vmem>>) dst(%dma_wait3A_67 : memref<80x128xf32, #tpu.memory_space<vmem_shared>>)
      tpu.yield
    }) : () -> ()
    %barrier3A_52 = arith.constant 0 : index
    tpu.barrier barrier_id(%barrier3A_52)
    %mul3A_53 = arith.constant 640 : i32
    %mul3A_54 = arith.muli %arg1, %mul3A_53 : i32
    %mul3A_55 = arith.constant 640 : i32
    %mul3A_56 = arith.muli %arg1, %mul3A_55 : i32
    "tpu.region"() ({
      %run_scoped3A = tpu.sem_alloc : memref<!tpu.dma_semaphore, #tpu.memory_space<semaphore_mem>>
      %dma_start3A_62 = arith.constant 0 : i32
      %dma_start3A_63 = tpu.memref_slice %arg7[%arg0, %mul3A_56, %dma_start3A_62] : memref<2x10240x128xf32, #tpu.memory_space<hbm>> -> memref<1x640x128xf32, #tpu.memory_space<hbm>>
      %dma_start3A_64 = tpu.memref_squeeze %dma_start3A_63 : memref<1x640x128xf32, #tpu.memory_space<hbm>> -> memref<640x128xf32, #tpu.memory_space<hbm>>
      %dma_start3A_65 = arith.constant 0 : i32
      %dma_start3A_66 = tpu.memref_slice %arg9[%mul3A_54, %dma_start3A_65] : memref<10240x128xf32, #tpu.memory_space<vmem_shared>> -> memref<640x128xf32, #tpu.memory_space<vmem_shared>>
      tpu.enqueue_dma source(%dma_start3A_66 : memref<640x128xf32, #tpu.memory_space<vmem_shared>>) target(%dma_start3A_64 : memref<640x128xf32, #tpu.memory_space<hbm>>) target_semaphore(%run_scoped3A : memref<!tpu.dma_semaphore, #tpu.memory_space<semaphore_mem>>)
      %dma_wait3A_67 = arith.constant 0 : i32
      %dma_wait3A_68 = tpu.memref_slice %arg7[%arg0, %mul3A_56, %dma_wait3A_67] : memref<2x10240x128xf32, #tpu.memory_space<hbm>> -> memref<1x640x128xf32, #tpu.memory_space<hbm>>
      %dma_wait3A_69 = tpu.memref_squeeze %dma_wait3A_68 : memref<1x640x128xf32, #tpu.memory_space<hbm>> -> memref<640x128xf32, #tpu.memory_space<hbm>>
      %dma_wait3A_70 = arith.constant 0 : i32
      %dma_wait3A_71 = tpu.memref_slice %arg9[%mul3A_54, %dma_wait3A_70] : memref<10240x128xf32, #tpu.memory_space<vmem_shared>> -> memref<640x128xf32, #tpu.memory_space<vmem_shared>>
      tpu.wait_dma2 semaphore(%run_scoped3A : memref<!tpu.dma_semaphore, #tpu.memory_space<semaphore_mem>>) src(%dma_wait3A_71 : memref<640x128xf32, #tpu.memory_space<vmem_shared>>) dst(%dma_wait3A_69 : memref<640x128xf32, #tpu.memory_space<hbm>>)
      tpu.yield
    }) : () -> ()
    %eq3A_57 = arith.constant 0 : i32
    %eq3A_58 = arith.cmpi eq, %arg1, %eq3A_57 : i32
    %convert_element_type3A_59 = arith.extui %eq3A_58 : i1 to i32
    %cond3A_60 = arith.constant 0 : i32
    %cond3A_61 = arith.cmpi ne, %convert_element_type3A_59, %cond3A_60 : i32
    scf.if %cond3A_61 {
      "tpu.region"() ({
        %run_scoped3A = tpu.sem_alloc : memref<!tpu.dma_semaphore, #tpu.memory_space<semaphore_mem>>
        %dma_start3A_62 = arith.constant 0 : i32
        %dma_start3A_63 = arith.constant 0 : i32
        %dma_start3A_64 = tpu.memref_slice %arg8[%arg0, %dma_start3A_62, %dma_start3A_63] : memref<2x80x128xf32, #tpu.memory_space<hbm>> -> memref<1x80x128xf32, #tpu.memory_space<hbm>>
        %dma_start3A_65 = tpu.memref_squeeze %dma_start3A_64 : memref<1x80x128xf32, #tpu.memory_space<hbm>> -> memref<80x128xf32, #tpu.memory_space<hbm>>
        tpu.enqueue_dma source(%arg10 : memref<80x128xf32, #tpu.memory_space<vmem_shared>>) target(%dma_start3A_65 : memref<80x128xf32, #tpu.memory_space<hbm>>) target_semaphore(%run_scoped3A : memref<!tpu.dma_semaphore, #tpu.memory_space<semaphore_mem>>)
        %dma_wait3A_66 = arith.constant 0 : i32
        %dma_wait3A_67 = arith.constant 0 : i32
        %dma_wait3A_68 = tpu.memref_slice %arg8[%arg0, %dma_wait3A_66, %dma_wait3A_67] : memref<2x80x128xf32, #tpu.memory_space<hbm>> -> memref<1x80x128xf32, #tpu.memory_space<hbm>>
        %dma_wait3A_69 = tpu.memref_squeeze %dma_wait3A_68 : memref<1x80x128xf32, #tpu.memory_space<hbm>> -> memref<80x128xf32, #tpu.memory_space<hbm>>
        tpu.wait_dma2 semaphore(%run_scoped3A : memref<!tpu.dma_semaphore, #tpu.memory_space<semaphore_mem>>) src(%arg10 : memref<80x128xf32, #tpu.memory_space<vmem_shared>>) dst(%dma_wait3A_69 : memref<80x128xf32, #tpu.memory_space<hbm>>)
        tpu.yield
      }) : () -> ()
    } else {
    }
    return
  }
}

#map = affine_map<(d0, d1) -> (0, 0)>
#map1 = affine_map<(d0, d1) -> (0, 0, 0)>
module attributes {stable_mosaic.version = 14 : i64} {
  func.func @_gather_k(%arg0: i32, %arg1: i32, %arg2: memref<10000x128xf32, #tpu.memory_space<hbm>>, %arg3: memref<32x40x128xi32, #tpu.memory_space<hbm>>, %arg4: memref<163840x128xf32, #tpu.memory_space<hbm>>, %arg5: memref<40x128xi32, #tpu.memory_space<vmem>>, %arg6: memref<4x128x128xf32, #tpu.memory_space<vmem>>, %arg7: memref<!tpu.dma_semaphore, #tpu.memory_space<semaphore_mem>>, %arg8: memref<!tpu.dma_semaphore, #tpu.memory_space<semaphore_mem>>, %arg9: memref<!tpu.dma_semaphore, #tpu.memory_space<semaphore_mem>>, %arg10: memref<!tpu.dma_semaphore, #tpu.memory_space<semaphore_mem>>, %arg11: memref<!tpu.dma_semaphore, #tpu.memory_space<semaphore_mem>>, %arg12: memref<!tpu.dma_semaphore, #tpu.memory_space<semaphore_mem>>, %arg13: memref<!tpu.dma_semaphore, #tpu.memory_space<semaphore_mem>>, %arg14: memref<!tpu.dma_semaphore, #tpu.memory_space<semaphore_mem>>) attributes {dimension_semantics = [#tpu.dimension_semantics<core_parallel>, #tpu.dimension_semantics<subcore_parallel>], iteration_bounds = array<i64: 2, 16>, scalar_prefetch = 0 : i64, scratch_operands = 10 : i64, tpu.core_type = #tpu.core_type<sc_vector_subcore>, window_params = [{transform_indices = #map}, {transform_indices = #map1}, {transform_indices = #map}]} {
    %mul3A = arith.constant 2 : i32
    %mul3A_0 = arith.muli %arg1, %mul3A : i32
    %add3A = arith.addi %mul3A_0, %arg0 : i32
    "tpu.region"() ({
      %run_scoped3A = tpu.sem_alloc : memref<!tpu.dma_semaphore, #tpu.memory_space<semaphore_mem>>
      %dma_start3A_71 = arith.constant 0 : i32
      %dma_start3A_72 = arith.constant 0 : i32
      %dma_start3A_73 = tpu.memref_slice %arg3[%add3A, %dma_start3A_71, %dma_start3A_72] : memref<32x40x128xi32, #tpu.memory_space<hbm>> -> memref<1x40x128xi32, #tpu.memory_space<hbm>>
      %dma_start3A_74 = tpu.memref_squeeze %dma_start3A_73 : memref<1x40x128xi32, #tpu.memory_space<hbm>> -> memref<40x128xi32, #tpu.memory_space<hbm>>
      %dma_start3A_75 = arith.constant 0 : i32
      %dma_start3A_76 = arith.constant 0 : i32
      %dma_start3A_77 = tpu.memref_slice %arg3[%add3A, %dma_start3A_75, %dma_start3A_76] : memref<32x40x128xi32, #tpu.memory_space<hbm>> -> memref<1x40x128xi32, #tpu.memory_space<hbm>>
      %dma_start3A_78 = tpu.memref_squeeze %dma_start3A_77 : memref<1x40x128xi32, #tpu.memory_space<hbm>> -> memref<40x128xi32, #tpu.memory_space<hbm>>
      tpu.enqueue_dma source(%dma_start3A_78 : memref<40x128xi32, #tpu.memory_space<hbm>>) target(%arg5 : memref<40x128xi32, #tpu.memory_space<vmem>>) target_semaphore(%run_scoped3A : memref<!tpu.dma_semaphore, #tpu.memory_space<semaphore_mem>>)
      %dma_wait3A_79 = arith.constant 0 : i32
      %dma_wait3A_80 = arith.constant 0 : i32
      %dma_wait3A_81 = tpu.memref_slice %arg3[%add3A, %dma_wait3A_79, %dma_wait3A_80] : memref<32x40x128xi32, #tpu.memory_space<hbm>> -> memref<1x40x128xi32, #tpu.memory_space<hbm>>
      %dma_wait3A_82 = tpu.memref_squeeze %dma_wait3A_81 : memref<1x40x128xi32, #tpu.memory_space<hbm>> -> memref<40x128xi32, #tpu.memory_space<hbm>>
      %dma_wait3A_83 = arith.constant 0 : i32
      %dma_wait3A_84 = arith.constant 0 : i32
      %dma_wait3A_85 = tpu.memref_slice %arg3[%add3A, %dma_wait3A_83, %dma_wait3A_84] : memref<32x40x128xi32, #tpu.memory_space<hbm>> -> memref<1x40x128xi32, #tpu.memory_space<hbm>>
      %dma_wait3A_86 = tpu.memref_squeeze %dma_wait3A_85 : memref<1x40x128xi32, #tpu.memory_space<hbm>> -> memref<40x128xi32, #tpu.memory_space<hbm>>
      tpu.wait_dma2 semaphore(%run_scoped3A : memref<!tpu.dma_semaphore, #tpu.memory_space<semaphore_mem>>) src(%dma_wait3A_86 : memref<40x128xi32, #tpu.memory_space<hbm>>) dst(%arg5 : memref<40x128xi32, #tpu.memory_space<vmem>>)
      tpu.yield
    }) : () -> ()
    %dma_start3A = arith.constant 0 : i32
    %dma_start3A_1 = arith.constant 0 : i32
    %dma_start3A_2 = arith.constant 0 : i32
    %dma_start3A_3 = arith.constant 0 : i32
    %dma_start3A_4 = tpu.memref_slice %arg6[%dma_start3A_1, %dma_start3A_2, %dma_start3A_3] : memref<4x128x128xf32, #tpu.memory_space<vmem>> -> memref<1x128x128xf32, #tpu.memory_space<vmem>>
    %dma_start3A_5 = tpu.memref_squeeze %dma_start3A_4 : memref<1x128x128xf32, #tpu.memory_space<vmem>> -> memref<128x128xf32, #tpu.memory_space<vmem>>
    %dma_start3A_6 = arith.constant 0 : i32
    %dma_start3A_7 = tpu.memref_slice %arg5[%dma_start3A, %dma_start3A_6] : memref<40x128xi32, #tpu.memory_space<vmem>> -> memref<1x128xi32, #tpu.memory_space<vmem>>
    %dma_start3A_8 = tpu.memref_squeeze %dma_start3A_7 : memref<1x128xi32, #tpu.memory_space<vmem>> -> memref<128xi32, #tpu.memory_space<vmem>>
    %dma_start3A_9 = arith.constant 0 : i32
    %dma_start3A_10 = arith.constant 0 : i32
    %dma_start3A_11 = tpu.memref_slice %arg2[%dma_start3A_9, %dma_start3A_10] : memref<10000x128xf32, #tpu.memory_space<hbm>> -> memref<10000x128xf32, #tpu.memory_space<hbm>>
    tpu.enqueue_indirect_dma source(%dma_start3A_11 : memref<10000x128xf32, #tpu.memory_space<hbm>>) target(%dma_start3A_5 : memref<128x128xf32, #tpu.memory_space<vmem>>) offsets(%dma_start3A_8 : memref<128xi32, #tpu.memory_space<vmem>>) semaphore(%arg7 : memref<!tpu.dma_semaphore, #tpu.memory_space<semaphore_mem>>)
    %dma_start3A_12 = arith.constant 1 : i32
    %dma_start3A_13 = arith.constant 1 : i32
    %dma_start3A_14 = arith.constant 0 : i32
    %dma_start3A_15 = arith.constant 0 : i32
    %dma_start3A_16 = tpu.memref_slice %arg6[%dma_start3A_13, %dma_start3A_14, %dma_start3A_15] : memref<4x128x128xf32, #tpu.memory_space<vmem>> -> memref<1x128x128xf32, #tpu.memory_space<vmem>>
    %dma_start3A_17 = tpu.memref_squeeze %dma_start3A_16 : memref<1x128x128xf32, #tpu.memory_space<vmem>> -> memref<128x128xf32, #tpu.memory_space<vmem>>
    %dma_start3A_18 = arith.constant 0 : i32
    %dma_start3A_19 = tpu.memref_slice %arg5[%dma_start3A_12, %dma_start3A_18] : memref<40x128xi32, #tpu.memory_space<vmem>> -> memref<1x128xi32, #tpu.memory_space<vmem>>
    %dma_start3A_20 = tpu.memref_squeeze %dma_start3A_19 : memref<1x128xi32, #tpu.memory_space<vmem>> -> memref<128xi32, #tpu.memory_space<vmem>>
    %dma_start3A_21 = arith.constant 0 : i32
    %dma_start3A_22 = arith.constant 0 : i32
    %dma_start3A_23 = tpu.memref_slice %arg2[%dma_start3A_21, %dma_start3A_22] : memref<10000x128xf32, #tpu.memory_space<hbm>> -> memref<10000x128xf32, #tpu.memory_space<hbm>>
    tpu.enqueue_indirect_dma source(%dma_start3A_23 : memref<10000x128xf32, #tpu.memory_space<hbm>>) target(%dma_start3A_17 : memref<128x128xf32, #tpu.memory_space<vmem>>) offsets(%dma_start3A_20 : memref<128xi32, #tpu.memory_space<vmem>>) semaphore(%arg8 : memref<!tpu.dma_semaphore, #tpu.memory_space<semaphore_mem>>)
    %dma_start3A_24 = arith.constant 2 : i32
    %dma_start3A_25 = arith.constant 2 : i32
    %dma_start3A_26 = arith.constant 0 : i32
    %dma_start3A_27 = arith.constant 0 : i32
    %dma_start3A_28 = tpu.memref_slice %arg6[%dma_start3A_25, %dma_start3A_26, %dma_start3A_27] : memref<4x128x128xf32, #tpu.memory_space<vmem>> -> memref<1x128x128xf32, #tpu.memory_space<vmem>>
    %dma_start3A_29 = tpu.memref_squeeze %dma_start3A_28 : memref<1x128x128xf32, #tpu.memory_space<vmem>> -> memref<128x128xf32, #tpu.memory_space<vmem>>
    %dma_start3A_30 = arith.constant 0 : i32
    %dma_start3A_31 = tpu.memref_slice %arg5[%dma_start3A_24, %dma_start3A_30] : memref<40x128xi32, #tpu.memory_space<vmem>> -> memref<1x128xi32, #tpu.memory_space<vmem>>
    %dma_start3A_32 = tpu.memref_squeeze %dma_start3A_31 : memref<1x128xi32, #tpu.memory_space<vmem>> -> memref<128xi32, #tpu.memory_space<vmem>>
    %dma_start3A_33 = arith.constant 0 : i32
    %dma_start3A_34 = arith.constant 0 : i32
    %dma_start3A_35 = tpu.memref_slice %arg2[%dma_start3A_33, %dma_start3A_34] : memref<10000x128xf32, #tpu.memory_space<hbm>> -> memref<10000x128xf32, #tpu.memory_space<hbm>>
    tpu.enqueue_indirect_dma source(%dma_start3A_35 : memref<10000x128xf32, #tpu.memory_space<hbm>>) target(%dma_start3A_29 : memref<128x128xf32, #tpu.memory_space<vmem>>) offsets(%dma_start3A_32 : memref<128xi32, #tpu.memory_space<vmem>>) semaphore(%arg9 : memref<!tpu.dma_semaphore, #tpu.memory_space<semaphore_mem>>)
    %sub3A = arith.constant 40 : i32
    %sub3A_36 = arith.constant 0 : i32
    %sub3A_37 = arith.subi %sub3A, %sub3A_36 : i32
    %sub3A_38 = arith.constant 4 : i32
    %sub3A_39 = arith.constant 1 : i32
    %sub3A_40 = arith.subi %sub3A_38, %sub3A_39 : i32
    %add3A_41 = arith.addi %sub3A_37, %sub3A_40 : i32
    %div3A = arith.constant 4 : i32
    %div3A_42 = arith.divsi %add3A_41, %div3A : i32
    %while3A = arith.constant 4 : i32
    %while3A_43 = arith.constant 0 : i32
    %while3A_44 = arith.constant 0 : i32
    %while3A_45 = arith.subi %div3A_42, %while3A_44 : i32
    %while3A_46 = arith.addi %while3A_44, %while3A_45 : i32
    %while3A_47 = arith.constant 1 : i32
    %while3A_48 = arith.divsi %while3A_45, %while3A_47 : i32
    %while3A_49 = arith.muli %while3A_48, %while3A_47 : i32
    %while3A_50 = arith.addi %while3A_44, %while3A_49 : i32
    %while3A_51 = arith.constant 1 : i32
    scf.for %while3A_71 = %while3A_44 to %while3A_50 step %while3A_51  : i32 {
      %mul3A_72 = arith.muli %while3A_71, %while3A : i32
      %add3A_73 = arith.addi %while3A_43, %mul3A_72 : i32
      %add3A_74 = arith.constant 0 : i32
      %add3A_75 = arith.addi %add3A_73, %add3A_74 : i32
      %dma_wait3A_76 = arith.constant 0 : i32
      %dma_wait3A_77 = arith.constant 0 : i32
      %dma_wait3A_78 = arith.constant 0 : i32
      %dma_wait3A_79 = tpu.memref_slice %arg6[%dma_wait3A_76, %dma_wait3A_77, %dma_wait3A_78] : memref<4x128x128xf32, #tpu.memory_space<vmem>> -> memref<1x128x128xf32, #tpu.memory_space<vmem>>
      %dma_wait3A_80 = tpu.memref_squeeze %dma_wait3A_79 : memref<1x128x128xf32, #tpu.memory_space<vmem>> -> memref<128x128xf32, #tpu.memory_space<vmem>>
      %dma_wait3A_81 = arith.constant 0 : i32
      %dma_wait3A_82 = tpu.memref_slice %arg5[%add3A_75, %dma_wait3A_81] : memref<40x128xi32, #tpu.memory_space<vmem>> -> memref<1x128xi32, #tpu.memory_space<vmem>>
      %dma_wait3A_83 = tpu.memref_squeeze %dma_wait3A_82 : memref<1x128xi32, #tpu.memory_space<vmem>> -> memref<128xi32, #tpu.memory_space<vmem>>
      %dma_wait3A_84 = arith.constant 0 : i32
      %dma_wait3A_85 = arith.constant 0 : i32
      %dma_wait3A_86 = tpu.memref_slice %arg2[%dma_wait3A_84, %dma_wait3A_85] : memref<10000x128xf32, #tpu.memory_space<hbm>> -> memref<10000x128xf32, #tpu.memory_space<hbm>>
      tpu.wait_indirect_dma semaphore(%arg7 : memref<!tpu.dma_semaphore, #tpu.memory_space<semaphore_mem>>) src(%dma_wait3A_86 : memref<10000x128xf32, #tpu.memory_space<hbm>>) dst(%dma_wait3A_80 : memref<128x128xf32, #tpu.memory_space<vmem>>)
      %mul3A_87 = arith.constant 5120 : i32
      %mul3A_88 = arith.muli %add3A, %mul3A_87 : i32
      %mul3A_89 = arith.constant 128 : i32
      %mul3A_90 = arith.muli %add3A_75, %mul3A_89 : i32
      %add3A_91 = arith.addi %mul3A_88, %mul3A_90 : i32
      %dma_start3A_92 = arith.constant 0 : i32
      %dma_start3A_93 = arith.constant 0 : i32
      %dma_start3A_94 = arith.constant 0 : i32
      %dma_start3A_95 = tpu.memref_slice %arg6[%dma_start3A_92, %dma_start3A_93, %dma_start3A_94] : memref<4x128x128xf32, #tpu.memory_space<vmem>> -> memref<1x128x128xf32, #tpu.memory_space<vmem>>
      %dma_start3A_96 = tpu.memref_squeeze %dma_start3A_95 : memref<1x128x128xf32, #tpu.memory_space<vmem>> -> memref<128x128xf32, #tpu.memory_space<vmem>>
      %dma_start3A_97 = arith.constant 0 : i32
      %dma_start3A_98 = tpu.memref_slice %arg4[%add3A_91, %dma_start3A_97] : memref<163840x128xf32, #tpu.memory_space<hbm>> -> memref<128x128xf32, #tpu.memory_space<hbm>>
      %dma_start3A_99 = arith.constant 0 : i32
      %dma_start3A_100 = tpu.memref_slice %arg4[%add3A_91, %dma_start3A_99] : memref<163840x128xf32, #tpu.memory_space<hbm>> -> memref<128x128xf32, #tpu.memory_space<hbm>>
      %dma_start3A_101 = arith.constant 0 : i32
      %dma_start3A_102 = arith.constant 0 : i32
      %dma_start3A_103 = tpu.memref_slice %arg6[%dma_start3A_92, %dma_start3A_101, %dma_start3A_102] : memref<4x128x128xf32, #tpu.memory_space<vmem>> -> memref<1x128x128xf32, #tpu.memory_space<vmem>>
      %dma_start3A_104 = tpu.memref_squeeze %dma_start3A_103 : memref<1x128x128xf32, #tpu.memory_space<vmem>> -> memref<128x128xf32, #tpu.memory_space<vmem>>
      tpu.enqueue_dma source(%dma_start3A_104 : memref<128x128xf32, #tpu.memory_space<vmem>>) target(%dma_start3A_100 : memref<128x128xf32, #tpu.memory_space<hbm>>) target_semaphore(%arg11 : memref<!tpu.dma_semaphore, #tpu.memory_space<semaphore_mem>>)
      %ge3A = arith.constant 1 : i32
      %ge3A_105 = arith.cmpi sge, %add3A_75, %ge3A : i32
      %convert_element_type3A = arith.extui %ge3A_105 : i1 to i32
      %cond3A = arith.constant 0 : i32
      %cond3A_106 = arith.cmpi ne, %convert_element_type3A, %cond3A : i32
      scf.if %cond3A_106 {
        %sub3A_242 = arith.constant 1 : i32
        %sub3A_243 = arith.subi %add3A_75, %sub3A_242 : i32
        %mul3A_244 = arith.constant 5120 : i32
        %mul3A_245 = arith.muli %add3A, %mul3A_244 : i32
        %mul3A_246 = arith.constant 128 : i32
        %mul3A_247 = arith.muli %sub3A_243, %mul3A_246 : i32
        %add3A_248 = arith.addi %mul3A_245, %mul3A_247 : i32
        %dma_wait3A_249 = arith.constant 3 : i32
        %dma_wait3A_250 = arith.constant 0 : i32
        %dma_wait3A_251 = arith.constant 0 : i32
        %dma_wait3A_252 = tpu.memref_slice %arg6[%dma_wait3A_249, %dma_wait3A_250, %dma_wait3A_251] : memref<4x128x128xf32, #tpu.memory_space<vmem>> -> memref<1x128x128xf32, #tpu.memory_space<vmem>>
        %dma_wait3A_253 = tpu.memref_squeeze %dma_wait3A_252 : memref<1x128x128xf32, #tpu.memory_space<vmem>> -> memref<128x128xf32, #tpu.memory_space<vmem>>
        %dma_wait3A_254 = arith.constant 0 : i32
        %dma_wait3A_255 = tpu.memref_slice %arg4[%add3A_248, %dma_wait3A_254] : memref<163840x128xf32, #tpu.memory_space<hbm>> -> memref<128x128xf32, #tpu.memory_space<hbm>>
        %dma_wait3A_256 = arith.constant 0 : i32
        %dma_wait3A_257 = tpu.memref_slice %arg4[%add3A_248, %dma_wait3A_256] : memref<163840x128xf32, #tpu.memory_space<hbm>> -> memref<128x128xf32, #tpu.memory_space<hbm>>
        %dma_wait3A_258 = arith.constant 0 : i32
        %dma_wait3A_259 = arith.constant 0 : i32
        %dma_wait3A_260 = tpu.memref_slice %arg6[%dma_wait3A_249, %dma_wait3A_258, %dma_wait3A_259] : memref<4x128x128xf32, #tpu.memory_space<vmem>> -> memref<1x128x128xf32, #tpu.memory_space<vmem>>
        %dma_wait3A_261 = tpu.memref_squeeze %dma_wait3A_260 : memref<1x128x128xf32, #tpu.memory_space<vmem>> -> memref<128x128xf32, #tpu.memory_space<vmem>>
        tpu.wait_dma2 semaphore(%arg14 : memref<!tpu.dma_semaphore, #tpu.memory_space<semaphore_mem>>) src(%dma_wait3A_261 : memref<128x128xf32, #tpu.memory_space<vmem>>) dst(%dma_wait3A_257 : memref<128x128xf32, #tpu.memory_space<hbm>>)
      } else {
      }
      %add3A_107 = arith.constant 3 : i32
      %add3A_108 = arith.addi %add3A_75, %add3A_107 : i32
      %lt3A = arith.constant 40 : i32
      %lt3A_109 = arith.cmpi slt, %add3A_108, %lt3A : i32
      %convert_element_type3A_110 = arith.extui %lt3A_109 : i1 to i32
      %cond3A_111 = arith.constant 0 : i32
      %cond3A_112 = arith.cmpi ne, %convert_element_type3A_110, %cond3A_111 : i32
      scf.if %cond3A_112 {
        %add3A_242 = arith.constant 3 : i32
        %add3A_243 = arith.addi %add3A_75, %add3A_242 : i32
        %dma_start3A_244 = arith.constant 3 : i32
        %dma_start3A_245 = arith.constant 0 : i32
        %dma_start3A_246 = arith.constant 0 : i32
        %dma_start3A_247 = tpu.memref_slice %arg6[%dma_start3A_244, %dma_start3A_245, %dma_start3A_246] : memref<4x128x128xf32, #tpu.memory_space<vmem>> -> memref<1x128x128xf32, #tpu.memory_space<vmem>>
        %dma_start3A_248 = tpu.memref_squeeze %dma_start3A_247 : memref<1x128x128xf32, #tpu.memory_space<vmem>> -> memref<128x128xf32, #tpu.memory_space<vmem>>
        %dma_start3A_249 = arith.constant 0 : i32
        %dma_start3A_250 = tpu.memref_slice %arg5[%add3A_243, %dma_start3A_249] : memref<40x128xi32, #tpu.memory_space<vmem>> -> memref<1x128xi32, #tpu.memory_space<vmem>>
        %dma_start3A_251 = tpu.memref_squeeze %dma_start3A_250 : memref<1x128xi32, #tpu.memory_space<vmem>> -> memref<128xi32, #tpu.memory_space<vmem>>
        %dma_start3A_252 = arith.constant 0 : i32
        %dma_start3A_253 = arith.constant 0 : i32
        %dma_start3A_254 = tpu.memref_slice %arg2[%dma_start3A_252, %dma_start3A_253] : memref<10000x128xf32, #tpu.memory_space<hbm>> -> memref<10000x128xf32, #tpu.memory_space<hbm>>
        tpu.enqueue_indirect_dma source(%dma_start3A_254 : memref<10000x128xf32, #tpu.memory_space<hbm>>) target(%dma_start3A_248 : memref<128x128xf32, #tpu.memory_space<vmem>>) offsets(%dma_start3A_251 : memref<128xi32, #tpu.memory_space<vmem>>) semaphore(%arg10 : memref<!tpu.dma_semaphore, #tpu.memory_space<semaphore_mem>>)
      } else {
      }
      %add3A_113 = arith.constant 1 : i32
      %add3A_114 = arith.addi %add3A_73, %add3A_113 : i32
      %dma_wait3A_115 = arith.constant 1 : i32
      %dma_wait3A_116 = arith.constant 0 : i32
      %dma_wait3A_117 = arith.constant 0 : i32
      %dma_wait3A_118 = tpu.memref_slice %arg6[%dma_wait3A_115, %dma_wait3A_116, %dma_wait3A_117] : memref<4x128x128xf32, #tpu.memory_space<vmem>> -> memref<1x128x128xf32, #tpu.memory_space<vmem>>
      %dma_wait3A_119 = tpu.memref_squeeze %dma_wait3A_118 : memref<1x128x128xf32, #tpu.memory_space<vmem>> -> memref<128x128xf32, #tpu.memory_space<vmem>>
      %dma_wait3A_120 = arith.constant 0 : i32
      %dma_wait3A_121 = tpu.memref_slice %arg5[%add3A_114, %dma_wait3A_120] : memref<40x128xi32, #tpu.memory_space<vmem>> -> memref<1x128xi32, #tpu.memory_space<vmem>>
      %dma_wait3A_122 = tpu.memref_squeeze %dma_wait3A_121 : memref<1x128xi32, #tpu.memory_space<vmem>> -> memref<128xi32, #tpu.memory_space<vmem>>
      %dma_wait3A_123 = arith.constant 0 : i32
      %dma_wait3A_124 = arith.constant 0 : i32
      %dma_wait3A_125 = tpu.memref_slice %arg2[%dma_wait3A_123, %dma_wait3A_124] : memref<10000x128xf32, #tpu.memory_space<hbm>> -> memref<10000x128xf32, #tpu.memory_space<hbm>>
      tpu.wait_indirect_dma semaphore(%arg8 : memref<!tpu.dma_semaphore, #tpu.memory_space<semaphore_mem>>) src(%dma_wait3A_125 : memref<10000x128xf32, #tpu.memory_space<hbm>>) dst(%dma_wait3A_119 : memref<128x128xf32, #tpu.memory_space<vmem>>)
      %mul3A_126 = arith.constant 5120 : i32
      %mul3A_127 = arith.muli %add3A, %mul3A_126 : i32
      %mul3A_128 = arith.constant 128 : i32
      %mul3A_129 = arith.muli %add3A_114, %mul3A_128 : i32
      %add3A_130 = arith.addi %mul3A_127, %mul3A_129 : i32
      %dma_start3A_131 = arith.constant 1 : i32
      %dma_start3A_132 = arith.constant 0 : i32
      %dma_start3A_133 = arith.constant 0 : i32
      %dma_start3A_134 = tpu.memref_slice %arg6[%dma_start3A_131, %dma_start3A_132, %dma_start3A_133] : memref<4x128x128xf32, #tpu.memory_space<vmem>> -> memref<1x128x128xf32, #tpu.memory_space<vmem>>
      %dma_start3A_135 = tpu.memref_squeeze %dma_start3A_134 : memref<1x128x128xf32, #tpu.memory_space<vmem>> -> memref<128x128xf32, #tpu.memory_space<vmem>>
      %dma_start3A_136 = arith.constant 0 : i32
      %dma_start3A_137 = tpu.memref_slice %arg4[%add3A_130, %dma_start3A_136] : memref<163840x128xf32, #tpu.memory_space<hbm>> -> memref<128x128xf32, #tpu.memory_space<hbm>>
      %dma_start3A_138 = arith.constant 0 : i32
      %dma_start3A_139 = tpu.memref_slice %arg4[%add3A_130, %dma_start3A_138] : memref<163840x128xf32, #tpu.memory_space<hbm>> -> memref<128x128xf32, #tpu.memory_space<hbm>>
      %dma_start3A_140 = arith.constant 0 : i32
      %dma_start3A_141 = arith.constant 0 : i32
      %dma_start3A_142 = tpu.memref_slice %arg6[%dma_start3A_131, %dma_start3A_140, %dma_start3A_141] : memref<4x128x128xf32, #tpu.memory_space<vmem>> -> memref<1x128x128xf32, #tpu.memory_space<vmem>>
      %dma_start3A_143 = tpu.memref_squeeze %dma_start3A_142 : memref<1x128x128xf32, #tpu.memory_space<vmem>> -> memref<128x128xf32, #tpu.memory_space<vmem>>
      tpu.enqueue_dma source(%dma_start3A_143 : memref<128x128xf32, #tpu.memory_space<vmem>>) target(%dma_start3A_139 : memref<128x128xf32, #tpu.memory_space<hbm>>) target_semaphore(%arg12 : memref<!tpu.dma_semaphore, #tpu.memory_space<semaphore_mem>>)
      %ge3A_144 = arith.constant 1 : i32
      %ge3A_145 = arith.cmpi sge, %add3A_114, %ge3A_144 : i32
      %convert_element_type3A_146 = arith.extui %ge3A_145 : i1 to i32
      %cond3A_147 = arith.constant 0 : i32
      %cond3A_148 = arith.cmpi ne, %convert_element_type3A_146, %cond3A_147 : i32
      scf.if %cond3A_148 {
        %sub3A_242 = arith.constant 1 : i32
        %sub3A_243 = arith.subi %add3A_114, %sub3A_242 : i32
        %mul3A_244 = arith.constant 5120 : i32
        %mul3A_245 = arith.muli %add3A, %mul3A_244 : i32
        %mul3A_246 = arith.constant 128 : i32
        %mul3A_247 = arith.muli %sub3A_243, %mul3A_246 : i32
        %add3A_248 = arith.addi %mul3A_245, %mul3A_247 : i32
        %dma_wait3A_249 = arith.constant 0 : i32
        %dma_wait3A_250 = arith.constant 0 : i32
        %dma_wait3A_251 = arith.constant 0 : i32
        %dma_wait3A_252 = tpu.memref_slice %arg6[%dma_wait3A_249, %dma_wait3A_250, %dma_wait3A_251] : memref<4x128x128xf32, #tpu.memory_space<vmem>> -> memref<1x128x128xf32, #tpu.memory_space<vmem>>
        %dma_wait3A_253 = tpu.memref_squeeze %dma_wait3A_252 : memref<1x128x128xf32, #tpu.memory_space<vmem>> -> memref<128x128xf32, #tpu.memory_space<vmem>>
        %dma_wait3A_254 = arith.constant 0 : i32
        %dma_wait3A_255 = tpu.memref_slice %arg4[%add3A_248, %dma_wait3A_254] : memref<163840x128xf32, #tpu.memory_space<hbm>> -> memref<128x128xf32, #tpu.memory_space<hbm>>
        %dma_wait3A_256 = arith.constant 0 : i32
        %dma_wait3A_257 = tpu.memref_slice %arg4[%add3A_248, %dma_wait3A_256] : memref<163840x128xf32, #tpu.memory_space<hbm>> -> memref<128x128xf32, #tpu.memory_space<hbm>>
        %dma_wait3A_258 = arith.constant 0 : i32
        %dma_wait3A_259 = arith.constant 0 : i32
        %dma_wait3A_260 = tpu.memref_slice %arg6[%dma_wait3A_249, %dma_wait3A_258, %dma_wait3A_259] : memref<4x128x128xf32, #tpu.memory_space<vmem>> -> memref<1x128x128xf32, #tpu.memory_space<vmem>>
        %dma_wait3A_261 = tpu.memref_squeeze %dma_wait3A_260 : memref<1x128x128xf32, #tpu.memory_space<vmem>> -> memref<128x128xf32, #tpu.memory_space<vmem>>
        tpu.wait_dma2 semaphore(%arg11 : memref<!tpu.dma_semaphore, #tpu.memory_space<semaphore_mem>>) src(%dma_wait3A_261 : memref<128x128xf32, #tpu.memory_space<vmem>>) dst(%dma_wait3A_257 : memref<128x128xf32, #tpu.memory_space<hbm>>)
      } else {
      }
      %add3A_149 = arith.constant 3 : i32
      %add3A_150 = arith.addi %add3A_114, %add3A_149 : i32
      %lt3A_151 = arith.constant 40 : i32
      %lt3A_152 = arith.cmpi slt, %add3A_150, %lt3A_151 : i32
      %convert_element_type3A_153 = arith.extui %lt3A_152 : i1 to i32
      %cond3A_154 = arith.constant 0 : i32
      %cond3A_155 = arith.cmpi ne, %convert_element_type3A_153, %cond3A_154 : i32
      scf.if %cond3A_155 {
        %add3A_242 = arith.constant 3 : i32
        %add3A_243 = arith.addi %add3A_114, %add3A_242 : i32
        %dma_start3A_244 = arith.constant 0 : i32
        %dma_start3A_245 = arith.constant 0 : i32
        %dma_start3A_246 = arith.constant 0 : i32
        %dma_start3A_247 = tpu.memref_slice %arg6[%dma_start3A_244, %dma_start3A_245, %dma_start3A_246] : memref<4x128x128xf32, #tpu.memory_space<vmem>> -> memref<1x128x128xf32, #tpu.memory_space<vmem>>
        %dma_start3A_248 = tpu.memref_squeeze %dma_start3A_247 : memref<1x128x128xf32, #tpu.memory_space<vmem>> -> memref<128x128xf32, #tpu.memory_space<vmem>>
        %dma_start3A_249 = arith.constant 0 : i32
        %dma_start3A_250 = tpu.memref_slice %arg5[%add3A_243, %dma_start3A_249] : memref<40x128xi32, #tpu.memory_space<vmem>> -> memref<1x128xi32, #tpu.memory_space<vmem>>
        %dma_start3A_251 = tpu.memref_squeeze %dma_start3A_250 : memref<1x128xi32, #tpu.memory_space<vmem>> -> memref<128xi32, #tpu.memory_space<vmem>>
        %dma_start3A_252 = arith.constant 0 : i32
        %dma_start3A_253 = arith.constant 0 : i32
        %dma_start3A_254 = tpu.memref_slice %arg2[%dma_start3A_252, %dma_start3A_253] : memref<10000x128xf32, #tpu.memory_space<hbm>> -> memref<10000x128xf32, #tpu.memory_space<hbm>>
        tpu.enqueue_indirect_dma source(%dma_start3A_254 : memref<10000x128xf32, #tpu.memory_space<hbm>>) target(%dma_start3A_248 : memref<128x128xf32, #tpu.memory_space<vmem>>) offsets(%dma_start3A_251 : memref<128xi32, #tpu.memory_space<vmem>>) semaphore(%arg7 : memref<!tpu.dma_semaphore, #tpu.memory_space<semaphore_mem>>)
      } else {
      }
      %add3A_156 = arith.constant 2 : i32
      %add3A_157 = arith.addi %add3A_73, %add3A_156 : i32
      %dma_wait3A_158 = arith.constant 2 : i32
      %dma_wait3A_159 = arith.constant 0 : i32
      %dma_wait3A_160 = arith.constant 0 : i32
      %dma_wait3A_161 = tpu.memref_slice %arg6[%dma_wait3A_158, %dma_wait3A_159, %dma_wait3A_160] : memref<4x128x128xf32, #tpu.memory_space<vmem>> -> memref<1x128x128xf32, #tpu.memory_space<vmem>>
      %dma_wait3A_162 = tpu.memref_squeeze %dma_wait3A_161 : memref<1x128x128xf32, #tpu.memory_space<vmem>> -> memref<128x128xf32, #tpu.memory_space<vmem>>
      %dma_wait3A_163 = arith.constant 0 : i32
      %dma_wait3A_164 = tpu.memref_slice %arg5[%add3A_157, %dma_wait3A_163] : memref<40x128xi32, #tpu.memory_space<vmem>> -> memref<1x128xi32, #tpu.memory_space<vmem>>
      %dma_wait3A_165 = tpu.memref_squeeze %dma_wait3A_164 : memref<1x128xi32, #tpu.memory_space<vmem>> -> memref<128xi32, #tpu.memory_space<vmem>>
      %dma_wait3A_166 = arith.constant 0 : i32
      %dma_wait3A_167 = arith.constant 0 : i32
      %dma_wait3A_168 = tpu.memref_slice %arg2[%dma_wait3A_166, %dma_wait3A_167] : memref<10000x128xf32, #tpu.memory_space<hbm>> -> memref<10000x128xf32, #tpu.memory_space<hbm>>
      tpu.wait_indirect_dma semaphore(%arg9 : memref<!tpu.dma_semaphore, #tpu.memory_space<semaphore_mem>>) src(%dma_wait3A_168 : memref<10000x128xf32, #tpu.memory_space<hbm>>) dst(%dma_wait3A_162 : memref<128x128xf32, #tpu.memory_space<vmem>>)
      %mul3A_169 = arith.constant 5120 : i32
      %mul3A_170 = arith.muli %add3A, %mul3A_169 : i32
      %mul3A_171 = arith.constant 128 : i32
      %mul3A_172 = arith.muli %add3A_157, %mul3A_171 : i32
      %add3A_173 = arith.addi %mul3A_170, %mul3A_172 : i32
      %dma_start3A_174 = arith.constant 2 : i32
      %dma_start3A_175 = arith.constant 0 : i32
      %dma_start3A_176 = arith.constant 0 : i32
      %dma_start3A_177 = tpu.memref_slice %arg6[%dma_start3A_174, %dma_start3A_175, %dma_start3A_176] : memref<4x128x128xf32, #tpu.memory_space<vmem>> -> memref<1x128x128xf32, #tpu.memory_space<vmem>>
      %dma_start3A_178 = tpu.memref_squeeze %dma_start3A_177 : memref<1x128x128xf32, #tpu.memory_space<vmem>> -> memref<128x128xf32, #tpu.memory_space<vmem>>
      %dma_start3A_179 = arith.constant 0 : i32
      %dma_start3A_180 = tpu.memref_slice %arg4[%add3A_173, %dma_start3A_179] : memref<163840x128xf32, #tpu.memory_space<hbm>> -> memref<128x128xf32, #tpu.memory_space<hbm>>
      %dma_start3A_181 = arith.constant 0 : i32
      %dma_start3A_182 = tpu.memref_slice %arg4[%add3A_173, %dma_start3A_181] : memref<163840x128xf32, #tpu.memory_space<hbm>> -> memref<128x128xf32, #tpu.memory_space<hbm>>
      %dma_start3A_183 = arith.constant 0 : i32
      %dma_start3A_184 = arith.constant 0 : i32
      %dma_start3A_185 = tpu.memref_slice %arg6[%dma_start3A_174, %dma_start3A_183, %dma_start3A_184] : memref<4x128x128xf32, #tpu.memory_space<vmem>> -> memref<1x128x128xf32, #tpu.memory_space<vmem>>
      %dma_start3A_186 = tpu.memref_squeeze %dma_start3A_185 : memref<1x128x128xf32, #tpu.memory_space<vmem>> -> memref<128x128xf32, #tpu.memory_space<vmem>>
      tpu.enqueue_dma source(%dma_start3A_186 : memref<128x128xf32, #tpu.memory_space<vmem>>) target(%dma_start3A_182 : memref<128x128xf32, #tpu.memory_space<hbm>>) target_semaphore(%arg13 : memref<!tpu.dma_semaphore, #tpu.memory_space<semaphore_mem>>)
      %ge3A_187 = arith.constant 1 : i32
      %ge3A_188 = arith.cmpi sge, %add3A_157, %ge3A_187 : i32
      %convert_element_type3A_189 = arith.extui %ge3A_188 : i1 to i32
      %cond3A_190 = arith.constant 0 : i32
      %cond3A_191 = arith.cmpi ne, %convert_element_type3A_189, %cond3A_190 : i32
      scf.if %cond3A_191 {
        %sub3A_242 = arith.constant 1 : i32
        %sub3A_243 = arith.subi %add3A_157, %sub3A_242 : i32
        %mul3A_244 = arith.constant 5120 : i32
        %mul3A_245 = arith.muli %add3A, %mul3A_244 : i32
        %mul3A_246 = arith.constant 128 : i32
        %mul3A_247 = arith.muli %sub3A_243, %mul3A_246 : i32
        %add3A_248 = arith.addi %mul3A_245, %mul3A_247 : i32
        %dma_wait3A_249 = arith.constant 1 : i32
        %dma_wait3A_250 = arith.constant 0 : i32
        %dma_wait3A_251 = arith.constant 0 : i32
        %dma_wait3A_252 = tpu.memref_slice %arg6[%dma_wait3A_249, %dma_wait3A_250, %dma_wait3A_251] : memref<4x128x128xf32, #tpu.memory_space<vmem>> -> memref<1x128x128xf32, #tpu.memory_space<vmem>>
        %dma_wait3A_253 = tpu.memref_squeeze %dma_wait3A_252 : memref<1x128x128xf32, #tpu.memory_space<vmem>> -> memref<128x128xf32, #tpu.memory_space<vmem>>
        %dma_wait3A_254 = arith.constant 0 : i32
        %dma_wait3A_255 = tpu.memref_slice %arg4[%add3A_248, %dma_wait3A_254] : memref<163840x128xf32, #tpu.memory_space<hbm>> -> memref<128x128xf32, #tpu.memory_space<hbm>>
        %dma_wait3A_256 = arith.constant 0 : i32
        %dma_wait3A_257 = tpu.memref_slice %arg4[%add3A_248, %dma_wait3A_256] : memref<163840x128xf32, #tpu.memory_space<hbm>> -> memref<128x128xf32, #tpu.memory_space<hbm>>
        %dma_wait3A_258 = arith.constant 0 : i32
        %dma_wait3A_259 = arith.constant 0 : i32
        %dma_wait3A_260 = tpu.memref_slice %arg6[%dma_wait3A_249, %dma_wait3A_258, %dma_wait3A_259] : memref<4x128x128xf32, #tpu.memory_space<vmem>> -> memref<1x128x128xf32, #tpu.memory_space<vmem>>
        %dma_wait3A_261 = tpu.memref_squeeze %dma_wait3A_260 : memref<1x128x128xf32, #tpu.memory_space<vmem>> -> memref<128x128xf32, #tpu.memory_space<vmem>>
        tpu.wait_dma2 semaphore(%arg12 : memref<!tpu.dma_semaphore, #tpu.memory_space<semaphore_mem>>) src(%dma_wait3A_261 : memref<128x128xf32, #tpu.memory_space<vmem>>) dst(%dma_wait3A_257 : memref<128x128xf32, #tpu.memory_space<hbm>>)
      } else {
      }
      %add3A_192 = arith.constant 3 : i32
      %add3A_193 = arith.addi %add3A_157, %add3A_192 : i32
      %lt3A_194 = arith.constant 40 : i32
      %lt3A_195 = arith.cmpi slt, %add3A_193, %lt3A_194 : i32
      %convert_element_type3A_196 = arith.extui %lt3A_195 : i1 to i32
      %cond3A_197 = arith.constant 0 : i32
      %cond3A_198 = arith.cmpi ne, %convert_element_type3A_196, %cond3A_197 : i32
      scf.if %cond3A_198 {
        %add3A_242 = arith.constant 3 : i32
        %add3A_243 = arith.addi %add3A_157, %add3A_242 : i32
        %dma_start3A_244 = arith.constant 1 : i32
        %dma_start3A_245 = arith.constant 0 : i32
        %dma_start3A_246 = arith.constant 0 : i32
        %dma_start3A_247 = tpu.memref_slice %arg6[%dma_start3A_244, %dma_start3A_245, %dma_start3A_246] : memref<4x128x128xf32, #tpu.memory_space<vmem>> -> memref<1x128x128xf32, #tpu.memory_space<vmem>>
        %dma_start3A_248 = tpu.memref_squeeze %dma_start3A_247 : memref<1x128x128xf32, #tpu.memory_space<vmem>> -> memref<128x128xf32, #tpu.memory_space<vmem>>
        %dma_start3A_249 = arith.constant 0 : i32
        %dma_start3A_250 = tpu.memref_slice %arg5[%add3A_243, %dma_start3A_249] : memref<40x128xi32, #tpu.memory_space<vmem>> -> memref<1x128xi32, #tpu.memory_space<vmem>>
        %dma_start3A_251 = tpu.memref_squeeze %dma_start3A_250 : memref<1x128xi32, #tpu.memory_space<vmem>> -> memref<128xi32, #tpu.memory_space<vmem>>
        %dma_start3A_252 = arith.constant 0 : i32
        %dma_start3A_253 = arith.constant 0 : i32
        %dma_start3A_254 = tpu.memref_slice %arg2[%dma_start3A_252, %dma_start3A_253] : memref<10000x128xf32, #tpu.memory_space<hbm>> -> memref<10000x128xf32, #tpu.memory_space<hbm>>
        tpu.enqueue_indirect_dma source(%dma_start3A_254 : memref<10000x128xf32, #tpu.memory_space<hbm>>) target(%dma_start3A_248 : memref<128x128xf32, #tpu.memory_space<vmem>>) offsets(%dma_start3A_251 : memref<128xi32, #tpu.memory_space<vmem>>) semaphore(%arg8 : memref<!tpu.dma_semaphore, #tpu.memory_space<semaphore_mem>>)
      } else {
      }
      %add3A_199 = arith.constant 3 : i32
      %add3A_200 = arith.addi %add3A_73, %add3A_199 : i32
      %dma_wait3A_201 = arith.constant 3 : i32
      %dma_wait3A_202 = arith.constant 0 : i32
      %dma_wait3A_203 = arith.constant 0 : i32
      %dma_wait3A_204 = tpu.memref_slice %arg6[%dma_wait3A_201, %dma_wait3A_202, %dma_wait3A_203] : memref<4x128x128xf32, #tpu.memory_space<vmem>> -> memref<1x128x128xf32, #tpu.memory_space<vmem>>
      %dma_wait3A_205 = tpu.memref_squeeze %dma_wait3A_204 : memref<1x128x128xf32, #tpu.memory_space<vmem>> -> memref<128x128xf32, #tpu.memory_space<vmem>>
      %dma_wait3A_206 = arith.constant 0 : i32
      %dma_wait3A_207 = tpu.memref_slice %arg5[%add3A_200, %dma_wait3A_206] : memref<40x128xi32, #tpu.memory_space<vmem>> -> memref<1x128xi32, #tpu.memory_space<vmem>>
      %dma_wait3A_208 = tpu.memref_squeeze %dma_wait3A_207 : memref<1x128xi32, #tpu.memory_space<vmem>> -> memref<128xi32, #tpu.memory_space<vmem>>
      %dma_wait3A_209 = arith.constant 0 : i32
      %dma_wait3A_210 = arith.constant 0 : i32
      %dma_wait3A_211 = tpu.memref_slice %arg2[%dma_wait3A_209, %dma_wait3A_210] : memref<10000x128xf32, #tpu.memory_space<hbm>> -> memref<10000x128xf32, #tpu.memory_space<hbm>>
      tpu.wait_indirect_dma semaphore(%arg10 : memref<!tpu.dma_semaphore, #tpu.memory_space<semaphore_mem>>) src(%dma_wait3A_211 : memref<10000x128xf32, #tpu.memory_space<hbm>>) dst(%dma_wait3A_205 : memref<128x128xf32, #tpu.memory_space<vmem>>)
      %mul3A_212 = arith.constant 5120 : i32
      %mul3A_213 = arith.muli %add3A, %mul3A_212 : i32
      %mul3A_214 = arith.constant 128 : i32
      %mul3A_215 = arith.muli %add3A_200, %mul3A_214 : i32
      %add3A_216 = arith.addi %mul3A_213, %mul3A_215 : i32
      %dma_start3A_217 = arith.constant 3 : i32
      %dma_start3A_218 = arith.constant 0 : i32
      %dma_start3A_219 = arith.constant 0 : i32
      %dma_start3A_220 = tpu.memref_slice %arg6[%dma_start3A_217, %dma_start3A_218, %dma_start3A_219] : memref<4x128x128xf32, #tpu.memory_space<vmem>> -> memref<1x128x128xf32, #tpu.memory_space<vmem>>
      %dma_start3A_221 = tpu.memref_squeeze %dma_start3A_220 : memref<1x128x128xf32, #tpu.memory_space<vmem>> -> memref<128x128xf32, #tpu.memory_space<vmem>>
      %dma_start3A_222 = arith.constant 0 : i32
      %dma_start3A_223 = tpu.memref_slice %arg4[%add3A_216, %dma_start3A_222] : memref<163840x128xf32, #tpu.memory_space<hbm>> -> memref<128x128xf32, #tpu.memory_space<hbm>>
      %dma_start3A_224 = arith.constant 0 : i32
      %dma_start3A_225 = tpu.memref_slice %arg4[%add3A_216, %dma_start3A_224] : memref<163840x128xf32, #tpu.memory_space<hbm>> -> memref<128x128xf32, #tpu.memory_space<hbm>>
      %dma_start3A_226 = arith.constant 0 : i32
      %dma_start3A_227 = arith.constant 0 : i32
      %dma_start3A_228 = tpu.memref_slice %arg6[%dma_start3A_217, %dma_start3A_226, %dma_start3A_227] : memref<4x128x128xf32, #tpu.memory_space<vmem>> -> memref<1x128x128xf32, #tpu.memory_space<vmem>>
      %dma_start3A_229 = tpu.memref_squeeze %dma_start3A_228 : memref<1x128x128xf32, #tpu.memory_space<vmem>> -> memref<128x128xf32, #tpu.memory_space<vmem>>
      tpu.enqueue_dma source(%dma_start3A_229 : memref<128x128xf32, #tpu.memory_space<vmem>>) target(%dma_start3A_225 : memref<128x128xf32, #tpu.memory_space<hbm>>) target_semaphore(%arg14 : memref<!tpu.dma_semaphore, #tpu.memory_space<semaphore_mem>>)
      %ge3A_230 = arith.constant 1 : i32
      %ge3A_231 = arith.cmpi sge, %add3A_200, %ge3A_230 : i32
      %convert_element_type3A_232 = arith.extui %ge3A_231 : i1 to i32
      %cond3A_233 = arith.constant 0 : i32
      %cond3A_234 = arith.cmpi ne, %convert_element_type3A_232, %cond3A_233 : i32
      scf.if %cond3A_234 {
        %sub3A_242 = arith.constant 1 : i32
        %sub3A_243 = arith.subi %add3A_200, %sub3A_242 : i32
        %mul3A_244 = arith.constant 5120 : i32
        %mul3A_245 = arith.muli %add3A, %mul3A_244 : i32
        %mul3A_246 = arith.constant 128 : i32
        %mul3A_247 = arith.muli %sub3A_243, %mul3A_246 : i32
        %add3A_248 = arith.addi %mul3A_245, %mul3A_247 : i32
        %dma_wait3A_249 = arith.constant 2 : i32
        %dma_wait3A_250 = arith.constant 0 : i32
        %dma_wait3A_251 = arith.constant 0 : i32
        %dma_wait3A_252 = tpu.memref_slice %arg6[%dma_wait3A_249, %dma_wait3A_250, %dma_wait3A_251] : memref<4x128x128xf32, #tpu.memory_space<vmem>> -> memref<1x128x128xf32, #tpu.memory_space<vmem>>
        %dma_wait3A_253 = tpu.memref_squeeze %dma_wait3A_252 : memref<1x128x128xf32, #tpu.memory_space<vmem>> -> memref<128x128xf32, #tpu.memory_space<vmem>>
        %dma_wait3A_254 = arith.constant 0 : i32
        %dma_wait3A_255 = tpu.memref_slice %arg4[%add3A_248, %dma_wait3A_254] : memref<163840x128xf32, #tpu.memory_space<hbm>> -> memref<128x128xf32, #tpu.memory_space<hbm>>
        %dma_wait3A_256 = arith.constant 0 : i32
        %dma_wait3A_257 = tpu.memref_slice %arg4[%add3A_248, %dma_wait3A_256] : memref<163840x128xf32, #tpu.memory_space<hbm>> -> memref<128x128xf32, #tpu.memory_space<hbm>>
        %dma_wait3A_258 = arith.constant 0 : i32
        %dma_wait3A_259 = arith.constant 0 : i32
        %dma_wait3A_260 = tpu.memref_slice %arg6[%dma_wait3A_249, %dma_wait3A_258, %dma_wait3A_259] : memref<4x128x128xf32, #tpu.memory_space<vmem>> -> memref<1x128x128xf32, #tpu.memory_space<vmem>>
        %dma_wait3A_261 = tpu.memref_squeeze %dma_wait3A_260 : memref<1x128x128xf32, #tpu.memory_space<vmem>> -> memref<128x128xf32, #tpu.memory_space<vmem>>
        tpu.wait_dma2 semaphore(%arg13 : memref<!tpu.dma_semaphore, #tpu.memory_space<semaphore_mem>>) src(%dma_wait3A_261 : memref<128x128xf32, #tpu.memory_space<vmem>>) dst(%dma_wait3A_257 : memref<128x128xf32, #tpu.memory_space<hbm>>)
      } else {
      }
      %add3A_235 = arith.constant 3 : i32
      %add3A_236 = arith.addi %add3A_200, %add3A_235 : i32
      %lt3A_237 = arith.constant 40 : i32
      %lt3A_238 = arith.cmpi slt, %add3A_236, %lt3A_237 : i32
      %convert_element_type3A_239 = arith.extui %lt3A_238 : i1 to i32
      %cond3A_240 = arith.constant 0 : i32
      %cond3A_241 = arith.cmpi ne, %convert_element_type3A_239, %cond3A_240 : i32
      scf.if %cond3A_241 {
        %add3A_242 = arith.constant 3 : i32
        %add3A_243 = arith.addi %add3A_200, %add3A_242 : i32
        %dma_start3A_244 = arith.constant 2 : i32
        %dma_start3A_245 = arith.constant 0 : i32
        %dma_start3A_246 = arith.constant 0 : i32
        %dma_start3A_247 = tpu.memref_slice %arg6[%dma_start3A_244, %dma_start3A_245, %dma_start3A_246] : memref<4x128x128xf32, #tpu.memory_space<vmem>> -> memref<1x128x128xf32, #tpu.memory_space<vmem>>
        %dma_start3A_248 = tpu.memref_squeeze %dma_start3A_247 : memref<1x128x128xf32, #tpu.memory_space<vmem>> -> memref<128x128xf32, #tpu.memory_space<vmem>>
        %dma_start3A_249 = arith.constant 0 : i32
        %dma_start3A_250 = tpu.memref_slice %arg5[%add3A_243, %dma_start3A_249] : memref<40x128xi32, #tpu.memory_space<vmem>> -> memref<1x128xi32, #tpu.memory_space<vmem>>
        %dma_start3A_251 = tpu.memref_squeeze %dma_start3A_250 : memref<1x128xi32, #tpu.memory_space<vmem>> -> memref<128xi32, #tpu.memory_space<vmem>>
        %dma_start3A_252 = arith.constant 0 : i32
        %dma_start3A_253 = arith.constant 0 : i32
        %dma_start3A_254 = tpu.memref_slice %arg2[%dma_start3A_252, %dma_start3A_253] : memref<10000x128xf32, #tpu.memory_space<hbm>> -> memref<10000x128xf32, #tpu.memory_space<hbm>>
        tpu.enqueue_indirect_dma source(%dma_start3A_254 : memref<10000x128xf32, #tpu.memory_space<hbm>>) target(%dma_start3A_248 : memref<128x128xf32, #tpu.memory_space<vmem>>) offsets(%dma_start3A_251 : memref<128xi32, #tpu.memory_space<vmem>>) semaphore(%arg9 : memref<!tpu.dma_semaphore, #tpu.memory_space<semaphore_mem>>)
      } else {
      }
    }
    %while3A_52 = arith.constant 1 : i32
    scf.for %while3A_71 = %while3A_50 to %while3A_46 step %while3A_52  : i32 {
      %mul3A_72 = arith.muli %while3A_71, %while3A : i32
      %add3A_73 = arith.addi %while3A_43, %mul3A_72 : i32
      %add3A_74 = arith.constant 0 : i32
      %add3A_75 = arith.addi %add3A_73, %add3A_74 : i32
      %dma_wait3A_76 = arith.constant 0 : i32
      %dma_wait3A_77 = arith.constant 0 : i32
      %dma_wait3A_78 = arith.constant 0 : i32
      %dma_wait3A_79 = tpu.memref_slice %arg6[%dma_wait3A_76, %dma_wait3A_77, %dma_wait3A_78] : memref<4x128x128xf32, #tpu.memory_space<vmem>> -> memref<1x128x128xf32, #tpu.memory_space<vmem>>
      %dma_wait3A_80 = tpu.memref_squeeze %dma_wait3A_79 : memref<1x128x128xf32, #tpu.memory_space<vmem>> -> memref<128x128xf32, #tpu.memory_space<vmem>>
      %dma_wait3A_81 = arith.constant 0 : i32
      %dma_wait3A_82 = tpu.memref_slice %arg5[%add3A_75, %dma_wait3A_81] : memref<40x128xi32, #tpu.memory_space<vmem>> -> memref<1x128xi32, #tpu.memory_space<vmem>>
      %dma_wait3A_83 = tpu.memref_squeeze %dma_wait3A_82 : memref<1x128xi32, #tpu.memory_space<vmem>> -> memref<128xi32, #tpu.memory_space<vmem>>
      %dma_wait3A_84 = arith.constant 0 : i32
      %dma_wait3A_85 = arith.constant 0 : i32
      %dma_wait3A_86 = tpu.memref_slice %arg2[%dma_wait3A_84, %dma_wait3A_85] : memref<10000x128xf32, #tpu.memory_space<hbm>> -> memref<10000x128xf32, #tpu.memory_space<hbm>>
      tpu.wait_indirect_dma semaphore(%arg7 : memref<!tpu.dma_semaphore, #tpu.memory_space<semaphore_mem>>) src(%dma_wait3A_86 : memref<10000x128xf32, #tpu.memory_space<hbm>>) dst(%dma_wait3A_80 : memref<128x128xf32, #tpu.memory_space<vmem>>)
      %mul3A_87 = arith.constant 5120 : i32
      %mul3A_88 = arith.muli %add3A, %mul3A_87 : i32
      %mul3A_89 = arith.constant 128 : i32
      %mul3A_90 = arith.muli %add3A_75, %mul3A_89 : i32
      %add3A_91 = arith.addi %mul3A_88, %mul3A_90 : i32
      %dma_start3A_92 = arith.constant 0 : i32
      %dma_start3A_93 = arith.constant 0 : i32
      %dma_start3A_94 = arith.constant 0 : i32
      %dma_start3A_95 = tpu.memref_slice %arg6[%dma_start3A_92, %dma_start3A_93, %dma_start3A_94] : memref<4x128x128xf32, #tpu.memory_space<vmem>> -> memref<1x128x128xf32, #tpu.memory_space<vmem>>
      %dma_start3A_96 = tpu.memref_squeeze %dma_start3A_95 : memref<1x128x128xf32, #tpu.memory_space<vmem>> -> memref<128x128xf32, #tpu.memory_space<vmem>>
      %dma_start3A_97 = arith.constant 0 : i32
      %dma_start3A_98 = tpu.memref_slice %arg4[%add3A_91, %dma_start3A_97] : memref<163840x128xf32, #tpu.memory_space<hbm>> -> memref<128x128xf32, #tpu.memory_space<hbm>>
      %dma_start3A_99 = arith.constant 0 : i32
      %dma_start3A_100 = tpu.memref_slice %arg4[%add3A_91, %dma_start3A_99] : memref<163840x128xf32, #tpu.memory_space<hbm>> -> memref<128x128xf32, #tpu.memory_space<hbm>>
      %dma_start3A_101 = arith.constant 0 : i32
      %dma_start3A_102 = arith.constant 0 : i32
      %dma_start3A_103 = tpu.memref_slice %arg6[%dma_start3A_92, %dma_start3A_101, %dma_start3A_102] : memref<4x128x128xf32, #tpu.memory_space<vmem>> -> memref<1x128x128xf32, #tpu.memory_space<vmem>>
      %dma_start3A_104 = tpu.memref_squeeze %dma_start3A_103 : memref<1x128x128xf32, #tpu.memory_space<vmem>> -> memref<128x128xf32, #tpu.memory_space<vmem>>
      tpu.enqueue_dma source(%dma_start3A_104 : memref<128x128xf32, #tpu.memory_space<vmem>>) target(%dma_start3A_100 : memref<128x128xf32, #tpu.memory_space<hbm>>) target_semaphore(%arg11 : memref<!tpu.dma_semaphore, #tpu.memory_space<semaphore_mem>>)
      %ge3A = arith.constant 1 : i32
      %ge3A_105 = arith.cmpi sge, %add3A_75, %ge3A : i32
      %convert_element_type3A = arith.extui %ge3A_105 : i1 to i32
      %cond3A = arith.constant 0 : i32
      %cond3A_106 = arith.cmpi ne, %convert_element_type3A, %cond3A : i32
      scf.if %cond3A_106 {
        %sub3A_242 = arith.constant 1 : i32
        %sub3A_243 = arith.subi %add3A_75, %sub3A_242 : i32
        %mul3A_244 = arith.constant 5120 : i32
        %mul3A_245 = arith.muli %add3A, %mul3A_244 : i32
        %mul3A_246 = arith.constant 128 : i32
        %mul3A_247 = arith.muli %sub3A_243, %mul3A_246 : i32
        %add3A_248 = arith.addi %mul3A_245, %mul3A_247 : i32
        %dma_wait3A_249 = arith.constant 3 : i32
        %dma_wait3A_250 = arith.constant 0 : i32
        %dma_wait3A_251 = arith.constant 0 : i32
        %dma_wait3A_252 = tpu.memref_slice %arg6[%dma_wait3A_249, %dma_wait3A_250, %dma_wait3A_251] : memref<4x128x128xf32, #tpu.memory_space<vmem>> -> memref<1x128x128xf32, #tpu.memory_space<vmem>>
        %dma_wait3A_253 = tpu.memref_squeeze %dma_wait3A_252 : memref<1x128x128xf32, #tpu.memory_space<vmem>> -> memref<128x128xf32, #tpu.memory_space<vmem>>
        %dma_wait3A_254 = arith.constant 0 : i32
        %dma_wait3A_255 = tpu.memref_slice %arg4[%add3A_248, %dma_wait3A_254] : memref<163840x128xf32, #tpu.memory_space<hbm>> -> memref<128x128xf32, #tpu.memory_space<hbm>>
        %dma_wait3A_256 = arith.constant 0 : i32
        %dma_wait3A_257 = tpu.memref_slice %arg4[%add3A_248, %dma_wait3A_256] : memref<163840x128xf32, #tpu.memory_space<hbm>> -> memref<128x128xf32, #tpu.memory_space<hbm>>
        %dma_wait3A_258 = arith.constant 0 : i32
        %dma_wait3A_259 = arith.constant 0 : i32
        %dma_wait3A_260 = tpu.memref_slice %arg6[%dma_wait3A_249, %dma_wait3A_258, %dma_wait3A_259] : memref<4x128x128xf32, #tpu.memory_space<vmem>> -> memref<1x128x128xf32, #tpu.memory_space<vmem>>
        %dma_wait3A_261 = tpu.memref_squeeze %dma_wait3A_260 : memref<1x128x128xf32, #tpu.memory_space<vmem>> -> memref<128x128xf32, #tpu.memory_space<vmem>>
        tpu.wait_dma2 semaphore(%arg14 : memref<!tpu.dma_semaphore, #tpu.memory_space<semaphore_mem>>) src(%dma_wait3A_261 : memref<128x128xf32, #tpu.memory_space<vmem>>) dst(%dma_wait3A_257 : memref<128x128xf32, #tpu.memory_space<hbm>>)
      } else {
      }
      %add3A_107 = arith.constant 3 : i32
      %add3A_108 = arith.addi %add3A_75, %add3A_107 : i32
      %lt3A = arith.constant 40 : i32
      %lt3A_109 = arith.cmpi slt, %add3A_108, %lt3A : i32
      %convert_element_type3A_110 = arith.extui %lt3A_109 : i1 to i32
      %cond3A_111 = arith.constant 0 : i32
      %cond3A_112 = arith.cmpi ne, %convert_element_type3A_110, %cond3A_111 : i32
      scf.if %cond3A_112 {
        %add3A_242 = arith.constant 3 : i32
        %add3A_243 = arith.addi %add3A_75, %add3A_242 : i32
        %dma_start3A_244 = arith.constant 3 : i32
        %dma_start3A_245 = arith.constant 0 : i32
        %dma_start3A_246 = arith.constant 0 : i32
        %dma_start3A_247 = tpu.memref_slice %arg6[%dma_start3A_244, %dma_start3A_245, %dma_start3A_246] : memref<4x128x128xf32, #tpu.memory_space<vmem>> -> memref<1x128x128xf32, #tpu.memory_space<vmem>>
        %dma_start3A_248 = tpu.memref_squeeze %dma_start3A_247 : memref<1x128x128xf32, #tpu.memory_space<vmem>> -> memref<128x128xf32, #tpu.memory_space<vmem>>
        %dma_start3A_249 = arith.constant 0 : i32
        %dma_start3A_250 = tpu.memref_slice %arg5[%add3A_243, %dma_start3A_249] : memref<40x128xi32, #tpu.memory_space<vmem>> -> memref<1x128xi32, #tpu.memory_space<vmem>>
        %dma_start3A_251 = tpu.memref_squeeze %dma_start3A_250 : memref<1x128xi32, #tpu.memory_space<vmem>> -> memref<128xi32, #tpu.memory_space<vmem>>
        %dma_start3A_252 = arith.constant 0 : i32
        %dma_start3A_253 = arith.constant 0 : i32
        %dma_start3A_254 = tpu.memref_slice %arg2[%dma_start3A_252, %dma_start3A_253] : memref<10000x128xf32, #tpu.memory_space<hbm>> -> memref<10000x128xf32, #tpu.memory_space<hbm>>
        tpu.enqueue_indirect_dma source(%dma_start3A_254 : memref<10000x128xf32, #tpu.memory_space<hbm>>) target(%dma_start3A_248 : memref<128x128xf32, #tpu.memory_space<vmem>>) offsets(%dma_start3A_251 : memref<128xi32, #tpu.memory_space<vmem>>) semaphore(%arg10 : memref<!tpu.dma_semaphore, #tpu.memory_space<semaphore_mem>>)
      } else {
      }
      %add3A_113 = arith.constant 1 : i32
      %add3A_114 = arith.addi %add3A_73, %add3A_113 : i32
      %dma_wait3A_115 = arith.constant 1 : i32
      %dma_wait3A_116 = arith.constant 0 : i32
      %dma_wait3A_117 = arith.constant 0 : i32
      %dma_wait3A_118 = tpu.memref_slice %arg6[%dma_wait3A_115, %dma_wait3A_116, %dma_wait3A_117] : memref<4x128x128xf32, #tpu.memory_space<vmem>> -> memref<1x128x128xf32, #tpu.memory_space<vmem>>
      %dma_wait3A_119 = tpu.memref_squeeze %dma_wait3A_118 : memref<1x128x128xf32, #tpu.memory_space<vmem>> -> memref<128x128xf32, #tpu.memory_space<vmem>>
      %dma_wait3A_120 = arith.constant 0 : i32
      %dma_wait3A_121 = tpu.memref_slice %arg5[%add3A_114, %dma_wait3A_120] : memref<40x128xi32, #tpu.memory_space<vmem>> -> memref<1x128xi32, #tpu.memory_space<vmem>>
      %dma_wait3A_122 = tpu.memref_squeeze %dma_wait3A_121 : memref<1x128xi32, #tpu.memory_space<vmem>> -> memref<128xi32, #tpu.memory_space<vmem>>
      %dma_wait3A_123 = arith.constant 0 : i32
      %dma_wait3A_124 = arith.constant 0 : i32
      %dma_wait3A_125 = tpu.memref_slice %arg2[%dma_wait3A_123, %dma_wait3A_124] : memref<10000x128xf32, #tpu.memory_space<hbm>> -> memref<10000x128xf32, #tpu.memory_space<hbm>>
      tpu.wait_indirect_dma semaphore(%arg8 : memref<!tpu.dma_semaphore, #tpu.memory_space<semaphore_mem>>) src(%dma_wait3A_125 : memref<10000x128xf32, #tpu.memory_space<hbm>>) dst(%dma_wait3A_119 : memref<128x128xf32, #tpu.memory_space<vmem>>)
      %mul3A_126 = arith.constant 5120 : i32
      %mul3A_127 = arith.muli %add3A, %mul3A_126 : i32
      %mul3A_128 = arith.constant 128 : i32
      %mul3A_129 = arith.muli %add3A_114, %mul3A_128 : i32
      %add3A_130 = arith.addi %mul3A_127, %mul3A_129 : i32
      %dma_start3A_131 = arith.constant 1 : i32
      %dma_start3A_132 = arith.constant 0 : i32
      %dma_start3A_133 = arith.constant 0 : i32
      %dma_start3A_134 = tpu.memref_slice %arg6[%dma_start3A_131, %dma_start3A_132, %dma_start3A_133] : memref<4x128x128xf32, #tpu.memory_space<vmem>> -> memref<1x128x128xf32, #tpu.memory_space<vmem>>
      %dma_start3A_135 = tpu.memref_squeeze %dma_start3A_134 : memref<1x128x128xf32, #tpu.memory_space<vmem>> -> memref<128x128xf32, #tpu.memory_space<vmem>>
      %dma_start3A_136 = arith.constant 0 : i32
      %dma_start3A_137 = tpu.memref_slice %arg4[%add3A_130, %dma_start3A_136] : memref<163840x128xf32, #tpu.memory_space<hbm>> -> memref<128x128xf32, #tpu.memory_space<hbm>>
      %dma_start3A_138 = arith.constant 0 : i32
      %dma_start3A_139 = tpu.memref_slice %arg4[%add3A_130, %dma_start3A_138] : memref<163840x128xf32, #tpu.memory_space<hbm>> -> memref<128x128xf32, #tpu.memory_space<hbm>>
      %dma_start3A_140 = arith.constant 0 : i32
      %dma_start3A_141 = arith.constant 0 : i32
      %dma_start3A_142 = tpu.memref_slice %arg6[%dma_start3A_131, %dma_start3A_140, %dma_start3A_141] : memref<4x128x128xf32, #tpu.memory_space<vmem>> -> memref<1x128x128xf32, #tpu.memory_space<vmem>>
      %dma_start3A_143 = tpu.memref_squeeze %dma_start3A_142 : memref<1x128x128xf32, #tpu.memory_space<vmem>> -> memref<128x128xf32, #tpu.memory_space<vmem>>
      tpu.enqueue_dma source(%dma_start3A_143 : memref<128x128xf32, #tpu.memory_space<vmem>>) target(%dma_start3A_139 : memref<128x128xf32, #tpu.memory_space<hbm>>) target_semaphore(%arg12 : memref<!tpu.dma_semaphore, #tpu.memory_space<semaphore_mem>>)
      %ge3A_144 = arith.constant 1 : i32
      %ge3A_145 = arith.cmpi sge, %add3A_114, %ge3A_144 : i32
      %convert_element_type3A_146 = arith.extui %ge3A_145 : i1 to i32
      %cond3A_147 = arith.constant 0 : i32
      %cond3A_148 = arith.cmpi ne, %convert_element_type3A_146, %cond3A_147 : i32
      scf.if %cond3A_148 {
        %sub3A_242 = arith.constant 1 : i32
        %sub3A_243 = arith.subi %add3A_114, %sub3A_242 : i32
        %mul3A_244 = arith.constant 5120 : i32
        %mul3A_245 = arith.muli %add3A, %mul3A_244 : i32
        %mul3A_246 = arith.constant 128 : i32
        %mul3A_247 = arith.muli %sub3A_243, %mul3A_246 : i32
        %add3A_248 = arith.addi %mul3A_245, %mul3A_247 : i32
        %dma_wait3A_249 = arith.constant 0 : i32
        %dma_wait3A_250 = arith.constant 0 : i32
        %dma_wait3A_251 = arith.constant 0 : i32
        %dma_wait3A_252 = tpu.memref_slice %arg6[%dma_wait3A_249, %dma_wait3A_250, %dma_wait3A_251] : memref<4x128x128xf32, #tpu.memory_space<vmem>> -> memref<1x128x128xf32, #tpu.memory_space<vmem>>
        %dma_wait3A_253 = tpu.memref_squeeze %dma_wait3A_252 : memref<1x128x128xf32, #tpu.memory_space<vmem>> -> memref<128x128xf32, #tpu.memory_space<vmem>>
        %dma_wait3A_254 = arith.constant 0 : i32
        %dma_wait3A_255 = tpu.memref_slice %arg4[%add3A_248, %dma_wait3A_254] : memref<163840x128xf32, #tpu.memory_space<hbm>> -> memref<128x128xf32, #tpu.memory_space<hbm>>
        %dma_wait3A_256 = arith.constant 0 : i32
        %dma_wait3A_257 = tpu.memref_slice %arg4[%add3A_248, %dma_wait3A_256] : memref<163840x128xf32, #tpu.memory_space<hbm>> -> memref<128x128xf32, #tpu.memory_space<hbm>>
        %dma_wait3A_258 = arith.constant 0 : i32
        %dma_wait3A_259 = arith.constant 0 : i32
        %dma_wait3A_260 = tpu.memref_slice %arg6[%dma_wait3A_249, %dma_wait3A_258, %dma_wait3A_259] : memref<4x128x128xf32, #tpu.memory_space<vmem>> -> memref<1x128x128xf32, #tpu.memory_space<vmem>>
        %dma_wait3A_261 = tpu.memref_squeeze %dma_wait3A_260 : memref<1x128x128xf32, #tpu.memory_space<vmem>> -> memref<128x128xf32, #tpu.memory_space<vmem>>
        tpu.wait_dma2 semaphore(%arg11 : memref<!tpu.dma_semaphore, #tpu.memory_space<semaphore_mem>>) src(%dma_wait3A_261 : memref<128x128xf32, #tpu.memory_space<vmem>>) dst(%dma_wait3A_257 : memref<128x128xf32, #tpu.memory_space<hbm>>)
      } else {
      }
      %add3A_149 = arith.constant 3 : i32
      %add3A_150 = arith.addi %add3A_114, %add3A_149 : i32
      %lt3A_151 = arith.constant 40 : i32
      %lt3A_152 = arith.cmpi slt, %add3A_150, %lt3A_151 : i32
      %convert_element_type3A_153 = arith.extui %lt3A_152 : i1 to i32
      %cond3A_154 = arith.constant 0 : i32
      %cond3A_155 = arith.cmpi ne, %convert_element_type3A_153, %cond3A_154 : i32
      scf.if %cond3A_155 {
        %add3A_242 = arith.constant 3 : i32
        %add3A_243 = arith.addi %add3A_114, %add3A_242 : i32
        %dma_start3A_244 = arith.constant 0 : i32
        %dma_start3A_245 = arith.constant 0 : i32
        %dma_start3A_246 = arith.constant 0 : i32
        %dma_start3A_247 = tpu.memref_slice %arg6[%dma_start3A_244, %dma_start3A_245, %dma_start3A_246] : memref<4x128x128xf32, #tpu.memory_space<vmem>> -> memref<1x128x128xf32, #tpu.memory_space<vmem>>
        %dma_start3A_248 = tpu.memref_squeeze %dma_start3A_247 : memref<1x128x128xf32, #tpu.memory_space<vmem>> -> memref<128x128xf32, #tpu.memory_space<vmem>>
        %dma_start3A_249 = arith.constant 0 : i32
        %dma_start3A_250 = tpu.memref_slice %arg5[%add3A_243, %dma_start3A_249] : memref<40x128xi32, #tpu.memory_space<vmem>> -> memref<1x128xi32, #tpu.memory_space<vmem>>
        %dma_start3A_251 = tpu.memref_squeeze %dma_start3A_250 : memref<1x128xi32, #tpu.memory_space<vmem>> -> memref<128xi32, #tpu.memory_space<vmem>>
        %dma_start3A_252 = arith.constant 0 : i32
        %dma_start3A_253 = arith.constant 0 : i32
        %dma_start3A_254 = tpu.memref_slice %arg2[%dma_start3A_252, %dma_start3A_253] : memref<10000x128xf32, #tpu.memory_space<hbm>> -> memref<10000x128xf32, #tpu.memory_space<hbm>>
        tpu.enqueue_indirect_dma source(%dma_start3A_254 : memref<10000x128xf32, #tpu.memory_space<hbm>>) target(%dma_start3A_248 : memref<128x128xf32, #tpu.memory_space<vmem>>) offsets(%dma_start3A_251 : memref<128xi32, #tpu.memory_space<vmem>>) semaphore(%arg7 : memref<!tpu.dma_semaphore, #tpu.memory_space<semaphore_mem>>)
      } else {
      }
      %add3A_156 = arith.constant 2 : i32
      %add3A_157 = arith.addi %add3A_73, %add3A_156 : i32
      %dma_wait3A_158 = arith.constant 2 : i32
      %dma_wait3A_159 = arith.constant 0 : i32
      %dma_wait3A_160 = arith.constant 0 : i32
      %dma_wait3A_161 = tpu.memref_slice %arg6[%dma_wait3A_158, %dma_wait3A_159, %dma_wait3A_160] : memref<4x128x128xf32, #tpu.memory_space<vmem>> -> memref<1x128x128xf32, #tpu.memory_space<vmem>>
      %dma_wait3A_162 = tpu.memref_squeeze %dma_wait3A_161 : memref<1x128x128xf32, #tpu.memory_space<vmem>> -> memref<128x128xf32, #tpu.memory_space<vmem>>
      %dma_wait3A_163 = arith.constant 0 : i32
      %dma_wait3A_164 = tpu.memref_slice %arg5[%add3A_157, %dma_wait3A_163] : memref<40x128xi32, #tpu.memory_space<vmem>> -> memref<1x128xi32, #tpu.memory_space<vmem>>
      %dma_wait3A_165 = tpu.memref_squeeze %dma_wait3A_164 : memref<1x128xi32, #tpu.memory_space<vmem>> -> memref<128xi32, #tpu.memory_space<vmem>>
      %dma_wait3A_166 = arith.constant 0 : i32
      %dma_wait3A_167 = arith.constant 0 : i32
      %dma_wait3A_168 = tpu.memref_slice %arg2[%dma_wait3A_166, %dma_wait3A_167] : memref<10000x128xf32, #tpu.memory_space<hbm>> -> memref<10000x128xf32, #tpu.memory_space<hbm>>
      tpu.wait_indirect_dma semaphore(%arg9 : memref<!tpu.dma_semaphore, #tpu.memory_space<semaphore_mem>>) src(%dma_wait3A_168 : memref<10000x128xf32, #tpu.memory_space<hbm>>) dst(%dma_wait3A_162 : memref<128x128xf32, #tpu.memory_space<vmem>>)
      %mul3A_169 = arith.constant 5120 : i32
      %mul3A_170 = arith.muli %add3A, %mul3A_169 : i32
      %mul3A_171 = arith.constant 128 : i32
      %mul3A_172 = arith.muli %add3A_157, %mul3A_171 : i32
      %add3A_173 = arith.addi %mul3A_170, %mul3A_172 : i32
      %dma_start3A_174 = arith.constant 2 : i32
      %dma_start3A_175 = arith.constant 0 : i32
      %dma_start3A_176 = arith.constant 0 : i32
      %dma_start3A_177 = tpu.memref_slice %arg6[%dma_start3A_174, %dma_start3A_175, %dma_start3A_176] : memref<4x128x128xf32, #tpu.memory_space<vmem>> -> memref<1x128x128xf32, #tpu.memory_space<vmem>>
      %dma_start3A_178 = tpu.memref_squeeze %dma_start3A_177 : memref<1x128x128xf32, #tpu.memory_space<vmem>> -> memref<128x128xf32, #tpu.memory_space<vmem>>
      %dma_start3A_179 = arith.constant 0 : i32
      %dma_start3A_180 = tpu.memref_slice %arg4[%add3A_173, %dma_start3A_179] : memref<163840x128xf32, #tpu.memory_space<hbm>> -> memref<128x128xf32, #tpu.memory_space<hbm>>
      %dma_start3A_181 = arith.constant 0 : i32
      %dma_start3A_182 = tpu.memref_slice %arg4[%add3A_173, %dma_start3A_181] : memref<163840x128xf32, #tpu.memory_space<hbm>> -> memref<128x128xf32, #tpu.memory_space<hbm>>
      %dma_start3A_183 = arith.constant 0 : i32
      %dma_start3A_184 = arith.constant 0 : i32
      %dma_start3A_185 = tpu.memref_slice %arg6[%dma_start3A_174, %dma_start3A_183, %dma_start3A_184] : memref<4x128x128xf32, #tpu.memory_space<vmem>> -> memref<1x128x128xf32, #tpu.memory_space<vmem>>
      %dma_start3A_186 = tpu.memref_squeeze %dma_start3A_185 : memref<1x128x128xf32, #tpu.memory_space<vmem>> -> memref<128x128xf32, #tpu.memory_space<vmem>>
      tpu.enqueue_dma source(%dma_start3A_186 : memref<128x128xf32, #tpu.memory_space<vmem>>) target(%dma_start3A_182 : memref<128x128xf32, #tpu.memory_space<hbm>>) target_semaphore(%arg13 : memref<!tpu.dma_semaphore, #tpu.memory_space<semaphore_mem>>)
      %ge3A_187 = arith.constant 1 : i32
      %ge3A_188 = arith.cmpi sge, %add3A_157, %ge3A_187 : i32
      %convert_element_type3A_189 = arith.extui %ge3A_188 : i1 to i32
      %cond3A_190 = arith.constant 0 : i32
      %cond3A_191 = arith.cmpi ne, %convert_element_type3A_189, %cond3A_190 : i32
      scf.if %cond3A_191 {
        %sub3A_242 = arith.constant 1 : i32
        %sub3A_243 = arith.subi %add3A_157, %sub3A_242 : i32
        %mul3A_244 = arith.constant 5120 : i32
        %mul3A_245 = arith.muli %add3A, %mul3A_244 : i32
        %mul3A_246 = arith.constant 128 : i32
        %mul3A_247 = arith.muli %sub3A_243, %mul3A_246 : i32
        %add3A_248 = arith.addi %mul3A_245, %mul3A_247 : i32
        %dma_wait3A_249 = arith.constant 1 : i32
        %dma_wait3A_250 = arith.constant 0 : i32
        %dma_wait3A_251 = arith.constant 0 : i32
        %dma_wait3A_252 = tpu.memref_slice %arg6[%dma_wait3A_249, %dma_wait3A_250, %dma_wait3A_251] : memref<4x128x128xf32, #tpu.memory_space<vmem>> -> memref<1x128x128xf32, #tpu.memory_space<vmem>>
        %dma_wait3A_253 = tpu.memref_squeeze %dma_wait3A_252 : memref<1x128x128xf32, #tpu.memory_space<vmem>> -> memref<128x128xf32, #tpu.memory_space<vmem>>
        %dma_wait3A_254 = arith.constant 0 : i32
        %dma_wait3A_255 = tpu.memref_slice %arg4[%add3A_248, %dma_wait3A_254] : memref<163840x128xf32, #tpu.memory_space<hbm>> -> memref<128x128xf32, #tpu.memory_space<hbm>>
        %dma_wait3A_256 = arith.constant 0 : i32
        %dma_wait3A_257 = tpu.memref_slice %arg4[%add3A_248, %dma_wait3A_256] : memref<163840x128xf32, #tpu.memory_space<hbm>> -> memref<128x128xf32, #tpu.memory_space<hbm>>
        %dma_wait3A_258 = arith.constant 0 : i32
        %dma_wait3A_259 = arith.constant 0 : i32
        %dma_wait3A_260 = tpu.memref_slice %arg6[%dma_wait3A_249, %dma_wait3A_258, %dma_wait3A_259] : memref<4x128x128xf32, #tpu.memory_space<vmem>> -> memref<1x128x128xf32, #tpu.memory_space<vmem>>
        %dma_wait3A_261 = tpu.memref_squeeze %dma_wait3A_260 : memref<1x128x128xf32, #tpu.memory_space<vmem>> -> memref<128x128xf32, #tpu.memory_space<vmem>>
        tpu.wait_dma2 semaphore(%arg12 : memref<!tpu.dma_semaphore, #tpu.memory_space<semaphore_mem>>) src(%dma_wait3A_261 : memref<128x128xf32, #tpu.memory_space<vmem>>) dst(%dma_wait3A_257 : memref<128x128xf32, #tpu.memory_space<hbm>>)
      } else {
      }
      %add3A_192 = arith.constant 3 : i32
      %add3A_193 = arith.addi %add3A_157, %add3A_192 : i32
      %lt3A_194 = arith.constant 40 : i32
      %lt3A_195 = arith.cmpi slt, %add3A_193, %lt3A_194 : i32
      %convert_element_type3A_196 = arith.extui %lt3A_195 : i1 to i32
      %cond3A_197 = arith.constant 0 : i32
      %cond3A_198 = arith.cmpi ne, %convert_element_type3A_196, %cond3A_197 : i32
      scf.if %cond3A_198 {
        %add3A_242 = arith.constant 3 : i32
        %add3A_243 = arith.addi %add3A_157, %add3A_242 : i32
        %dma_start3A_244 = arith.constant 1 : i32
        %dma_start3A_245 = arith.constant 0 : i32
        %dma_start3A_246 = arith.constant 0 : i32
        %dma_start3A_247 = tpu.memref_slice %arg6[%dma_start3A_244, %dma_start3A_245, %dma_start3A_246] : memref<4x128x128xf32, #tpu.memory_space<vmem>> -> memref<1x128x128xf32, #tpu.memory_space<vmem>>
        %dma_start3A_248 = tpu.memref_squeeze %dma_start3A_247 : memref<1x128x128xf32, #tpu.memory_space<vmem>> -> memref<128x128xf32, #tpu.memory_space<vmem>>
        %dma_start3A_249 = arith.constant 0 : i32
        %dma_start3A_250 = tpu.memref_slice %arg5[%add3A_243, %dma_start3A_249] : memref<40x128xi32, #tpu.memory_space<vmem>> -> memref<1x128xi32, #tpu.memory_space<vmem>>
        %dma_start3A_251 = tpu.memref_squeeze %dma_start3A_250 : memref<1x128xi32, #tpu.memory_space<vmem>> -> memref<128xi32, #tpu.memory_space<vmem>>
        %dma_start3A_252 = arith.constant 0 : i32
        %dma_start3A_253 = arith.constant 0 : i32
        %dma_start3A_254 = tpu.memref_slice %arg2[%dma_start3A_252, %dma_start3A_253] : memref<10000x128xf32, #tpu.memory_space<hbm>> -> memref<10000x128xf32, #tpu.memory_space<hbm>>
        tpu.enqueue_indirect_dma source(%dma_start3A_254 : memref<10000x128xf32, #tpu.memory_space<hbm>>) target(%dma_start3A_248 : memref<128x128xf32, #tpu.memory_space<vmem>>) offsets(%dma_start3A_251 : memref<128xi32, #tpu.memory_space<vmem>>) semaphore(%arg8 : memref<!tpu.dma_semaphore, #tpu.memory_space<semaphore_mem>>)
      } else {
      }
      %add3A_199 = arith.constant 3 : i32
      %add3A_200 = arith.addi %add3A_73, %add3A_199 : i32
      %dma_wait3A_201 = arith.constant 3 : i32
      %dma_wait3A_202 = arith.constant 0 : i32
      %dma_wait3A_203 = arith.constant 0 : i32
      %dma_wait3A_204 = tpu.memref_slice %arg6[%dma_wait3A_201, %dma_wait3A_202, %dma_wait3A_203] : memref<4x128x128xf32, #tpu.memory_space<vmem>> -> memref<1x128x128xf32, #tpu.memory_space<vmem>>
      %dma_wait3A_205 = tpu.memref_squeeze %dma_wait3A_204 : memref<1x128x128xf32, #tpu.memory_space<vmem>> -> memref<128x128xf32, #tpu.memory_space<vmem>>
      %dma_wait3A_206 = arith.constant 0 : i32
      %dma_wait3A_207 = tpu.memref_slice %arg5[%add3A_200, %dma_wait3A_206] : memref<40x128xi32, #tpu.memory_space<vmem>> -> memref<1x128xi32, #tpu.memory_space<vmem>>
      %dma_wait3A_208 = tpu.memref_squeeze %dma_wait3A_207 : memref<1x128xi32, #tpu.memory_space<vmem>> -> memref<128xi32, #tpu.memory_space<vmem>>
      %dma_wait3A_209 = arith.constant 0 : i32
      %dma_wait3A_210 = arith.constant 0 : i32
      %dma_wait3A_211 = tpu.memref_slice %arg2[%dma_wait3A_209, %dma_wait3A_210] : memref<10000x128xf32, #tpu.memory_space<hbm>> -> memref<10000x128xf32, #tpu.memory_space<hbm>>
      tpu.wait_indirect_dma semaphore(%arg10 : memref<!tpu.dma_semaphore, #tpu.memory_space<semaphore_mem>>) src(%dma_wait3A_211 : memref<10000x128xf32, #tpu.memory_space<hbm>>) dst(%dma_wait3A_205 : memref<128x128xf32, #tpu.memory_space<vmem>>)
      %mul3A_212 = arith.constant 5120 : i32
      %mul3A_213 = arith.muli %add3A, %mul3A_212 : i32
      %mul3A_214 = arith.constant 128 : i32
      %mul3A_215 = arith.muli %add3A_200, %mul3A_214 : i32
      %add3A_216 = arith.addi %mul3A_213, %mul3A_215 : i32
      %dma_start3A_217 = arith.constant 3 : i32
      %dma_start3A_218 = arith.constant 0 : i32
      %dma_start3A_219 = arith.constant 0 : i32
      %dma_start3A_220 = tpu.memref_slice %arg6[%dma_start3A_217, %dma_start3A_218, %dma_start3A_219] : memref<4x128x128xf32, #tpu.memory_space<vmem>> -> memref<1x128x128xf32, #tpu.memory_space<vmem>>
      %dma_start3A_221 = tpu.memref_squeeze %dma_start3A_220 : memref<1x128x128xf32, #tpu.memory_space<vmem>> -> memref<128x128xf32, #tpu.memory_space<vmem>>
      %dma_start3A_222 = arith.constant 0 : i32
      %dma_start3A_223 = tpu.memref_slice %arg4[%add3A_216, %dma_start3A_222] : memref<163840x128xf32, #tpu.memory_space<hbm>> -> memref<128x128xf32, #tpu.memory_space<hbm>>
      %dma_start3A_224 = arith.constant 0 : i32
      %dma_start3A_225 = tpu.memref_slice %arg4[%add3A_216, %dma_start3A_224] : memref<163840x128xf32, #tpu.memory_space<hbm>> -> memref<128x128xf32, #tpu.memory_space<hbm>>
      %dma_start3A_226 = arith.constant 0 : i32
      %dma_start3A_227 = arith.constant 0 : i32
      %dma_start3A_228 = tpu.memref_slice %arg6[%dma_start3A_217, %dma_start3A_226, %dma_start3A_227] : memref<4x128x128xf32, #tpu.memory_space<vmem>> -> memref<1x128x128xf32, #tpu.memory_space<vmem>>
      %dma_start3A_229 = tpu.memref_squeeze %dma_start3A_228 : memref<1x128x128xf32, #tpu.memory_space<vmem>> -> memref<128x128xf32, #tpu.memory_space<vmem>>
      tpu.enqueue_dma source(%dma_start3A_229 : memref<128x128xf32, #tpu.memory_space<vmem>>) target(%dma_start3A_225 : memref<128x128xf32, #tpu.memory_space<hbm>>) target_semaphore(%arg14 : memref<!tpu.dma_semaphore, #tpu.memory_space<semaphore_mem>>)
      %ge3A_230 = arith.constant 1 : i32
      %ge3A_231 = arith.cmpi sge, %add3A_200, %ge3A_230 : i32
      %convert_element_type3A_232 = arith.extui %ge3A_231 : i1 to i32
      %cond3A_233 = arith.constant 0 : i32
      %cond3A_234 = arith.cmpi ne, %convert_element_type3A_232, %cond3A_233 : i32
      scf.if %cond3A_234 {
        %sub3A_242 = arith.constant 1 : i32
        %sub3A_243 = arith.subi %add3A_200, %sub3A_242 : i32
        %mul3A_244 = arith.constant 5120 : i32
        %mul3A_245 = arith.muli %add3A, %mul3A_244 : i32
        %mul3A_246 = arith.constant 128 : i32
        %mul3A_247 = arith.muli %sub3A_243, %mul3A_246 : i32
        %add3A_248 = arith.addi %mul3A_245, %mul3A_247 : i32
        %dma_wait3A_249 = arith.constant 2 : i32
        %dma_wait3A_250 = arith.constant 0 : i32
        %dma_wait3A_251 = arith.constant 0 : i32
        %dma_wait3A_252 = tpu.memref_slice %arg6[%dma_wait3A_249, %dma_wait3A_250, %dma_wait3A_251] : memref<4x128x128xf32, #tpu.memory_space<vmem>> -> memref<1x128x128xf32, #tpu.memory_space<vmem>>
        %dma_wait3A_253 = tpu.memref_squeeze %dma_wait3A_252 : memref<1x128x128xf32, #tpu.memory_space<vmem>> -> memref<128x128xf32, #tpu.memory_space<vmem>>
        %dma_wait3A_254 = arith.constant 0 : i32
        %dma_wait3A_255 = tpu.memref_slice %arg4[%add3A_248, %dma_wait3A_254] : memref<163840x128xf32, #tpu.memory_space<hbm>> -> memref<128x128xf32, #tpu.memory_space<hbm>>
        %dma_wait3A_256 = arith.constant 0 : i32
        %dma_wait3A_257 = tpu.memref_slice %arg4[%add3A_248, %dma_wait3A_256] : memref<163840x128xf32, #tpu.memory_space<hbm>> -> memref<128x128xf32, #tpu.memory_space<hbm>>
        %dma_wait3A_258 = arith.constant 0 : i32
        %dma_wait3A_259 = arith.constant 0 : i32
        %dma_wait3A_260 = tpu.memref_slice %arg6[%dma_wait3A_249, %dma_wait3A_258, %dma_wait3A_259] : memref<4x128x128xf32, #tpu.memory_space<vmem>> -> memref<1x128x128xf32, #tpu.memory_space<vmem>>
        %dma_wait3A_261 = tpu.memref_squeeze %dma_wait3A_260 : memref<1x128x128xf32, #tpu.memory_space<vmem>> -> memref<128x128xf32, #tpu.memory_space<vmem>>
        tpu.wait_dma2 semaphore(%arg13 : memref<!tpu.dma_semaphore, #tpu.memory_space<semaphore_mem>>) src(%dma_wait3A_261 : memref<128x128xf32, #tpu.memory_space<vmem>>) dst(%dma_wait3A_257 : memref<128x128xf32, #tpu.memory_space<hbm>>)
      } else {
      }
      %add3A_235 = arith.constant 3 : i32
      %add3A_236 = arith.addi %add3A_200, %add3A_235 : i32
      %lt3A_237 = arith.constant 40 : i32
      %lt3A_238 = arith.cmpi slt, %add3A_236, %lt3A_237 : i32
      %convert_element_type3A_239 = arith.extui %lt3A_238 : i1 to i32
      %cond3A_240 = arith.constant 0 : i32
      %cond3A_241 = arith.cmpi ne, %convert_element_type3A_239, %cond3A_240 : i32
      scf.if %cond3A_241 {
        %add3A_242 = arith.constant 3 : i32
        %add3A_243 = arith.addi %add3A_200, %add3A_242 : i32
        %dma_start3A_244 = arith.constant 2 : i32
        %dma_start3A_245 = arith.constant 0 : i32
        %dma_start3A_246 = arith.constant 0 : i32
        %dma_start3A_247 = tpu.memref_slice %arg6[%dma_start3A_244, %dma_start3A_245, %dma_start3A_246] : memref<4x128x128xf32, #tpu.memory_space<vmem>> -> memref<1x128x128xf32, #tpu.memory_space<vmem>>
        %dma_start3A_248 = tpu.memref_squeeze %dma_start3A_247 : memref<1x128x128xf32, #tpu.memory_space<vmem>> -> memref<128x128xf32, #tpu.memory_space<vmem>>
        %dma_start3A_249 = arith.constant 0 : i32
        %dma_start3A_250 = tpu.memref_slice %arg5[%add3A_243, %dma_start3A_249] : memref<40x128xi32, #tpu.memory_space<vmem>> -> memref<1x128xi32, #tpu.memory_space<vmem>>
        %dma_start3A_251 = tpu.memref_squeeze %dma_start3A_250 : memref<1x128xi32, #tpu.memory_space<vmem>> -> memref<128xi32, #tpu.memory_space<vmem>>
        %dma_start3A_252 = arith.constant 0 : i32
        %dma_start3A_253 = arith.constant 0 : i32
        %dma_start3A_254 = tpu.memref_slice %arg2[%dma_start3A_252, %dma_start3A_253] : memref<10000x128xf32, #tpu.memory_space<hbm>> -> memref<10000x128xf32, #tpu.memory_space<hbm>>
        tpu.enqueue_indirect_dma source(%dma_start3A_254 : memref<10000x128xf32, #tpu.memory_space<hbm>>) target(%dma_start3A_248 : memref<128x128xf32, #tpu.memory_space<vmem>>) offsets(%dma_start3A_251 : memref<128xi32, #tpu.memory_space<vmem>>) semaphore(%arg9 : memref<!tpu.dma_semaphore, #tpu.memory_space<semaphore_mem>>)
      } else {
      }
    }
    %mul3A_53 = arith.constant 5120 : i32
    %mul3A_54 = arith.muli %add3A, %mul3A_53 : i32
    %mul3A_55 = arith.constant 39 : i32
    %mul3A_56 = arith.constant 128 : i32
    %mul3A_57 = arith.muli %mul3A_55, %mul3A_56 : i32
    %add3A_58 = arith.addi %mul3A_54, %mul3A_57 : i32
    %dma_wait3A = arith.constant 3 : i32
    %dma_wait3A_59 = arith.constant 0 : i32
    %dma_wait3A_60 = arith.constant 0 : i32
    %dma_wait3A_61 = tpu.memref_slice %arg6[%dma_wait3A, %dma_wait3A_59, %dma_wait3A_60] : memref<4x128x128xf32, #tpu.memory_space<vmem>> -> memref<1x128x128xf32, #tpu.memory_space<vmem>>
    %dma_wait3A_62 = tpu.memref_squeeze %dma_wait3A_61 : memref<1x128x128xf32, #tpu.memory_space<vmem>> -> memref<128x128xf32, #tpu.memory_space<vmem>>
    %dma_wait3A_63 = arith.constant 0 : i32
    %dma_wait3A_64 = tpu.memref_slice %arg4[%add3A_58, %dma_wait3A_63] : memref<163840x128xf32, #tpu.memory_space<hbm>> -> memref<128x128xf32, #tpu.memory_space<hbm>>
    %dma_wait3A_65 = arith.constant 0 : i32
    %dma_wait3A_66 = tpu.memref_slice %arg4[%add3A_58, %dma_wait3A_65] : memref<163840x128xf32, #tpu.memory_space<hbm>> -> memref<128x128xf32, #tpu.memory_space<hbm>>
    %dma_wait3A_67 = arith.constant 0 : i32
    %dma_wait3A_68 = arith.constant 0 : i32
    %dma_wait3A_69 = tpu.memref_slice %arg6[%dma_wait3A, %dma_wait3A_67, %dma_wait3A_68] : memref<4x128x128xf32, #tpu.memory_space<vmem>> -> memref<1x128x128xf32, #tpu.memory_space<vmem>>
    %dma_wait3A_70 = tpu.memref_squeeze %dma_wait3A_69 : memref<1x128x128xf32, #tpu.memory_space<vmem>> -> memref<128x128xf32, #tpu.memory_space<vmem>>
    tpu.wait_dma2 semaphore(%arg14 : memref<!tpu.dma_semaphore, #tpu.memory_space<semaphore_mem>>) src(%dma_wait3A_70 : memref<128x128xf32, #tpu.memory_space<vmem>>) dst(%dma_wait3A_66 : memref<128x128xf32, #tpu.memory_space<hbm>>)
    return
  }
}

module attributes {stable_mosaic.version = 14 : i64} {
  func.func @_lift_body(%arg0: memref<10000x128xf32, #tpu.memory_space<vmem>>, %arg1: memref<128x128xf32, #tpu.memory_space<vmem>>, %arg2: memref<1x128xf32, #tpu.memory_space<vmem>>, %arg3: memref<10000x128xf32, #tpu.memory_space<vmem>>) attributes {dimension_semantics = [], scalar_prefetch = 0 : i64, scratch_operands = 0 : i64, tpu.core_type = #tpu.core_type<tc>} {
    %get3A = arith.constant 0 : index
    %get3A_0 = arith.constant 0 : index
    %get3A_1 = vector.load %arg0[%get3A, %get3A_0] : memref<10000x128xf32, #tpu.memory_space<vmem>>, vector<10000x128xf32>
    %get3A_2 = arith.constant 0 : index
    %get3A_3 = arith.constant 0 : index
    %get3A_4 = vector.load %arg1[%get3A_2, %get3A_3] : memref<128x128xf32, #tpu.memory_space<vmem>>, vector<128x128xf32>
    %dot_general3A = arith.constant dense<0.000000e+00> : vector<10000x128xf32>
    %dot_general3A_5 = tpu.matmul %get3A_1, %get3A_4, %dot_general3A {dimension_numbers = #tpu.dot_dimension_numbers<[1], [0], [0], [1], [0, 0, 1, 1], [], []>, transpose_lhs_hint = false} : vector<10000x128xf32>, vector<128x128xf32>, vector<10000x128xf32> -> vector<10000x128xf32>
    %get3A_6 = arith.constant 0 : index
    %get3A_7 = arith.constant 0 : index
    %get3A_8 = vector.load %arg2[%get3A_6, %get3A_7] : memref<1x128xf32, #tpu.memory_space<vmem>>, vector<1x128xf32>
    %add3A = vector.broadcast %get3A_8 : vector<1x128xf32> to vector<10000x128xf32>
    %add3A_9 = arith.addf %dot_general3A_5, %add3A : vector<10000x128xf32>
    %swap3A = arith.constant 0 : index
    %swap3A_10 = arith.constant 0 : index
    %swap3A_11 = vector.load %arg3[%swap3A, %swap3A_10] : memref<10000x128xf32, #tpu.memory_space<vmem>>, vector<10000x128xf32>
    tpu.vector_store %arg3[%swap3A, %swap3A_10], %add3A_9 {strides = array<i32>} : memref<10000x128xf32, #tpu.memory_space<vmem>>, vector<10000x128xf32>,
    return
  }
}

module attributes {stable_mosaic.version = 14 : i64} {
  func.func @_edge_body(%arg0: i32, %arg1: memref<2048x16xf32, #tpu.memory_space<vmem>>, %arg2: memref<2048x128xf32, #tpu.memory_space<vmem>>, %arg3: memref<16x32xf32, #tpu.memory_space<vmem>>, %arg4: memref<1x32xf32, #tpu.memory_space<vmem>>, %arg5: memref<32x512xf32, #tpu.memory_space<vmem>>, %arg6: memref<1x512xf32, #tpu.memory_space<vmem>>, %arg7: memref<128x512xf32, #tpu.memory_space<vmem>>, %arg8: memref<2048x128xf32, #tpu.memory_space<vmem>>) attributes {dimension_semantics = [#tpu.dimension_semantics<arbitrary>], iteration_bounds = array<i64: 80>, scalar_prefetch = 0 : i64, scratch_operands = 0 : i64, tpu.core_type = #tpu.core_type<tc>, window_params = [{transform_indices = @transform_0, window_bounds = array<i64: 2048, 16>}, {transform_indices = @transform_1, window_bounds = array<i64: 2048, 128>}, {pipeline_mode = #tpu.pipeline_mode<synchronous>, transform_indices = @transform_2, window_bounds = array<i64: 16, 32>}, {pipeline_mode = #tpu.pipeline_mode<synchronous>, transform_indices = @transform_3, window_bounds = array<i64: 1, 32>}, {pipeline_mode = #tpu.pipeline_mode<synchronous>, transform_indices = @transform_4, window_bounds = array<i64: 32, 512>}, {pipeline_mode = #tpu.pipeline_mode<synchronous>, transform_indices = @transform_5, window_bounds = array<i64: 1, 512>}, {pipeline_mode = #tpu.pipeline_mode<synchronous>, transform_indices = @transform_6, window_bounds = array<i64: 128, 512>}, {transform_indices = @transform_7, window_bounds = array<i64: 2048, 128>}]} {
    %get3A = arith.constant 0 : index
    %get3A_0 = arith.constant 0 : index
    %get3A_1 = vector.load %arg1[%get3A, %get3A_0] : memref<2048x16xf32, #tpu.memory_space<vmem>>, vector<2048x16xf32>
    %get3A_2 = arith.constant 0 : index
    %get3A_3 = arith.constant 0 : index
    %get3A_4 = vector.load %arg3[%get3A_2, %get3A_3] : memref<16x32xf32, #tpu.memory_space<vmem>>, vector<16x32xf32>
    %dot_general3A = arith.constant dense<0.000000e+00> : vector<2048x32xf32>
    %dot_general3A_5 = tpu.matmul %get3A_1, %get3A_4, %dot_general3A {dimension_numbers = #tpu.dot_dimension_numbers<[1], [0], [0], [1], [0, 0, 1, 1], [], []>, transpose_lhs_hint = false} : vector<2048x16xf32>, vector<16x32xf32>, vector<2048x32xf32> -> vector<2048x32xf32>
    %get3A_6 = arith.constant 0 : index
    %get3A_7 = arith.constant 0 : index
    %get3A_8 = vector.load %arg4[%get3A_6, %get3A_7] : memref<1x32xf32, #tpu.memory_space<vmem>>, vector<1x32xf32>
    %add3A = vector.broadcast %get3A_8 : vector<1x32xf32> to vector<2048x32xf32>
    %add3A_9 = arith.addf %dot_general3A_5, %add3A : vector<2048x32xf32>
    %mul3A = arith.constant 5.000000e-01 : f32
    %mul3A_10 = vector.broadcast %mul3A : f32 to vector<2048x32xf32>
    %mul3A_11 = arith.mulf %add3A_9, %mul3A_10 : vector<2048x32xf32>
    %mul3A_12 = arith.constant 0.707106769 : f32
    %mul3A_13 = vector.broadcast %mul3A_12 : f32 to vector<2048x32xf32>
    %mul3A_14 = arith.mulf %add3A_9, %mul3A_13 : vector<2048x32xf32>
    %erf3A = math.erf %mul3A_14 : vector<2048x32xf32>
    %add3A_15 = arith.constant 1.000000e+00 : f32
    %add3A_16 = vector.broadcast %add3A_15 : f32 to vector<2048x32xf32>
    %add3A_17 = arith.addf %add3A_16, %erf3A : vector<2048x32xf32>
    %mul3A_18 = arith.mulf %mul3A_11, %add3A_17 : vector<2048x32xf32>
    %get3A_19 = arith.constant 0 : index
    %get3A_20 = arith.constant 0 : index
    %get3A_21 = vector.load %arg5[%get3A_19, %get3A_20] : memref<32x512xf32, #tpu.memory_space<vmem>>, vector<32x512xf32>
    %dot_general3A_22 = arith.constant dense<0.000000e+00> : vector<2048x512xf32>
    %dot_general3A_23 = tpu.matmul %mul3A_18, %get3A_21, %dot_general3A_22 {dimension_numbers = #tpu.dot_dimension_numbers<[1], [0], [0], [1], [0, 0, 1, 1], [], []>, transpose_lhs_hint = false} : vector<2048x32xf32>, vector<32x512xf32>, vector<2048x512xf32> -> vector<2048x512xf32>
    %get3A_24 = arith.constant 0 : index
    %get3A_25 = arith.constant 0 : index
    %get3A_26 = vector.load %arg6[%get3A_24, %get3A_25] : memref<1x512xf32, #tpu.memory_space<vmem>>, vector<1x512xf32>
    %add3A_27 = vector.broadcast %get3A_26 : vector<1x512xf32> to vector<2048x512xf32>
    %add3A_28 = arith.addf %dot_general3A_23, %add3A_27 : vector<2048x512xf32>
    %get3A_29 = arith.constant 0 : index
    %get3A_30 = arith.constant 0 : index
    %get3A_31 = vector.load %arg2[%get3A_29, %get3A_30] : memref<2048x128xf32, #tpu.memory_space<vmem>>, vector<2048x128xf32>
    %get3A_32 = arith.constant 0 : index
    %get3A_33 = arith.constant 0 : index
    %get3A_34 = vector.load %arg7[%get3A_32, %get3A_33] : memref<128x512xf32, #tpu.memory_space<vmem>>, vector<128x512xf32>
    %dot_general3A_35 = arith.constant dense<0.000000e+00> : vector<2048x512xf32>
    %dot_general3A_36 = tpu.matmul %get3A_31, %get3A_34, %dot_general3A_35 {dimension_numbers = #tpu.dot_dimension_numbers<[1], [0], [0], [1], [0, 0, 1, 1], [], []>, transpose_lhs_hint = false} : vector<2048x128xf32>, vector<128x512xf32>, vector<2048x512xf32> -> vector<2048x512xf32>
    %mul3A_37 = arith.mulf %add3A_28, %dot_general3A_36 : vector<2048x512xf32>
    %slice3A = vector.extract_strided_slice %mul3A_37 {offsets = [0, 0], sizes = [2048, 128], strides = [1, 1]} : vector<2048x512xf32> to vector<2048x128xf32>
    %slice3A_38 = vector.extract_strided_slice %mul3A_37 {offsets = [0, 128], sizes = [2048, 128], strides = [1, 1]} : vector<2048x512xf32> to vector<2048x128xf32>
    %add3A_39 = arith.addf %slice3A, %slice3A_38 : vector<2048x128xf32>
    %slice3A_40 = vector.extract_strided_slice %mul3A_37 {offsets = [0, 256], sizes = [2048, 128], strides = [1, 1]} : vector<2048x512xf32> to vector<2048x128xf32>
    %add3A_41 = arith.addf %add3A_39, %slice3A_40 : vector<2048x128xf32>
    %slice3A_42 = vector.extract_strided_slice %mul3A_37 {offsets = [0, 384], sizes = [2048, 128], strides = [1, 1]} : vector<2048x512xf32> to vector<2048x128xf32>
    %add3A_43 = arith.addf %add3A_41, %slice3A_42 : vector<2048x128xf32>
    %swap3A = arith.constant 0 : index
    %swap3A_44 = arith.constant 0 : index
    %swap3A_45 = vector.load %arg8[%swap3A, %swap3A_44] : memref<2048x128xf32, #tpu.memory_space<vmem>>, vector<2048x128xf32>
    tpu.vector_store %arg8[%swap3A, %swap3A_44], %add3A_43 {strides = array<i32>} : memref<2048x128xf32, #tpu.memory_space<vmem>>, vector<2048x128xf32>,
    return
  }
  func.func @transform_0(%arg0: i32) -> (i32, i32) {
    %c0_i32 = arith.constant 0 : i32
    %c0_i32_0 = arith.constant 0 : i32
    return %arg0, %c0_i32 : i32, i32
  }
  func.func @transform_1(%arg0: i32) -> (i32, i32) {
    %c0_i32 = arith.constant 0 : i32
    %c0_i32_0 = arith.constant 0 : i32
    return %arg0, %c0_i32 : i32, i32
  }
  func.func @transform_2(%arg0: i32) -> (i32, i32) {
    %c0_i32 = arith.constant 0 : i32
    %c0_i32_0 = arith.constant 0 : i32
    %c0_i32_1 = arith.constant 0 : i32
    return %c0_i32, %c0_i32_0 : i32, i32
  }
  func.func @transform_3(%arg0: i32) -> (i32, i32) {
    %c0_i32 = arith.constant 0 : i32
    %c0_i32_0 = arith.constant 0 : i32
    %c0_i32_1 = arith.constant 0 : i32
    return %c0_i32, %c0_i32_0 : i32, i32
  }
  func.func @transform_4(%arg0: i32) -> (i32, i32) {
    %c0_i32 = arith.constant 0 : i32
    %c0_i32_0 = arith.constant 0 : i32
    %c0_i32_1 = arith.constant 0 : i32
    return %c0_i32, %c0_i32_0 : i32, i32
  }
  func.func @transform_5(%arg0: i32) -> (i32, i32) {
    %c0_i32 = arith.constant 0 : i32
    %c0_i32_0 = arith.constant 0 : i32
    %c0_i32_1 = arith.constant 0 : i32
    return %c0_i32, %c0_i32_0 : i32, i32
  }
  func.func @transform_6(%arg0: i32) -> (i32, i32) {
    %c0_i32 = arith.constant 0 : i32
    %c0_i32_0 = arith.constant 0 : i32
    %c0_i32_1 = arith.constant 0 : i32
    return %c0_i32, %c0_i32_0 : i32, i32
  }
  func.func @transform_7(%arg0: i32) -> (i32, i32) {
    %c0_i32 = arith.constant 0 : i32
    %c0_i32_0 = arith.constant 0 : i32
    return %arg0, %c0_i32 : i32, i32
  }
}

module attributes {stable_mosaic.version = 14 : i64} {
  func.func @_final_body(%arg0: i32, %arg1: memref<2000x128xf32, #tpu.memory_space<vmem>>, %arg2: memref<2x2000x128xf32, #tpu.memory_space<vmem>>, %arg3: memref<2x2000x128xf32, #tpu.memory_space<vmem>>, %arg4: memref<2x2000x1xf32, #tpu.memory_space<vmem>>, %arg5: memref<2x2000x1xf32, #tpu.memory_space<vmem>>, %arg6: memref<128x128xf32, #tpu.memory_space<vmem>>, %arg7: memref<1x128xf32, #tpu.memory_space<vmem>>, %arg8: memref<128x128xf32, #tpu.memory_space<vmem>>, %arg9: memref<1x128xf32, #tpu.memory_space<vmem>>, %arg10: memref<2000x128xf32, #tpu.memory_space<vmem>>) attributes {dimension_semantics = [#tpu.dimension_semantics<arbitrary>], iteration_bounds = array<i64: 5>, scalar_prefetch = 0 : i64, scratch_operands = 0 : i64, tpu.core_type = #tpu.core_type<tc>, window_params = [{transform_indices = @transform_0, window_bounds = array<i64: 2000, 128>}, {transform_indices = @transform_1, window_bounds = array<i64: 2, 2000, 128>}, {transform_indices = @transform_2, window_bounds = array<i64: 2, 2000, 128>}, {transform_indices = @transform_3, window_bounds = array<i64: 2, 2000, 1>}, {transform_indices = @transform_4, window_bounds = array<i64: 2, 2000, 1>}, {pipeline_mode = #tpu.pipeline_mode<synchronous>, transform_indices = @transform_5, window_bounds = array<i64: 128, 128>}, {pipeline_mode = #tpu.pipeline_mode<synchronous>, transform_indices = @transform_6, window_bounds = array<i64: 1, 128>}, {pipeline_mode = #tpu.pipeline_mode<synchronous>, transform_indices = @transform_7, window_bounds = array<i64: 128, 128>}, {pipeline_mode = #tpu.pipeline_mode<synchronous>, transform_indices = @transform_8, window_bounds = array<i64: 1, 128>}, {transform_indices = @transform_9, window_bounds = array<i64: 2000, 128>}]} {
    %get3A = arith.constant 0 : index
    %get3A_0 = arith.constant 0 : index
    %get3A_1 = arith.constant 0 : index
    %get3A_2 = vector.load %arg2[%get3A, %get3A_0, %get3A_1] : memref<2x2000x128xf32, #tpu.memory_space<vmem>>, vector<1x2000x128xf32>
    %get3A_3 = vector.shape_cast %get3A_2 : vector<1x2000x128xf32> to vector<2000x128xf32>
    %get3A_4 = arith.constant 1 : index
    %get3A_5 = arith.constant 0 : index
    %get3A_6 = arith.constant 0 : index
    %get3A_7 = vector.load %arg2[%get3A_4, %get3A_5, %get3A_6] : memref<2x2000x128xf32, #tpu.memory_space<vmem>>, vector<1x2000x128xf32>
    %get3A_8 = vector.shape_cast %get3A_7 : vector<1x2000x128xf32> to vector<2000x128xf32>
    %add3A = arith.addf %get3A_3, %get3A_8 : vector<2000x128xf32>
    %add3A_9 = arith.constant 0.000000e+00 : f32
    %add3A_10 = vector.broadcast %add3A_9 : f32 to vector<2000x128xf32>
    %add3A_11 = arith.addf %add3A_10, %add3A : vector<2000x128xf32>
    %get3A_12 = arith.constant 0 : index
    %get3A_13 = arith.constant 0 : index
    %get3A_14 = arith.constant 0 : index
    %get3A_15 = vector.load %arg3[%get3A_12, %get3A_13, %get3A_14] : memref<2x2000x128xf32, #tpu.memory_space<vmem>>, vector<1x2000x128xf32>
    %get3A_16 = vector.shape_cast %get3A_15 : vector<1x2000x128xf32> to vector<2000x128xf32>
    %get3A_17 = arith.constant 1 : index
    %get3A_18 = arith.constant 0 : index
    %get3A_19 = arith.constant 0 : index
    %get3A_20 = vector.load %arg3[%get3A_17, %get3A_18, %get3A_19] : memref<2x2000x128xf32, #tpu.memory_space<vmem>>, vector<1x2000x128xf32>
    %get3A_21 = vector.shape_cast %get3A_20 : vector<1x2000x128xf32> to vector<2000x128xf32>
    %add3A_22 = arith.addf %get3A_16, %get3A_21 : vector<2000x128xf32>
    %add3A_23 = arith.addf %add3A_11, %add3A_22 : vector<2000x128xf32>
    %get3A_24 = arith.constant 0 : index
    %get3A_25 = arith.constant 0 : index
    %get3A_26 = arith.constant 0 : index
    %get3A_27 = vector.load %arg4[%get3A_24, %get3A_25, %get3A_26] : memref<2x2000x1xf32, #tpu.memory_space<vmem>>, vector<1x2000x1xf32>
    %get3A_28 = vector.shape_cast %get3A_27 : vector<1x2000x1xf32> to vector<2000x1xf32>
    %get3A_29 = arith.constant 1 : index
    %get3A_30 = arith.constant 0 : index
    %get3A_31 = arith.constant 0 : index
    %get3A_32 = vector.load %arg4[%get3A_29, %get3A_30, %get3A_31] : memref<2x2000x1xf32, #tpu.memory_space<vmem>>, vector<1x2000x1xf32>
    %get3A_33 = vector.shape_cast %get3A_32 : vector<1x2000x1xf32> to vector<2000x1xf32>
    %add3A_34 = arith.addf %get3A_28, %get3A_33 : vector<2000x1xf32>
    %add3A_35 = arith.constant 0.000000e+00 : f32
    %add3A_36 = vector.broadcast %add3A_35 : f32 to vector<2000x1xf32>
    %add3A_37 = arith.addf %add3A_36, %add3A_34 : vector<2000x1xf32>
    %get3A_38 = arith.constant 0 : index
    %get3A_39 = arith.constant 0 : index
    %get3A_40 = arith.constant 0 : index
    %get3A_41 = vector.load %arg5[%get3A_38, %get3A_39, %get3A_40] : memref<2x2000x1xf32, #tpu.memory_space<vmem>>, vector<1x2000x1xf32>
    %get3A_42 = vector.shape_cast %get3A_41 : vector<1x2000x1xf32> to vector<2000x1xf32>
    %get3A_43 = arith.constant 1 : index
    %get3A_44 = arith.constant 0 : index
    %get3A_45 = arith.constant 0 : index
    %get3A_46 = vector.load %arg5[%get3A_43, %get3A_44, %get3A_45] : memref<2x2000x1xf32, #tpu.memory_space<vmem>>, vector<1x2000x1xf32>
    %get3A_47 = vector.shape_cast %get3A_46 : vector<1x2000x1xf32> to vector<2000x1xf32>
    %add3A_48 = arith.addf %get3A_42, %get3A_47 : vector<2000x1xf32>
    %add3A_49 = arith.addf %add3A_37, %add3A_48 : vector<2000x1xf32>
    %max3A = arith.constant 1.000000e+00 : f32
    %max3A_50 = vector.broadcast %max3A : f32 to vector<2000x1xf32>
    %max3A_51 = arith.maximumf %add3A_49, %max3A_50 : vector<2000x1xf32>
    %div3A = vector.broadcast %max3A_51 : vector<2000x1xf32> to vector<2000x128xf32>
    %div3A_52 = arith.divf %add3A_23, %div3A : vector<2000x128xf32>
    %get3A_53 = arith.constant 0 : index
    %get3A_54 = arith.constant 0 : index
    %get3A_55 = vector.load %arg1[%get3A_53, %get3A_54] : memref<2000x128xf32, #tpu.memory_space<vmem>>, vector<2000x128xf32>
    %get3A_56 = arith.constant 0 : index
    %get3A_57 = arith.constant 0 : index
    %get3A_58 = vector.load %arg6[%get3A_56, %get3A_57] : memref<128x128xf32, #tpu.memory_space<vmem>>, vector<128x128xf32>
    %dot_general3A = arith.constant dense<0.000000e+00> : vector<2000x128xf32>
    %dot_general3A_59 = tpu.matmul %div3A_52, %get3A_58, %dot_general3A {dimension_numbers = #tpu.dot_dimension_numbers<[1], [0], [0], [1], [0, 0, 1, 1], [], []>, transpose_lhs_hint = false} : vector<2000x128xf32>, vector<128x128xf32>, vector<2000x128xf32> -> vector<2000x128xf32>
    %add3A_60 = arith.addf %get3A_55, %dot_general3A_59 : vector<2000x128xf32>
    %get3A_61 = arith.constant 0 : index
    %get3A_62 = arith.constant 0 : index
    %get3A_63 = vector.load %arg7[%get3A_61, %get3A_62] : memref<1x128xf32, #tpu.memory_space<vmem>>, vector<1x128xf32>
    %add3A_64 = vector.broadcast %get3A_63 : vector<1x128xf32> to vector<2000x128xf32>
    %add3A_65 = arith.addf %add3A_60, %add3A_64 : vector<2000x128xf32>
    %get3A_66 = arith.constant 0 : index
    %get3A_67 = arith.constant 0 : index
    %get3A_68 = vector.load %arg8[%get3A_66, %get3A_67] : memref<128x128xf32, #tpu.memory_space<vmem>>, vector<128x128xf32>
    %dot_general3A_69 = arith.constant dense<0.000000e+00> : vector<2000x128xf32>
    %dot_general3A_70 = tpu.matmul %add3A_65, %get3A_68, %dot_general3A_69 {dimension_numbers = #tpu.dot_dimension_numbers<[1], [0], [0], [1], [0, 0, 1, 1], [], []>, transpose_lhs_hint = false} : vector<2000x128xf32>, vector<128x128xf32>, vector<2000x128xf32> -> vector<2000x128xf32>
    %get3A_71 = arith.constant 0 : index
    %get3A_72 = arith.constant 0 : index
    %get3A_73 = vector.load %arg9[%get3A_71, %get3A_72] : memref<1x128xf32, #tpu.memory_space<vmem>>, vector<1x128xf32>
    %add3A_74 = vector.broadcast %get3A_73 : vector<1x128xf32> to vector<2000x128xf32>
    %add3A_75 = arith.addf %dot_general3A_70, %add3A_74 : vector<2000x128xf32>
    %swap3A = arith.constant 0 : index
    %swap3A_76 = arith.constant 0 : index
    %swap3A_77 = vector.load %arg10[%swap3A, %swap3A_76] : memref<2000x128xf32, #tpu.memory_space<vmem>>, vector<2000x128xf32>
    tpu.vector_store %arg10[%swap3A, %swap3A_76], %add3A_75 {strides = array<i32>} : memref<2000x128xf32, #tpu.memory_space<vmem>>, vector<2000x128xf32>,
    return
  }
  func.func @transform_0(%arg0: i32) -> (i32, i32) {
    %c0_i32 = arith.constant 0 : i32
    %c0_i32_0 = arith.constant 0 : i32
    return %arg0, %c0_i32 : i32, i32
  }
  func.func @transform_1(%arg0: i32) -> (i32, i32, i32) {
    %c0_i32 = arith.constant 0 : i32
    %c0_i32_0 = arith.constant 0 : i32
    %c0_i32_1 = arith.constant 0 : i32
    return %c0_i32, %arg0, %c0_i32_0 : i32, i32, i32
  }
  func.func @transform_2(%arg0: i32) -> (i32, i32, i32) {
    %c0_i32 = arith.constant 0 : i32
    %c0_i32_0 = arith.constant 0 : i32
    %c0_i32_1 = arith.constant 0 : i32
    return %c0_i32, %arg0, %c0_i32_0 : i32, i32, i32
  }
  func.func @transform_3(%arg0: i32) -> (i32, i32, i32) {
    %c0_i32 = arith.constant 0 : i32
    %c0_i32_0 = arith.constant 0 : i32
    %c0_i32_1 = arith.constant 0 : i32
    return %c0_i32, %arg0, %c0_i32_0 : i32, i32, i32
  }
  func.func @transform_4(%arg0: i32) -> (i32, i32, i32) {
    %c0_i32 = arith.constant 0 : i32
    %c0_i32_0 = arith.constant 0 : i32
    %c0_i32_1 = arith.constant 0 : i32
    return %c0_i32, %arg0, %c0_i32_0 : i32, i32, i32
  }
  func.func @transform_5(%arg0: i32) -> (i32, i32) {
    %c0_i32 = arith.constant 0 : i32
    %c0_i32_0 = arith.constant 0 : i32
    %c0_i32_1 = arith.constant 0 : i32
    return %c0_i32, %c0_i32_0 : i32, i32
  }
  func.func @transform_6(%arg0: i32) -> (i32, i32) {
    %c0_i32 = arith.constant 0 : i32
    %c0_i32_0 = arith.constant 0 : i32
    %c0_i32_1 = arith.constant 0 : i32
    return %c0_i32, %c0_i32_0 : i32, i32
  }
  func.func @transform_7(%arg0: i32) -> (i32, i32) {
    %c0_i32 = arith.constant 0 : i32
    %c0_i32_0 = arith.constant 0 : i32
    %c0_i32_1 = arith.constant 0 : i32
    return %c0_i32, %c0_i32_0 : i32, i32
  }
  func.func @transform_8(%arg0: i32) -> (i32, i32) {
    %c0_i32 = arith.constant 0 : i32
    %c0_i32_0 = arith.constant 0 : i32
    %c0_i32_1 = arith.constant 0 : i32
    return %c0_i32, %c0_i32_0 : i32, i32
  }
  func.func @transform_9(%arg0: i32) -> (i32, i32) {
    %c0_i32 = arith.constant 0 : i32
    %c0_i32_0 = arith.constant 0 : i32
    return %arg0, %c0_i32 : i32, i32
  }
}

</mosaic_0001>

<sc_bundles>
// kernel: kernel.10.cloned.1.call-start
scs
__scs_entry_jumppad:
0x0: {  	(pc) =	sbr.rel $0x88, $3  }
0x1: {  	(tag) =	ssettag $0x0;
	lr =	simm.s32 $0x1  }
0x2: {  	[smem:$0x3F94] =	sst lr;
	_ =	strace $0xD0000000  }
0x3: {  	_ = 	snop  }
0x4: {  	_ = 	snop  }
0x5: {  	_ = 	snop  }
0x6: {  	_ = 	snop  }
0x7: {  	_ = 	snop  }
__scs_overlays_trampoline_lowered:
0x8: {  	[smem:$0x3FA3] =	sst s0  }
0x9: {  	[smem:$0x3FA4] =	sst s1  }
0xa: {  	[smem:$0x3FA5] =	sst s2  }
0xb: {  	[smem:$0x3FA6] =	sst s3  }
0xc: {  	[smem:$0x3FA7] =	sst s4  }
0xd: {  	[smem:$0x3FA8] =	sst s5  }
0xe: {  	[smem:$0x3FA9] =	sst s6  }
0xf: {  	[smem:$0x3FAA] =	sst s7  }
0x10: {  	[smem:$0x3FAB] =	sst s8  }
0x11: {  	[smem:$0x3FAC] =	sst s9;
	s0 =	simm.s32 @!p0 $0x0  }
0x12: {  	s1 =	sld [smem:$0x3F92];
	s0 =	simm.s32 @p0 $0x1  }
0x13: {  	[smem:$0x3FAD] =	sst s0;
	s0 =	simm.s32 @!p1 $0x0  }
0x14: {  	s2 =	sld [smem:$0x3F91];
	s0 =	simm.s32 @p1 $0x1  }
0x15: {  	[smem:$0x3FAE] =	sst s0;
	s0 =	simm.s32 @!p2 $0x0  }
0x16: {  	s3 =	sld [smem:$0x3FDB];
	s0 =	simm.s32 @p2 $0x1  }
0x17: {  	s4 =	simm.s32 $0x1BF5;
	[smem:$0x3FB0] =	sst s0  }
0x18: {  	s0 =	sld [smem:$0x3F93];
	_ =	swait.ge [sflag:s4], $0x0  }
0x19: {  	s7 =	sld [smem:$0x3F94]  }
0x1a: {  	s8 =	sadd.s32 $0xFFFFE003, lr  }
0x1b: {  	s9 =	sadd.s32 $0xFFFFFEF7, lr;
	s5 =	simm.s32 $0xFFFFFFFF;
	p2 =	slt.u32 s8, $0xFFFFF086  }
0x1c: {  	p1 =	slt.u32 s9, $0xF7A;
	s5 =	simm.s32 @!p2 $0x0  }
0x1d: {  	s5 =	simm.s32 @p1 $0x1;
	p0 =	seq.s32 s7, s2  }
0x1e: {  	s7 =	smul.u32 @!p0 $0xF7A, s2;
	p2 =	seq.s32 @!p0 s5, $0x0  }
0x1f: {  	s9 =	smul.u32 $0xF7A, s1;
	s8 =	simm.s32 @!p0 $0x1BF5;
	p2 =	por !p2, p0  }
0x20: {  	[sflag:s8] =	ssyncset.s32 @!p0 $0xFFFFF086;
	s6 =	sadd.s32 @!p0 s3, s7;
	s7 =	simm.s32 @!p0 $0x108  }
0x21: {  	s3 =	sadd.s32 s3, s9;
	s6 =	sadd.s32 @!p0 $0x88, s6;
	s7 =	simm.s32 @p2 $0x1082  }
0x22: {  	[simem:s7], [sflag:s8] =	dma.local @!p0 [hbm:s6], $0xF7A  }
0x23: {  	s9 =	sor.u32 $0xD0000000, s2;
	s6 =	simm.s32 $0x108;
	_ =	swait.ge @!p0 [sflag:s8], $0x0  }
0x24: {  	s3 =	sadd.s32 $0x88, s3;
	s6 =	simm.s32 @!p1 $0x1082;
	[sflag:s4] =	ssyncset.s32 $0xFFFFF086  }
0x25: {  	[simem:s6], [sflag:s4] =	dma.local [hbm:s3], $0xF7A  }
0x26: {  	[smem:$0x3F94] =	sst s1;
	(tag) =	ssettag s2;
	_ =	strace s9  }
0x27: {  	s1 =	sld [smem:$0x3FA4]  }
0x28: {  	s2 =	sld [smem:$0x3FA5]  }
0x29: {  	s4 =	sld [smem:$0x3FA7]  }
0x2a: {  	p0 =	seq.s32 s5, $0x0;
	s5 =	sld [smem:$0x3FA8]  }
0x2b: {  	s6 =	sld [smem:$0x3FA9]  }
0x2c: {  	s7 =	sld [smem:$0x3FAA]  }
0x2d: {  	s3 =	simm.s32 $0x108;
	s8 =	sld [smem:$0x3FAB]  }
0x2e: {  	s3 =	simm.s32 @!p0 $0x1082;
	s9 =	sld [smem:$0x3FAC]  }
0x2f: {  	lr =	sadd.s32 s0, s3;
	s0 =	sld [smem:$0x3FA3]  }
0x30: {  	s3 =	sld [smem:$0x3FA6]  }
0x31: {  	[smem:$0x3FAF] =	sst s10  }
0x32: {  	s10 =	sld [smem:$0x3FAD];
	_ =	sdelay $0x3  }
0x33: {  	p0 =	seq.s32 s10, $0x1;
	s10 =	sld [smem:$0x3FAF];
	_ =	sdelay $0x3  }
0x34: {  	[smem:$0x3FAF] =	sst s10  }
0x35: {  	s10 =	sld [smem:$0x3FAE];
	_ =	sdelay $0x3  }
0x36: {  	p1 =	seq.s32 s10, $0x1;
	s10 =	sld [smem:$0x3FAF];
	_ =	sdelay $0x3  }
0x37: {  	[smem:$0x3FAF] =	sst s10  }
0x38: {  	s10 =	sld [smem:$0x3FB0]  }
0x39: {  	_ = 	snop;
	(pc) =	sbr.ind lr, $3  }
0x3a: {  	_ = 	snop  }
0x3b: {  	_ = 	snop  }
0x3c: {  	p2 =	seq.s32 s10, $0x1;
	s10 =	sld [smem:$0x3FAF]  }
0x3d: {  	_ =	shalt  }
0x3e: {  	_ =	shalt  }
0x3f: {  	_ =	shalt  }
0x40: {  	_ =	shalt  }
0x41: {  	_ =	shalt  }
0x42: {  	_ =	shalt  }
0x43: {  	_ =	shalt  }
0x44: {  	_ =	shalt  }
0x45: {  	_ =	shalt  }
0x46: {  	_ =	shalt  }
0x47: {  	_ =	shalt  }
0x48: {  	_ =	shalt  }
0x49: {  	_ =	shalt  }
0x4a: {  	_ =	shalt  }
0x4b: {  	_ =	shalt  }
0x4c: {  	_ =	shalt  }
0x4d: {  	_ =	shalt  }
0x4e: {  	_ =	shalt  }
0x4f: {  	_ =	shalt  }
0x50: {  	_ =	shalt  }
0x51: {  	_ =	shalt  }
0x52: {  	_ =	shalt  }
0x53: {  	_ =	shalt  }
0x54: {  	_ =	shalt  }
0x55: {  	_ =	shalt  }
0x56: {  	_ =	shalt  }
0x57: {  	_ =	shalt  }
0x58: {  	_ =	shalt  }
0x59: {  	_ =	shalt  }
0x5a: {  	_ =	shalt  }
0x5b: {  	_ =	shalt  }
0x5c: {  	_ =	shalt  }
0x5d: {  	_ =	shalt  }
0x5e: {  	_ =	shalt  }
0x5f: {  	_ =	shalt  }
0x60: {  	_ =	shalt  }
0x61: {  	_ =	shalt  }
0x62: {  	_ =	shalt  }
0x63: {  	_ =	shalt  }
0x64: {  	_ =	shalt  }
0x65: {  	_ =	shalt  }
0x66: {  	_ =	shalt  }
0x67: {  	_ =	shalt  }
0x68: {  	_ =	shalt  }
0x69: {  	_ =	shalt  }
0x6a: {  	_ =	shalt  }
0x6b: {  	_ =	shalt  }
0x6c: {  	_ =	shalt  }
0x6d: {  	_ =	shalt  }
0x6e: {  	_ =	shalt  }
0x6f: {  	_ =	shalt  }
0x70: {  	_ =	shalt  }
0x71: {  	_ =	shalt  }
0x72: {  	_ =	shalt  }
0x73: {  	_ =	shalt  }
0x74: {  	_ =	shalt  }
0x75: {  	_ =	shalt  }
0x76: {  	_ =	shalt  }
0x77: {  	_ =	shalt  }
0x78: {  	_ =	shalt  }
0x79: {  	_ =	shalt  }
0x7a: {  	_ =	shalt  }
0x7b: {  	_ =	shalt  }
0x7c: {  	_ =	shalt  }
0x7d: {  	_ =	shalt  }
0x7e: {  	_ =	shalt  }
0x7f: {  	_ =	shalt  }
0x80: {  	_ =	shalt  }
0x81: {  	_ =	shalt  }
0x82: {  	_ =	shalt  }
0x83: {  	_ =	shalt  }
0x84: {  	_ =	shalt  }
0x85: {  	_ =	shalt  }
0x86: {  	_ =	shalt  }
0x87: {  	_ =	shalt  }
.Lfunc_end0:
.L_simem_size_0:
called_computation_lowered:
.L_overlay_start_0:
0x88: {  	s2 =	sld [smem:$0x3FD9]  }
0x89: {  	s3 =	sld [smem:$0x3FFE];
	_ =	sdelay $0x1  }
0x8a: {  	s1 =	srdreg.scid  }
0x8b: {  	s0 =	sand.u32 $0x1, s1  }
0x8c: {  	s17 =	sshll.u32 s0, $0xA;
	s2 =	sadd.s32 s3, s2  }
0x8d: {  	s2 =	sadd.s32 s2, s17  }
0x8e: {  	[smem:$0x3FBB] =	sst s2  }
0x8f: {  	_ = 	snop  }
0x90: {  	s2 =	sld [smem:$0x3FD0];
	(tm) =	ssettm $0x1  }
0x91: {  	s18 =	sld [smem:$0x3FFB];
	_ =	sdelay $0x3  }
0x92: {  	_ =	strace s18  }
0x93: {  	s3 =	sld [smem:$0x3FFC];
	_ =	sdelay $0x3  }
0x94: {  	_ =	strace s3  }
0x95: {  	s3 =	sld [smem:$0x3FFD];
	_ =	sdelay $0x3  }
0x96: {  	_ =	strace s3  }
0x97: {  	_ =	strace $0x8FFFFFFF  }
0x98: {  	s19 =	sld [smem:$0x3FDB];
	_ =	sdelay $0x1  }
0x99: {  	s4 =	simm.s32 $_scs_section_size  }
0x9a: {  	s5 =	simm.s32 $_size__tile_overlayer_lowered;
	s6 =	simm.s32 $_tile_overlayer_lowered  }
0x9b: {  	s22 =	simm.s32 $0x1BFF;
	s21 =	sshll.u32 s6, $0x1;
	s3 =	sadd.s32 s4, s19  }
0x9c: {  	s7 =	simm.s32 $0x0;
	s20 =	sshll.u32 s5, $0x1;
	s5 =	sadd.s32 s21, s3  }
0x9d: {  	[timem:s7], [sflag:s22] =	dma.local [hbm:s5], s20  }
0x9e: {  	_ =	swait.ge [sflag:s22], s20  }
0x9f: {  	s4 =	ssub.s32 $0x0, s20;
	[sflag:s22] =	ssyncset.done $0x0  }
0xa0: {  	[sflag:s22] =	ssyncadd.s32 s4;
	_ =	sdelay $0x1  }
0xa1: {  	s23 =	simm.s32 $0x1B8B  }
0xa2: {  	_ =	swait.ge [sflag:s23], $0x1  }
0xa3: {  	[sflag:s23] =	ssyncset.done $0x0  }
0xa4: {  	s25 =	simm.s32 $0x1B8E;
	s24 =	sld [smem:$0x3FFE];
	[sflag:s23] =	ssyncadd.s32 $0xFFFFFFFF  }
0xa5: {  	s26 =	simm.s32 $execute0_lowered;
	[smem:$0x3FD2] =	sst s25  }
0xa6: {  	s5 =	sshll.u32 s26, $0x1;
	_ =	strace $0x80000046;
	[dreg:$0x1] =	wrdreg $0xFFFFFFFF  }
0xa7: {  	s28 =	simm.s32 $_size_execute0_lowered;
	s3 =	sadd.s32 s3, s5;
	[dreg:$0x0] =	wrdreg $0x0  }
0xa8: {  	s5 =	sshll.u32 s28, $0x1;
	[dreg:$0x2] =	wrdreg s3  }
0xa9: {  	[dreg:$0x3] =	wrdreg s5  }
0xaa: {  	[dreg:$0x4] =	wrdreg $0xC0  }
0xab: {  	_ =	task [dreg:s7], $0x5FFFF  }
0xac: {  	[dreg:$0x1] =	wrdreg $0xFFFFFFFF  }
0xad: {  	[dreg:$0x0] =	wrdreg $0x60  }
0xae: {  	[dreg:$0x2] =	wrdreg s2  }
0xaf: {  	[dreg:$0x3] =	wrdreg s24  }
0xb0: {  	[dreg:$0x4] =	wrdreg $0x9  }
0xb1: {  	_ =	task.clear_ibuf [dreg:s7], $0x5FFFF;
	_ =	strace $0x90000046  }
0xb2: {  	s29 =	simm.s32 $0x9;
	_ =	strace $0x80000048  }
0xb3: {  	_ =	swait.ge [sflag:s29], $0x1  }
0xb4: {  	[sflag:s29] =	ssyncadd.s32 $0xFFFFFFFF  }
0xb5: {  	_ =	strace $0x90000048  }
0xb6: {  	_ =	sfence  }
0xb7: {  	s30 =	sld [smem:$0x0];
	_ =	sdelay $0x2  }
0xb8: {  	s31 =	sshll.u32 s1, $0xD;
	s1 =	sshrl.u32 s1, $0x2  }
0xb9: {  	s3 =	sand.u32 $0x4000, s31;
	s1 =	sadd.s32 s1, s30  }
0xba: {  	s0 =	sor.u32 s3, s0;
	s1 =	sshll.u32 s1, $0x11  }
0xbb: {  	s0 =	sor.u32 s1, s0  }
0xbc: {  	s0 =	sadd.s32 $0x8F2B, s0  }
0xbd: {  	[sflag:s0] =	ssyncadd.remote.s32 $0x1  }
0xbe: {  	_ =	sfence.sel $0xFFFF  }
0xbf: {  	[dreg:$0x0] =	wrdreg $0xFFFFFFFF;
	(pc) =	sbr.abs _section_cstart, $3  }
0xc0: {  	[dreg:$0x1] =	wrdreg $0xFFFFFFFF  }
0xc1: {  	_ =	task.clear_ibuf [dreg:s7], $0x2FFFF;
	_ =	strace $0x9FFFFFFF  }
0xc2: {  	(tm) =	ssettm $0x7FFFFFFF  }
0xc3: {  	_ =	shalt  }
tec
execute0_lowered:
.L_overlay_start_1:
0x0: {  	(tag) =	ssettag $0x1  }
0x1: {  	s2 =	rddreg [dreg:$0x0];
	s0 =	srdreg.scid  }
0x2: {  	s8 =	stileid.u32;
	s1 =	rddreg [dreg:$0x1];
	s3 =	simm.s32 $0x0  }
0x3: {  	s28 =	simm.s32 $0x6;
	s30 =	simm.s32 $0x4;
	s31 =	simm.s32 $0x7  }
0x4: {  	s0 =	sand.u32 $0x1, s0;
	s4 =	sshll.u32 s8, $0x1;
	s15 =	smul.u32 $0x140000, s8  }
0x5: {  	s4 =	sor.u32 s0, s4;
	s6 =	ssub.s32 $0x2, s0;
	s0 =	smul.u32 $0xA0000, s0  }
0x6: {  	[smem:$0x7FF] =	sst s3;
	s10 =	sadd.s32 $0x14200, s1;
	s5 =	smul.u32 $0x280, s4  }
0x7: {  	_ =	strace $0x80000047;
	s7 =	sshrl.u32 s6, $0x1;
	s4 =	smul.u32 $0xA0000, s4  }
0x8: {  	s14 =	ssub.s32 s6, s7;
	s0 =	sadd.s32 s0, s15;
	s15 =	simm.s32 $0x80  }
0x9: {  	s5 =	sadd.s32 s5, s1;
	s16 =	sor.u32 $0x4000, s4;
	s17 =	sor.u32 $0x8000, s4  }
0xa: {  	s1 =	smax.u32 s14, $0x1;
	s18 =	sshrl.u32 s4, $0x3;
	s22 =	sor.u32 $0x18000, s0  }
0xb: {  	s25 =	sor.u32 $0x14000, s0;
	s26 =	sor.u32 $0x10000, s0;
	s0 =	sor.u32 $0x1C000, s0  }
0xc: {  	s14 =	simm.s32 $0x9;
	s5 =	sadd.s32 $0xF200, s5;
	[dreg:$0x4] =	wrdreg s1  }
0xd: {  	s19 =	sadd.s32 s10, s18;
	s20 =	sshrl.u32 s16, $0x3;
	s21 =	sshrl.u32 s17, $0x3  }
0xe: {  	s24 =	sshrl.u32 s22, $0x3;
	s4 =	sshrl.u32 s25, $0x3;
	s0 =	sshrl.u32 s0, $0x3  }
0xf: {  	s16 =	simm.s32 $0x1400;
	s17 =	simm.s32 $0x5400;
	s22 =	simm.s32 $0xD400  }
0x10: {  	s18 =	simm.s32 $0x0;
	[dreg:$0x3] =	wrdreg s5;
	s1 =	sadd.s32 s10, s20  }
0x11: {  	[dreg:$0x5] =	wrdreg s19;
	s23 =	sadd.s32 $0x1800, s19;
	s5 =	sshrl.u32 s26, $0x3  }
.Ltmp0:
0x12: {  	s29 =	sadd.s32 s4, s10;
	s19 =	simm.s32 $0x9400;
	(pc) =	sbr.rel .LBB2_1-.Ltmp0, $4  }
0x13: {  	s20 =	simm.s32 $0x1;
	s26 =	simm.s32 $0x3;
	[dreg:$0x6] =	wrdreg s1  }
0x14: {  	s1 =	sadd.s32 s10, s21;
	[dreg:$0x8] =	wrdreg s23;
	s25 =	sadd.s32 s5, s10  }
0x15: {  	s21 =	sadd.s32 s0, s10;
	s23 =	simm.s32 $0x2;
	s0 =	simm.s32 $0x8  }
0x16: {  	[dreg:$0x7] =	wrdreg s1;
	s1 =	sadd.s32 s24, s10;
	s24 =	simm.s32 $0x5  }
.LBB2_4:
0x17: {  	_ =	swait.ge [sflag:s0], $0x4000  }
0x18: {  	s18 =	sadd.s32 $0x1, s18;
	s4 =	rddreg [dreg:$0x4]  }
0x19: {  	p0 =	sne.s32 s18, s4  }
.Ltmp1:
0x1a: {  	_ = 	snop;
	(pc) =	sbr.rel @!p0 .LBB2_5-.Ltmp1, $3  }
0x1b: {  	_ =	sdelay $0x1  }
0x1c: {  	[sflag:s0] =	ssyncset.done $0x0  }
0x1d: {  	[sflag:s0] =	ssyncadd.s32 $0xFFFFC000  }
.LBB2_1:
0x1e: {  	s4 =	rddreg [dreg:$0x3]  }
0x1f: {  	[tilespmem:s3], [sflag:$0x9] =	stream.linear.gather [hbm4b:s4+s3], $0x1400, $0x38;
	[tilespmem:$0x11400] =	vst v63  }
0x20: {  	_ =	swait.ge [sflag:s14], $0x1400  }
0x21: {  	[sflag:s14] =	ssyncset.done $0x0  }
0x22: {  	[sflag:s14] =	ssyncadd.s32 $0xFFFFEC00  }
0x23: {  	[tilespmem:s16], [sflag:$0x1] =	stream.indirect.gather [hbm4b:s2+s15], $0x80, s3, s15, $0xb8;
	[tilespmem:$0x11400] =	vst v63  }
0x24: {  	_ = 	snop  }
0x25: {  	[tilespmem:s17], [sflag:$0x2] =	stream.indirect.gather [hbm4b:s2+s15], $0x80, s15, s15, $0xb8;
	[tilespmem:$0x11400] =	vst v63  }
0x26: {  	s5 =	simm.s32 $0x100  }
0x27: {  	[tilespmem:s19], [sflag:$0x3] =	stream.indirect.gather [hbm4b:s2+s15], $0x80, s5, s15, $0xb8;
	[tilespmem:$0x11400] =	vst v63  }
0x28: {  	_ =	swait.ge [sflag:s20], $0x4000  }
0x29: {  	[sflag:s20] =	ssyncset.done $0x0  }
0x2a: {  	s6 =	rddreg [dreg:$0x5];
	[sflag:s20] =	ssyncadd.s32 $0xFFFFC000  }
0x2b: {  	[hbm4b:s6+s3] =	stream.linear.scatter [tilespmem:s16], [sflag:$0x5], $0x4000, $0x38;
	[tilespmem:$0x11400] =	vst v63  }
0x2c: {  	s7 =	simm.s32 $0x180  }
0x2d: {  	[tilespmem:s22], [sflag:$0x4] =	stream.indirect.gather [hbm4b:s2+s15], $0x80, s7, s15, $0xb8;
	[tilespmem:$0x11400] =	vst v63  }
0x2e: {  	_ =	swait.ge [sflag:s23], $0x4000  }
0x2f: {  	[sflag:s23] =	ssyncset.done $0x0  }
0x30: {  	s8 =	rddreg [dreg:$0x6];
	[sflag:s23] =	ssyncadd.s32 $0xFFFFC000  }
0x31: {  	[hbm4b:s8+s3] =	stream.linear.scatter [tilespmem:s17], [sflag:$0x6], $0x4000, $0x38;
	[tilespmem:$0x11400] =	vst v63  }
0x32: {  	_ =	swait.ge [sflag:s24], $0x4000  }
0x33: {  	[sflag:s24] =	ssyncset.done $0x0  }
0x34: {  	s9 =	simm.s32 $0x200;
	[sflag:s24] =	ssyncadd.s32 $0xFFFFC000  }
0x35: {  	[tilespmem:s16], [sflag:$0x1] =	stream.indirect.gather [hbm4b:s2+s15], $0x80, s9, s15, $0xb8;
	[tilespmem:$0x11400] =	vst v63  }
0x36: {  	_ =	swait.ge [sflag:s26], $0x4000  }
0x37: {  	[sflag:s26] =	ssyncset.done $0x0  }
0x38: {  	s10 =	rddreg [dreg:$0x7];
	[sflag:s26] =	ssyncadd.s32 $0xFFFFC000  }
0x39: {  	[hbm4b:s10+s3] =	stream.linear.scatter [tilespmem:s19], [sflag:$0x7], $0x4000, $0x38;
	[tilespmem:$0x11400] =	vst v63  }
0x3a: {  	_ =	swait.ge [sflag:s28], $0x4000  }
0x3b: {  	[sflag:s28] =	ssyncset.done $0x0  }
0x3c: {  	s11 =	simm.s32 $0x280;
	[sflag:s28] =	ssyncadd.s32 $0xFFFFC000  }
0x3d: {  	[tilespmem:s17], [sflag:$0x2] =	stream.indirect.gather [hbm4b:s2+s15], $0x80, s11, s15, $0xb8;
	[tilespmem:$0x11400] =	vst v63  }
0x3e: {  	_ =	swait.ge [sflag:s30], $0x4000  }
0x3f: {  	[sflag:s30] =	ssyncset.done $0x0  }
0x40: {  	s12 =	rddreg [dreg:$0x8];
	[sflag:s30] =	ssyncadd.s32 $0xFFFFC000  }
0x41: {  	[hbm4b:s12+s3] =	stream.linear.scatter [tilespmem:s22], [sflag:$0x8], $0x4000, $0x38;
	[tilespmem:$0x11400] =	vst v63  }
0x42: {  	_ =	swait.ge [sflag:s31], $0x4000  }
0x43: {  	s13 =	simm.s32 $0x300;
	[sflag:s31] =	ssyncset.done $0x0  }
0x44: {  	s4 =	simm.s32 $0x0;
	s10 =	smov.u32 s1;
	[sflag:s31] =	ssyncadd.s32 $0xFFFFC000  }
0x45: {  	[tilespmem:s19], [sflag:$0x3] =	stream.indirect.gather [hbm4b:s2+s15], $0x80, s13, s15, $0xb8;
	[tilespmem:$0x11400] =	vst v63  }
0x46: {  	s11 =	smov.u32 s29;
	s12 =	smov.u32 s25;
	s13 =	smov.u32 s21  }
.LBB2_2:
0x47: {  	_ =	swait.ge [sflag:s20], $0x4000  }
0x48: {  	[sflag:s20] =	ssyncset.done $0x0  }
0x49: {  	[sflag:s20] =	ssyncadd.s32 $0xFFFFC000  }
0x4a: {  	[hbm4b:s12+s3] =	stream.linear.scatter [tilespmem:s16], [sflag:$0x5], $0x4000, $0x38;
	[tilespmem:$0x11400] =	vst v63  }
0x4b: {  	_ =	swait.ge [sflag:s0], $0x4000  }
0x4c: {  	s5 =	sshra.s32 s4, $0x2;
	[sflag:s0] =	ssyncset.done $0x0  }
0x4d: {  	s7 =	sadd.s32 $0x380, s5;
	[sflag:s0] =	ssyncadd.s32 $0xFFFFC000  }
0x4e: {  	[tilespmem:s22], [sflag:$0x4] =	stream.indirect.gather [hbm4b:s2+s15], $0x80, s7, s15, $0xb8;
	[tilespmem:$0x11400] =	vst v63  }
0x4f: {  	_ =	swait.ge [sflag:s23], $0x4000  }
0x50: {  	[sflag:s23] =	ssyncset.done $0x0  }
0x51: {  	[sflag:s23] =	ssyncadd.s32 $0xFFFFC000  }
0x52: {  	[hbm4b:s11+s3] =	stream.linear.scatter [tilespmem:s17], [sflag:$0x6], $0x4000, $0x38;
	[tilespmem:$0x11400] =	vst v63  }
0x53: {  	p0 =	seq.s32 s4, $0x4000;
	_ =	swait.ge [sflag:s24], $0x4000  }
0x54: {  	s8 =	simm.s32 @!p0 $0x80;
	s7 =	sshra.s32 @!p0 s4, $0x2;
	[sflag:s24] =	ssyncset.done $0x0  }
0x55: {  	s9 =	simm.s32 @!p0 $0x1400;
	s6 =	sadd.s32 @!p0 $0x400, s7;
	[sflag:s24] =	ssyncadd.s32 $0xFFFFC000  }
0x56: {  	[tilespmem:s9], [sflag:$0x1] =	stream.indirect.gather @!p0 [hbm4b:s2+s8], $0x80, s6, s8, $0xb8;
	[tilespmem:$0x11400] =	vst v63  }
0x57: {  	_ =	swait.ge [sflag:s26], $0x4000  }
0x58: {  	[sflag:s26] =	ssyncset.done $0x0  }
0x59: {  	[sflag:s26] =	ssyncadd.s32 $0xFFFFC000  }
0x5a: {  	[hbm4b:s10+s3] =	stream.linear.scatter [tilespmem:s19], [sflag:$0x7], $0x4000, $0x38;
	[tilespmem:$0x11400] =	vst v63  }
0x5b: {  	_ =	swait.ge [sflag:s28], $0x4000  }
0x5c: {  	[sflag:s28] =	ssyncset.done $0x0  }
0x5d: {  	s6 =	sadd.s32 @!p0 $0x480, s7;
	s7 =	simm.s32 @!p0 $0x5400;
	[sflag:s28] =	ssyncadd.s32 $0xFFFFC000  }
0x5e: {  	[tilespmem:s7], [sflag:$0x2] =	stream.indirect.gather @!p0 [hbm4b:s2+s8], $0x80, s6, s8, $0xb8;
	[tilespmem:$0x11400] =	vst v63  }
0x5f: {  	_ =	swait.ge [sflag:s30], $0x4000  }
0x60: {  	[sflag:s30] =	ssyncset.done $0x0  }
.Ltmp2:
0x61: {  	[sflag:s30] =	ssyncadd.s32 $0xFFFFC000;
	(pc) =	sbr.rel @p0 .LBB2_4-.Ltmp2, $4  }
0x62: {  	[hbm4b:s13+s3] =	stream.linear.scatter [tilespmem:s22], [sflag:$0x8], $0x4000, $0x38;
	[tilespmem:$0x11400] =	vst v63  }
0x63: {  	_ =	swait.ge [sflag:s31], $0x4000  }
0x64: {  	[sflag:s31] =	ssyncset.done $0x0  }
0x65: {  	[sflag:s31] =	ssyncadd.s32 $0xFFFFC000  }
.Ltmp3:
0x66: {  	(pc) =	sbr.rel .LBB2_2-.Ltmp3, $4  }
0x67: {  	_ = 	snop  }
0x68: {  	s5 =	sadd.s32 $0x500, s5;
	s4 =	sadd.s32 $0x800, s4;
	s10 =	sadd.s32 $0x2000, s10  }
0x69: {  	s11 =	sadd.s32 $0x2000, s11;
	s12 =	sadd.s32 $0x2000, s12;
	s13 =	sadd.s32 $0x2000, s13  }
0x6a: {  	[tilespmem:s19], [sflag:$0x3] =	stream.indirect.gather [hbm4b:s2+s15], $0x80, s5, s15, $0xb8;
	[tilespmem:$0x11400] =	vst v63  }
.LBB2_5:
0x6b: {  	_ =	sfence.sel $0x180000  }
0x6c: {  	[bflag:$0x0] =	sbarrier.arrive $0xFFFF  }
0x6d: {  	_ =	strace $0x90000047  }
0x6e: {  	s0 =	stileid.u32;
	[bflag:$0x2] =	sbarrier.arrive $0xFFFF  }
0x6f: {  	p0 =	sne.s32 s0, $0x0;
	s0 =	rddreg [dreg:$0x2]  }
0x70: {  	s0 =	sadd.s32 @!p0 $0x100000, s0  }
0x71: {  	[sflag:s0] =	ssyncadd.tile.s32 @!p0 $0x1;
	_ =	shalt  }
.Lfunc_end2:
_tile_overlayer_lowered:
.L_overlay_start_2:
0x72: {  	(tag) =	ssettag $0x2  }
0x73: {  	s0 =	rddreg [dreg:$0x0];
	s2 =	stileid.u32  }
0x74: {  	s1 =	rddreg [dreg:$0x1];
	p0 =	sne.s32 s2, $0x0  }
0x75: {  	s3 =	rddreg [dreg:$0x2];
	[bflag:$0x3] =	sbarrier.arrive $0xFFFF;
	s2 =	simm.s32 @!p0 $0x1C09  }
0x76: {  	[timem:s3], [sflag:s2] =	dma.local @!p0 [hbm:s0], s1  }
0x77: {  	s0 =	simm.s32 @!p0 $0x9  }
0x78: {  	_ =	swait.ge @!p0 [sflag:s0], s1  }
0x79: {  	s1 =	ssub.s32 @!p0 $0x0, s1;
	[sflag:s0] =	ssyncset.done @!p0 $0x0  }
0x7a: {  	[sflag:s0] =	ssyncadd.s32 @!p0 s1  }
0x7b: {  	[bflag:$0x3] =	sbarrier.arrive $0xFFFF  }
0x7c: {  	_ =	shalt  }

// kernel: kernel.13.cloned.1.call-start
scs
__scs_entry_jumppad:
0x0: {  	(pc) =	sbr.rel $0x88, $3  }
0x1: {  	(tag) =	ssettag $0x0;
	lr =	simm.s32 $0x1  }
0x2: {  	[smem:$0x3F94] =	sst lr;
	_ =	strace $0xD0000000  }
0x3: {  	_ = 	snop  }
0x4: {  	_ = 	snop  }
0x5: {  	_ = 	snop  }
0x6: {  	_ = 	snop  }
0x7: {  	_ = 	snop  }
__scs_overlays_trampoline_lowered:
0x8: {  	[smem:$0x3FA3] =	sst s0  }
0x9: {  	[smem:$0x3FA4] =	sst s1  }
0xa: {  	[smem:$0x3FA5] =	sst s2  }
0xb: {  	[smem:$0x3FA6] =	sst s3  }
0xc: {  	[smem:$0x3FA7] =	sst s4  }
0xd: {  	[smem:$0x3FA8] =	sst s5  }
0xe: {  	[smem:$0x3FA9] =	sst s6  }
0xf: {  	[smem:$0x3FAA] =	sst s7  }
0x10: {  	[smem:$0x3FAB] =	sst s8  }
0x11: {  	[smem:$0x3FAC] =	sst s9;
	s0 =	simm.s32 @!p0 $0x0  }
0x12: {  	s1 =	sld [smem:$0x3F92];
	s0 =	simm.s32 @p0 $0x1  }
0x13: {  	[smem:$0x3FAD] =	sst s0;
	s0 =	simm.s32 @!p1 $0x0  }
0x14: {  	s2 =	sld [smem:$0x3F91];
	s0 =	simm.s32 @p1 $0x1  }
0x15: {  	[smem:$0x3FAE] =	sst s0;
	s0 =	simm.s32 @!p2 $0x0  }
0x16: {  	s3 =	sld [smem:$0x3FDB];
	s0 =	simm.s32 @p2 $0x1  }
0x17: {  	s4 =	simm.s32 $0x1BF5;
	[smem:$0x3FB0] =	sst s0  }
0x18: {  	s0 =	sld [smem:$0x3F93];
	_ =	swait.ge [sflag:s4], $0x0  }
0x19: {  	s7 =	sld [smem:$0x3F94]  }
0x1a: {  	s8 =	sadd.s32 $0xFFFFE003, lr  }
0x1b: {  	s9 =	sadd.s32 $0xFFFFFEF7, lr;
	s5 =	simm.s32 $0xFFFFFFFF;
	p2 =	slt.u32 s8, $0xFFFFF086  }
0x1c: {  	p1 =	slt.u32 s9, $0xF7A;
	s5 =	simm.s32 @!p2 $0x0  }
0x1d: {  	s5 =	simm.s32 @p1 $0x1;
	p0 =	seq.s32 s7, s2  }
0x1e: {  	s7 =	smul.u32 @!p0 $0xF7A, s2;
	p2 =	seq.s32 @!p0 s5, $0x0  }
0x1f: {  	s9 =	smul.u32 $0xF7A, s1;
	s8 =	simm.s32 @!p0 $0x1BF5;
	p2 =	por !p2, p0  }
0x20: {  	[sflag:s8] =	ssyncset.s32 @!p0 $0xFFFFF086;
	s6 =	sadd.s32 @!p0 s3, s7;
	s7 =	simm.s32 @!p0 $0x108  }
0x21: {  	s3 =	sadd.s32 s3, s9;
	s6 =	sadd.s32 @!p0 $0x88, s6;
	s7 =	simm.s32 @p2 $0x1082  }
0x22: {  	[simem:s7], [sflag:s8] =	dma.local @!p0 [hbm:s6], $0xF7A  }
0x23: {  	s9 =	sor.u32 $0xD0000000, s2;
	s6 =	simm.s32 $0x108;
	_ =	swait.ge @!p0 [sflag:s8], $0x0  }
0x24: {  	s3 =	sadd.s32 $0x88, s3;
	s6 =	simm.s32 @!p1 $0x1082;
	[sflag:s4] =	ssyncset.s32 $0xFFFFF086  }
0x25: {  	[simem:s6], [sflag:s4] =	dma.local [hbm:s3], $0xF7A  }
0x26: {  	[smem:$0x3F94] =	sst s1;
	(tag) =	ssettag s2;
	_ =	strace s9  }
0x27: {  	s1 =	sld [smem:$0x3FA4]  }
0x28: {  	s2 =	sld [smem:$0x3FA5]  }
0x29: {  	s4 =	sld [smem:$0x3FA7]  }
0x2a: {  	p0 =	seq.s32 s5, $0x0;
	s5 =	sld [smem:$0x3FA8]  }
0x2b: {  	s6 =	sld [smem:$0x3FA9]  }
0x2c: {  	s7 =	sld [smem:$0x3FAA]  }
0x2d: {  	s3 =	simm.s32 $0x108;
	s8 =	sld [smem:$0x3FAB]  }
0x2e: {  	s3 =	simm.s32 @!p0 $0x1082;
	s9 =	sld [smem:$0x3FAC]  }
0x2f: {  	lr =	sadd.s32 s0, s3;
	s0 =	sld [smem:$0x3FA3]  }
0x30: {  	s3 =	sld [smem:$0x3FA6]  }
0x31: {  	[smem:$0x3FAF] =	sst s10  }
0x32: {  	s10 =	sld [smem:$0x3FAD];
	_ =	sdelay $0x3  }
0x33: {  	p0 =	seq.s32 s10, $0x1;
	s10 =	sld [smem:$0x3FAF];
	_ =	sdelay $0x3  }
0x34: {  	[smem:$0x3FAF] =	sst s10  }
0x35: {  	s10 =	sld [smem:$0x3FAE];
	_ =	sdelay $0x3  }
0x36: {  	p1 =	seq.s32 s10, $0x1;
	s10 =	sld [smem:$0x3FAF];
	_ =	sdelay $0x3  }
0x37: {  	[smem:$0x3FAF] =	sst s10  }
0x38: {  	s10 =	sld [smem:$0x3FB0]  }
0x39: {  	_ = 	snop;
	(pc) =	sbr.ind lr, $3  }
0x3a: {  	_ = 	snop  }
0x3b: {  	_ = 	snop  }
0x3c: {  	p2 =	seq.s32 s10, $0x1;
	s10 =	sld [smem:$0x3FAF]  }
0x3d: {  	_ =	shalt  }
0x3e: {  	_ =	shalt  }
0x3f: {  	_ =	shalt  }
0x40: {  	_ =	shalt  }
0x41: {  	_ =	shalt  }
0x42: {  	_ =	shalt  }
0x43: {  	_ =	shalt  }
0x44: {  	_ =	shalt  }
0x45: {  	_ =	shalt  }
0x46: {  	_ =	shalt  }
0x47: {  	_ =	shalt  }
0x48: {  	_ =	shalt  }
0x49: {  	_ =	shalt  }
0x4a: {  	_ =	shalt  }
0x4b: {  	_ =	shalt  }
0x4c: {  	_ =	shalt  }
0x4d: {  	_ =	shalt  }
0x4e: {  	_ =	shalt  }
0x4f: {  	_ =	shalt  }
0x50: {  	_ =	shalt  }
0x51: {  	_ =	shalt  }
0x52: {  	_ =	shalt  }
0x53: {  	_ =	shalt  }
0x54: {  	_ =	shalt  }
0x55: {  	_ =	shalt  }
0x56: {  	_ =	shalt  }
0x57: {  	_ =	shalt  }
0x58: {  	_ =	shalt  }
0x59: {  	_ =	shalt  }
0x5a: {  	_ =	shalt  }
0x5b: {  	_ =	shalt  }
0x5c: {  	_ =	shalt  }
0x5d: {  	_ =	shalt  }
0x5e: {  	_ =	shalt  }
0x5f: {  	_ =	shalt  }
0x60: {  	_ =	shalt  }
0x61: {  	_ =	shalt  }
0x62: {  	_ =	shalt  }
0x63: {  	_ =	shalt  }
0x64: {  	_ =	shalt  }
0x65: {  	_ =	shalt  }
0x66: {  	_ =	shalt  }
0x67: {  	_ =	shalt  }
0x68: {  	_ =	shalt  }
0x69: {  	_ =	shalt  }
0x6a: {  	_ =	shalt  }
0x6b: {  	_ =	shalt  }
0x6c: {  	_ =	shalt  }
0x6d: {  	_ =	shalt  }
0x6e: {  	_ =	shalt  }
0x6f: {  	_ =	shalt  }
0x70: {  	_ =	shalt  }
0x71: {  	_ =	shalt  }
0x72: {  	_ =	shalt  }
0x73: {  	_ =	shalt  }
0x74: {  	_ =	shalt  }
0x75: {  	_ =	shalt  }
0x76: {  	_ =	shalt  }
0x77: {  	_ =	shalt  }
0x78: {  	_ =	shalt  }
0x79: {  	_ =	shalt  }
0x7a: {  	_ =	shalt  }
0x7b: {  	_ =	shalt  }
0x7c: {  	_ =	shalt  }
0x7d: {  	_ =	shalt  }
0x7e: {  	_ =	shalt  }
0x7f: {  	_ =	shalt  }
0x80: {  	_ =	shalt  }
0x81: {  	_ =	shalt  }
0x82: {  	_ =	shalt  }
0x83: {  	_ =	shalt  }
0x84: {  	_ =	shalt  }
0x85: {  	_ =	shalt  }
0x86: {  	_ =	shalt  }
0x87: {  	_ =	shalt  }
.Lfunc_end0:
.L_simem_size_0:
called_computation.1_lowered:
.L_overlay_start_0:
0x88: {  	s2 =	sld [smem:$0x3FD9]  }
0x89: {  	s3 =	sld [smem:$0x3FFE];
	_ =	sdelay $0x1  }
0x8a: {  	s1 =	srdreg.scid  }
0x8b: {  	s0 =	sand.u32 $0x1, s1  }
0x8c: {  	s17 =	sshll.u32 s0, $0xA;
	s2 =	sadd.s32 s3, s2  }
0x8d: {  	s2 =	sadd.s32 s2, s17  }
0x8e: {  	[smem:$0x3FBB] =	sst s2  }
0x8f: {  	_ = 	snop  }
0x90: {  	(tm) =	ssettm $0x1  }
0x91: {  	s18 =	sld [smem:$0x3FFB];
	_ =	sdelay $0x3  }
0x92: {  	_ =	strace s18  }
0x93: {  	s2 =	sld [smem:$0x3FFC];
	_ =	sdelay $0x3  }
0x94: {  	_ =	strace s2  }
0x95: {  	s2 =	sld [smem:$0x3FFD];
	_ =	sdelay $0x3  }
0x96: {  	_ =	strace s2  }
0x97: {  	_ =	strace $0x8FFFFFFF  }
0x98: {  	s19 =	sld [smem:$0x3FDB];
	_ =	sdelay $0x1  }
0x99: {  	s20 =	simm.s32 $_scs_section_size  }
0x9a: {  	s4 =	simm.s32 $_size__tile_overlayer_lowered;
	s5 =	simm.s32 $_tile_overlayer_lowered  }
0x9b: {  	s6 =	simm.s32 $0x1BFF;
	s21 =	sshll.u32 s5, $0x1;
	s3 =	sadd.s32 s20, s19  }
0x9c: {  	s22 =	simm.s32 $0x0;
	s4 =	sshll.u32 s4, $0x1;
	s5 =	sadd.s32 s21, s3  }
0x9d: {  	[timem:s22], [sflag:s6] =	dma.local [hbm:s5], s4  }
0x9e: {  	_ =	swait.ge [sflag:s6], s4  }
0x9f: {  	s4 =	ssub.s32 $0x0, s4;
	[sflag:s6] =	ssyncset.done $0x0  }
0xa0: {  	[sflag:s6] =	ssyncadd.s32 s4;
	_ =	sdelay $0x1  }
0xa1: {  	s23 =	simm.s32 $0x1B8B  }
0xa2: {  	_ =	swait.ge [sflag:s23], $0x1  }
0xa3: {  	[sflag:s23] =	ssyncset.done $0x0  }
0xa4: {  	[sflag:s23] =	ssyncadd.s32 $0xFFFFFFFF  }
0xa5: {  	s4 =	sld [smem:$0x0]  }
0xa6: {  	s5 =	sand.u32 $0xFFFFFFFE, s1  }
0xa7: {  	p0 =	sne.s32 s1, s5  }
0xa8: {  	s5 =	sshll.u32 @p0 s5, $0xE  }
0xa9: {  	s5 =	sadd.s32 @p0 $0x11B8D, s5;
	s6 =	sshll.u32 @p0 s4, $0x11  }
0xaa: {  	s5 =	sor.u32 @p0 s6, s5  }
0xab: {  	[sflag:s5] =	ssyncadd.remote.s32 @p0 $0x1;
	_ =	sdelay $0x1  }
0xac: {  	s5 =	simm.s32 @p0 $0x1B8D  }
0xad: {  	_ =	swait.eq @p0 [sflag:s5], $0x1  }
0xae: {  	[sflag:s5] =	ssyncadd.s32 @p0 $0xFFFFFFFF  }
0xaf: {  	s6 =	sshll.u32 @!p0 s1, $0xE  }
0xb0: {  	s6 =	sor.u32 @!p0 $0x4000, s6;
	s5 =	simm.s32 @!p0 $0x1B8D  }
0xb1: {  	s4 =	sshll.u32 @!p0 s4, $0x11;
	s6 =	sadd.s32 @!p0 $0x11B8D, s6;
	_ =	swait.eq @!p0 [sflag:s5], $0x1  }
0xb2: {  	s4 =	sor.u32 @!p0 s4, s6;
	[sflag:s5] =	ssyncadd.s32 @!p0 $0xFFFFFFFF  }
0xb3: {  	s25 =	simm.s32 $0x1B8E;
	s24 =	sld [smem:$0x3FFE];
	[sflag:s4] =	ssyncadd.remote.s32 @!p0 $0x1  }
0xb4: {  	s26 =	simm.s32 $execute0_lowered;
	[smem:$0x3FD2] =	sst s25  }
0xb5: {  	s5 =	sshll.u32 s26, $0x1;
	_ =	strace $0x8000004C;
	[dreg:$0x1] =	wrdreg $0xFFFFFFFF  }
0xb6: {  	s28 =	simm.s32 $_size_execute0_lowered;
	s3 =	sadd.s32 s3, s5;
	[dreg:$0x0] =	wrdreg $0x0  }
0xb7: {  	s5 =	sshll.u32 s28, $0x1;
	[dreg:$0x2] =	wrdreg s3  }
0xb8: {  	[dreg:$0x3] =	wrdreg s5  }
0xb9: {  	[dreg:$0x4] =	wrdreg $0xC0  }
0xba: {  	_ =	task [dreg:s22], $0x5FFFF  }
0xbb: {  	[dreg:$0x1] =	wrdreg $0xFFFFFFFF  }
0xbc: {  	[dreg:$0x0] =	wrdreg $0x60  }
0xbd: {  	[dreg:$0x2] =	wrdreg s24  }
0xbe: {  	[dreg:$0x3] =	wrdreg $0x0  }
0xbf: {  	[dreg:$0x4] =	wrdreg $0x140000  }
0xc0: {  	[dreg:$0x5] =	wrdreg $0x9  }
0xc1: {  	_ =	task.clear_ibuf [dreg:s22], $0x6FFFF;
	_ =	strace $0x9000004C  }
0xc2: {  	s29 =	simm.s32 $0x9;
	_ =	strace $0x8000004E  }
0xc3: {  	_ =	swait.ge [sflag:s29], $0x1  }
0xc4: {  	[sflag:s29] =	ssyncadd.s32 $0xFFFFFFFF  }
0xc5: {  	_ =	strace $0x9000004E  }
0xc6: {  	_ =	sfence  }
0xc7: {  	s30 =	sld [smem:$0x0];
	_ =	sdelay $0x2  }
0xc8: {  	s31 =	sshll.u32 s1, $0xD;
	s1 =	sshrl.u32 s1, $0x2  }
0xc9: {  	s4 =	sand.u32 $0x4000, s31;
	s1 =	sadd.s32 s1, s30  }
0xca: {  	s0 =	sor.u32 s4, s0;
	s1 =	sshll.u32 s1, $0x11  }
0xcb: {  	s0 =	sor.u32 s1, s0  }
0xcc: {  	s0 =	sadd.s32 $0x8F2B, s0  }
0xcd: {  	[sflag:s0] =	ssyncadd.remote.s32 $0x1  }
0xce: {  	_ =	sfence.sel $0xFFFF  }
0xcf: {  	[dreg:$0x0] =	wrdreg $0xFFFFFFFF;
	(pc) =	sbr.abs _section_cstart, $3  }
0xd0: {  	[dreg:$0x1] =	wrdreg $0xFFFFFFFF  }
0xd1: {  	_ =	task.clear_ibuf [dreg:s22], $0x2FFFF;
	_ =	strace $0x9FFFFFFF  }
0xd2: {  	(tm) =	ssettm $0x7FFFFFFF  }
0xd3: {  	_ =	shalt  }
tec
execute0_lowered:
.L_overlay_start_1:
0x0: {  	(tag) =	ssettag $0x1  }
0x1: {  	s0 =	rddreg [dreg:$0x0]  }
0x2: {  	s2 =	srdreg.scid;
	s1 =	rddreg [dreg:$0x1]  }
0x3: {  	s17 =	stileid.u32;
	s20 =	rddreg [dreg:$0x2]  }
0x4: {  	s28 =	simm.s32 $0x2;
	s30 =	simm.s32 $0x3;
	s31 =	simm.s32 $0x4  }
0x5: {  	s2 =	sand.u32 $0x1, s2;
	s3 =	sshll.u32 s17, $0x1;
	s9 =	smul.u32 $0x14000, s17  }
0x6: {  	s16 =	sadd.s32 $0x523000, s0;
	s25 =	sadd.s32 $0xA600, s0;
	s13 =	smul.u32 $0x50000, s17  }
0x7: {  	s5 =	sadd.s32 $0xCE00, s0;
	s6 =	sadd.s32 $0xA400, s0;
	s15 =	smul.u32 $0x140000, s17  }
0x8: {  	s21 =	sshll.u32 s17, $0x6;
	p0 =	sne.s32 s17, $0x0;
	s8 =	smul.u32 $0x140000, s2  }
0x9: {  	s7 =	sor.u32 s2, s3;
	s3 =	simm.s32 $0x0;
	s26 =	smul.u32 $0x500, s2  }
0xa: {  	s11 =	ssub.s32 $0x2, s2;
	s2 =	smul.u32 $0xA0000, s2;
	s20 =	sshrl.u32 @!p0 s20, $0x3  }
0xb: {  	s4 =	smul.u32 $0x280, s7;
	[smem:$0x7FF] =	sst s3;
	s29 =	sshrl.u32 s11, $0x1  }
0xc: {  	s19 =	sshrl.u32 s13, $0x2;
	s22 =	smul.u32 $0xA0000, s7;
	_ =	strace $0x8000004D  }
0xd: {  	[dreg:$0x4] =	wrdreg s25;
	s8 =	sadd.s32 s9, s8;
	s14 =	ssub.s32 s11, s29  }
0xe: {  	s18 =	sadd.s32 s19, s1;
	s2 =	sadd.s32 s2, s15;
	s10 =	sadd.s32 s4, s0  }
0xf: {  	s8 =	sshrl.u32 s8, $0x3;
	s4 =	smul.u32 $0x14000, s7;
	s7 =	sor.u32 $0x1C05, s21  }
0x10: {  	s19 =	sor.u32 $0x8000, s22;
	s23 =	sshrl.u32 s22, $0x3;
	s25 =	sor.u32 $0x10000, s2  }
0x11: {  	s2 =	sor.u32 $0xC000, s2;
	s17 =	sshrl.u32 s18, $0x3;
	s18 =	simm.s32 $0x5  }
0x12: {  	s21 =	simm.s32 $0x1FE80;
	s22 =	simm.s32 $0x14280;
	s12 =	sadd.s32 s8, s0  }
0x13: {  	s0 =	sadd.s32 s26, s0;
	s8 =	sadd.s32 $0x5400, s10;
	s24 =	sadd.s32 s23, s16  }
0x14: {  	s26 =	sshrl.u32 s19, $0x3;
	s29 =	sshrl.u32 s2, $0x3;
	s19 =	simm.s32 $0x1D680  }
.Ltmp0:
0x15: {  	s23 =	simm.s32 $0x15680;
	s2 =	simm.s32 $0x0;
	(pc) =	sbr.rel .LBB2_1-.Ltmp0, $4  }
0x16: {  	s9 =	sadd.s32 s16, s4;
	s10 =	sadd.s32 $0xDE00, s12;
	s11 =	sadd.s32 $0xD400, s0  }
0x17: {  	s12 =	smax.u32 s14, $0x1;
	s13 =	sadd.s32 $0x800, s24;
	s0 =	sshrl.u32 s25, $0x3  }
0x18: {  	s14 =	sadd.s32 s16, s26;
	s24 =	simm.s32 $0x1;
	s25 =	simm.s32 $0x80  }
0x19: {  	v0 =	vimm.f32 $1.000000000e+00;
	s26 =	simm.s32 $0x19680;
	s15 =	sadd.s32 s0, s16;
	s16 =	sadd.s32 s29, s16  }
.LBB2_4:
0x1a: {  	_ =	swait.ge [sflag:s31], $0x4000  }
0x1b: {  	[sflag:s31] =	ssyncset.done $0x0  }
0x1c: {  	[sflag:s31] =	ssyncadd.s32 $0xFFFFC000  }
0x1d: {  	s4 =	simm.s32 $0x50;
	s0 =	rddreg [dreg:$0x2]  }
0x1e: {  	[spmem:s0] =	stream.indirect.scatter.add.f32 [tilespmem:s19], [sflag:$0x5], $0x80, s21, s4, $0xb8;
	[tilespmem:$0x1FF00] =	vst v63  }
0x1f: {  	_ =	swait.ge [sflag:s18], $0x2800  }
0x20: {  	[sflag:s18] =	ssyncset.done $0x0  }
0x21: {  	[sflag:s18] =	ssyncadd.s32 $0xFFFFD800  }
0x22: {  	[bflag:$0x0] =	sbarrier.arrive $0xFFFF  }
0x23: {  	[hbm:s10], [sflag:s7] =	dma.local [spmem:s17], $0x2800  }
0x24: {  	s2 =	sadd.s32 $0x1, s2;
	_ =	swait.ge [sflag:s18], $0x2800  }
0x25: {  	p1 =	sne.s32 s2, s12;
	[sflag:s18] =	ssyncset.done $0x0  }
.Ltmp1:
0x26: {  	s0 =	simm.s32 @!p0 $0x5;
	[sflag:s18] =	ssyncadd.s32 $0xFFFFD800;
	(pc) =	sbr.rel @!p1 .LBB2_5-.Ltmp1, $4  }
0x27: {  	[hbm:s11], [sflag:s7] =	dma.local @!p0 [spmem:s20], $0x500  }
0x28: {  	_ =	swait.ge @!p0 [sflag:s0], $0x500  }
0x29: {  	[sflag:s0] =	ssyncset.done @!p0 $0x0  }
0x2a: {  	[sflag:s0] =	ssyncadd.s32 @!p0 $0xFFFFFB00  }
.LBB2_1:
0x2b: {  	s0 =	rddreg [dreg:$0x4]  }
0x2c: {  	[spmem:s17], [sflag:s7] =	dma.local [hbm:s0], $0x2800  }
0x2d: {  	_ =	swait.ge [sflag:s18], $0x2800  }
0x2e: {  	[sflag:s18] =	ssyncset.done $0x0  }
0x2f: {  	[sflag:s18] =	ssyncadd.s32 $0xFFFFD800  }
0x30: {  	[tilespmem:s19], [sflag:$0x5] =	stream.linear.gather [hbm4b:s5+s3], $0x2800, $0x38;
	[tilespmem:$0x1FF00] =	vst v63  }
0x31: {  	_ =	swait.ge [sflag:s18], $0x2800  }
0x32: {  	[sflag:s18] =	ssyncset.done $0x0  }
0x33: {  	s0 =	simm.s32 @!p0 $0x5;
	[sflag:s18] =	ssyncadd.s32 $0xFFFFD800  }
0x34: {  	[spmem:s20], [sflag:s7] =	dma.local @!p0 [hbm:s5], $0x500  }
0x35: {  	_ =	swait.ge @!p0 [sflag:s0], $0x500  }
0x36: {  	[sflag:s0] =	ssyncset.done @!p0 $0x0  }
0x37: {  	[sflag:s0] =	ssyncadd.s32 @!p0 $0xFFFFFB00  }
0x38: {  	[tilespmem:s21], [sflag:$0x5] =	stream.linear.gather [hbm4b:s6+s3], $0x80, $0x38;
	[tilespmem:$0x1FF00] =	vst v63  }
0x39: {  	_ =	swait.ge [sflag:s18], $0x80  }
0x3a: {  	[sflag:s18] =	ssyncset.done $0x0  }
0x3b: {  	[sflag:s18] =	ssyncadd.s32 $0xFFFFFF80  }
0x3c: {  	[bflag:$0x0] =	sbarrier.arrive $0xFFFF  }
0x3d: {  	[tilespmem:s22], [sflag:$0x5] =	stream.linear.gather [hbm4b:s8+s3], $0x1400, $0x38;
	[tilespmem:$0x1FF00] =	vst v63  }
0x3e: {  	_ =	swait.ge [sflag:s18], $0x1400  }
0x3f: {  	[sflag:s18] =	ssyncset.done $0x0  }
0x40: {  	[sflag:s18] =	ssyncadd.s32 $0xFFFFEC00  }
0x41: {  	[tilespmem:s23], [sflag:$0x1] =	stream.linear.gather [hbm4b:s9+s3], $0x4000, $0x38;
	[tilespmem:$0x1FF00] =	vst v63  }
0x42: {  	_ =	swait.ge [sflag:s24], $0x4000  }
0x43: {  	[sflag:s24] =	ssyncset.done $0x0  }
0x44: {  	[sflag:s24] =	ssyncadd.s32 $0xFFFFC000  }
0x45: {  	[spmem:s1] =	stream.indirect.scatter.add.f32 [tilespmem:s23], [sflag:$0x3], $0x80, s22, s25, $0xb8;
	[tilespmem:$0x1FF00] =	vst v63  }
0x46: {  	v1 =	vld [tilespmem:$0x14280];
	_ =	sdelay $0x7  }
0x47: {  	[tilespmem:v1+s19+$0x0] =	vst.idx.add.f32.msk $0xffff, v0  }
0x48: {  	v1 =	vld [tilespmem:$0x14290];
	_ =	sdelay $0x7  }
0x49: {  	[tilespmem:v1+s19+$0x0] =	vst.idx.add.f32.msk $0xffff, v0  }
0x4a: {  	v1 =	vld [tilespmem:$0x142A0];
	_ =	sdelay $0x7  }
0x4b: {  	[tilespmem:v1+s19+$0x0] =	vst.idx.add.f32.msk $0xffff, v0  }
0x4c: {  	v1 =	vld [tilespmem:$0x142B0];
	_ =	sdelay $0x7  }
0x4d: {  	[tilespmem:v1+s19+$0x0] =	vst.idx.add.f32.msk $0xffff, v0  }
0x4e: {  	v1 =	vld [tilespmem:$0x142C0];
	_ =	sdelay $0x7  }
0x4f: {  	[tilespmem:v1+s19+$0x0] =	vst.idx.add.f32.msk $0xffff, v0  }
0x50: {  	v1 =	vld [tilespmem:$0x142D0];
	_ =	sdelay $0x7  }
0x51: {  	[tilespmem:v1+s19+$0x0] =	vst.idx.add.f32.msk $0xffff, v0  }
0x52: {  	v1 =	vld [tilespmem:$0x142E0];
	_ =	sdelay $0x7  }
0x53: {  	[tilespmem:v1+s19+$0x0] =	vst.idx.add.f32.msk $0xffff, v0  }
0x54: {  	v1 =	vld [tilespmem:$0x142F0];
	_ =	sdelay $0x7  }
0x55: {  	[tilespmem:v1+s19+$0x0] =	vst.idx.add.f32.msk $0xffff, v0  }
0x56: {  	[tilespmem:s26], [sflag:$0x2] =	stream.linear.gather [hbm4b:s13+s3], $0x4000, $0x38;
	[tilespmem:$0x1FF00] =	vst v63  }
0x57: {  	_ =	swait.ge [sflag:s28], $0x4000  }
0x58: {  	[sflag:s28] =	ssyncset.done $0x0  }
0x59: {  	s4 =	simm.s32 $0x14300;
	[sflag:s28] =	ssyncadd.s32 $0xFFFFC000  }
0x5a: {  	[spmem:s1] =	stream.indirect.scatter.add.f32 [tilespmem:s26], [sflag:$0x4], $0x80, s4, s25, $0xb8;
	[tilespmem:$0x1FF00] =	vst v63  }
0x5b: {  	v1 =	vld [tilespmem:$0x14300];
	_ =	sdelay $0x7  }
0x5c: {  	[tilespmem:v1+s19+$0x0] =	vst.idx.add.f32.msk $0xffff, v0  }
0x5d: {  	v1 =	vld [tilespmem:$0x14310];
	_ =	sdelay $0x7  }
0x5e: {  	[tilespmem:v1+s19+$0x0] =	vst.idx.add.f32.msk $0xffff, v0  }
0x5f: {  	v1 =	vld [tilespmem:$0x14320];
	_ =	sdelay $0x7  }
0x60: {  	[tilespmem:v1+s19+$0x0] =	vst.idx.add.f32.msk $0xffff, v0  }
0x61: {  	v1 =	vld [tilespmem:$0x14330];
	_ =	sdelay $0x7  }
0x62: {  	[tilespmem:v1+s19+$0x0] =	vst.idx.add.f32.msk $0xffff, v0  }
0x63: {  	v1 =	vld [tilespmem:$0x14340];
	_ =	sdelay $0x7  }
0x64: {  	[tilespmem:v1+s19+$0x0] =	vst.idx.add.f32.msk $0xffff, v0  }
0x65: {  	v1 =	vld [tilespmem:$0x14350];
	_ =	sdelay $0x7  }
0x66: {  	[tilespmem:v1+s19+$0x0] =	vst.idx.add.f32.msk $0xffff, v0  }
0x67: {  	v1 =	vld [tilespmem:$0x14360];
	_ =	sdelay $0x7  }
0x68: {  	[tilespmem:v1+s19+$0x0] =	vst.idx.add.f32.msk $0xffff, v0  }
0x69: {  	v1 =	vld [tilespmem:$0x14370];
	_ =	sdelay $0x7  }
0x6a: {  	[tilespmem:v1+s19+$0x0] =	vst.idx.add.f32.msk $0xffff, v0  }
0x6b: {  	_ =	swait.ge [sflag:s30], $0x4000  }
0x6c: {  	[sflag:s30] =	ssyncset.done $0x0  }
0x6d: {  	s29 =	simm.s32 $0x14380;
	s0 =	simm.s32 $0x0;
	[sflag:s30] =	ssyncadd.s32 $0xFFFFC000  }
0x6e: {  	[tilespmem:s23], [sflag:$0x1] =	stream.linear.gather [hbm4b:s14+s3], $0x4000, $0x38;
	[tilespmem:$0x1FF00] =	vst v63  }
.LBB2_2:
0x6f: {  	_ =	swait.ge [sflag:s24], $0x4000  }
0x70: {  	[sflag:s24] =	ssyncset.done $0x0  }
0x71: {  	[sflag:s24] =	ssyncadd.s32 $0xFFFFC000  }
0x72: {  	[spmem:s1] =	stream.indirect.scatter.add.f32 [tilespmem:s23], [sflag:$0x3], $0x80, s29, s25, $0xb8;
	[tilespmem:$0x1FF00] =	vst v63  }
0x73: {  	v1 =	vld [tilespmem:s29+$0x0];
	_ =	sdelay $0x7  }
0x74: {  	[tilespmem:v1+s19+$0x0] =	vst.idx.add.f32.msk $0xffff, v0  }
0x75: {  	v1 =	vld [tilespmem:s29+$0x10];
	_ =	sdelay $0x7  }
0x76: {  	[tilespmem:v1+s19+$0x0] =	vst.idx.add.f32.msk $0xffff, v0  }
0x77: {  	v1 =	vld [tilespmem:s29+$0x20];
	_ =	sdelay $0x7  }
0x78: {  	[tilespmem:v1+s19+$0x0] =	vst.idx.add.f32.msk $0xffff, v0  }
0x79: {  	v1 =	vld [tilespmem:s29+$0x30];
	_ =	sdelay $0x7  }
0x7a: {  	[tilespmem:v1+s19+$0x0] =	vst.idx.add.f32.msk $0xffff, v0  }
0x7b: {  	v1 =	vld [tilespmem:s29+$0x40];
	_ =	sdelay $0x7  }
0x7c: {  	[tilespmem:v1+s19+$0x0] =	vst.idx.add.f32.msk $0xffff, v0  }
0x7d: {  	v1 =	vld [tilespmem:s29+$0x50];
	_ =	sdelay $0x7  }
0x7e: {  	[tilespmem:v1+s19+$0x0] =	vst.idx.add.f32.msk $0xffff, v0  }
0x7f: {  	v1 =	vld [tilespmem:s29+$0x60];
	_ =	sdelay $0x7  }
0x80: {  	[tilespmem:v1+s19+$0x0] =	vst.idx.add.f32.msk $0xffff, v0  }
0x81: {  	v1 =	vld [tilespmem:s29+$0x70];
	_ =	sdelay $0x7  }
0x82: {  	[tilespmem:v1+s19+$0x0] =	vst.idx.add.f32.msk $0xffff, v0  }
0x83: {  	_ =	swait.ge [sflag:s31], $0x4000  }
0x84: {  	[sflag:s31] =	ssyncset.done $0x0  }
0x85: {  	s4 =	sadd.s32 s0, s16;
	[sflag:s31] =	ssyncadd.s32 $0xFFFFC000  }
0x86: {  	[tilespmem:s26], [sflag:$0x2] =	stream.linear.gather [hbm4b:s4+s3], $0x4000, $0x38;
	[tilespmem:$0x1FF00] =	vst v63  }
0x87: {  	_ =	swait.ge [sflag:s28], $0x4000  }
0x88: {  	[sflag:s28] =	ssyncset.done $0x0  }
0x89: {  	s4 =	sadd.s32 $0x80, s29;
	[sflag:s28] =	ssyncadd.s32 $0xFFFFC000  }
0x8a: {  	[spmem:s1] =	stream.indirect.scatter.add.f32 [tilespmem:s26], [sflag:$0x4], $0x80, s4, s25, $0xb8;
	[tilespmem:$0x1FF00] =	vst v63  }
0x8b: {  	v1 =	vld [tilespmem:s29+$0x80];
	_ =	sdelay $0x7  }
0x8c: {  	[tilespmem:v1+s19+$0x0] =	vst.idx.add.f32.msk $0xffff, v0  }
0x8d: {  	v1 =	vld [tilespmem:s29+$0x90];
	_ =	sdelay $0x7  }
0x8e: {  	[tilespmem:v1+s19+$0x0] =	vst.idx.add.f32.msk $0xffff, v0  }
0x8f: {  	v1 =	vld [tilespmem:s29+$0xA0];
	_ =	sdelay $0x7  }
0x90: {  	[tilespmem:v1+s19+$0x0] =	vst.idx.add.f32.msk $0xffff, v0  }
0x91: {  	v1 =	vld [tilespmem:s29+$0xB0];
	_ =	sdelay $0x7  }
0x92: {  	[tilespmem:v1+s19+$0x0] =	vst.idx.add.f32.msk $0xffff, v0  }
0x93: {  	v1 =	vld [tilespmem:s29+$0xC0];
	_ =	sdelay $0x7  }
0x94: {  	[tilespmem:v1+s19+$0x0] =	vst.idx.add.f32.msk $0xffff, v0  }
0x95: {  	v1 =	vld [tilespmem:s29+$0xD0];
	_ =	sdelay $0x7  }
0x96: {  	[tilespmem:v1+s19+$0x0] =	vst.idx.add.f32.msk $0xffff, v0  }
0x97: {  	v1 =	vld [tilespmem:s29+$0xE0];
	_ =	sdelay $0x7  }
0x98: {  	[tilespmem:v1+s19+$0x0] =	vst.idx.add.f32.msk $0xffff, v0  }
0x99: {  	v1 =	vld [tilespmem:s29+$0xF0];
	_ =	sdelay $0x5  }
0x9a: {  	p1 =	seq.s32 s0, $0x12000  }
.Ltmp2:
0x9b: {  	_ = 	snop;
	(pc) =	sbr.rel @p1 .LBB2_4-.Ltmp2, $4  }
0x9c: {  	[tilespmem:v1+s19+$0x0] =	vst.idx.add.f32.msk $0xffff, v0  }
0x9d: {  	_ =	swait.ge [sflag:s30], $0x4000  }
0x9e: {  	[sflag:s30] =	ssyncset.done $0x0  }
0x9f: {  	[sflag:s30] =	ssyncadd.s32 $0xFFFFC000  }
.Ltmp3:
0xa0: {  	(pc) =	sbr.rel .LBB2_2-.Ltmp3, $3  }
0xa1: {  	_ =	sdelay $0x1  }
0xa2: {  	s4 =	sadd.s32 s0, s15;
	s0 =	sadd.s32 $0x1000, s0;
	s29 =	sadd.s32 $0x100, s29  }
0xa3: {  	[tilespmem:s23], [sflag:$0x1] =	stream.linear.gather [hbm4b:s4+s3], $0x4000, $0x38;
	[tilespmem:$0x1FF00] =	vst v63  }
.LBB2_5:
0xa4: {  	_ =	sfence.sel $0x180000  }
0xa5: {  	[bflag:$0x0] =	sbarrier.arrive $0xFFFF  }
0xa6: {  	_ =	strace $0x9000004D  }
0xa7: {  	[bflag:$0x2] =	sbarrier.arrive $0xFFFF  }
0xa8: {  	s0 =	rddreg [dreg:$0x3]  }
0xa9: {  	s0 =	sadd.s32 @!p0 $0x100000, s0  }
0xaa: {  	[sflag:s0] =	ssyncadd.tile.s32 @!p0 $0x1;
	_ =	shalt  }
.Lfunc_end2:
_tile_overlayer_lowered:
.L_overlay_start_2:
0xab: {  	(tag) =	ssettag $0x2  }
0xac: {  	s0 =	rddreg [dreg:$0x0];
	s2 =	stileid.u32  }
0xad: {  	s1 =	rddreg [dreg:$0x1];
	p0 =	sne.s32 s2, $0x0  }
0xae: {  	s3 =	rddreg [dreg:$0x2];
	[bflag:$0x3] =	sbarrier.arrive $0xFFFF;
	s2 =	simm.s32 @!p0 $0x1C05  }
0xaf: {  	[timem:s3], [sflag:s2] =	dma.local @!p0 [hbm:s0], s1  }
0xb0: {  	s0 =	simm.s32 @!p0 $0x5  }
0xb1: {  	_ =	swait.ge @!p0 [sflag:s0], s1  }
0xb2: {  	s1 =	ssub.s32 @!p0 $0x0, s1;
	[sflag:s0] =	ssyncset.done @!p0 $0x0  }
0xb3: {  	[sflag:s0] =	ssyncadd.s32 @!p0 s1  }
0xb4: {  	[bflag:$0x3] =	sbarrier.arrive $0xFFFF  }
0xb5: {  	_ =	shalt  }

// kernel: kernel.16.cloned.1.call-start
scs
__scs_entry_jumppad:
0x0: {  	(pc) =	sbr.rel $0x88, $3  }
0x1: {  	(tag) =	ssettag $0x0;
	lr =	simm.s32 $0x1  }
0x2: {  	[smem:$0x3F94] =	sst lr;
	_ =	strace $0xD0000000  }
0x3: {  	_ = 	snop  }
0x4: {  	_ = 	snop  }
0x5: {  	_ = 	snop  }
0x6: {  	_ = 	snop  }
0x7: {  	_ = 	snop  }
__scs_overlays_trampoline_lowered:
0x8: {  	[smem:$0x3FA3] =	sst s0  }
0x9: {  	[smem:$0x3FA4] =	sst s1  }
0xa: {  	[smem:$0x3FA5] =	sst s2  }
0xb: {  	[smem:$0x3FA6] =	sst s3  }
0xc: {  	[smem:$0x3FA7] =	sst s4  }
0xd: {  	[smem:$0x3FA8] =	sst s5  }
0xe: {  	[smem:$0x3FA9] =	sst s6  }
0xf: {  	[smem:$0x3FAA] =	sst s7  }
0x10: {  	[smem:$0x3FAB] =	sst s8  }
0x11: {  	[smem:$0x3FAC] =	sst s9;
	s0 =	simm.s32 @!p0 $0x0  }
0x12: {  	s1 =	sld [smem:$0x3F92];
	s0 =	simm.s32 @p0 $0x1  }
0x13: {  	[smem:$0x3FAD] =	sst s0;
	s0 =	simm.s32 @!p1 $0x0  }
0x14: {  	s2 =	sld [smem:$0x3F91];
	s0 =	simm.s32 @p1 $0x1  }
0x15: {  	[smem:$0x3FAE] =	sst s0;
	s0 =	simm.s32 @!p2 $0x0  }
0x16: {  	s3 =	sld [smem:$0x3FDB];
	s0 =	simm.s32 @p2 $0x1  }
0x17: {  	s4 =	simm.s32 $0x1BF5;
	[smem:$0x3FB0] =	sst s0  }
0x18: {  	s0 =	sld [smem:$0x3F93];
	_ =	swait.ge [sflag:s4], $0x0  }
0x19: {  	s7 =	sld [smem:$0x3F94]  }
0x1a: {  	s8 =	sadd.s32 $0xFFFFE003, lr  }
0x1b: {  	s9 =	sadd.s32 $0xFFFFFEF7, lr;
	s5 =	simm.s32 $0xFFFFFFFF;
	p2 =	slt.u32 s8, $0xFFFFF086  }
0x1c: {  	p1 =	slt.u32 s9, $0xF7A;
	s5 =	simm.s32 @!p2 $0x0  }
0x1d: {  	s5 =	simm.s32 @p1 $0x1;
	p0 =	seq.s32 s7, s2  }
0x1e: {  	s7 =	smul.u32 @!p0 $0xF7A, s2;
	p2 =	seq.s32 @!p0 s5, $0x0  }
0x1f: {  	s9 =	smul.u32 $0xF7A, s1;
	s8 =	simm.s32 @!p0 $0x1BF5;
	p2 =	por !p2, p0  }
0x20: {  	[sflag:s8] =	ssyncset.s32 @!p0 $0xFFFFF086;
	s6 =	sadd.s32 @!p0 s3, s7;
	s7 =	simm.s32 @!p0 $0x108  }
0x21: {  	s3 =	sadd.s32 s3, s9;
	s6 =	sadd.s32 @!p0 $0x88, s6;
	s7 =	simm.s32 @p2 $0x1082  }
0x22: {  	[simem:s7], [sflag:s8] =	dma.local @!p0 [hbm:s6], $0xF7A  }
0x23: {  	s9 =	sor.u32 $0xD0000000, s2;
	s6 =	simm.s32 $0x108;
	_ =	swait.ge @!p0 [sflag:s8], $0x0  }
0x24: {  	s3 =	sadd.s32 $0x88, s3;
	s6 =	simm.s32 @!p1 $0x1082;
	[sflag:s4] =	ssyncset.s32 $0xFFFFF086  }
0x25: {  	[simem:s6], [sflag:s4] =	dma.local [hbm:s3], $0xF7A  }
0x26: {  	[smem:$0x3F94] =	sst s1;
	(tag) =	ssettag s2;
	_ =	strace s9  }
0x27: {  	s1 =	sld [smem:$0x3FA4]  }
0x28: {  	s2 =	sld [smem:$0x3FA5]  }
0x29: {  	s4 =	sld [smem:$0x3FA7]  }
0x2a: {  	p0 =	seq.s32 s5, $0x0;
	s5 =	sld [smem:$0x3FA8]  }
0x2b: {  	s6 =	sld [smem:$0x3FA9]  }
0x2c: {  	s7 =	sld [smem:$0x3FAA]  }
0x2d: {  	s3 =	simm.s32 $0x108;
	s8 =	sld [smem:$0x3FAB]  }
0x2e: {  	s3 =	simm.s32 @!p0 $0x1082;
	s9 =	sld [smem:$0x3FAC]  }
0x2f: {  	lr =	sadd.s32 s0, s3;
	s0 =	sld [smem:$0x3FA3]  }
0x30: {  	s3 =	sld [smem:$0x3FA6]  }
0x31: {  	[smem:$0x3FAF] =	sst s10  }
0x32: {  	s10 =	sld [smem:$0x3FAD];
	_ =	sdelay $0x3  }
0x33: {  	p0 =	seq.s32 s10, $0x1;
	s10 =	sld [smem:$0x3FAF];
	_ =	sdelay $0x3  }
0x34: {  	[smem:$0x3FAF] =	sst s10  }
0x35: {  	s10 =	sld [smem:$0x3FAE];
	_ =	sdelay $0x3  }
0x36: {  	p1 =	seq.s32 s10, $0x1;
	s10 =	sld [smem:$0x3FAF];
	_ =	sdelay $0x3  }
0x37: {  	[smem:$0x3FAF] =	sst s10  }
0x38: {  	s10 =	sld [smem:$0x3FB0]  }
0x39: {  	_ = 	snop;
	(pc) =	sbr.ind lr, $3  }
0x3a: {  	_ = 	snop  }
0x3b: {  	_ = 	snop  }
0x3c: {  	p2 =	seq.s32 s10, $0x1;
	s10 =	sld [smem:$0x3FAF]  }
0x3d: {  	_ =	shalt  }
0x3e: {  	_ =	shalt  }
0x3f: {  	_ =	shalt  }
0x40: {  	_ =	shalt  }
0x41: {  	_ =	shalt  }
0x42: {  	_ =	shalt  }
0x43: {  	_ =	shalt  }
0x44: {  	_ =	shalt  }
0x45: {  	_ =	shalt  }
0x46: {  	_ =	shalt  }
0x47: {  	_ =	shalt  }
0x48: {  	_ =	shalt  }
0x49: {  	_ =	shalt  }
0x4a: {  	_ =	shalt  }
0x4b: {  	_ =	shalt  }
0x4c: {  	_ =	shalt  }
0x4d: {  	_ =	shalt  }
0x4e: {  	_ =	shalt  }
0x4f: {  	_ =	shalt  }
0x50: {  	_ =	shalt  }
0x51: {  	_ =	shalt  }
0x52: {  	_ =	shalt  }
0x53: {  	_ =	shalt  }
0x54: {  	_ =	shalt  }
0x55: {  	_ =	shalt  }
0x56: {  	_ =	shalt  }
0x57: {  	_ =	shalt  }
0x58: {  	_ =	shalt  }
0x59: {  	_ =	shalt  }
0x5a: {  	_ =	shalt  }
0x5b: {  	_ =	shalt  }
0x5c: {  	_ =	shalt  }
0x5d: {  	_ =	shalt  }
0x5e: {  	_ =	shalt  }
0x5f: {  	_ =	shalt  }
0x60: {  	_ =	shalt  }
0x61: {  	_ =	shalt  }
0x62: {  	_ =	shalt  }
0x63: {  	_ =	shalt  }
0x64: {  	_ =	shalt  }
0x65: {  	_ =	shalt  }
0x66: {  	_ =	shalt  }
0x67: {  	_ =	shalt  }
0x68: {  	_ =	shalt  }
0x69: {  	_ =	shalt  }
0x6a: {  	_ =	shalt  }
0x6b: {  	_ =	shalt  }
0x6c: {  	_ =	shalt  }
0x6d: {  	_ =	shalt  }
0x6e: {  	_ =	shalt  }
0x6f: {  	_ =	shalt  }
0x70: {  	_ =	shalt  }
0x71: {  	_ =	shalt  }
0x72: {  	_ =	shalt  }
0x73: {  	_ =	shalt  }
0x74: {  	_ =	shalt  }
0x75: {  	_ =	shalt  }
0x76: {  	_ =	shalt  }
0x77: {  	_ =	shalt  }
0x78: {  	_ =	shalt  }
0x79: {  	_ =	shalt  }
0x7a: {  	_ =	shalt  }
0x7b: {  	_ =	shalt  }
0x7c: {  	_ =	shalt  }
0x7d: {  	_ =	shalt  }
0x7e: {  	_ =	shalt  }
0x7f: {  	_ =	shalt  }
0x80: {  	_ =	shalt  }
0x81: {  	_ =	shalt  }
0x82: {  	_ =	shalt  }
0x83: {  	_ =	shalt  }
0x84: {  	_ =	shalt  }
0x85: {  	_ =	shalt  }
0x86: {  	_ =	shalt  }
0x87: {  	_ =	shalt  }
.Lfunc_end0:
.L_simem_size_0:
called_computation.2_lowered:
.L_overlay_start_0:
0x88: {  	s2 =	sld [smem:$0x3FD9]  }
0x89: {  	s3 =	sld [smem:$0x3FFE];
	_ =	sdelay $0x1  }
0x8a: {  	s1 =	srdreg.scid  }
0x8b: {  	s0 =	sand.u32 $0x1, s1  }
0x8c: {  	s17 =	sshll.u32 s0, $0xA;
	s2 =	sadd.s32 s3, s2  }
0x8d: {  	s2 =	sadd.s32 s2, s17  }
0x8e: {  	[smem:$0x3FBB] =	sst s2  }
0x8f: {  	_ = 	snop  }
0x90: {  	s18 =	sld [smem:$0x3FD0];
	(tm) =	ssettm $0x1  }
0x91: {  	s19 =	sld [smem:$0x3FFB];
	_ =	sdelay $0x3  }
0x92: {  	_ =	strace s19  }
0x93: {  	s2 =	sld [smem:$0x3FFC];
	_ =	sdelay $0x3  }
0x94: {  	_ =	strace s2  }
0x95: {  	s2 =	sld [smem:$0x3FFD];
	_ =	sdelay $0x3  }
0x96: {  	_ =	strace s2  }
0x97: {  	_ =	strace $0x8FFFFFFF  }
0x98: {  	s20 =	sld [smem:$0x3FDB];
	_ =	sdelay $0x1  }
0x99: {  	s4 =	simm.s32 $_scs_section_size  }
0x9a: {  	s5 =	simm.s32 $_size__tile_overlayer_lowered;
	s6 =	simm.s32 $_tile_overlayer_lowered  }
0x9b: {  	s7 =	simm.s32 $0x1BFF;
	s21 =	sshll.u32 s6, $0x1;
	s4 =	sadd.s32 s4, s20  }
0x9c: {  	s22 =	simm.s32 $0x0;
	s5 =	sshll.u32 s5, $0x1;
	s6 =	sadd.s32 s21, s4  }
0x9d: {  	[timem:s22], [sflag:s7] =	dma.local [hbm:s6], s5  }
0x9e: {  	_ =	swait.ge [sflag:s7], s5  }
0x9f: {  	s5 =	ssub.s32 $0x0, s5;
	[sflag:s7] =	ssyncset.done $0x0  }
0xa0: {  	[sflag:s7] =	ssyncadd.s32 s5;
	_ =	sdelay $0x1  }
0xa1: {  	s23 =	simm.s32 $0x1B8B  }
0xa2: {  	_ =	swait.ge [sflag:s23], $0x1  }
0xa3: {  	[sflag:s23] =	ssyncset.done $0x0  }
0xa4: {  	[sflag:s23] =	ssyncadd.s32 $0xFFFFFFFF  }
0xa5: {  	s5 =	sld [smem:$0x0]  }
0xa6: {  	s6 =	sand.u32 $0xFFFFFFFE, s1  }
0xa7: {  	p0 =	sne.s32 s1, s6  }
0xa8: {  	s6 =	sshll.u32 @p0 s6, $0xE  }
0xa9: {  	s6 =	sadd.s32 @p0 $0x11B8D, s6;
	s7 =	sshll.u32 @p0 s5, $0x11  }
0xaa: {  	s6 =	sor.u32 @p0 s7, s6  }
0xab: {  	[sflag:s6] =	ssyncadd.remote.s32 @p0 $0x1;
	_ =	sdelay $0x1  }
0xac: {  	s6 =	simm.s32 @p0 $0x1B8D  }
0xad: {  	_ =	swait.eq @p0 [sflag:s6], $0x1  }
0xae: {  	[sflag:s6] =	ssyncadd.s32 @p0 $0xFFFFFFFF  }
0xaf: {  	s7 =	sshll.u32 @!p0 s1, $0xE  }
0xb0: {  	s7 =	sor.u32 @!p0 $0x4000, s7;
	s6 =	simm.s32 @!p0 $0x1B8D  }
0xb1: {  	s5 =	sshll.u32 @!p0 s5, $0x11;
	s7 =	sadd.s32 @!p0 $0x11B8D, s7;
	_ =	swait.eq @!p0 [sflag:s6], $0x1  }
0xb2: {  	s5 =	sor.u32 @!p0 s5, s7;
	[sflag:s6] =	ssyncadd.s32 @!p0 $0xFFFFFFFF  }
0xb3: {  	s25 =	simm.s32 $0x1B8E;
	s24 =	sld [smem:$0x3FFE];
	[sflag:s5] =	ssyncadd.remote.s32 @!p0 $0x1  }
0xb4: {  	s26 =	simm.s32 $execute0_lowered;
	[smem:$0x3FD2] =	sst s25  }
0xb5: {  	s6 =	sshll.u32 s26, $0x1;
	_ =	strace $0x80000049;
	[dreg:$0x1] =	wrdreg $0xFFFFFFFF  }
0xb6: {  	s28 =	simm.s32 $_size_execute0_lowered;
	s4 =	sadd.s32 s4, s6;
	[dreg:$0x0] =	wrdreg $0x0  }
0xb7: {  	s6 =	sshll.u32 s28, $0x1;
	[dreg:$0x2] =	wrdreg s4  }
0xb8: {  	[dreg:$0x3] =	wrdreg s6  }
0xb9: {  	[dreg:$0x4] =	wrdreg $0xC0  }
0xba: {  	_ =	task [dreg:s22], $0x5FFFF  }
0xbb: {  	[dreg:$0x1] =	wrdreg $0xFFFFFFFF  }
0xbc: {  	[dreg:$0x0] =	wrdreg $0x60  }
0xbd: {  	[dreg:$0x2] =	wrdreg s18  }
0xbe: {  	[dreg:$0x3] =	wrdreg s24  }
0xbf: {  	[dreg:$0x4] =	wrdreg $0xA  }
0xc0: {  	_ =	task.clear_ibuf [dreg:s22], $0x5FFFF;
	_ =	strace $0x90000049  }
0xc1: {  	s29 =	simm.s32 $0xA;
	_ =	strace $0x8000004B  }
0xc2: {  	_ =	swait.ge [sflag:s29], $0x1  }
0xc3: {  	[sflag:s29] =	ssyncadd.s32 $0xFFFFFFFF  }
0xc4: {  	_ =	strace $0x9000004B  }
0xc5: {  	_ =	sfence  }
0xc6: {  	s30 =	sld [smem:$0x0];
	_ =	sdelay $0x2  }
0xc7: {  	s31 =	sshll.u32 s1, $0xD;
	s1 =	sshrl.u32 s1, $0x2  }
0xc8: {  	s4 =	sand.u32 $0x4000, s31;
	s1 =	sadd.s32 s1, s30  }
0xc9: {  	s0 =	sor.u32 s4, s0;
	s1 =	sshll.u32 s1, $0x11  }
0xca: {  	s0 =	sor.u32 s1, s0  }
0xcb: {  	s0 =	sadd.s32 $0x8F2B, s0  }
0xcc: {  	[sflag:s0] =	ssyncadd.remote.s32 $0x1  }
0xcd: {  	_ =	sfence.sel $0xFFFF  }
0xce: {  	[dreg:$0x0] =	wrdreg $0xFFFFFFFF;
	(pc) =	sbr.abs _section_cstart, $3  }
0xcf: {  	[dreg:$0x1] =	wrdreg $0xFFFFFFFF  }
0xd0: {  	_ =	task.clear_ibuf [dreg:s22], $0x2FFFF;
	_ =	strace $0x9FFFFFFF  }
0xd1: {  	(tm) =	ssettm $0x7FFFFFFF  }
tec
execute0_lowered:
.L_overlay_start_1:
0x0: {  	(tag) =	ssettag $0x1  }
0x1: {  	s2 =	rddreg [dreg:$0x0];
	s0 =	srdreg.scid  }
0x2: {  	s8 =	stileid.u32;
	s1 =	rddreg [dreg:$0x1];
	s3 =	simm.s32 $0x0  }
0x3: {  	s28 =	simm.s32 $0x6;
	s30 =	simm.s32 $0x4;
	s31 =	simm.s32 $0x7  }
0x4: {  	s0 =	sand.u32 $0x1, s0;
	s4 =	sshll.u32 s8, $0x1;
	s15 =	smul.u32 $0x140000, s8  }
0x5: {  	s4 =	sor.u32 s0, s4;
	s6 =	ssub.s32 $0x2, s0;
	s0 =	smul.u32 $0xA0000, s0  }
0x6: {  	[smem:$0x7FF] =	sst s3;
	s10 =	sadd.s32 $0x2A3000, s1;
	s5 =	smul.u32 $0x280, s4  }
0x7: {  	_ =	strace $0x8000004A;
	s7 =	sshrl.u32 s6, $0x1;
	s4 =	smul.u32 $0xA0000, s4  }
0x8: {  	s14 =	ssub.s32 s6, s7;
	s0 =	sadd.s32 s0, s15;
	s15 =	simm.s32 $0x80  }
0x9: {  	s5 =	sadd.s32 s5, s1;
	s16 =	sor.u32 $0x4000, s4;
	s17 =	sor.u32 $0x8000, s4  }
0xa: {  	s1 =	smax.u32 s14, $0x1;
	s18 =	sshrl.u32 s4, $0x3;
	s22 =	sor.u32 $0x18000, s0  }
0xb: {  	s25 =	sor.u32 $0x14000, s0;
	s26 =	sor.u32 $0x10000, s0;
	s0 =	sor.u32 $0x1C000, s0  }
0xc: {  	s14 =	simm.s32 $0x9;
	s5 =	sadd.s32 $0x29E000, s5;
	[dreg:$0x4] =	wrdreg s1  }
0xd: {  	s19 =	sadd.s32 s10, s18;
	s20 =	sshrl.u32 s16, $0x3;
	s21 =	sshrl.u32 s17, $0x3  }
0xe: {  	s24 =	sshrl.u32 s22, $0x3;
	s4 =	sshrl.u32 s25, $0x3;
	s0 =	sshrl.u32 s0, $0x3  }
0xf: {  	s16 =	simm.s32 $0x1400;
	s17 =	simm.s32 $0x5400;
	s22 =	simm.s32 $0xD400  }
0x10: {  	s18 =	simm.s32 $0x0;
	[dreg:$0x3] =	wrdreg s5;
	s1 =	sadd.s32 s10, s20  }
0x11: {  	[dreg:$0x5] =	wrdreg s19;
	s23 =	sadd.s32 $0x1800, s19;
	s5 =	sshrl.u32 s26, $0x3  }
.Ltmp0:
0x12: {  	s29 =	sadd.s32 s4, s10;
	s19 =	simm.s32 $0x9400;
	(pc) =	sbr.rel .LBB2_1-.Ltmp0, $4  }
0x13: {  	s20 =	simm.s32 $0x1;
	s26 =	simm.s32 $0x3;
	[dreg:$0x6] =	wrdreg s1  }
0x14: {  	s1 =	sadd.s32 s10, s21;
	[dreg:$0x8] =	wrdreg s23;
	s25 =	sadd.s32 s5, s10  }
0x15: {  	s21 =	sadd.s32 s0, s10;
	s23 =	simm.s32 $0x2;
	s0 =	simm.s32 $0x8  }
0x16: {  	[dreg:$0x7] =	wrdreg s1;
	s1 =	sadd.s32 s24, s10;
	s24 =	simm.s32 $0x5  }
.LBB2_4:
0x17: {  	_ =	swait.ge [sflag:s0], $0x4000  }
0x18: {  	s18 =	sadd.s32 $0x1, s18;
	s4 =	rddreg [dreg:$0x4]  }
0x19: {  	p0 =	sne.s32 s18, s4  }
.Ltmp1:
0x1a: {  	_ = 	snop;
	(pc) =	sbr.rel @!p0 .LBB2_5-.Ltmp1, $3  }
0x1b: {  	_ =	sdelay $0x1  }
0x1c: {  	[sflag:s0] =	ssyncset.done $0x0  }
0x1d: {  	[sflag:s0] =	ssyncadd.s32 $0xFFFFC000  }
.LBB2_1:
0x1e: {  	s4 =	rddreg [dreg:$0x3]  }
0x1f: {  	[tilespmem:s3], [sflag:$0x9] =	stream.linear.gather [hbm4b:s4+s3], $0x1400, $0x38;
	[tilespmem:$0x11400] =	vst v63  }
0x20: {  	_ =	swait.ge [sflag:s14], $0x1400  }
0x21: {  	[sflag:s14] =	ssyncset.done $0x0  }
0x22: {  	[sflag:s14] =	ssyncadd.s32 $0xFFFFEC00  }
0x23: {  	[tilespmem:s16], [sflag:$0x1] =	stream.indirect.gather [hbm4b:s2+s15], $0x80, s3, s15, $0xb8;
	[tilespmem:$0x11400] =	vst v63  }
0x24: {  	_ = 	snop  }
0x25: {  	[tilespmem:s17], [sflag:$0x2] =	stream.indirect.gather [hbm4b:s2+s15], $0x80, s15, s15, $0xb8;
	[tilespmem:$0x11400] =	vst v63  }
0x26: {  	s5 =	simm.s32 $0x100  }
0x27: {  	[tilespmem:s19], [sflag:$0x3] =	stream.indirect.gather [hbm4b:s2+s15], $0x80, s5, s15, $0xb8;
	[tilespmem:$0x11400] =	vst v63  }
0x28: {  	_ =	swait.ge [sflag:s20], $0x4000  }
0x29: {  	[sflag:s20] =	ssyncset.done $0x0  }
0x2a: {  	s6 =	rddreg [dreg:$0x5];
	[sflag:s20] =	ssyncadd.s32 $0xFFFFC000  }
0x2b: {  	[hbm4b:s6+s3] =	stream.linear.scatter [tilespmem:s16], [sflag:$0x5], $0x4000, $0x38;
	[tilespmem:$0x11400] =	vst v63  }
0x2c: {  	s7 =	simm.s32 $0x180  }
0x2d: {  	[tilespmem:s22], [sflag:$0x4] =	stream.indirect.gather [hbm4b:s2+s15], $0x80, s7, s15, $0xb8;
	[tilespmem:$0x11400] =	vst v63  }
0x2e: {  	_ =	swait.ge [sflag:s23], $0x4000  }
0x2f: {  	[sflag:s23] =	ssyncset.done $0x0  }
0x30: {  	s8 =	rddreg [dreg:$0x6];
	[sflag:s23] =	ssyncadd.s32 $0xFFFFC000  }
0x31: {  	[hbm4b:s8+s3] =	stream.linear.scatter [tilespmem:s17], [sflag:$0x6], $0x4000, $0x38;
	[tilespmem:$0x11400] =	vst v63  }
0x32: {  	_ =	swait.ge [sflag:s24], $0x4000  }
0x33: {  	[sflag:s24] =	ssyncset.done $0x0  }
0x34: {  	s9 =	simm.s32 $0x200;
	[sflag:s24] =	ssyncadd.s32 $0xFFFFC000  }
0x35: {  	[tilespmem:s16], [sflag:$0x1] =	stream.indirect.gather [hbm4b:s2+s15], $0x80, s9, s15, $0xb8;
	[tilespmem:$0x11400] =	vst v63  }
0x36: {  	_ =	swait.ge [sflag:s26], $0x4000  }
0x37: {  	[sflag:s26] =	ssyncset.done $0x0  }
0x38: {  	s10 =	rddreg [dreg:$0x7];
	[sflag:s26] =	ssyncadd.s32 $0xFFFFC000  }
0x39: {  	[hbm4b:s10+s3] =	stream.linear.scatter [tilespmem:s19], [sflag:$0x7], $0x4000, $0x38;
	[tilespmem:$0x11400] =	vst v63  }
0x3a: {  	_ =	swait.ge [sflag:s28], $0x4000  }
0x3b: {  	[sflag:s28] =	ssyncset.done $0x0  }
0x3c: {  	s11 =	simm.s32 $0x280;
	[sflag:s28] =	ssyncadd.s32 $0xFFFFC000  }
0x3d: {  	[tilespmem:s17], [sflag:$0x2] =	stream.indirect.gather [hbm4b:s2+s15], $0x80, s11, s15, $0xb8;
	[tilespmem:$0x11400] =	vst v63  }
0x3e: {  	_ =	swait.ge [sflag:s30], $0x4000  }
0x3f: {  	[sflag:s30] =	ssyncset.done $0x0  }
0x40: {  	s12 =	rddreg [dreg:$0x8];
	[sflag:s30] =	ssyncadd.s32 $0xFFFFC000  }
0x41: {  	[hbm4b:s12+s3] =	stream.linear.scatter [tilespmem:s22], [sflag:$0x8], $0x4000, $0x38;
	[tilespmem:$0x11400] =	vst v63  }
0x42: {  	_ =	swait.ge [sflag:s31], $0x4000  }
0x43: {  	s13 =	simm.s32 $0x300;
	[sflag:s31] =	ssyncset.done $0x0  }
0x44: {  	s4 =	simm.s32 $0x0;
	s10 =	smov.u32 s1;
	[sflag:s31] =	ssyncadd.s32 $0xFFFFC000  }
0x45: {  	[tilespmem:s19], [sflag:$0x3] =	stream.indirect.gather [hbm4b:s2+s15], $0x80, s13, s15, $0xb8;
	[tilespmem:$0x11400] =	vst v63  }
0x46: {  	s11 =	smov.u32 s29;
	s12 =	smov.u32 s25;
	s13 =	smov.u32 s21  }
.LBB2_2:
0x47: {  	_ =	swait.ge [sflag:s20], $0x4000  }
0x48: {  	[sflag:s20] =	ssyncset.done $0x0  }
0x49: {  	[sflag:s20] =	ssyncadd.s32 $0xFFFFC000  }
0x4a: {  	[hbm4b:s12+s3] =	stream.linear.scatter [tilespmem:s16], [sflag:$0x5], $0x4000, $0x38;
	[tilespmem:$0x11400] =	vst v63  }
0x4b: {  	_ =	swait.ge [sflag:s0], $0x4000  }
0x4c: {  	s5 =	sshra.s32 s4, $0x2;
	[sflag:s0] =	ssyncset.done $0x0  }
0x4d: {  	s7 =	sadd.s32 $0x380, s5;
	[sflag:s0] =	ssyncadd.s32 $0xFFFFC000  }
0x4e: {  	[tilespmem:s22], [sflag:$0x4] =	stream.indirect.gather [hbm4b:s2+s15], $0x80, s7, s15, $0xb8;
	[tilespmem:$0x11400] =	vst v63  }
0x4f: {  	_ =	swait.ge [sflag:s23], $0x4000  }
0x50: {  	[sflag:s23] =	ssyncset.done $0x0  }
0x51: {  	[sflag:s23] =	ssyncadd.s32 $0xFFFFC000  }
0x52: {  	[hbm4b:s11+s3] =	stream.linear.scatter [tilespmem:s17], [sflag:$0x6], $0x4000, $0x38;
	[tilespmem:$0x11400] =	vst v63  }
0x53: {  	p0 =	seq.s32 s4, $0x4000;
	_ =	swait.ge [sflag:s24], $0x4000  }
0x54: {  	s8 =	simm.s32 @!p0 $0x80;
	s7 =	sshra.s32 @!p0 s4, $0x2;
	[sflag:s24] =	ssyncset.done $0x0  }
0x55: {  	s9 =	simm.s32 @!p0 $0x1400;
	s6 =	sadd.s32 @!p0 $0x400, s7;
	[sflag:s24] =	ssyncadd.s32 $0xFFFFC000  }
0x56: {  	[tilespmem:s9], [sflag:$0x1] =	stream.indirect.gather @!p0 [hbm4b:s2+s8], $0x80, s6, s8, $0xb8;
	[tilespmem:$0x11400] =	vst v63  }
0x57: {  	_ =	swait.ge [sflag:s26], $0x4000  }
0x58: {  	[sflag:s26] =	ssyncset.done $0x0  }
0x59: {  	[sflag:s26] =	ssyncadd.s32 $0xFFFFC000  }
0x5a: {  	[hbm4b:s10+s3] =	stream.linear.scatter [tilespmem:s19], [sflag:$0x7], $0x4000, $0x38;
	[tilespmem:$0x11400] =	vst v63  }
0x5b: {  	_ =	swait.ge [sflag:s28], $0x4000  }
0x5c: {  	[sflag:s28] =	ssyncset.done $0x0  }
0x5d: {  	s6 =	sadd.s32 @!p0 $0x480, s7;
	s7 =	simm.s32 @!p0 $0x5400;
	[sflag:s28] =	ssyncadd.s32 $0xFFFFC000  }
0x5e: {  	[tilespmem:s7], [sflag:$0x2] =	stream.indirect.gather @!p0 [hbm4b:s2+s8], $0x80, s6, s8, $0xb8;
	[tilespmem:$0x11400] =	vst v63  }
0x5f: {  	_ =	swait.ge [sflag:s30], $0x4000  }
0x60: {  	[sflag:s30] =	ssyncset.done $0x0  }
.Ltmp2:
0x61: {  	[sflag:s30] =	ssyncadd.s32 $0xFFFFC000;
	(pc) =	sbr.rel @p0 .LBB2_4-.Ltmp2, $4  }
0x62: {  	[hbm4b:s13+s3] =	stream.linear.scatter [tilespmem:s22], [sflag:$0x8], $0x4000, $0x38;
	[tilespmem:$0x11400] =	vst v63  }
0x63: {  	_ =	swait.ge [sflag:s31], $0x4000  }
0x64: {  	[sflag:s31] =	ssyncset.done $0x0  }
0x65: {  	[sflag:s31] =	ssyncadd.s32 $0xFFFFC000  }
.Ltmp3:
0x66: {  	(pc) =	sbr.rel .LBB2_2-.Ltmp3, $4  }
0x67: {  	_ = 	snop  }
0x68: {  	s5 =	sadd.s32 $0x500, s5;
	s4 =	sadd.s32 $0x800, s4;
	s10 =	sadd.s32 $0x2000, s10  }
0x69: {  	s11 =	sadd.s32 $0x2000, s11;
	s12 =	sadd.s32 $0x2000, s12;
	s13 =	sadd.s32 $0x2000, s13  }
0x6a: {  	[tilespmem:s19], [sflag:$0x3] =	stream.indirect.gather [hbm4b:s2+s15], $0x80, s5, s15, $0xb8;
	[tilespmem:$0x11400] =	vst v63  }
.LBB2_5:
0x6b: {  	_ =	sfence.sel $0x180000  }
0x6c: {  	[bflag:$0x0] =	sbarrier.arrive $0xFFFF  }
0x6d: {  	_ =	strace $0x9000004A  }
0x6e: {  	s0 =	stileid.u32;
	[bflag:$0x2] =	sbarrier.arrive $0xFFFF  }
0x6f: {  	p0 =	sne.s32 s0, $0x0;
	s0 =	rddreg [dreg:$0x2]  }
0x70: {  	s0 =	sadd.s32 @!p0 $0x100000, s0  }
0x71: {  	[sflag:s0] =	ssyncadd.tile.s32 @!p0 $0x1;
	_ =	shalt  }
.Lfunc_end2:
_tile_overlayer_lowered:
.L_overlay_start_2:
0x72: {  	(tag) =	ssettag $0x2  }
0x73: {  	s0 =	rddreg [dreg:$0x0];
	s2 =	stileid.u32  }
0x74: {  	s1 =	rddreg [dreg:$0x1];
	p0 =	sne.s32 s2, $0x0  }
0x75: {  	s3 =	rddreg [dreg:$0x2];
	[bflag:$0x3] =	sbarrier.arrive $0xFFFF;
	s2 =	simm.s32 @!p0 $0x1C09  }
0x76: {  	[timem:s3], [sflag:s2] =	dma.local @!p0 [hbm:s0], s1  }
0x77: {  	s0 =	simm.s32 @!p0 $0x9  }
0x78: {  	_ =	swait.ge @!p0 [sflag:s0], s1  }
0x79: {  	s1 =	ssub.s32 @!p0 $0x0, s1;
	[sflag:s0] =	ssyncset.done @!p0 $0x0  }
0x7a: {  	[sflag:s0] =	ssyncadd.s32 @!p0 s1  }
0x7b: {  	[bflag:$0x3] =	sbarrier.arrive $0xFFFF  }
0x7c: {  	_ =	shalt  }

// kernel: kernel.19.cloned.1.call-start
scs
__scs_entry_jumppad:
0x0: {  	(pc) =	sbr.rel $0x88, $3  }
0x1: {  	(tag) =	ssettag $0x0;
	lr =	simm.s32 $0x1  }
0x2: {  	[smem:$0x3F94] =	sst lr;
	_ =	strace $0xD0000000  }
0x3: {  	_ = 	snop  }
0x4: {  	_ = 	snop  }
0x5: {  	_ = 	snop  }
0x6: {  	_ = 	snop  }
0x7: {  	_ = 	snop  }
__scs_overlays_trampoline_lowered:
0x8: {  	[smem:$0x3FA3] =	sst s0  }
0x9: {  	[smem:$0x3FA4] =	sst s1  }
0xa: {  	[smem:$0x3FA5] =	sst s2  }
0xb: {  	[smem:$0x3FA6] =	sst s3  }
0xc: {  	[smem:$0x3FA7] =	sst s4  }
0xd: {  	[smem:$0x3FA8] =	sst s5  }
0xe: {  	[smem:$0x3FA9] =	sst s6  }
0xf: {  	[smem:$0x3FAA] =	sst s7  }
0x10: {  	[smem:$0x3FAB] =	sst s8  }
0x11: {  	[smem:$0x3FAC] =	sst s9;
	s0 =	simm.s32 @!p0 $0x0  }
0x12: {  	s1 =	sld [smem:$0x3F92];
	s0 =	simm.s32 @p0 $0x1  }
0x13: {  	[smem:$0x3FAD] =	sst s0;
	s0 =	simm.s32 @!p1 $0x0  }
0x14: {  	s2 =	sld [smem:$0x3F91];
	s0 =	simm.s32 @p1 $0x1  }
0x15: {  	[smem:$0x3FAE] =	sst s0;
	s0 =	simm.s32 @!p2 $0x0  }
0x16: {  	s3 =	sld [smem:$0x3FDB];
	s0 =	simm.s32 @p2 $0x1  }
0x17: {  	s4 =	simm.s32 $0x1BF5;
	[smem:$0x3FB0] =	sst s0  }
0x18: {  	s0 =	sld [smem:$0x3F93];
	_ =	swait.ge [sflag:s4], $0x0  }
0x19: {  	s7 =	sld [smem:$0x3F94]  }
0x1a: {  	s8 =	sadd.s32 $0xFFFFE003, lr  }
0x1b: {  	s9 =	sadd.s32 $0xFFFFFEF7, lr;
	s5 =	simm.s32 $0xFFFFFFFF;
	p2 =	slt.u32 s8, $0xFFFFF086  }
0x1c: {  	p1 =	slt.u32 s9, $0xF7A;
	s5 =	simm.s32 @!p2 $0x0  }
0x1d: {  	s5 =	simm.s32 @p1 $0x1;
	p0 =	seq.s32 s7, s2  }
0x1e: {  	s7 =	smul.u32 @!p0 $0xF7A, s2;
	p2 =	seq.s32 @!p0 s5, $0x0  }
0x1f: {  	s9 =	smul.u32 $0xF7A, s1;
	s8 =	simm.s32 @!p0 $0x1BF5;
	p2 =	por !p2, p0  }
0x20: {  	[sflag:s8] =	ssyncset.s32 @!p0 $0xFFFFF086;
	s6 =	sadd.s32 @!p0 s3, s7;
	s7 =	simm.s32 @!p0 $0x108  }
0x21: {  	s3 =	sadd.s32 s3, s9;
	s6 =	sadd.s32 @!p0 $0x88, s6;
	s7 =	simm.s32 @p2 $0x1082  }
0x22: {  	[simem:s7], [sflag:s8] =	dma.local @!p0 [hbm:s6], $0xF7A  }
0x23: {  	s9 =	sor.u32 $0xD0000000, s2;
	s6 =	simm.s32 $0x108;
	_ =	swait.ge @!p0 [sflag:s8], $0x0  }
0x24: {  	s3 =	sadd.s32 $0x88, s3;
	s6 =	simm.s32 @!p1 $0x1082;
	[sflag:s4] =	ssyncset.s32 $0xFFFFF086  }
0x25: {  	[simem:s6], [sflag:s4] =	dma.local [hbm:s3], $0xF7A  }
0x26: {  	[smem:$0x3F94] =	sst s1;
	(tag) =	ssettag s2;
	_ =	strace s9  }
0x27: {  	s1 =	sld [smem:$0x3FA4]  }
0x28: {  	s2 =	sld [smem:$0x3FA5]  }
0x29: {  	s4 =	sld [smem:$0x3FA7]  }
0x2a: {  	p0 =	seq.s32 s5, $0x0;
	s5 =	sld [smem:$0x3FA8]  }
0x2b: {  	s6 =	sld [smem:$0x3FA9]  }
0x2c: {  	s7 =	sld [smem:$0x3FAA]  }
0x2d: {  	s3 =	simm.s32 $0x108;
	s8 =	sld [smem:$0x3FAB]  }
0x2e: {  	s3 =	simm.s32 @!p0 $0x1082;
	s9 =	sld [smem:$0x3FAC]  }
0x2f: {  	lr =	sadd.s32 s0, s3;
	s0 =	sld [smem:$0x3FA3]  }
0x30: {  	s3 =	sld [smem:$0x3FA6]  }
0x31: {  	[smem:$0x3FAF] =	sst s10  }
0x32: {  	s10 =	sld [smem:$0x3FAD];
	_ =	sdelay $0x3  }
0x33: {  	p0 =	seq.s32 s10, $0x1;
	s10 =	sld [smem:$0x3FAF];
	_ =	sdelay $0x3  }
0x34: {  	[smem:$0x3FAF] =	sst s10  }
0x35: {  	s10 =	sld [smem:$0x3FAE];
	_ =	sdelay $0x3  }
0x36: {  	p1 =	seq.s32 s10, $0x1;
	s10 =	sld [smem:$0x3FAF];
	_ =	sdelay $0x3  }
0x37: {  	[smem:$0x3FAF] =	sst s10  }
0x38: {  	s10 =	sld [smem:$0x3FB0]  }
0x39: {  	_ = 	snop;
	(pc) =	sbr.ind lr, $3  }
0x3a: {  	_ = 	snop  }
0x3b: {  	_ = 	snop  }
0x3c: {  	p2 =	seq.s32 s10, $0x1;
	s10 =	sld [smem:$0x3FAF]  }
0x3d: {  	_ =	shalt  }
0x3e: {  	_ =	shalt  }
0x3f: {  	_ =	shalt  }
0x40: {  	_ =	shalt  }
0x41: {  	_ =	shalt  }
0x42: {  	_ =	shalt  }
0x43: {  	_ =	shalt  }
0x44: {  	_ =	shalt  }
0x45: {  	_ =	shalt  }
0x46: {  	_ =	shalt  }
0x47: {  	_ =	shalt  }
0x48: {  	_ =	shalt  }
0x49: {  	_ =	shalt  }
0x4a: {  	_ =	shalt  }
0x4b: {  	_ =	shalt  }
0x4c: {  	_ =	shalt  }
0x4d: {  	_ =	shalt  }
0x4e: {  	_ =	shalt  }
0x4f: {  	_ =	shalt  }
0x50: {  	_ =	shalt  }
0x51: {  	_ =	shalt  }
0x52: {  	_ =	shalt  }
0x53: {  	_ =	shalt  }
0x54: {  	_ =	shalt  }
0x55: {  	_ =	shalt  }
0x56: {  	_ =	shalt  }
0x57: {  	_ =	shalt  }
0x58: {  	_ =	shalt  }
0x59: {  	_ =	shalt  }
0x5a: {  	_ =	shalt  }
0x5b: {  	_ =	shalt  }
0x5c: {  	_ =	shalt  }
0x5d: {  	_ =	shalt  }
0x5e: {  	_ =	shalt  }
0x5f: {  	_ =	shalt  }
0x60: {  	_ =	shalt  }
0x61: {  	_ =	shalt  }
0x62: {  	_ =	shalt  }
0x63: {  	_ =	shalt  }
0x64: {  	_ =	shalt  }
0x65: {  	_ =	shalt  }
0x66: {  	_ =	shalt  }
0x67: {  	_ =	shalt  }
0x68: {  	_ =	shalt  }
0x69: {  	_ =	shalt  }
0x6a: {  	_ =	shalt  }
0x6b: {  	_ =	shalt  }
0x6c: {  	_ =	shalt  }
0x6d: {  	_ =	shalt  }
0x6e: {  	_ =	shalt  }
0x6f: {  	_ =	shalt  }
0x70: {  	_ =	shalt  }
0x71: {  	_ =	shalt  }
0x72: {  	_ =	shalt  }
0x73: {  	_ =	shalt  }
0x74: {  	_ =	shalt  }
0x75: {  	_ =	shalt  }
0x76: {  	_ =	shalt  }
0x77: {  	_ =	shalt  }
0x78: {  	_ =	shalt  }
0x79: {  	_ =	shalt  }
0x7a: {  	_ =	shalt  }
0x7b: {  	_ =	shalt  }
0x7c: {  	_ =	shalt  }
0x7d: {  	_ =	shalt  }
0x7e: {  	_ =	shalt  }
0x7f: {  	_ =	shalt  }
0x80: {  	_ =	shalt  }
0x81: {  	_ =	shalt  }
0x82: {  	_ =	shalt  }
0x83: {  	_ =	shalt  }
0x84: {  	_ =	shalt  }
0x85: {  	_ =	shalt  }
0x86: {  	_ =	shalt  }
0x87: {  	_ =	shalt  }
.Lfunc_end0:
.L_simem_size_0:
called_computation.3_lowered:
.L_overlay_start_0:
0x88: {  	s2 =	sld [smem:$0x3FD9]  }
0x89: {  	s3 =	sld [smem:$0x3FFE];
	_ =	sdelay $0x1  }
0x8a: {  	s1 =	srdreg.scid  }
0x8b: {  	s0 =	sand.u32 $0x1, s1  }
0x8c: {  	s17 =	sshll.u32 s0, $0xA;
	s2 =	sadd.s32 s3, s2  }
0x8d: {  	s2 =	sadd.s32 s2, s17  }
0x8e: {  	[smem:$0x3FBB] =	sst s2  }
0x8f: {  	_ = 	snop  }
0x90: {  	(tm) =	ssettm $0x1  }
0x91: {  	s18 =	sld [smem:$0x3FFB];
	_ =	sdelay $0x3  }
0x92: {  	_ =	strace s18  }
0x93: {  	s2 =	sld [smem:$0x3FFC];
	_ =	sdelay $0x3  }
0x94: {  	_ =	strace s2  }
0x95: {  	s2 =	sld [smem:$0x3FFD];
	_ =	sdelay $0x3  }
0x96: {  	_ =	strace s2  }
0x97: {  	_ =	strace $0x8FFFFFFF  }
0x98: {  	s19 =	sld [smem:$0x3FDB];
	_ =	sdelay $0x1  }
0x99: {  	s20 =	simm.s32 $_scs_section_size  }
0x9a: {  	s4 =	simm.s32 $_size__tile_overlayer_lowered;
	s5 =	simm.s32 $_tile_overlayer_lowered  }
0x9b: {  	s6 =	simm.s32 $0x1BFF;
	s21 =	sshll.u32 s5, $0x1;
	s3 =	sadd.s32 s20, s19  }
0x9c: {  	s22 =	simm.s32 $0x0;
	s4 =	sshll.u32 s4, $0x1;
	s5 =	sadd.s32 s21, s3  }
0x9d: {  	[timem:s22], [sflag:s6] =	dma.local [hbm:s5], s4  }
0x9e: {  	_ =	swait.ge [sflag:s6], s4  }
0x9f: {  	s4 =	ssub.s32 $0x0, s4;
	[sflag:s6] =	ssyncset.done $0x0  }
0xa0: {  	[sflag:s6] =	ssyncadd.s32 s4;
	_ =	sdelay $0x1  }
0xa1: {  	s23 =	simm.s32 $0x1B8B  }
0xa2: {  	_ =	swait.ge [sflag:s23], $0x1  }
0xa3: {  	[sflag:s23] =	ssyncset.done $0x0  }
0xa4: {  	[sflag:s23] =	ssyncadd.s32 $0xFFFFFFFF  }
0xa5: {  	s4 =	sld [smem:$0x0]  }
0xa6: {  	s5 =	sand.u32 $0xFFFFFFFE, s1  }
0xa7: {  	p0 =	sne.s32 s1, s5  }
0xa8: {  	s5 =	sshll.u32 @p0 s5, $0xE  }
0xa9: {  	s5 =	sadd.s32 @p0 $0x11B8D, s5;
	s6 =	sshll.u32 @p0 s4, $0x11  }
0xaa: {  	s5 =	sor.u32 @p0 s6, s5  }
0xab: {  	[sflag:s5] =	ssyncadd.remote.s32 @p0 $0x1;
	_ =	sdelay $0x1  }
0xac: {  	s5 =	simm.s32 @p0 $0x1B8D  }
0xad: {  	_ =	swait.eq @p0 [sflag:s5], $0x1  }
0xae: {  	[sflag:s5] =	ssyncadd.s32 @p0 $0xFFFFFFFF  }
0xaf: {  	s6 =	sshll.u32 @!p0 s1, $0xE  }
0xb0: {  	s6 =	sor.u32 @!p0 $0x4000, s6;
	s5 =	simm.s32 @!p0 $0x1B8D  }
0xb1: {  	s4 =	sshll.u32 @!p0 s4, $0x11;
	s6 =	sadd.s32 @!p0 $0x11B8D, s6;
	_ =	swait.eq @!p0 [sflag:s5], $0x1  }
0xb2: {  	s4 =	sor.u32 @!p0 s4, s6;
	[sflag:s5] =	ssyncadd.s32 @!p0 $0xFFFFFFFF  }
0xb3: {  	s25 =	simm.s32 $0x1B8E;
	s24 =	sld [smem:$0x3FFE];
	[sflag:s4] =	ssyncadd.remote.s32 @!p0 $0x1  }
0xb4: {  	s26 =	simm.s32 $execute0_lowered;
	[smem:$0x3FD2] =	sst s25  }
0xb5: {  	s5 =	sshll.u32 s26, $0x1;
	_ =	strace $0x8000004F;
	[dreg:$0x1] =	wrdreg $0xFFFFFFFF  }
0xb6: {  	s28 =	simm.s32 $_size_execute0_lowered;
	s3 =	sadd.s32 s3, s5;
	[dreg:$0x0] =	wrdreg $0x0  }
0xb7: {  	s5 =	sshll.u32 s28, $0x1;
	[dreg:$0x2] =	wrdreg s3  }
0xb8: {  	[dreg:$0x3] =	wrdreg s5  }
0xb9: {  	[dreg:$0x4] =	wrdreg $0xC0  }
0xba: {  	_ =	task [dreg:s22], $0x5FFFF  }
0xbb: {  	[dreg:$0x1] =	wrdreg $0xFFFFFFFF  }
0xbc: {  	[dreg:$0x0] =	wrdreg $0x60  }
0xbd: {  	[dreg:$0x2] =	wrdreg s24  }
0xbe: {  	[dreg:$0x3] =	wrdreg $0x0  }
0xbf: {  	[dreg:$0x4] =	wrdreg $0x140000  }
0xc0: {  	[dreg:$0x5] =	wrdreg $0xA  }
0xc1: {  	_ =	task.clear_ibuf [dreg:s22], $0x6FFFF;
	_ =	strace $0x9000004F  }
0xc2: {  	s29 =	simm.s32 $0xA;
	_ =	strace $0x80000051  }
0xc3: {  	_ =	swait.ge [sflag:s29], $0x1  }
0xc4: {  	[sflag:s29] =	ssyncadd.s32 $0xFFFFFFFF  }
0xc5: {  	_ =	strace $0x90000051  }
0xc6: {  	_ =	sfence  }
0xc7: {  	s30 =	sld [smem:$0x0];
	_ =	sdelay $0x2  }
0xc8: {  	s31 =	sshll.u32 s1, $0xD;
	s1 =	sshrl.u32 s1, $0x2  }
0xc9: {  	s4 =	sand.u32 $0x4000, s31;
	s1 =	sadd.s32 s1, s30  }
0xca: {  	s0 =	sor.u32 s4, s0;
	s1 =	sshll.u32 s1, $0x11  }
0xcb: {  	s0 =	sor.u32 s1, s0  }
0xcc: {  	s0 =	sadd.s32 $0x8F2B, s0  }
0xcd: {  	[sflag:s0] =	ssyncadd.remote.s32 $0x1  }
0xce: {  	_ =	sfence.sel $0xFFFF  }
0xcf: {  	[dreg:$0x0] =	wrdreg $0xFFFFFFFF;
	(pc) =	sbr.abs _section_cstart, $3  }
0xd0: {  	[dreg:$0x1] =	wrdreg $0xFFFFFFFF  }
0xd1: {  	_ =	task.clear_ibuf [dreg:s22], $0x2FFFF;
	_ =	strace $0x9FFFFFFF  }
0xd2: {  	(tm) =	ssettm $0x7FFFFFFF  }
0xd3: {  	_ =	shalt  }
tec
execute0_lowered:
.L_overlay_start_1:
0x0: {  	(tag) =	ssettag $0x1  }
0x1: {  	s0 =	rddreg [dreg:$0x0]  }
0x2: {  	s2 =	srdreg.scid;
	s1 =	rddreg [dreg:$0x1]  }
0x3: {  	s17 =	stileid.u32;
	s20 =	rddreg [dreg:$0x2]  }
0x4: {  	s28 =	simm.s32 $0x2;
	s30 =	simm.s32 $0x3;
	s31 =	simm.s32 $0x4  }
0x5: {  	s2 =	sand.u32 $0x1, s2;
	s3 =	sshll.u32 s17, $0x1;
	s9 =	smul.u32 $0x14000, s17  }
0x6: {  	s16 =	sadd.s32 $0x7A3000, s0;
	s25 =	sadd.s32 $0xA600, s0;
	s13 =	smul.u32 $0x50000, s17  }
0x7: {  	s5 =	sadd.s32 $0xCE00, s0;
	s6 =	sadd.s32 $0xA400, s0;
	s15 =	smul.u32 $0x140000, s17  }
0x8: {  	s21 =	sshll.u32 s17, $0x6;
	p0 =	sne.s32 s17, $0x0;
	s8 =	smul.u32 $0x140000, s2  }
0x9: {  	s7 =	sor.u32 s2, s3;
	s3 =	simm.s32 $0x0;
	s26 =	smul.u32 $0x500, s2  }
0xa: {  	s11 =	ssub.s32 $0x2, s2;
	s2 =	smul.u32 $0xA0000, s2;
	s20 =	sshrl.u32 @!p0 s20, $0x3  }
0xb: {  	s4 =	smul.u32 $0x280, s7;
	[smem:$0x7FF] =	sst s3;
	s29 =	sshrl.u32 s11, $0x1  }
0xc: {  	s19 =	sshrl.u32 s13, $0x2;
	s22 =	smul.u32 $0xA0000, s7;
	_ =	strace $0x80000050  }
0xd: {  	[dreg:$0x4] =	wrdreg s25;
	s8 =	sadd.s32 s9, s8;
	s14 =	ssub.s32 s11, s29  }
0xe: {  	s18 =	sadd.s32 s19, s1;
	s2 =	sadd.s32 s2, s15;
	s10 =	sadd.s32 s4, s0  }
0xf: {  	s8 =	sshrl.u32 s8, $0x3;
	s4 =	smul.u32 $0x14000, s7;
	s7 =	sor.u32 $0x1C05, s21  }
0x10: {  	s19 =	sor.u32 $0x8000, s22;
	s23 =	sshrl.u32 s22, $0x3;
	s25 =	sor.u32 $0x10000, s2  }
0x11: {  	s2 =	sor.u32 $0xC000, s2;
	s17 =	sshrl.u32 s18, $0x3;
	s18 =	simm.s32 $0x5  }
0x12: {  	s21 =	simm.s32 $0x1FE80;
	s22 =	simm.s32 $0x14280;
	s12 =	sadd.s32 s8, s0  }
0x13: {  	s0 =	sadd.s32 s26, s0;
	s8 =	sadd.s32 $0x5DE00, s10;
	s24 =	sadd.s32 s23, s16  }
0x14: {  	s26 =	sshrl.u32 s19, $0x3;
	s29 =	sshrl.u32 s2, $0x3;
	s19 =	simm.s32 $0x1D680  }
.Ltmp0:
0x15: {  	s23 =	simm.s32 $0x15680;
	s2 =	simm.s32 $0x0;
	(pc) =	sbr.rel .LBB2_1-.Ltmp0, $4  }
0x16: {  	s9 =	sadd.s32 s16, s4;
	s10 =	sadd.s32 $0x63800, s12;
	s11 =	sadd.s32 $0x62E00, s0  }
0x17: {  	s12 =	smax.u32 s14, $0x1;
	s13 =	sadd.s32 $0x800, s24;
	s0 =	sshrl.u32 s25, $0x3  }
0x18: {  	s14 =	sadd.s32 s16, s26;
	s24 =	simm.s32 $0x1;
	s25 =	simm.s32 $0x80  }
0x19: {  	v0 =	vimm.f32 $1.000000000e+00;
	s26 =	simm.s32 $0x19680;
	s15 =	sadd.s32 s0, s16;
	s16 =	sadd.s32 s29, s16  }
.LBB2_4:
0x1a: {  	_ =	swait.ge [sflag:s31], $0x4000  }
0x1b: {  	[sflag:s31] =	ssyncset.done $0x0  }
0x1c: {  	[sflag:s31] =	ssyncadd.s32 $0xFFFFC000  }
0x1d: {  	s4 =	simm.s32 $0x50;
	s0 =	rddreg [dreg:$0x2]  }
0x1e: {  	[spmem:s0] =	stream.indirect.scatter.add.f32 [tilespmem:s19], [sflag:$0x5], $0x80, s21, s4, $0xb8;
	[tilespmem:$0x1FF00] =	vst v63  }
0x1f: {  	_ =	swait.ge [sflag:s18], $0x2800  }
0x20: {  	[sflag:s18] =	ssyncset.done $0x0  }
0x21: {  	[sflag:s18] =	ssyncadd.s32 $0xFFFFD800  }
0x22: {  	[bflag:$0x0] =	sbarrier.arrive $0xFFFF  }
0x23: {  	[hbm:s10], [sflag:s7] =	dma.local [spmem:s17], $0x2800  }
0x24: {  	s2 =	sadd.s32 $0x1, s2;
	_ =	swait.ge [sflag:s18], $0x2800  }
0x25: {  	p1 =	sne.s32 s2, s12;
	[sflag:s18] =	ssyncset.done $0x0  }
.Ltmp1:
0x26: {  	s0 =	simm.s32 @!p0 $0x5;
	[sflag:s18] =	ssyncadd.s32 $0xFFFFD800;
	(pc) =	sbr.rel @!p1 .LBB2_5-.Ltmp1, $4  }
0x27: {  	[hbm:s11], [sflag:s7] =	dma.local @!p0 [spmem:s20], $0x500  }
0x28: {  	_ =	swait.ge @!p0 [sflag:s0], $0x500  }
0x29: {  	[sflag:s0] =	ssyncset.done @!p0 $0x0  }
0x2a: {  	[sflag:s0] =	ssyncadd.s32 @!p0 $0xFFFFFB00  }
.LBB2_1:
0x2b: {  	s0 =	rddreg [dreg:$0x4]  }
0x2c: {  	[spmem:s17], [sflag:s7] =	dma.local [hbm:s0], $0x2800  }
0x2d: {  	_ =	swait.ge [sflag:s18], $0x2800  }
0x2e: {  	[sflag:s18] =	ssyncset.done $0x0  }
0x2f: {  	[sflag:s18] =	ssyncadd.s32 $0xFFFFD800  }
0x30: {  	[tilespmem:s19], [sflag:$0x5] =	stream.linear.gather [hbm4b:s5+s3], $0x2800, $0x38;
	[tilespmem:$0x1FF00] =	vst v63  }
0x31: {  	_ =	swait.ge [sflag:s18], $0x2800  }
0x32: {  	[sflag:s18] =	ssyncset.done $0x0  }
0x33: {  	s0 =	simm.s32 @!p0 $0x5;
	[sflag:s18] =	ssyncadd.s32 $0xFFFFD800  }
0x34: {  	[spmem:s20], [sflag:s7] =	dma.local @!p0 [hbm:s5], $0x500  }
0x35: {  	_ =	swait.ge @!p0 [sflag:s0], $0x500  }
0x36: {  	[sflag:s0] =	ssyncset.done @!p0 $0x0  }
0x37: {  	[sflag:s0] =	ssyncadd.s32 @!p0 $0xFFFFFB00  }
0x38: {  	[tilespmem:s21], [sflag:$0x5] =	stream.linear.gather [hbm4b:s6+s3], $0x80, $0x38;
	[tilespmem:$0x1FF00] =	vst v63  }
0x39: {  	_ =	swait.ge [sflag:s18], $0x80  }
0x3a: {  	[sflag:s18] =	ssyncset.done $0x0  }
0x3b: {  	[sflag:s18] =	ssyncadd.s32 $0xFFFFFF80  }
0x3c: {  	[bflag:$0x0] =	sbarrier.arrive $0xFFFF  }
0x3d: {  	[tilespmem:s22], [sflag:$0x5] =	stream.linear.gather [hbm4b:s8+s3], $0x1400, $0x38;
	[tilespmem:$0x1FF00] =	vst v63  }
0x3e: {  	_ =	swait.ge [sflag:s18], $0x1400  }
0x3f: {  	[sflag:s18] =	ssyncset.done $0x0  }
0x40: {  	[sflag:s18] =	ssyncadd.s32 $0xFFFFEC00  }
0x41: {  	[tilespmem:s23], [sflag:$0x1] =	stream.linear.gather [hbm4b:s9+s3], $0x4000, $0x38;
	[tilespmem:$0x1FF00] =	vst v63  }
0x42: {  	_ =	swait.ge [sflag:s24], $0x4000  }
0x43: {  	[sflag:s24] =	ssyncset.done $0x0  }
0x44: {  	[sflag:s24] =	ssyncadd.s32 $0xFFFFC000  }
0x45: {  	[spmem:s1] =	stream.indirect.scatter.add.f32 [tilespmem:s23], [sflag:$0x3], $0x80, s22, s25, $0xb8;
	[tilespmem:$0x1FF00] =	vst v63  }
0x46: {  	v1 =	vld [tilespmem:$0x14280];
	_ =	sdelay $0x7  }
0x47: {  	[tilespmem:v1+s19+$0x0] =	vst.idx.add.f32.msk $0xffff, v0  }
0x48: {  	v1 =	vld [tilespmem:$0x14290];
	_ =	sdelay $0x7  }
0x49: {  	[tilespmem:v1+s19+$0x0] =	vst.idx.add.f32.msk $0xffff, v0  }
0x4a: {  	v1 =	vld [tilespmem:$0x142A0];
	_ =	sdelay $0x7  }
0x4b: {  	[tilespmem:v1+s19+$0x0] =	vst.idx.add.f32.msk $0xffff, v0  }
0x4c: {  	v1 =	vld [tilespmem:$0x142B0];
	_ =	sdelay $0x7  }
0x4d: {  	[tilespmem:v1+s19+$0x0] =	vst.idx.add.f32.msk $0xffff, v0  }
0x4e: {  	v1 =	vld [tilespmem:$0x142C0];
	_ =	sdelay $0x7  }
0x4f: {  	[tilespmem:v1+s19+$0x0] =	vst.idx.add.f32.msk $0xffff, v0  }
0x50: {  	v1 =	vld [tilespmem:$0x142D0];
	_ =	sdelay $0x7  }
0x51: {  	[tilespmem:v1+s19+$0x0] =	vst.idx.add.f32.msk $0xffff, v0  }
0x52: {  	v1 =	vld [tilespmem:$0x142E0];
	_ =	sdelay $0x7  }
0x53: {  	[tilespmem:v1+s19+$0x0] =	vst.idx.add.f32.msk $0xffff, v0  }
0x54: {  	v1 =	vld [tilespmem:$0x142F0];
	_ =	sdelay $0x7  }
0x55: {  	[tilespmem:v1+s19+$0x0] =	vst.idx.add.f32.msk $0xffff, v0  }
0x56: {  	[tilespmem:s26], [sflag:$0x2] =	stream.linear.gather [hbm4b:s13+s3], $0x4000, $0x38;
	[tilespmem:$0x1FF00] =	vst v63  }
0x57: {  	_ =	swait.ge [sflag:s28], $0x4000  }
0x58: {  	[sflag:s28] =	ssyncset.done $0x0  }
0x59: {  	s4 =	simm.s32 $0x14300;
	[sflag:s28] =	ssyncadd.s32 $0xFFFFC000  }
0x5a: {  	[spmem:s1] =	stream.indirect.scatter.add.f32 [tilespmem:s26], [sflag:$0x4], $0x80, s4, s25, $0xb8;
	[tilespmem:$0x1FF00] =	vst v63  }
0x5b: {  	v1 =	vld [tilespmem:$0x14300];
	_ =	sdelay $0x7  }
0x5c: {  	[tilespmem:v1+s19+$0x0] =	vst.idx.add.f32.msk $0xffff, v0  }
0x5d: {  	v1 =	vld [tilespmem:$0x14310];
	_ =	sdelay $0x7  }
0x5e: {  	[tilespmem:v1+s19+$0x0] =	vst.idx.add.f32.msk $0xffff, v0  }
0x5f: {  	v1 =	vld [tilespmem:$0x14320];
	_ =	sdelay $0x7  }
0x60: {  	[tilespmem:v1+s19+$0x0] =	vst.idx.add.f32.msk $0xffff, v0  }
0x61: {  	v1 =	vld [tilespmem:$0x14330];
	_ =	sdelay $0x7  }
0x62: {  	[tilespmem:v1+s19+$0x0] =	vst.idx.add.f32.msk $0xffff, v0  }
0x63: {  	v1 =	vld [tilespmem:$0x14340];
	_ =	sdelay $0x7  }
0x64: {  	[tilespmem:v1+s19+$0x0] =	vst.idx.add.f32.msk $0xffff, v0  }
0x65: {  	v1 =	vld [tilespmem:$0x14350];
	_ =	sdelay $0x7  }
0x66: {  	[tilespmem:v1+s19+$0x0] =	vst.idx.add.f32.msk $0xffff, v0  }
0x67: {  	v1 =	vld [tilespmem:$0x14360];
	_ =	sdelay $0x7  }
0x68: {  	[tilespmem:v1+s19+$0x0] =	vst.idx.add.f32.msk $0xffff, v0  }
0x69: {  	v1 =	vld [tilespmem:$0x14370];
	_ =	sdelay $0x7  }
0x6a: {  	[tilespmem:v1+s19+$0x0] =	vst.idx.add.f32.msk $0xffff, v0  }
0x6b: {  	_ =	swait.ge [sflag:s30], $0x4000  }
0x6c: {  	[sflag:s30] =	ssyncset.done $0x0  }
0x6d: {  	s29 =	simm.s32 $0x14380;
	s0 =	simm.s32 $0x0;
	[sflag:s30] =	ssyncadd.s32 $0xFFFFC000  }
0x6e: {  	[tilespmem:s23], [sflag:$0x1] =	stream.linear.gather [hbm4b:s14+s3], $0x4000, $0x38;
	[tilespmem:$0x1FF00] =	vst v63  }
.LBB2_2:
0x6f: {  	_ =	swait.ge [sflag:s24], $0x4000  }
0x70: {  	[sflag:s24] =	ssyncset.done $0x0  }
0x71: {  	[sflag:s24] =	ssyncadd.s32 $0xFFFFC000  }
0x72: {  	[spmem:s1] =	stream.indirect.scatter.add.f32 [tilespmem:s23], [sflag:$0x3], $0x80, s29, s25, $0xb8;
	[tilespmem:$0x1FF00] =	vst v63  }
0x73: {  	v1 =	vld [tilespmem:s29+$0x0];
	_ =	sdelay $0x7  }
0x74: {  	[tilespmem:v1+s19+$0x0] =	vst.idx.add.f32.msk $0xffff, v0  }
0x75: {  	v1 =	vld [tilespmem:s29+$0x10];
	_ =	sdelay $0x7  }
0x76: {  	[tilespmem:v1+s19+$0x0] =	vst.idx.add.f32.msk $0xffff, v0  }
0x77: {  	v1 =	vld [tilespmem:s29+$0x20];
	_ =	sdelay $0x7  }
0x78: {  	[tilespmem:v1+s19+$0x0] =	vst.idx.add.f32.msk $0xffff, v0  }
0x79: {  	v1 =	vld [tilespmem:s29+$0x30];
	_ =	sdelay $0x7  }
0x7a: {  	[tilespmem:v1+s19+$0x0] =	vst.idx.add.f32.msk $0xffff, v0  }
0x7b: {  	v1 =	vld [tilespmem:s29+$0x40];
	_ =	sdelay $0x7  }
0x7c: {  	[tilespmem:v1+s19+$0x0] =	vst.idx.add.f32.msk $0xffff, v0  }
0x7d: {  	v1 =	vld [tilespmem:s29+$0x50];
	_ =	sdelay $0x7  }
0x7e: {  	[tilespmem:v1+s19+$0x0] =	vst.idx.add.f32.msk $0xffff, v0  }
0x7f: {  	v1 =	vld [tilespmem:s29+$0x60];
	_ =	sdelay $0x7  }
0x80: {  	[tilespmem:v1+s19+$0x0] =	vst.idx.add.f32.msk $0xffff, v0  }
0x81: {  	v1 =	vld [tilespmem:s29+$0x70];
	_ =	sdelay $0x7  }
0x82: {  	[tilespmem:v1+s19+$0x0] =	vst.idx.add.f32.msk $0xffff, v0  }
0x83: {  	_ =	swait.ge [sflag:s31], $0x4000  }
0x84: {  	[sflag:s31] =	ssyncset.done $0x0  }
0x85: {  	s4 =	sadd.s32 s0, s16;
	[sflag:s31] =	ssyncadd.s32 $0xFFFFC000  }
0x86: {  	[tilespmem:s26], [sflag:$0x2] =	stream.linear.gather [hbm4b:s4+s3], $0x4000, $0x38;
	[tilespmem:$0x1FF00] =	vst v63  }
0x87: {  	_ =	swait.ge [sflag:s28], $0x4000  }
0x88: {  	[sflag:s28] =	ssyncset.done $0x0  }
0x89: {  	s4 =	sadd.s32 $0x80, s29;
	[sflag:s28] =	ssyncadd.s32 $0xFFFFC000  }
0x8a: {  	[spmem:s1] =	stream.indirect.scatter.add.f32 [tilespmem:s26], [sflag:$0x4], $0x80, s4, s25, $0xb8;
	[tilespmem:$0x1FF00] =	vst v63  }
0x8b: {  	v1 =	vld [tilespmem:s29+$0x80];
	_ =	sdelay $0x7  }
0x8c: {  	[tilespmem:v1+s19+$0x0] =	vst.idx.add.f32.msk $0xffff, v0  }
0x8d: {  	v1 =	vld [tilespmem:s29+$0x90];
	_ =	sdelay $0x7  }
0x8e: {  	[tilespmem:v1+s19+$0x0] =	vst.idx.add.f32.msk $0xffff, v0  }
0x8f: {  	v1 =	vld [tilespmem:s29+$0xA0];
	_ =	sdelay $0x7  }
0x90: {  	[tilespmem:v1+s19+$0x0] =	vst.idx.add.f32.msk $0xffff, v0  }
0x91: {  	v1 =	vld [tilespmem:s29+$0xB0];
	_ =	sdelay $0x7  }
0x92: {  	[tilespmem:v1+s19+$0x0] =	vst.idx.add.f32.msk $0xffff, v0  }
0x93: {  	v1 =	vld [tilespmem:s29+$0xC0];
	_ =	sdelay $0x7  }
0x94: {  	[tilespmem:v1+s19+$0x0] =	vst.idx.add.f32.msk $0xffff, v0  }
0x95: {  	v1 =	vld [tilespmem:s29+$0xD0];
	_ =	sdelay $0x7  }
0x96: {  	[tilespmem:v1+s19+$0x0] =	vst.idx.add.f32.msk $0xffff, v0  }
0x97: {  	v1 =	vld [tilespmem:s29+$0xE0];
	_ =	sdelay $0x7  }
0x98: {  	[tilespmem:v1+s19+$0x0] =	vst.idx.add.f32.msk $0xffff, v0  }
0x99: {  	v1 =	vld [tilespmem:s29+$0xF0];
	_ =	sdelay $0x5  }
0x9a: {  	p1 =	seq.s32 s0, $0x12000  }
.Ltmp2:
0x9b: {  	_ = 	snop;
	(pc) =	sbr.rel @p1 .LBB2_4-.Ltmp2, $4  }
0x9c: {  	[tilespmem:v1+s19+$0x0] =	vst.idx.add.f32.msk $0xffff, v0  }
0x9d: {  	_ =	swait.ge [sflag:s30], $0x4000  }
0x9e: {  	[sflag:s30] =	ssyncset.done $0x0  }
0x9f: {  	[sflag:s30] =	ssyncadd.s32 $0xFFFFC000  }
.Ltmp3:
0xa0: {  	(pc) =	sbr.rel .LBB2_2-.Ltmp3, $3  }
0xa1: {  	_ =	sdelay $0x1  }
0xa2: {  	s4 =	sadd.s32 s0, s15;
	s0 =	sadd.s32 $0x1000, s0;
	s29 =	sadd.s32 $0x100, s29  }
0xa3: {  	[tilespmem:s23], [sflag:$0x1] =	stream.linear.gather [hbm4b:s4+s3], $0x4000, $0x38;
	[tilespmem:$0x1FF00] =	vst v63  }
.LBB2_5:
0xa4: {  	_ =	sfence.sel $0x180000  }
0xa5: {  	[bflag:$0x0] =	sbarrier.arrive $0xFFFF  }
0xa6: {  	_ =	strace $0x90000050  }
0xa7: {  	[bflag:$0x2] =	sbarrier.arrive $0xFFFF  }
0xa8: {  	s0 =	rddreg [dreg:$0x3]  }
0xa9: {  	s0 =	sadd.s32 @!p0 $0x100000, s0  }
0xaa: {  	[sflag:s0] =	ssyncadd.tile.s32 @!p0 $0x1;
	_ =	shalt  }
.Lfunc_end2:
_tile_overlayer_lowered:
.L_overlay_start_2:
0xab: {  	(tag) =	ssettag $0x2  }
0xac: {  	s0 =	rddreg [dreg:$0x0];
	s2 =	stileid.u32  }
0xad: {  	s1 =	rddreg [dreg:$0x1];
	p0 =	sne.s32 s2, $0x0  }
0xae: {  	s3 =	rddreg [dreg:$0x2];
	[bflag:$0x3] =	sbarrier.arrive $0xFFFF;
	s2 =	simm.s32 @!p0 $0x1C05  }
0xaf: {  	[timem:s3], [sflag:s2] =	dma.local @!p0 [hbm:s0], s1  }
0xb0: {  	s0 =	simm.s32 @!p0 $0x5  }
0xb1: {  	_ =	swait.ge @!p0 [sflag:s0], s1  }
0xb2: {  	s1 =	ssub.s32 @!p0 $0x0, s1;
	[sflag:s0] =	ssyncset.done @!p0 $0x0  }
0xb3: {  	[sflag:s0] =	ssyncadd.s32 @!p0 s1  }
0xb4: {  	[bflag:$0x3] =	sbarrier.arrive $0xFFFF  }
0xb5: {  	_ =	shalt  }

</sc_bundles>
